<compile_context>
chip_gen: v7x
topology: tpu7x:2x2x1
jax: 0.10.2.dev20260603
libtpu: 0.0.44.dev20260713+nightly
codegen_flags: <defaults>
</compile_context>

<pallas_src>
import functools

import jax
import jax.numpy as jnp
from jax import lax
from jax.experimental import pallas as pl
from jax.experimental.pallas import tpu as pltpu
from jax.experimental.pallas import tpu_sc as plsc

N = 10000
E = 320000
D = 128
H = 128
L = 3
G = 64
OUT = 10

NC = 2
NS = 16
NW = NC * NS
EPW = E // NW
CHUNK = 80
NCHUNK = EPW // CHUNK
NBUF = 4
ZROWS_BIG = 632
ZROWS_SMALL = 624

@functools.cache
def _make_sc_aggregate():
    mesh = plsc.VectorSubcoreMesh(core_axis_name="c", subcore_axis_name="s")
    return functools.partial(
        pl.kernel,
        mesh=mesh,
        out_type=jax.ShapeDtypeStruct((NC, N, H), jnp.float32),
        scratch_types=(
            [pltpu.VMEM_SHARED((N, H), jnp.float32)]
            + [pltpu.VMEM((CHUNK, H), jnp.float32)] * NBUF
            + [pltpu.VMEM((CHUNK,), jnp.int32)] * NBUF
            + [pltpu.VMEM((CHUNK,), jnp.int32)] * NBUF
            + [pltpu.SemaphoreType.DMA] * (3 * NBUF)
        ),
    )(_sc_aggregate_body)


def _sc_aggregate_body(x_hbm, src_hbm, dst_hbm, out_hbm,
                       acc_sh, *bufs_and_sems):
    rows = bufs_and_sems[:NBUF]
    srcb = bufs_and_sems[NBUF:2 * NBUF]
    dstb = bufs_and_sems[2 * NBUF:3 * NBUF]
    gsem = bufs_and_sems[3 * NBUF:4 * NBUF]
    ssem = bufs_and_sems[4 * NBUF:5 * NBUF]
    isem = bufs_and_sems[5 * NBUF:]
    c = lax.axis_index("c")
    s = lax.axis_index("s")
    wid = c * NS + s

    z16 = jnp.zeros((16,), jnp.float32)

    def _zero_body(i, carry):
        r = i // (H // 16)
        col = (i % (H // 16)) * 16
        rows[0][r, pl.ds(col, 16)] = z16
        return carry

    lax.fori_loop(0, CHUNK * (H // 16), _zero_body, 0)

    start_big = s * ZROWS_BIG
    start_small = 2 * ZROWS_BIG + (s - 2) * ZROWS_SMALL
    start = jnp.where(s < 2, start_big, start_small)
    nzfull = ZROWS_SMALL // CHUNK
    for k in range(nzfull):
        pltpu.async_copy(rows[0], acc_sh.at[pl.ds(start + k * CHUNK, CHUNK)],
                         gsem[0])
    nfull = nzfull * CHUNK

    @pl.when(s < 2)
    def _():
        pltpu.async_copy(rows[0].at[pl.ds(0, ZROWS_BIG - nfull)],
                        acc_sh.at[pl.ds(start + nfull, ZROWS_BIG - nfull)],
                        gsem[0])

    @pl.when(s >= 2)
    def _():
        pltpu.async_copy(rows[0].at[pl.ds(0, ZROWS_SMALL - nfull)],
                        acc_sh.at[pl.ds(start + nfull, ZROWS_SMALL - nfull)],
                        gsem[0])

    for k in range(nzfull):
        pltpu.make_async_copy(rows[0], acc_sh.at[pl.ds(0, CHUNK)],
                              gsem[0]).wait()

    @pl.when(s < 2)
    def _():
        pltpu.make_async_copy(rows[0].at[pl.ds(0, ZROWS_BIG - nfull)],
                              acc_sh.at[pl.ds(0, ZROWS_BIG - nfull)],
                              gsem[0]).wait()

    @pl.when(s >= 2)
    def _():
        pltpu.make_async_copy(rows[0].at[pl.ds(0, ZROWS_SMALL - nfull)],
                              acc_sh.at[pl.ds(0, ZROWS_SMALL - nfull)],
                              gsem[0]).wait()

    plsc.subcore_barrier()

    ebase = wid * EPW

    def _idx(t, b):
        pltpu.async_copy(src_hbm.at[pl.ds(ebase + t * CHUNK, CHUNK)],
                         srcb[b], isem[b])
        pltpu.async_copy(dst_hbm.at[pl.ds(ebase + t * CHUNK, CHUNK)],
                         dstb[b], isem[b])

    def _iwait(b):
        pltpu.make_async_copy(src_hbm.at[pl.ds(0, CHUNK)], srcb[b],
                              isem[b]).wait()
        pltpu.make_async_copy(dst_hbm.at[pl.ds(0, CHUNK)], dstb[b],
                              isem[b]).wait()

    def _gather(b):
        pltpu.async_copy(x_hbm.at[srcb[b]], rows[b], gsem[b])

    def _gwait(b):
        pltpu.make_async_copy(x_hbm.at[pl.ds(0, CHUNK)], rows[b],
                              gsem[b]).wait()

    def _scat(b):
        pltpu.async_copy(rows[b], acc_sh.at[dstb[b]], ssem[b], add=True)

    def _swait(b):
        pltpu.make_async_copy(rows[b], acc_sh.at[pl.ds(0, CHUNK)],
                              ssem[b]).wait()

    for t in range(3):
        _idx(t, t)
    for t in range(2):
        _iwait(t)
        _gather(t)
    _gwait(0)
    _scat(0)
    _idx(3, 3)
    _iwait(2)
    _gather(2)

    def _group(g, carry):
        for j in range(NBUF):
            b = (1 + j) % NBUF
            _gwait(b)
            _swait((b + 3) % NBUF)
            _scat(b)
            _idx_dyn = g * NBUF + j
            pltpu.async_copy(
                src_hbm.at[pl.ds(ebase + (_idx_dyn + 4) * CHUNK, CHUNK)],
                srcb[(b + 3) % NBUF], isem[(b + 3) % NBUF])
            pltpu.async_copy(
                dst_hbm.at[pl.ds(ebase + (_idx_dyn + 4) * CHUNK, CHUNK)],
                dstb[(b + 3) % NBUF], isem[(b + 3) % NBUF])
            _iwait((b + 2) % NBUF)
            _gather((b + 2) % NBUF)
        return carry

    lax.fori_loop(0, (NCHUNK - 5) // NBUF, _group, 0)

    for t in range(NCHUNK - 4, NCHUNK):
        b = t % NBUF
        _gwait(b)
        _swait((b + 3) % NBUF)
        _scat(b)
        if t + 3 < NCHUNK:
            _idx(t + 3, (b + 3) % NBUF)
        if t + 2 < NCHUNK:
            _iwait((b + 2) % NBUF)
            _gather((b + 2) % NBUF)
    _swait((NCHUNK - 1) % NBUF)
    plsc.subcore_barrier()

    @pl.when(s < 2)
    def _():
        d0 = s * ZROWS_BIG
        pltpu.sync_copy(acc_sh.at[pl.ds(d0, ZROWS_BIG)],
                        out_hbm.at[c, pl.ds(d0, ZROWS_BIG)])

    @pl.when(s >= 2)
    def _():
        d0 = 2 * ZROWS_BIG + (s - 2) * ZROWS_SMALL
        pltpu.sync_copy(acc_sh.at[pl.ds(d0, ZROWS_SMALL)],
                        out_hbm.at[c, pl.ds(d0, ZROWS_SMALL)])


BLK = 2000
NB = N // BLK


def _emb_body(x_ref, w_ref, b_ref, o_ref):
    o_ref[...] = jnp.maximum(
        jnp.dot(x_ref[...], w_ref[...], preferred_element_type=jnp.float32)
        + b_ref[...], 0.0)


def _layer_body(p_ref, x_ref, w1_ref, b1_ref, g_ref, beta_ref,
                w2_ref, b2_ref, batch_ref, xo_ref, pool_ref, y_scr, st_scr):
    ph = pl.program_id(0)
    i = pl.program_id(1)
    _layer_phase(ph, i, p_ref, x_ref, w1_ref, b1_ref, g_ref, beta_ref,
                 w2_ref, b2_ref, batch_ref, xo_ref, pool_ref, y_scr, st_scr)


def _layer_head_body(p_ref, x_ref, w1_ref, b1_ref, g_ref, beta_ref,
                     w2_ref, b2_ref, batch_ref, p0_ref, p1_ref,
                     fc1w_ref, fc1b_ref, fc2w_ref, fc2b_ref,
                     fcw_ref, fcb_ref, xo_ref, pool_ref, c_ref, h2_ref,
                     y_scr, st_scr):
    ph = pl.program_id(0)
    i = pl.program_id(1)
    _layer_phase(ph, i, p_ref, x_ref, w1_ref, b1_ref, g_ref, beta_ref,
                 w2_ref, b2_ref, batch_ref, xo_ref, pool_ref, y_scr, st_scr)

    @pl.when(jnp.logical_and(ph == 1, i == NB - 1))
    def _():
        h1 = jnp.maximum(
            jnp.dot(p0_ref[...], fc1w_ref[0:H, :],
                    preferred_element_type=jnp.float32)
            + jnp.dot(p1_ref[...], fc1w_ref[H:2 * H, :],
                      preferred_element_type=jnp.float32)
            + jnp.dot(pool_ref[...], fc1w_ref[2 * H:3 * H, :],
                      preferred_element_type=jnp.float32)
            + fc1b_ref[...], 0.0)
        h2 = jnp.maximum(
            jnp.dot(h1, fc2w_ref[...], preferred_element_type=jnp.float32)
            + fc2b_ref[...], 0.0)
        h2_ref[...] = h2
        c_ref[...] = (jnp.dot(h2, fcw_ref[...],
                              preferred_element_type=jnp.float32)
                      + fcb_ref[...])


def _layer_phase(ph, i, p_ref, x_ref, w1_ref, b1_ref, g_ref, beta_ref,
                 w2_ref, b2_ref, batch_ref, xo_ref, pool_ref, y_scr, st_scr):

    @pl.when(ph == 0)
    def _():
        z = p_ref[0] + p_ref[1] + x_ref[...]
        y = (jnp.dot(z, w1_ref[...], preferred_element_type=jnp.float32)
             + b1_ref[...])
        y_scr[pl.ds(i * BLK, BLK), :] = y
        ssum = jnp.sum(y, axis=0, keepdims=True)
        ssq = jnp.sum(y * y, axis=0, keepdims=True)

        @pl.when(i == 0)
        def _():
            st_scr[0:1, :] = ssum
            st_scr[1:2, :] = ssq

        @pl.when(i > 0)
        def _():
            st_scr[0:1, :] += ssum
            st_scr[1:2, :] += ssq

    @pl.when(ph == 1)
    def _():
        m = st_scr[0:1, :] * (1.0 / N)
        v = st_scr[1:2, :] * (1.0 / N) - m * m
        y = y_scr[pl.ds(i * BLK, BLK), :]
        yn = (y - m) * lax.rsqrt(v + 1e-5) * g_ref[...] + beta_ref[...]
        zr = jnp.maximum(yn, 0.0)
        xo = jnp.maximum(
            jnp.dot(zr, w2_ref[...], preferred_element_type=jnp.float32)
            + b2_ref[...], 0.0)
        xo_ref[...] = xo
        gid = lax.broadcasted_iota(jnp.int32, (G, BLK), 0)
        sel = (batch_ref[0] == gid).astype(jnp.float32)
        contrib = jnp.dot(sel, xo, preferred_element_type=jnp.float32)

        @pl.when(i == 0)
        def _():
            pool_ref[...] = contrib

        @pl.when(i > 0)
        def _():
            pool_ref[...] += contrib


def _head_body(h_ref, fc1w_ref, fc1b_ref, fc2w_ref, fc2b_ref,
               fcw_ref, fcb_ref, c_ref, h2_ref):
    h = jnp.maximum(
        jnp.dot(h_ref[...], fc1w_ref[...], preferred_element_type=jnp.float32)
        + fc1b_ref[...], 0.0)
    h2 = jnp.maximum(
        jnp.dot(h, fc2w_ref[...], preferred_element_type=jnp.float32)
        + fc2b_ref[...], 0.0)
    h2_ref[...] = h2
    c_ref[...] = (jnp.dot(h2, fcw_ref[...], preferred_element_type=jnp.float32)
                  + fcb_ref[...])


_emb_call = pl.pallas_call(
    _emb_body,
    grid=(NB,),
    in_specs=[
        pl.BlockSpec((BLK, D), lambda i: (i, 0)),
        pl.BlockSpec((D, H), lambda i: (0, 0)),
        pl.BlockSpec((1, H), lambda i: (0, 0)),
    ],
    out_specs=pl.BlockSpec((BLK, H), lambda i: (i, 0)),
    out_shape=jax.ShapeDtypeStruct((N, H), jnp.float32))

_layer_call = pl.pallas_call(
    _layer_body,
    grid=(2, NB),
    in_specs=[
        pl.BlockSpec((2, BLK, H),
                     lambda p, i: (0, jnp.where(p == 0, i, NB - 1), 0)),
        pl.BlockSpec((BLK, H),
                     lambda p, i: (jnp.where(p == 0, i, NB - 1), 0)),
        pl.BlockSpec((H, H), lambda p, i: (0, 0)),
        pl.BlockSpec((1, H), lambda p, i: (0, 0)),
        pl.BlockSpec((1, H), lambda p, i: (0, 0)),
        pl.BlockSpec((1, H), lambda p, i: (0, 0)),
        pl.BlockSpec((H, H), lambda p, i: (0, 0)),
        pl.BlockSpec((1, H), lambda p, i: (0, 0)),
        pl.BlockSpec((1, 1, BLK), lambda p, i: (jnp.where(p == 1, i, 0), 0, 0)),
    ],
    out_specs=(
        pl.BlockSpec((BLK, H), lambda p, i: (jnp.where(p == 1, i, 0), 0)),
        pl.BlockSpec((G, H), lambda p, i: (0, 0)),
    ),
    out_shape=(jax.ShapeDtypeStruct((N, H), jnp.float32),
               jax.ShapeDtypeStruct((G, H), jnp.float32)),
    scratch_shapes=[
        pltpu.VMEM((N, H), jnp.float32),
        pltpu.VMEM((8, H), jnp.float32),
    ])

_whole = lambda shape: pl.BlockSpec(shape, lambda p, i: tuple(0 for _ in shape))

_layer_head_call = pl.pallas_call(
    _layer_head_body,
    grid=(2, NB),
    in_specs=[
        pl.BlockSpec((2, BLK, H),
                     lambda p, i: (0, jnp.where(p == 0, i, NB - 1), 0)),
        pl.BlockSpec((BLK, H),
                     lambda p, i: (jnp.where(p == 0, i, NB - 1), 0)),
        _whole((H, H)),
        _whole((1, H)),
        _whole((1, H)),
        _whole((1, H)),
        _whole((H, H)),
        _whole((1, H)),
        pl.BlockSpec((1, 1, BLK), lambda p, i: (jnp.where(p == 1, i, 0), 0, 0)),
        _whole((G, H)),
        _whole((G, H)),
        _whole((H * L, H)),
        _whole((1, H)),
        _whole((H, H // 2)),
        _whole((1, H // 2)),
        _whole((H // 2, OUT)),
        _whole((1, OUT)),
    ],
    out_specs=(
        pl.BlockSpec((BLK, H), lambda p, i: (jnp.where(p == 1, i, 0), 0)),
        _whole((G, H)),
        _whole((G, OUT)),
        _whole((G, H // 2)),
    ),
    out_shape=(jax.ShapeDtypeStruct((N, H), jnp.float32),
               jax.ShapeDtypeStruct((G, H), jnp.float32),
               jax.ShapeDtypeStruct((G, OUT), jnp.float32),
               jax.ShapeDtypeStruct((G, H // 2), jnp.float32)),
    scratch_shapes=[
        pltpu.VMEM((N, H), jnp.float32),
        pltpu.VMEM((8, H), jnp.float32),
    ])


def kernel(x, edge_index, batch, emb_W, emb_b, l_W1, l_b1, l_g, l_beta,
           l_W2, l_b2, fc1_W, fc1_b, fc2_W, fc2_b, fc_W, fc_b):
    src = edge_index[0]
    dst = edge_index[1]
    batch2 = batch.reshape(NB, 1, BLK).astype(jnp.int32)

    xh = _emb_call(x, emb_W, emb_b.reshape(1, H))
    pools = []
    sc_aggregate = _make_sc_aggregate()
    for i in range(L - 1):
        part = sc_aggregate(xh, src, dst)
        xh, pool = _layer_call(
            part, xh, l_W1[i], l_b1[i].reshape(1, H), l_g[i].reshape(1, H),
            l_beta[i].reshape(1, H), l_W2[i], l_b2[i].reshape(1, H), batch2)
        pools.append(pool)
    i = L - 1
    part = sc_aggregate(xh, src, dst)
    xh, _, c, h = _layer_head_call(
        part, xh, l_W1[i], l_b1[i].reshape(1, H), l_g[i].reshape(1, H),
        l_beta[i].reshape(1, H), l_W2[i], l_b2[i].reshape(1, H), batch2,
        pools[0], pools[1], fc1_W, fc1_b.reshape(1, H), fc2_W,
        fc2_b.reshape(1, H // 2), fc_W, fc_b.reshape(1, OUT))
    return (c, h, xh)

# --- scband reference (transcript-rebuilt; emitter-appended) ---
"""Pipeline reference for scband-ginclassifier-50397146251361 (READ-ONLY COPY).

The authoritative reference and input builder live on the scoring server;
editing this copy changes nothing except your own understanding.
"""

import jax, jax.numpy as jnp
import numpy as np

N = 10000
E = 320000
D = 128
H = 128
L = 3
G = 64
OUT = 10


def setup_inputs(seed: int = 0) -> dict:
    key = jax.random.key(seed)
    ks = jax.random.split(key, 12)
    s = 0.05
    inp = {}
    inp["x"] = jax.random.normal(ks[0], (N, D), dtype=jnp.float32)
    inp["edge_index"] = jax.random.randint(ks[1], (2, E), 0, N)
    inp["batch"] = jnp.sort(jax.random.randint(ks[2], (N,), 0, G))
    inp["emb_W"] = jax.random.normal(ks[3], (D, H), dtype=jnp.float32) * s
    inp["emb_b"] = jnp.zeros((H,), jnp.float32)
    inp["l_W1"] = jax.random.normal(ks[4], (L, H, H), dtype=jnp.float32) * s
    inp["l_b1"] = jnp.zeros((L, H), jnp.float32)
    inp["l_g"] = jnp.ones((L, H), jnp.float32)
    inp["l_beta"] = jnp.zeros((L, H), jnp.float32)
    inp["l_W2"] = jax.random.normal(ks[5], (L, H, H), dtype=jnp.float32) * s
    inp["l_b2"] = jnp.zeros((L, H), jnp.float32)
    inp["fc1_W"] = jax.random.normal(ks[6], (H * L, H), dtype=jnp.float32) * s
    inp["fc1_b"] = jnp.zeros((H,), jnp.float32)
    inp["fc2_W"] = jax.random.normal(ks[7], (H, H // 2), dtype=jnp.float32) * s
    inp["fc2_b"] = jnp.zeros((H // 2,), jnp.float32)
    inp["fc_W"] = jax.random.normal(ks[8], (H // 2, OUT), dtype=jnp.float32) * s
    inp["fc_b"] = jnp.zeros((OUT,), jnp.float32)
    return inp


def _bn(x, g, b, eps=1e-5):
    m = jnp.mean(x, axis=0)
    v = jnp.var(x, axis=0)
    return (x - m) / jnp.sqrt(v + eps) * g + b


def reference(x, edge_index, batch, emb_W, emb_b, l_W1, l_b1, l_g, l_beta,
              l_W2, l_b2, fc1_W, fc1_b, fc2_W, fc2_b, fc_W, fc_b):
    src = edge_index[0]
    dst = edge_index[1]
    # x = relu(embedding(x))
    x = jax.nn.relu(x @ emb_W + emb_b)
    hs = []
    for i in range(L):
        # GINConv with eps=0: nn((1+eps)*x + sum_{j in N(i)} x_j)
        agg = jax.ops.segment_sum(x[src], dst, num_segments=N)
        z = agg + x
        z = jax.nn.relu(_bn(z @ l_W1[i] + l_b1[i], l_g[i], l_beta[i]))
        x = jax.nn.relu(z @ l_W2[i] + l_b2[i])
        hs.append(jax.ops.segment_sum(x, batch, num_segments=G))
    h = jnp.concatenate(hs, axis=1)
    h = jax.nn.relu(h @ fc1_W + fc1_b)
    # dropout p=0.2 in eval mode -> identity
    h = h @ fc2_W + fc2_b
    h = jax.nn.relu(h)
    c = h @ fc_W + fc_b
    return (c, h, x)

if __name__ == "__main__":
    import jax
    _d = setup_inputs()
    print(jax.jit(kernel)(*tuple(_d.values())))

</pallas_src>

<mosaic_0001>
#map = affine_map<(d0, d1) -> (0, 0)>
#map1 = affine_map<(d0, d1) -> (0)>
#map2 = affine_map<(d0, d1) -> (0, 0, 0)>
module attributes {stable_mosaic.version = 14 : i64} {
  func.func @_sc_aggregate_body(%arg0: i32, %arg1: i32, %arg2: memref<10000x128xf32, #tpu.memory_space<hbm>>, %arg3: memref<320000xi32, #tpu.memory_space<hbm>>, %arg4: memref<320000xi32, #tpu.memory_space<hbm>>, %arg5: memref<2x10000x128xf32, #tpu.memory_space<hbm>>, %arg6: memref<10000x128xf32, #tpu.memory_space<vmem_shared>>, %arg7: memref<80x128xf32, #tpu.memory_space<vmem>>, %arg8: memref<80x128xf32, #tpu.memory_space<vmem>>, %arg9: memref<80x128xf32, #tpu.memory_space<vmem>>, %arg10: memref<80x128xf32, #tpu.memory_space<vmem>>, %arg11: memref<80xi32, #tpu.memory_space<vmem>>, %arg12: memref<80xi32, #tpu.memory_space<vmem>>, %arg13: memref<80xi32, #tpu.memory_space<vmem>>, %arg14: memref<80xi32, #tpu.memory_space<vmem>>, %arg15: memref<80xi32, #tpu.memory_space<vmem>>, %arg16: memref<80xi32, #tpu.memory_space<vmem>>, %arg17: memref<80xi32, #tpu.memory_space<vmem>>, %arg18: memref<80xi32, #tpu.memory_space<vmem>>, %arg19: memref<!tpu.dma_semaphore, #tpu.memory_space<semaphore_mem>>, %arg20: memref<!tpu.dma_semaphore, #tpu.memory_space<semaphore_mem>>, %arg21: memref<!tpu.dma_semaphore, #tpu.memory_space<semaphore_mem>>, %arg22: memref<!tpu.dma_semaphore, #tpu.memory_space<semaphore_mem>>, %arg23: memref<!tpu.dma_semaphore, #tpu.memory_space<semaphore_mem>>, %arg24: memref<!tpu.dma_semaphore, #tpu.memory_space<semaphore_mem>>, %arg25: memref<!tpu.dma_semaphore, #tpu.memory_space<semaphore_mem>>, %arg26: memref<!tpu.dma_semaphore, #tpu.memory_space<semaphore_mem>>, %arg27: memref<!tpu.dma_semaphore, #tpu.memory_space<semaphore_mem>>, %arg28: memref<!tpu.dma_semaphore, #tpu.memory_space<semaphore_mem>>, %arg29: memref<!tpu.dma_semaphore, #tpu.memory_space<semaphore_mem>>, %arg30: memref<!tpu.dma_semaphore, #tpu.memory_space<semaphore_mem>>) attributes {dimension_semantics = [#tpu.dimension_semantics<core_parallel>, #tpu.dimension_semantics<subcore_parallel>], iteration_bounds = array<i64: 2, 16>, scalar_prefetch = 0 : i64, scratch_operands = 25 : i64, tpu.core_type = #tpu.core_type<sc_vector_subcore>, window_params = [{transform_indices = #map}, {transform_indices = #map1}, {transform_indices = #map1}, {transform_indices = #map2}]} {
    %mul3A = arith.constant 16 : i32
    %mul3A_0 = arith.muli %arg0, %mul3A : i32
    %add3A = arith.addi %mul3A_0, %arg1 : i32
    %broadcast_in_dim3A = arith.constant 0.000000e+00 : f32
    %broadcast_in_dim3A_1 = vector.broadcast %broadcast_in_dim3A : f32 to vector<16xf32>
    %scan3A = arith.constant 0 : i32
    %scan3A_2 = arith.constant 0 : i32
    %scan3A_3 = arith.constant 640 : i32
    %scan3A_4 = arith.addi %scan3A_2, %scan3A_3 : i32
    %scan3A_5 = arith.constant 1 : i32
    scf.for %scan3A_303 = %scan3A_2 to %scan3A_4 step %scan3A_5  : i32 {
      %jit3A = arith.constant 8 : i32
      %div3A = arith.divsi %scan3A_303, %jit3A : i32
      %sign3A = arith.constant 0 : i32
      %sign3A_304 = arith.cmpi sgt, %scan3A_303, %sign3A : i32
      %sign3A_305 = arith.extui %sign3A_304 : i1 to i32
      %sign3A_306 = arith.constant 0 : i32
      %sign3A_307 = arith.cmpi slt, %scan3A_303, %sign3A_306 : i32
      %sign3A_308 = arith.extui %sign3A_307 : i1 to i32
      %sign3A_309 = arith.subi %sign3A_305, %sign3A_308 : i32
      %sign3A_310 = arith.constant 0 : i32
      %sign3A_311 = arith.cmpi sgt, %jit3A, %sign3A_310 : i32
      %sign3A_312 = arith.extui %sign3A_311 : i1 to i32
      %sign3A_313 = arith.constant 0 : i32
      %sign3A_314 = arith.cmpi slt, %jit3A, %sign3A_313 : i32
      %sign3A_315 = arith.extui %sign3A_314 : i1 to i32
      %sign3A_316 = arith.subi %sign3A_312, %sign3A_315 : i32
      %ne3A = arith.cmpi ne, %sign3A_309, %sign3A_316 : i32
      %rem3A = arith.remsi %scan3A_303, %jit3A : i32
      %ne3A_317 = arith.constant 0 : i32
      %ne3A_318 = arith.cmpi ne, %rem3A, %ne3A_317 : i32
      %and3A = arith.andi %ne3A, %ne3A_318 : i1
      %sub3A_319 = arith.constant 1 : i32
      %sub3A_320 = arith.subi %div3A, %sub3A_319 : i32
      %select_n3A_321 = arith.select %and3A, %sub3A_320, %div3A : i32
      %jit3A_322 = arith.constant 8 : i32
      %eq3A = arith.constant 0 : i32
      %eq3A_323 = arith.cmpi eq, %jit3A_322, %eq3A : i32
      %jit3A_324 = arith.constant 1 : i32
      %select_n3A_325 = arith.select %eq3A_323, %jit3A_324, %jit3A_322 : i32
      %rem3A_326 = arith.remsi %scan3A_303, %select_n3A_325 : i32
      %ne3A_327 = arith.constant 0 : i32
      %ne3A_328 = arith.cmpi ne, %rem3A_326, %ne3A_327 : i32
      %lt3A_329 = arith.constant 0 : i32
      %lt3A_330 = arith.cmpi slt, %rem3A_326, %lt3A_329 : i32
      %lt3A_331 = arith.constant 0 : i32
      %lt3A_332 = arith.cmpi slt, %select_n3A_325, %lt3A_331 : i32
      %ne3A_333 = arith.xori %lt3A_330, %lt3A_332 : i1
      %and3A_334 = arith.andi %ne3A_333, %ne3A_328 : i1
      %add3A_335 = arith.addi %rem3A_326, %select_n3A_325 : i32
      %select_n3A_336 = arith.select %and3A_334, %add3A_335, %rem3A_326 : i32
      %mul3A_337 = arith.constant 16 : i32
      %mul3A_338 = arith.muli %select_n3A_336, %mul3A_337 : i32
      %swap3A = arith.index_cast %select_n3A_321 : i32 to index
      %swap3A_339 = arith.index_cast %mul3A_338 : i32 to index
      %swap3A_340 = tpu.vector_load %arg7[%swap3A, %swap3A_339] {strides = array<i32>} : memref<80x128xf32, #tpu.memory_space<vmem>>, vector<1x16xf32>,
      %swap3A_341 = vector.shape_cast %swap3A_340 : vector<1x16xf32> to vector<16xf32>
      %swap3A_342 = vector.shape_cast %broadcast_in_dim3A_1 : vector<16xf32> to vector<1x16xf32>
      tpu.vector_store %arg7[%swap3A, %swap3A_339], %swap3A_342 {strides = array<i32>} : memref<80x128xf32, #tpu.memory_space<vmem>>, vector<1x16xf32>,
    }
    %scan3A_6 = arith.constant 640 : i32
    %mul3A_7 = arith.constant 632 : i32
    %mul3A_8 = arith.muli %arg1, %mul3A_7 : i32
    %sub3A = arith.constant 2 : i32
    %sub3A_9 = arith.subi %arg1, %sub3A : i32
    %mul3A_10 = arith.constant 624 : i32
    %mul3A_11 = arith.muli %sub3A_9, %mul3A_10 : i32
    %add3A_12 = arith.constant 1264 : i32
    %add3A_13 = arith.addi %add3A_12, %mul3A_11 : i32
    %lt3A = arith.constant 2 : i32
    %lt3A_14 = arith.cmpi slt, %arg1, %lt3A : i32
    %select_n3A = arith.select %lt3A_14, %mul3A_8, %add3A_13 : i32
    %add3A_15 = arith.constant 0 : i32
    %add3A_16 = arith.addi %select_n3A, %add3A_15 : i32
    %dma_start3A = arith.constant 0 : i32
    %dma_start3A_17 = tpu.memref_slice %arg6[%add3A_16, %dma_start3A] : memref<10000x128xf32, #tpu.memory_space<vmem_shared>> -> memref<80x128xf32, #tpu.memory_space<vmem_shared>>
    %dma_start3A_18 = arith.constant 0 : i32
    %dma_start3A_19 = tpu.memref_slice %arg6[%add3A_16, %dma_start3A_18] : memref<10000x128xf32, #tpu.memory_space<vmem_shared>> -> memref<80x128xf32, #tpu.memory_space<vmem_shared>>
    tpu.enqueue_dma source(%arg7 : memref<80x128xf32, #tpu.memory_space<vmem>>) target(%dma_start3A_19 : memref<80x128xf32, #tpu.memory_space<vmem_shared>>) target_semaphore(%arg19 : memref<!tpu.dma_semaphore, #tpu.memory_space<semaphore_mem>>)
    %add3A_20 = arith.constant 80 : i32
    %add3A_21 = arith.addi %select_n3A, %add3A_20 : i32
    %dma_start3A_22 = arith.constant 0 : i32
    %dma_start3A_23 = tpu.memref_slice %arg6[%add3A_21, %dma_start3A_22] : memref<10000x128xf32, #tpu.memory_space<vmem_shared>> -> memref<80x128xf32, #tpu.memory_space<vmem_shared>>
    %dma_start3A_24 = arith.constant 0 : i32
    %dma_start3A_25 = tpu.memref_slice %arg6[%add3A_21, %dma_start3A_24] : memref<10000x128xf32, #tpu.memory_space<vmem_shared>> -> memref<80x128xf32, #tpu.memory_space<vmem_shared>>
    tpu.enqueue_dma source(%arg7 : memref<80x128xf32, #tpu.memory_space<vmem>>) target(%dma_start3A_25 : memref<80x128xf32, #tpu.memory_space<vmem_shared>>) target_semaphore(%arg19 : memref<!tpu.dma_semaphore, #tpu.memory_space<semaphore_mem>>)
    %add3A_26 = arith.constant 160 : i32
    %add3A_27 = arith.addi %select_n3A, %add3A_26 : i32
    %dma_start3A_28 = arith.constant 0 : i32
    %dma_start3A_29 = tpu.memref_slice %arg6[%add3A_27, %dma_start3A_28] : memref<10000x128xf32, #tpu.memory_space<vmem_shared>> -> memref<80x128xf32, #tpu.memory_space<vmem_shared>>
    %dma_start3A_30 = arith.constant 0 : i32
    %dma_start3A_31 = tpu.memref_slice %arg6[%add3A_27, %dma_start3A_30] : memref<10000x128xf32, #tpu.memory_space<vmem_shared>> -> memref<80x128xf32, #tpu.memory_space<vmem_shared>>
    tpu.enqueue_dma source(%arg7 : memref<80x128xf32, #tpu.memory_space<vmem>>) target(%dma_start3A_31 : memref<80x128xf32, #tpu.memory_space<vmem_shared>>) target_semaphore(%arg19 : memref<!tpu.dma_semaphore, #tpu.memory_space<semaphore_mem>>)
    %add3A_32 = arith.constant 240 : i32
    %add3A_33 = arith.addi %select_n3A, %add3A_32 : i32
    %dma_start3A_34 = arith.constant 0 : i32
    %dma_start3A_35 = tpu.memref_slice %arg6[%add3A_33, %dma_start3A_34] : memref<10000x128xf32, #tpu.memory_space<vmem_shared>> -> memref<80x128xf32, #tpu.memory_space<vmem_shared>>
    %dma_start3A_36 = arith.constant 0 : i32
    %dma_start3A_37 = tpu.memref_slice %arg6[%add3A_33, %dma_start3A_36] : memref<10000x128xf32, #tpu.memory_space<vmem_shared>> -> memref<80x128xf32, #tpu.memory_space<vmem_shared>>
    tpu.enqueue_dma source(%arg7 : memref<80x128xf32, #tpu.memory_space<vmem>>) target(%dma_start3A_37 : memref<80x128xf32, #tpu.memory_space<vmem_shared>>) target_semaphore(%arg19 : memref<!tpu.dma_semaphore, #tpu.memory_space<semaphore_mem>>)
    %add3A_38 = arith.constant 320 : i32
    %add3A_39 = arith.addi %select_n3A, %add3A_38 : i32
    %dma_start3A_40 = arith.constant 0 : i32
    %dma_start3A_41 = tpu.memref_slice %arg6[%add3A_39, %dma_start3A_40] : memref<10000x128xf32, #tpu.memory_space<vmem_shared>> -> memref<80x128xf32, #tpu.memory_space<vmem_shared>>
    %dma_start3A_42 = arith.constant 0 : i32
    %dma_start3A_43 = tpu.memref_slice %arg6[%add3A_39, %dma_start3A_42] : memref<10000x128xf32, #tpu.memory_space<vmem_shared>> -> memref<80x128xf32, #tpu.memory_space<vmem_shared>>
    tpu.enqueue_dma source(%arg7 : memref<80x128xf32, #tpu.memory_space<vmem>>) target(%dma_start3A_43 : memref<80x128xf32, #tpu.memory_space<vmem_shared>>) target_semaphore(%arg19 : memref<!tpu.dma_semaphore, #tpu.memory_space<semaphore_mem>>)
    %add3A_44 = arith.constant 400 : i32
    %add3A_45 = arith.addi %select_n3A, %add3A_44 : i32
    %dma_start3A_46 = arith.constant 0 : i32
    %dma_start3A_47 = tpu.memref_slice %arg6[%add3A_45, %dma_start3A_46] : memref<10000x128xf32, #tpu.memory_space<vmem_shared>> -> memref<80x128xf32, #tpu.memory_space<vmem_shared>>
    %dma_start3A_48 = arith.constant 0 : i32
    %dma_start3A_49 = tpu.memref_slice %arg6[%add3A_45, %dma_start3A_48] : memref<10000x128xf32, #tpu.memory_space<vmem_shared>> -> memref<80x128xf32, #tpu.memory_space<vmem_shared>>
    tpu.enqueue_dma source(%arg7 : memref<80x128xf32, #tpu.memory_space<vmem>>) target(%dma_start3A_49 : memref<80x128xf32, #tpu.memory_space<vmem_shared>>) target_semaphore(%arg19 : memref<!tpu.dma_semaphore, #tpu.memory_space<semaphore_mem>>)
    %add3A_50 = arith.constant 480 : i32
    %add3A_51 = arith.addi %select_n3A, %add3A_50 : i32
    %dma_start3A_52 = arith.constant 0 : i32
    %dma_start3A_53 = tpu.memref_slice %arg6[%add3A_51, %dma_start3A_52] : memref<10000x128xf32, #tpu.memory_space<vmem_shared>> -> memref<80x128xf32, #tpu.memory_space<vmem_shared>>
    %dma_start3A_54 = arith.constant 0 : i32
    %dma_start3A_55 = tpu.memref_slice %arg6[%add3A_51, %dma_start3A_54] : memref<10000x128xf32, #tpu.memory_space<vmem_shared>> -> memref<80x128xf32, #tpu.memory_space<vmem_shared>>
    tpu.enqueue_dma source(%arg7 : memref<80x128xf32, #tpu.memory_space<vmem>>) target(%dma_start3A_55 : memref<80x128xf32, #tpu.memory_space<vmem_shared>>) target_semaphore(%arg19 : memref<!tpu.dma_semaphore, #tpu.memory_space<semaphore_mem>>)
    %lt3A_56 = arith.constant 2 : i32
    %lt3A_57 = arith.cmpi slt, %arg1, %lt3A_56 : i32
    %convert_element_type3A = arith.extui %lt3A_57 : i1 to i32
    %cond3A = arith.constant 0 : i32
    %cond3A_58 = arith.cmpi ne, %convert_element_type3A, %cond3A : i32
    scf.if %cond3A_58 {
      %add3A_303 = arith.constant 560 : i32
      %add3A_304 = arith.addi %select_n3A, %add3A_303 : i32
      %dma_start3A_305 = arith.constant 0 : i32
      %dma_start3A_306 = arith.constant 0 : i32
      %dma_start3A_307 = tpu.memref_slice %arg7[%dma_start3A_305, %dma_start3A_306] : memref<80x128xf32, #tpu.memory_space<vmem>> -> memref<72x128xf32, #tpu.memory_space<vmem>>
      %dma_start3A_308 = arith.constant 0 : i32
      %dma_start3A_309 = tpu.memref_slice %arg6[%add3A_304, %dma_start3A_308] : memref<10000x128xf32, #tpu.memory_space<vmem_shared>> -> memref<72x128xf32, #tpu.memory_space<vmem_shared>>
      %dma_start3A_310 = arith.constant 0 : i32
      %dma_start3A_311 = tpu.memref_slice %arg6[%add3A_304, %dma_start3A_310] : memref<10000x128xf32, #tpu.memory_space<vmem_shared>> -> memref<72x128xf32, #tpu.memory_space<vmem_shared>>
      %dma_start3A_312 = arith.constant 0 : i32
      %dma_start3A_313 = arith.constant 0 : i32
      %dma_start3A_314 = tpu.memref_slice %arg7[%dma_start3A_312, %dma_start3A_313] : memref<80x128xf32, #tpu.memory_space<vmem>> -> memref<72x128xf32, #tpu.memory_space<vmem>>
      tpu.enqueue_dma source(%dma_start3A_314 : memref<72x128xf32, #tpu.memory_space<vmem>>) target(%dma_start3A_311 : memref<72x128xf32, #tpu.memory_space<vmem_shared>>) target_semaphore(%arg19 : memref<!tpu.dma_semaphore, #tpu.memory_space<semaphore_mem>>)
    } else {
    }
    %ge3A = arith.constant 2 : i32
    %ge3A_59 = arith.cmpi sge, %arg1, %ge3A : i32
    %convert_element_type3A_60 = arith.extui %ge3A_59 : i1 to i32
    %cond3A_61 = arith.constant 0 : i32
    %cond3A_62 = arith.cmpi ne, %convert_element_type3A_60, %cond3A_61 : i32
    scf.if %cond3A_62 {
      %add3A_303 = arith.constant 560 : i32
      %add3A_304 = arith.addi %select_n3A, %add3A_303 : i32
      %dma_start3A_305 = arith.constant 0 : i32
      %dma_start3A_306 = arith.constant 0 : i32
      %dma_start3A_307 = tpu.memref_slice %arg7[%dma_start3A_305, %dma_start3A_306] : memref<80x128xf32, #tpu.memory_space<vmem>> -> memref<64x128xf32, #tpu.memory_space<vmem>>
      %dma_start3A_308 = arith.constant 0 : i32
      %dma_start3A_309 = tpu.memref_slice %arg6[%add3A_304, %dma_start3A_308] : memref<10000x128xf32, #tpu.memory_space<vmem_shared>> -> memref<64x128xf32, #tpu.memory_space<vmem_shared>>
      %dma_start3A_310 = arith.constant 0 : i32
      %dma_start3A_311 = tpu.memref_slice %arg6[%add3A_304, %dma_start3A_310] : memref<10000x128xf32, #tpu.memory_space<vmem_shared>> -> memref<64x128xf32, #tpu.memory_space<vmem_shared>>
      %dma_start3A_312 = arith.constant 0 : i32
      %dma_start3A_313 = arith.constant 0 : i32
      %dma_start3A_314 = tpu.memref_slice %arg7[%dma_start3A_312, %dma_start3A_313] : memref<80x128xf32, #tpu.memory_space<vmem>> -> memref<64x128xf32, #tpu.memory_space<vmem>>
      tpu.enqueue_dma source(%dma_start3A_314 : memref<64x128xf32, #tpu.memory_space<vmem>>) target(%dma_start3A_311 : memref<64x128xf32, #tpu.memory_space<vmem_shared>>) target_semaphore(%arg19 : memref<!tpu.dma_semaphore, #tpu.memory_space<semaphore_mem>>)
    } else {
    }
    %dma_wait3A = arith.constant 0 : i32
    %dma_wait3A_63 = arith.constant 0 : i32
    %dma_wait3A_64 = tpu.memref_slice %arg6[%dma_wait3A, %dma_wait3A_63] : memref<10000x128xf32, #tpu.memory_space<vmem_shared>> -> memref<80x128xf32, #tpu.memory_space<vmem_shared>>
    %dma_wait3A_65 = arith.constant 0 : i32
    %dma_wait3A_66 = arith.constant 0 : i32
    %dma_wait3A_67 = tpu.memref_slice %arg6[%dma_wait3A_65, %dma_wait3A_66] : memref<10000x128xf32, #tpu.memory_space<vmem_shared>> -> memref<80x128xf32, #tpu.memory_space<vmem_shared>>
    tpu.wait_dma2 semaphore(%arg19 : memref<!tpu.dma_semaphore, #tpu.memory_space<semaphore_mem>>) src(%arg7 : memref<80x128xf32, #tpu.memory_space<vmem>>) dst(%dma_wait3A_67 : memref<80x128xf32, #tpu.memory_space<vmem_shared>>)
    %dma_wait3A_68 = arith.constant 0 : i32
    %dma_wait3A_69 = arith.constant 0 : i32
    %dma_wait3A_70 = tpu.memref_slice %arg6[%dma_wait3A_68, %dma_wait3A_69] : memref<10000x128xf32, #tpu.memory_space<vmem_shared>> -> memref<80x128xf32, #tpu.memory_space<vmem_shared>>
    %dma_wait3A_71 = arith.constant 0 : i32
    %dma_wait3A_72 = arith.constant 0 : i32
    %dma_wait3A_73 = tpu.memref_slice %arg6[%dma_wait3A_71, %dma_wait3A_72] : memref<10000x128xf32, #tpu.memory_space<vmem_shared>> -> memref<80x128xf32, #tpu.memory_space<vmem_shared>>
    tpu.wait_dma2 semaphore(%arg19 : memref<!tpu.dma_semaphore, #tpu.memory_space<semaphore_mem>>) src(%arg7 : memref<80x128xf32, #tpu.memory_space<vmem>>) dst(%dma_wait3A_73 : memref<80x128xf32, #tpu.memory_space<vmem_shared>>)
    %dma_wait3A_74 = arith.constant 0 : i32
    %dma_wait3A_75 = arith.constant 0 : i32
    %dma_wait3A_76 = tpu.memref_slice %arg6[%dma_wait3A_74, %dma_wait3A_75] : memref<10000x128xf32, #tpu.memory_space<vmem_shared>> -> memref<80x128xf32, #tpu.memory_space<vmem_shared>>
    %dma_wait3A_77 = arith.constant 0 : i32
    %dma_wait3A_78 = arith.constant 0 : i32
    %dma_wait3A_79 = tpu.memref_slice %arg6[%dma_wait3A_77, %dma_wait3A_78] : memref<10000x128xf32, #tpu.memory_space<vmem_shared>> -> memref<80x128xf32, #tpu.memory_space<vmem_shared>>
    tpu.wait_dma2 semaphore(%arg19 : memref<!tpu.dma_semaphore, #tpu.memory_space<semaphore_mem>>) src(%arg7 : memref<80x128xf32, #tpu.memory_space<vmem>>) dst(%dma_wait3A_79 : memref<80x128xf32, #tpu.memory_space<vmem_shared>>)
    %dma_wait3A_80 = arith.constant 0 : i32
    %dma_wait3A_81 = arith.constant 0 : i32
    %dma_wait3A_82 = tpu.memref_slice %arg6[%dma_wait3A_80, %dma_wait3A_81] : memref<10000x128xf32, #tpu.memory_space<vmem_shared>> -> memref<80x128xf32, #tpu.memory_space<vmem_shared>>
    %dma_wait3A_83 = arith.constant 0 : i32
    %dma_wait3A_84 = arith.constant 0 : i32
    %dma_wait3A_85 = tpu.memref_slice %arg6[%dma_wait3A_83, %dma_wait3A_84] : memref<10000x128xf32, #tpu.memory_space<vmem_shared>> -> memref<80x128xf32, #tpu.memory_space<vmem_shared>>
    tpu.wait_dma2 semaphore(%arg19 : memref<!tpu.dma_semaphore, #tpu.memory_space<semaphore_mem>>) src(%arg7 : memref<80x128xf32, #tpu.memory_space<vmem>>) dst(%dma_wait3A_85 : memref<80x128xf32, #tpu.memory_space<vmem_shared>>)
    %dma_wait3A_86 = arith.constant 0 : i32
    %dma_wait3A_87 = arith.constant 0 : i32
    %dma_wait3A_88 = tpu.memref_slice %arg6[%dma_wait3A_86, %dma_wait3A_87] : memref<10000x128xf32, #tpu.memory_space<vmem_shared>> -> memref<80x128xf32, #tpu.memory_space<vmem_shared>>
    %dma_wait3A_89 = arith.constant 0 : i32
    %dma_wait3A_90 = arith.constant 0 : i32
    %dma_wait3A_91 = tpu.memref_slice %arg6[%dma_wait3A_89, %dma_wait3A_90] : memref<10000x128xf32, #tpu.memory_space<vmem_shared>> -> memref<80x128xf32, #tpu.memory_space<vmem_shared>>
    tpu.wait_dma2 semaphore(%arg19 : memref<!tpu.dma_semaphore, #tpu.memory_space<semaphore_mem>>) src(%arg7 : memref<80x128xf32, #tpu.memory_space<vmem>>) dst(%dma_wait3A_91 : memref<80x128xf32, #tpu.memory_space<vmem_shared>>)
    %dma_wait3A_92 = arith.constant 0 : i32
    %dma_wait3A_93 = arith.constant 0 : i32
    %dma_wait3A_94 = tpu.memref_slice %arg6[%dma_wait3A_92, %dma_wait3A_93] : memref<10000x128xf32, #tpu.memory_space<vmem_shared>> -> memref<80x128xf32, #tpu.memory_space<vmem_shared>>
    %dma_wait3A_95 = arith.constant 0 : i32
    %dma_wait3A_96 = arith.constant 0 : i32
    %dma_wait3A_97 = tpu.memref_slice %arg6[%dma_wait3A_95, %dma_wait3A_96] : memref<10000x128xf32, #tpu.memory_space<vmem_shared>> -> memref<80x128xf32, #tpu.memory_space<vmem_shared>>
    tpu.wait_dma2 semaphore(%arg19 : memref<!tpu.dma_semaphore, #tpu.memory_space<semaphore_mem>>) src(%arg7 : memref<80x128xf32, #tpu.memory_space<vmem>>) dst(%dma_wait3A_97 : memref<80x128xf32, #tpu.memory_space<vmem_shared>>)
    %dma_wait3A_98 = arith.constant 0 : i32
    %dma_wait3A_99 = arith.constant 0 : i32
    %dma_wait3A_100 = tpu.memref_slice %arg6[%dma_wait3A_98, %dma_wait3A_99] : memref<10000x128xf32, #tpu.memory_space<vmem_shared>> -> memref<80x128xf32, #tpu.memory_space<vmem_shared>>
    %dma_wait3A_101 = arith.constant 0 : i32
    %dma_wait3A_102 = arith.constant 0 : i32
    %dma_wait3A_103 = tpu.memref_slice %arg6[%dma_wait3A_101, %dma_wait3A_102] : memref<10000x128xf32, #tpu.memory_space<vmem_shared>> -> memref<80x128xf32, #tpu.memory_space<vmem_shared>>
    tpu.wait_dma2 semaphore(%arg19 : memref<!tpu.dma_semaphore, #tpu.memory_space<semaphore_mem>>) src(%arg7 : memref<80x128xf32, #tpu.memory_space<vmem>>) dst(%dma_wait3A_103 : memref<80x128xf32, #tpu.memory_space<vmem_shared>>)
    %lt3A_104 = arith.constant 2 : i32
    %lt3A_105 = arith.cmpi slt, %arg1, %lt3A_104 : i32
    %convert_element_type3A_106 = arith.extui %lt3A_105 : i1 to i32
    %cond3A_107 = arith.constant 0 : i32
    %cond3A_108 = arith.cmpi ne, %convert_element_type3A_106, %cond3A_107 : i32
    scf.if %cond3A_108 {
      %dma_wait3A_303 = arith.constant 0 : i32
      %dma_wait3A_304 = arith.constant 0 : i32
      %dma_wait3A_305 = tpu.memref_slice %arg7[%dma_wait3A_303, %dma_wait3A_304] : memref<80x128xf32, #tpu.memory_space<vmem>> -> memref<72x128xf32, #tpu.memory_space<vmem>>
      %dma_wait3A_306 = arith.constant 0 : i32
      %dma_wait3A_307 = arith.constant 0 : i32
      %dma_wait3A_308 = tpu.memref_slice %arg6[%dma_wait3A_306, %dma_wait3A_307] : memref<10000x128xf32, #tpu.memory_space<vmem_shared>> -> memref<72x128xf32, #tpu.memory_space<vmem_shared>>
      %dma_wait3A_309 = arith.constant 0 : i32
      %dma_wait3A_310 = arith.constant 0 : i32
      %dma_wait3A_311 = tpu.memref_slice %arg6[%dma_wait3A_309, %dma_wait3A_310] : memref<10000x128xf32, #tpu.memory_space<vmem_shared>> -> memref<72x128xf32, #tpu.memory_space<vmem_shared>>
      %dma_wait3A_312 = arith.constant 0 : i32
      %dma_wait3A_313 = arith.constant 0 : i32
      %dma_wait3A_314 = tpu.memref_slice %arg7[%dma_wait3A_312, %dma_wait3A_313] : memref<80x128xf32, #tpu.memory_space<vmem>> -> memref<72x128xf32, #tpu.memory_space<vmem>>
      tpu.wait_dma2 semaphore(%arg19 : memref<!tpu.dma_semaphore, #tpu.memory_space<semaphore_mem>>) src(%dma_wait3A_314 : memref<72x128xf32, #tpu.memory_space<vmem>>) dst(%dma_wait3A_311 : memref<72x128xf32, #tpu.memory_space<vmem_shared>>)
    } else {
    }
    %ge3A_109 = arith.constant 2 : i32
    %ge3A_110 = arith.cmpi sge, %arg1, %ge3A_109 : i32
    %convert_element_type3A_111 = arith.extui %ge3A_110 : i1 to i32
    %cond3A_112 = arith.constant 0 : i32
    %cond3A_113 = arith.cmpi ne, %convert_element_type3A_111, %cond3A_112 : i32
    scf.if %cond3A_113 {
      %dma_wait3A_303 = arith.constant 0 : i32
      %dma_wait3A_304 = arith.constant 0 : i32
      %dma_wait3A_305 = tpu.memref_slice %arg7[%dma_wait3A_303, %dma_wait3A_304] : memref<80x128xf32, #tpu.memory_space<vmem>> -> memref<64x128xf32, #tpu.memory_space<vmem>>
      %dma_wait3A_306 = arith.constant 0 : i32
      %dma_wait3A_307 = arith.constant 0 : i32
      %dma_wait3A_308 = tpu.memref_slice %arg6[%dma_wait3A_306, %dma_wait3A_307] : memref<10000x128xf32, #tpu.memory_space<vmem_shared>> -> memref<64x128xf32, #tpu.memory_space<vmem_shared>>
      %dma_wait3A_309 = arith.constant 0 : i32
      %dma_wait3A_310 = arith.constant 0 : i32
      %dma_wait3A_311 = tpu.memref_slice %arg6[%dma_wait3A_309, %dma_wait3A_310] : memref<10000x128xf32, #tpu.memory_space<vmem_shared>> -> memref<64x128xf32, #tpu.memory_space<vmem_shared>>
      %dma_wait3A_312 = arith.constant 0 : i32
      %dma_wait3A_313 = arith.constant 0 : i32
      %dma_wait3A_314 = tpu.memref_slice %arg7[%dma_wait3A_312, %dma_wait3A_313] : memref<80x128xf32, #tpu.memory_space<vmem>> -> memref<64x128xf32, #tpu.memory_space<vmem>>
      tpu.wait_dma2 semaphore(%arg19 : memref<!tpu.dma_semaphore, #tpu.memory_space<semaphore_mem>>) src(%dma_wait3A_314 : memref<64x128xf32, #tpu.memory_space<vmem>>) dst(%dma_wait3A_311 : memref<64x128xf32, #tpu.memory_space<vmem_shared>>)
    } else {
    }
    %barrier3A = arith.constant 0 : index
    tpu.barrier barrier_id(%barrier3A)
    %mul3A_114 = arith.constant 10000 : i32
    %mul3A_115 = arith.muli %add3A, %mul3A_114 : i32
    %add3A_116 = arith.constant 0 : i32
    %add3A_117 = arith.addi %mul3A_115, %add3A_116 : i32
    %dma_start3A_118 = tpu.memref_slice %arg3[%add3A_117] : memref<320000xi32, #tpu.memory_space<hbm>> -> memref<80xi32, #tpu.memory_space<hbm>>
    %dma_start3A_119 = tpu.memref_slice %arg3[%add3A_117] : memref<320000xi32, #tpu.memory_space<hbm>> -> memref<80xi32, #tpu.memory_space<hbm>>
    tpu.enqueue_dma source(%dma_start3A_119 : memref<80xi32, #tpu.memory_space<hbm>>) target(%arg11 : memref<80xi32, #tpu.memory_space<vmem>>) target_semaphore(%arg27 : memref<!tpu.dma_semaphore, #tpu.memory_space<semaphore_mem>>)
    %add3A_120 = arith.constant 0 : i32
    %add3A_121 = arith.addi %mul3A_115, %add3A_120 : i32
    %dma_start3A_122 = tpu.memref_slice %arg4[%add3A_121] : memref<320000xi32, #tpu.memory_space<hbm>> -> memref<80xi32, #tpu.memory_space<hbm>>
    %dma_start3A_123 = tpu.memref_slice %arg4[%add3A_121] : memref<320000xi32, #tpu.memory_space<hbm>> -> memref<80xi32, #tpu.memory_space<hbm>>
    tpu.enqueue_dma source(%dma_start3A_123 : memref<80xi32, #tpu.memory_space<hbm>>) target(%arg15 : memref<80xi32, #tpu.memory_space<vmem>>) target_semaphore(%arg27 : memref<!tpu.dma_semaphore, #tpu.memory_space<semaphore_mem>>)
    %add3A_124 = arith.constant 80 : i32
    %add3A_125 = arith.addi %mul3A_115, %add3A_124 : i32
    %dma_start3A_126 = tpu.memref_slice %arg3[%add3A_125] : memref<320000xi32, #tpu.memory_space<hbm>> -> memref<80xi32, #tpu.memory_space<hbm>>
    %dma_start3A_127 = tpu.memref_slice %arg3[%add3A_125] : memref<320000xi32, #tpu.memory_space<hbm>> -> memref<80xi32, #tpu.memory_space<hbm>>
    tpu.enqueue_dma source(%dma_start3A_127 : memref<80xi32, #tpu.memory_space<hbm>>) target(%arg12 : memref<80xi32, #tpu.memory_space<vmem>>) target_semaphore(%arg28 : memref<!tpu.dma_semaphore, #tpu.memory_space<semaphore_mem>>)
    %add3A_128 = arith.constant 80 : i32
    %add3A_129 = arith.addi %mul3A_115, %add3A_128 : i32
    %dma_start3A_130 = tpu.memref_slice %arg4[%add3A_129] : memref<320000xi32, #tpu.memory_space<hbm>> -> memref<80xi32, #tpu.memory_space<hbm>>
    %dma_start3A_131 = tpu.memref_slice %arg4[%add3A_129] : memref<320000xi32, #tpu.memory_space<hbm>> -> memref<80xi32, #tpu.memory_space<hbm>>
    tpu.enqueue_dma source(%dma_start3A_131 : memref<80xi32, #tpu.memory_space<hbm>>) target(%arg16 : memref<80xi32, #tpu.memory_space<vmem>>) target_semaphore(%arg28 : memref<!tpu.dma_semaphore, #tpu.memory_space<semaphore_mem>>)
    %add3A_132 = arith.constant 160 : i32
    %add3A_133 = arith.addi %mul3A_115, %add3A_132 : i32
    %dma_start3A_134 = tpu.memref_slice %arg3[%add3A_133] : memref<320000xi32, #tpu.memory_space<hbm>> -> memref<80xi32, #tpu.memory_space<hbm>>
    %dma_start3A_135 = tpu.memref_slice %arg3[%add3A_133] : memref<320000xi32, #tpu.memory_space<hbm>> -> memref<80xi32, #tpu.memory_space<hbm>>
    tpu.enqueue_dma source(%dma_start3A_135 : memref<80xi32, #tpu.memory_space<hbm>>) target(%arg13 : memref<80xi32, #tpu.memory_space<vmem>>) target_semaphore(%arg29 : memref<!tpu.dma_semaphore, #tpu.memory_space<semaphore_mem>>)
    %add3A_136 = arith.constant 160 : i32
    %add3A_137 = arith.addi %mul3A_115, %add3A_136 : i32
    %dma_start3A_138 = tpu.memref_slice %arg4[%add3A_137] : memref<320000xi32, #tpu.memory_space<hbm>> -> memref<80xi32, #tpu.memory_space<hbm>>
    %dma_start3A_139 = tpu.memref_slice %arg4[%add3A_137] : memref<320000xi32, #tpu.memory_space<hbm>> -> memref<80xi32, #tpu.memory_space<hbm>>
    tpu.enqueue_dma source(%dma_start3A_139 : memref<80xi32, #tpu.memory_space<hbm>>) target(%arg17 : memref<80xi32, #tpu.memory_space<vmem>>) target_semaphore(%arg29 : memref<!tpu.dma_semaphore, #tpu.memory_space<semaphore_mem>>)
    %dma_wait3A_140 = arith.constant 0 : i32
    %dma_wait3A_141 = tpu.memref_slice %arg3[%dma_wait3A_140] : memref<320000xi32, #tpu.memory_space<hbm>> -> memref<80xi32, #tpu.memory_space<hbm>>
    %dma_wait3A_142 = arith.constant 0 : i32
    %dma_wait3A_143 = tpu.memref_slice %arg3[%dma_wait3A_142] : memref<320000xi32, #tpu.memory_space<hbm>> -> memref<80xi32, #tpu.memory_space<hbm>>
    tpu.wait_dma2 semaphore(%arg27 : memref<!tpu.dma_semaphore, #tpu.memory_space<semaphore_mem>>) src(%dma_wait3A_143 : memref<80xi32, #tpu.memory_space<hbm>>) dst(%arg11 : memref<80xi32, #tpu.memory_space<vmem>>)
    %dma_wait3A_144 = arith.constant 0 : i32
    %dma_wait3A_145 = tpu.memref_slice %arg4[%dma_wait3A_144] : memref<320000xi32, #tpu.memory_space<hbm>> -> memref<80xi32, #tpu.memory_space<hbm>>
    %dma_wait3A_146 = arith.constant 0 : i32
    %dma_wait3A_147 = tpu.memref_slice %arg4[%dma_wait3A_146] : memref<320000xi32, #tpu.memory_space<hbm>> -> memref<80xi32, #tpu.memory_space<hbm>>
    tpu.wait_dma2 semaphore(%arg27 : memref<!tpu.dma_semaphore, #tpu.memory_space<semaphore_mem>>) src(%dma_wait3A_147 : memref<80xi32, #tpu.memory_space<hbm>>) dst(%arg15 : memref<80xi32, #tpu.memory_space<vmem>>)
    %dma_start3A_148 = arith.constant 0 : i32
    %dma_start3A_149 = arith.constant 0 : i32
    %dma_start3A_150 = tpu.memref_slice %arg2[%dma_start3A_148, %dma_start3A_149] : memref<10000x128xf32, #tpu.memory_space<hbm>> -> memref<10000x128xf32, #tpu.memory_space<hbm>>
    tpu.enqueue_indirect_dma source(%dma_start3A_150 : memref<10000x128xf32, #tpu.memory_space<hbm>>) target(%arg7 : memref<80x128xf32, #tpu.memory_space<vmem>>) offsets(%arg11 : memref<80xi32, #tpu.memory_space<vmem>>) semaphore(%arg19 : memref<!tpu.dma_semaphore, #tpu.memory_space<semaphore_mem>>)
    %dma_wait3A_151 = arith.constant 0 : i32
    %dma_wait3A_152 = tpu.memref_slice %arg3[%dma_wait3A_151] : memref<320000xi32, #tpu.memory_space<hbm>> -> memref<80xi32, #tpu.memory_space<hbm>>
    %dma_wait3A_153 = arith.constant 0 : i32
    %dma_wait3A_154 = tpu.memref_slice %arg3[%dma_wait3A_153] : memref<320000xi32, #tpu.memory_space<hbm>> -> memref<80xi32, #tpu.memory_space<hbm>>
    tpu.wait_dma2 semaphore(%arg28 : memref<!tpu.dma_semaphore, #tpu.memory_space<semaphore_mem>>) src(%dma_wait3A_154 : memref<80xi32, #tpu.memory_space<hbm>>) dst(%arg12 : memref<80xi32, #tpu.memory_space<vmem>>)
    %dma_wait3A_155 = arith.constant 0 : i32
    %dma_wait3A_156 = tpu.memref_slice %arg4[%dma_wait3A_155] : memref<320000xi32, #tpu.memory_space<hbm>> -> memref<80xi32, #tpu.memory_space<hbm>>
    %dma_wait3A_157 = arith.constant 0 : i32
    %dma_wait3A_158 = tpu.memref_slice %arg4[%dma_wait3A_157] : memref<320000xi32, #tpu.memory_space<hbm>> -> memref<80xi32, #tpu.memory_space<hbm>>
    tpu.wait_dma2 semaphore(%arg28 : memref<!tpu.dma_semaphore, #tpu.memory_space<semaphore_mem>>) src(%dma_wait3A_158 : memref<80xi32, #tpu.memory_space<hbm>>) dst(%arg16 : memref<80xi32, #tpu.memory_space<vmem>>)
    %dma_start3A_159 = arith.constant 0 : i32
    %dma_start3A_160 = arith.constant 0 : i32
    %dma_start3A_161 = tpu.memref_slice %arg2[%dma_start3A_159, %dma_start3A_160] : memref<10000x128xf32, #tpu.memory_space<hbm>> -> memref<10000x128xf32, #tpu.memory_space<hbm>>
    tpu.enqueue_indirect_dma source(%dma_start3A_161 : memref<10000x128xf32, #tpu.memory_space<hbm>>) target(%arg8 : memref<80x128xf32, #tpu.memory_space<vmem>>) offsets(%arg12 : memref<80xi32, #tpu.memory_space<vmem>>) semaphore(%arg20 : memref<!tpu.dma_semaphore, #tpu.memory_space<semaphore_mem>>)
    %dma_wait3A_162 = arith.constant 0 : i32
    %dma_wait3A_163 = arith.constant 0 : i32
    %dma_wait3A_164 = tpu.memref_slice %arg2[%dma_wait3A_162, %dma_wait3A_163] : memref<10000x128xf32, #tpu.memory_space<hbm>> -> memref<80x128xf32, #tpu.memory_space<hbm>>
    %dma_wait3A_165 = arith.constant 0 : i32
    %dma_wait3A_166 = arith.constant 0 : i32
    %dma_wait3A_167 = tpu.memref_slice %arg2[%dma_wait3A_165, %dma_wait3A_166] : memref<10000x128xf32, #tpu.memory_space<hbm>> -> memref<80x128xf32, #tpu.memory_space<hbm>>
    tpu.wait_dma2 semaphore(%arg19 : memref<!tpu.dma_semaphore, #tpu.memory_space<semaphore_mem>>) src(%dma_wait3A_167 : memref<80x128xf32, #tpu.memory_space<hbm>>) dst(%arg7 : memref<80x128xf32, #tpu.memory_space<vmem>>)
    %dma_start3A_168 = arith.constant 0 : i32
    %dma_start3A_169 = arith.constant 0 : i32
    %dma_start3A_170 = tpu.memref_slice %arg6[%dma_start3A_168, %dma_start3A_169] : memref<10000x128xf32, #tpu.memory_space<vmem_shared>> -> memref<10000x128xf32, #tpu.memory_space<vmem_shared>>
    tpu.enqueue_indirect_dma source(%arg7 : memref<80x128xf32, #tpu.memory_space<vmem>>) target(%dma_start3A_170 : memref<10000x128xf32, #tpu.memory_space<vmem_shared>>) offsets(%arg15 : memref<80xi32, #tpu.memory_space<vmem>>) semaphore(%arg23 : memref<!tpu.dma_semaphore, #tpu.memory_space<semaphore_mem>>) {add = true}
    %add3A_171 = arith.constant 240 : i32
    %add3A_172 = arith.addi %mul3A_115, %add3A_171 : i32
    %dma_start3A_173 = tpu.memref_slice %arg3[%add3A_172] : memref<320000xi32, #tpu.memory_space<hbm>> -> memref<80xi32, #tpu.memory_space<hbm>>
    %dma_start3A_174 = tpu.memref_slice %arg3[%add3A_172] : memref<320000xi32, #tpu.memory_space<hbm>> -> memref<80xi32, #tpu.memory_space<hbm>>
    tpu.enqueue_dma source(%dma_start3A_174 : memref<80xi32, #tpu.memory_space<hbm>>) target(%arg14 : memref<80xi32, #tpu.memory_space<vmem>>) target_semaphore(%arg30 : memref<!tpu.dma_semaphore, #tpu.memory_space<semaphore_mem>>)
    %add3A_175 = arith.constant 240 : i32
    %add3A_176 = arith.addi %mul3A_115, %add3A_175 : i32
    %dma_start3A_177 = tpu.memref_slice %arg4[%add3A_176] : memref<320000xi32, #tpu.memory_space<hbm>> -> memref<80xi32, #tpu.memory_space<hbm>>
    %dma_start3A_178 = tpu.memref_slice %arg4[%add3A_176] : memref<320000xi32, #tpu.memory_space<hbm>> -> memref<80xi32, #tpu.memory_space<hbm>>
    tpu.enqueue_dma source(%dma_start3A_178 : memref<80xi32, #tpu.memory_space<hbm>>) target(%arg18 : memref<80xi32, #tpu.memory_space<vmem>>) target_semaphore(%arg30 : memref<!tpu.dma_semaphore, #tpu.memory_space<semaphore_mem>>)
    %dma_wait3A_179 = arith.constant 0 : i32
    %dma_wait3A_180 = tpu.memref_slice %arg3[%dma_wait3A_179] : memref<320000xi32, #tpu.memory_space<hbm>> -> memref<80xi32, #tpu.memory_space<hbm>>
    %dma_wait3A_181 = arith.constant 0 : i32
    %dma_wait3A_182 = tpu.memref_slice %arg3[%dma_wait3A_181] : memref<320000xi32, #tpu.memory_space<hbm>> -> memref<80xi32, #tpu.memory_space<hbm>>
    tpu.wait_dma2 semaphore(%arg29 : memref<!tpu.dma_semaphore, #tpu.memory_space<semaphore_mem>>) src(%dma_wait3A_182 : memref<80xi32, #tpu.memory_space<hbm>>) dst(%arg13 : memref<80xi32, #tpu.memory_space<vmem>>)
    %dma_wait3A_183 = arith.constant 0 : i32
    %dma_wait3A_184 = tpu.memref_slice %arg4[%dma_wait3A_183] : memref<320000xi32, #tpu.memory_space<hbm>> -> memref<80xi32, #tpu.memory_space<hbm>>
    %dma_wait3A_185 = arith.constant 0 : i32
    %dma_wait3A_186 = tpu.memref_slice %arg4[%dma_wait3A_185] : memref<320000xi32, #tpu.memory_space<hbm>> -> memref<80xi32, #tpu.memory_space<hbm>>
    tpu.wait_dma2 semaphore(%arg29 : memref<!tpu.dma_semaphore, #tpu.memory_space<semaphore_mem>>) src(%dma_wait3A_186 : memref<80xi32, #tpu.memory_space<hbm>>) dst(%arg17 : memref<80xi32, #tpu.memory_space<vmem>>)
    %dma_start3A_187 = arith.constant 0 : i32
    %dma_start3A_188 = arith.constant 0 : i32
    %dma_start3A_189 = tpu.memref_slice %arg2[%dma_start3A_187, %dma_start3A_188] : memref<10000x128xf32, #tpu.memory_space<hbm>> -> memref<10000x128xf32, #tpu.memory_space<hbm>>
    tpu.enqueue_indirect_dma source(%dma_start3A_189 : memref<10000x128xf32, #tpu.memory_space<hbm>>) target(%arg9 : memref<80x128xf32, #tpu.memory_space<vmem>>) offsets(%arg13 : memref<80xi32, #tpu.memory_space<vmem>>) semaphore(%arg21 : memref<!tpu.dma_semaphore, #tpu.memory_space<semaphore_mem>>)
    %scan3A_190 = arith.constant 0 : i32
    %scan3A_191 = arith.constant 0 : i32
    %scan3A_192 = arith.constant 30 : i32
    %scan3A_193 = arith.addi %scan3A_191, %scan3A_192 : i32
    %scan3A_194 = arith.constant 1 : i32
    scf.for %scan3A_303 = %scan3A_191 to %scan3A_193 step %scan3A_194  : i32 {
      %dma_wait3A_304 = arith.constant 0 : i32
      %dma_wait3A_305 = arith.constant 0 : i32
      %dma_wait3A_306 = tpu.memref_slice %arg2[%dma_wait3A_304, %dma_wait3A_305] : memref<10000x128xf32, #tpu.memory_space<hbm>> -> memref<80x128xf32, #tpu.memory_space<hbm>>
      %dma_wait3A_307 = arith.constant 0 : i32
      %dma_wait3A_308 = arith.constant 0 : i32
      %dma_wait3A_309 = tpu.memref_slice %arg2[%dma_wait3A_307, %dma_wait3A_308] : memref<10000x128xf32, #tpu.memory_space<hbm>> -> memref<80x128xf32, #tpu.memory_space<hbm>>
      tpu.wait_dma2 semaphore(%arg20 : memref<!tpu.dma_semaphore, #tpu.memory_space<semaphore_mem>>) src(%dma_wait3A_309 : memref<80x128xf32, #tpu.memory_space<hbm>>) dst(%arg8 : memref<80x128xf32, #tpu.memory_space<vmem>>)
      %dma_wait3A_310 = arith.constant 0 : i32
      %dma_wait3A_311 = arith.constant 0 : i32
      %dma_wait3A_312 = tpu.memref_slice %arg6[%dma_wait3A_310, %dma_wait3A_311] : memref<10000x128xf32, #tpu.memory_space<vmem_shared>> -> memref<80x128xf32, #tpu.memory_space<vmem_shared>>
      %dma_wait3A_313 = arith.constant 0 : i32
      %dma_wait3A_314 = arith.constant 0 : i32
      %dma_wait3A_315 = tpu.memref_slice %arg6[%dma_wait3A_313, %dma_wait3A_314] : memref<10000x128xf32, #tpu.memory_space<vmem_shared>> -> memref<80x128xf32, #tpu.memory_space<vmem_shared>>
      tpu.wait_dma2 semaphore(%arg23 : memref<!tpu.dma_semaphore, #tpu.memory_space<semaphore_mem>>) src(%arg7 : memref<80x128xf32, #tpu.memory_space<vmem>>) dst(%dma_wait3A_315 : memref<80x128xf32, #tpu.memory_space<vmem_shared>>)
      %dma_start3A_316 = arith.constant 0 : i32
      %dma_start3A_317 = arith.constant 0 : i32
      %dma_start3A_318 = tpu.memref_slice %arg6[%dma_start3A_316, %dma_start3A_317] : memref<10000x128xf32, #tpu.memory_space<vmem_shared>> -> memref<10000x128xf32, #tpu.memory_space<vmem_shared>>
      tpu.enqueue_indirect_dma source(%arg8 : memref<80x128xf32, #tpu.memory_space<vmem>>) target(%dma_start3A_318 : memref<10000x128xf32, #tpu.memory_space<vmem_shared>>) offsets(%arg16 : memref<80xi32, #tpu.memory_space<vmem>>) semaphore(%arg24 : memref<!tpu.dma_semaphore, #tpu.memory_space<semaphore_mem>>) {add = true}
      %mul3A_319 = arith.constant 4 : i32
      %mul3A_320 = arith.muli %scan3A_303, %mul3A_319 : i32
      %add3A_321 = arith.constant 0 : i32
      %add3A_322 = arith.addi %mul3A_320, %add3A_321 : i32
      %add3A_323 = arith.constant 4 : i32
      %add3A_324 = arith.addi %add3A_322, %add3A_323 : i32
      %mul3A_325 = arith.constant 80 : i32
      %mul3A_326 = arith.muli %add3A_324, %mul3A_325 : i32
      %add3A_327 = arith.addi %mul3A_115, %mul3A_326 : i32
      %dma_start3A_328 = tpu.memref_slice %arg3[%add3A_327] : memref<320000xi32, #tpu.memory_space<hbm>> -> memref<80xi32, #tpu.memory_space<hbm>>
      %dma_start3A_329 = tpu.memref_slice %arg3[%add3A_327] : memref<320000xi32, #tpu.memory_space<hbm>> -> memref<80xi32, #tpu.memory_space<hbm>>
      tpu.enqueue_dma source(%dma_start3A_329 : memref<80xi32, #tpu.memory_space<hbm>>) target(%arg11 : memref<80xi32, #tpu.memory_space<vmem>>) target_semaphore(%arg27 : memref<!tpu.dma_semaphore, #tpu.memory_space<semaphore_mem>>)
      %add3A_330 = arith.constant 4 : i32
      %add3A_331 = arith.addi %add3A_322, %add3A_330 : i32
      %mul3A_332 = arith.constant 80 : i32
      %mul3A_333 = arith.muli %add3A_331, %mul3A_332 : i32
      %add3A_334 = arith.addi %mul3A_115, %mul3A_333 : i32
      %dma_start3A_335 = tpu.memref_slice %arg4[%add3A_334] : memref<320000xi32, #tpu.memory_space<hbm>> -> memref<80xi32, #tpu.memory_space<hbm>>
      %dma_start3A_336 = tpu.memref_slice %arg4[%add3A_334] : memref<320000xi32, #tpu.memory_space<hbm>> -> memref<80xi32, #tpu.memory_space<hbm>>
      tpu.enqueue_dma source(%dma_start3A_336 : memref<80xi32, #tpu.memory_space<hbm>>) target(%arg15 : memref<80xi32, #tpu.memory_space<vmem>>) target_semaphore(%arg27 : memref<!tpu.dma_semaphore, #tpu.memory_space<semaphore_mem>>)
      %dma_wait3A_337 = arith.constant 0 : i32
      %dma_wait3A_338 = tpu.memref_slice %arg3[%dma_wait3A_337] : memref<320000xi32, #tpu.memory_space<hbm>> -> memref<80xi32, #tpu.memory_space<hbm>>
      %dma_wait3A_339 = arith.constant 0 : i32
      %dma_wait3A_340 = tpu.memref_slice %arg3[%dma_wait3A_339] : memref<320000xi32, #tpu.memory_space<hbm>> -> memref<80xi32, #tpu.memory_space<hbm>>
      tpu.wait_dma2 semaphore(%arg30 : memref<!tpu.dma_semaphore, #tpu.memory_space<semaphore_mem>>) src(%dma_wait3A_340 : memref<80xi32, #tpu.memory_space<hbm>>) dst(%arg14 : memref<80xi32, #tpu.memory_space<vmem>>)
      %dma_wait3A_341 = arith.constant 0 : i32
      %dma_wait3A_342 = tpu.memref_slice %arg4[%dma_wait3A_341] : memref<320000xi32, #tpu.memory_space<hbm>> -> memref<80xi32, #tpu.memory_space<hbm>>
      %dma_wait3A_343 = arith.constant 0 : i32
      %dma_wait3A_344 = tpu.memref_slice %arg4[%dma_wait3A_343] : memref<320000xi32, #tpu.memory_space<hbm>> -> memref<80xi32, #tpu.memory_space<hbm>>
      tpu.wait_dma2 semaphore(%arg30 : memref<!tpu.dma_semaphore, #tpu.memory_space<semaphore_mem>>) src(%dma_wait3A_344 : memref<80xi32, #tpu.memory_space<hbm>>) dst(%arg18 : memref<80xi32, #tpu.memory_space<vmem>>)
      %dma_start3A_345 = arith.constant 0 : i32
      %dma_start3A_346 = arith.constant 0 : i32
      %dma_start3A_347 = tpu.memref_slice %arg2[%dma_start3A_345, %dma_start3A_346] : memref<10000x128xf32, #tpu.memory_space<hbm>> -> memref<10000x128xf32, #tpu.memory_space<hbm>>
      tpu.enqueue_indirect_dma source(%dma_start3A_347 : memref<10000x128xf32, #tpu.memory_space<hbm>>) target(%arg10 : memref<80x128xf32, #tpu.memory_space<vmem>>) offsets(%arg14 : memref<80xi32, #tpu.memory_space<vmem>>) semaphore(%arg22 : memref<!tpu.dma_semaphore, #tpu.memory_space<semaphore_mem>>)
      %dma_wait3A_348 = arith.constant 0 : i32
      %dma_wait3A_349 = arith.constant 0 : i32
      %dma_wait3A_350 = tpu.memref_slice %arg2[%dma_wait3A_348, %dma_wait3A_349] : memref<10000x128xf32, #tpu.memory_space<hbm>> -> memref<80x128xf32, #tpu.memory_space<hbm>>
      %dma_wait3A_351 = arith.constant 0 : i32
      %dma_wait3A_352 = arith.constant 0 : i32
      %dma_wait3A_353 = tpu.memref_slice %arg2[%dma_wait3A_351, %dma_wait3A_352] : memref<10000x128xf32, #tpu.memory_space<hbm>> -> memref<80x128xf32, #tpu.memory_space<hbm>>
      tpu.wait_dma2 semaphore(%arg21 : memref<!tpu.dma_semaphore, #tpu.memory_space<semaphore_mem>>) src(%dma_wait3A_353 : memref<80x128xf32, #tpu.memory_space<hbm>>) dst(%arg9 : memref<80x128xf32, #tpu.memory_space<vmem>>)
      %dma_wait3A_354 = arith.constant 0 : i32
      %dma_wait3A_355 = arith.constant 0 : i32
      %dma_wait3A_356 = tpu.memref_slice %arg6[%dma_wait3A_354, %dma_wait3A_355] : memref<10000x128xf32, #tpu.memory_space<vmem_shared>> -> memref<80x128xf32, #tpu.memory_space<vmem_shared>>
      %dma_wait3A_357 = arith.constant 0 : i32
      %dma_wait3A_358 = arith.constant 0 : i32
      %dma_wait3A_359 = tpu.memref_slice %arg6[%dma_wait3A_357, %dma_wait3A_358] : memref<10000x128xf32, #tpu.memory_space<vmem_shared>> -> memref<80x128xf32, #tpu.memory_space<vmem_shared>>
      tpu.wait_dma2 semaphore(%arg24 : memref<!tpu.dma_semaphore, #tpu.memory_space<semaphore_mem>>) src(%arg8 : memref<80x128xf32, #tpu.memory_space<vmem>>) dst(%dma_wait3A_359 : memref<80x128xf32, #tpu.memory_space<vmem_shared>>)
      %dma_start3A_360 = arith.constant 0 : i32
      %dma_start3A_361 = arith.constant 0 : i32
      %dma_start3A_362 = tpu.memref_slice %arg6[%dma_start3A_360, %dma_start3A_361] : memref<10000x128xf32, #tpu.memory_space<vmem_shared>> -> memref<10000x128xf32, #tpu.memory_space<vmem_shared>>
      tpu.enqueue_indirect_dma source(%arg9 : memref<80x128xf32, #tpu.memory_space<vmem>>) target(%dma_start3A_362 : memref<10000x128xf32, #tpu.memory_space<vmem_shared>>) offsets(%arg17 : memref<80xi32, #tpu.memory_space<vmem>>) semaphore(%arg25 : memref<!tpu.dma_semaphore, #tpu.memory_space<semaphore_mem>>) {add = true}
      %mul3A_363 = arith.constant 4 : i32
      %mul3A_364 = arith.muli %scan3A_303, %mul3A_363 : i32
      %add3A_365 = arith.constant 1 : i32
      %add3A_366 = arith.addi %mul3A_364, %add3A_365 : i32
      %add3A_367 = arith.constant 4 : i32
      %add3A_368 = arith.addi %add3A_366, %add3A_367 : i32
      %mul3A_369 = arith.constant 80 : i32
      %mul3A_370 = arith.muli %add3A_368, %mul3A_369 : i32
      %add3A_371 = arith.addi %mul3A_115, %mul3A_370 : i32
      %dma_start3A_372 = tpu.memref_slice %arg3[%add3A_371] : memref<320000xi32, #tpu.memory_space<hbm>> -> memref<80xi32, #tpu.memory_space<hbm>>
      %dma_start3A_373 = tpu.memref_slice %arg3[%add3A_371] : memref<320000xi32, #tpu.memory_space<hbm>> -> memref<80xi32, #tpu.memory_space<hbm>>
      tpu.enqueue_dma source(%dma_start3A_373 : memref<80xi32, #tpu.memory_space<hbm>>) target(%arg12 : memref<80xi32, #tpu.memory_space<vmem>>) target_semaphore(%arg28 : memref<!tpu.dma_semaphore, #tpu.memory_space<semaphore_mem>>)
      %add3A_374 = arith.constant 4 : i32
      %add3A_375 = arith.addi %add3A_366, %add3A_374 : i32
      %mul3A_376 = arith.constant 80 : i32
      %mul3A_377 = arith.muli %add3A_375, %mul3A_376 : i32
      %add3A_378 = arith.addi %mul3A_115, %mul3A_377 : i32
      %dma_start3A_379 = tpu.memref_slice %arg4[%add3A_378] : memref<320000xi32, #tpu.memory_space<hbm>> -> memref<80xi32, #tpu.memory_space<hbm>>
      %dma_start3A_380 = tpu.memref_slice %arg4[%add3A_378] : memref<320000xi32, #tpu.memory_space<hbm>> -> memref<80xi32, #tpu.memory_space<hbm>>
      tpu.enqueue_dma source(%dma_start3A_380 : memref<80xi32, #tpu.memory_space<hbm>>) target(%arg16 : memref<80xi32, #tpu.memory_space<vmem>>) target_semaphore(%arg28 : memref<!tpu.dma_semaphore, #tpu.memory_space<semaphore_mem>>)
      %dma_wait3A_381 = arith.constant 0 : i32
      %dma_wait3A_382 = tpu.memref_slice %arg3[%dma_wait3A_381] : memref<320000xi32, #tpu.memory_space<hbm>> -> memref<80xi32, #tpu.memory_space<hbm>>
      %dma_wait3A_383 = arith.constant 0 : i32
      %dma_wait3A_384 = tpu.memref_slice %arg3[%dma_wait3A_383] : memref<320000xi32, #tpu.memory_space<hbm>> -> memref<80xi32, #tpu.memory_space<hbm>>
      tpu.wait_dma2 semaphore(%arg27 : memref<!tpu.dma_semaphore, #tpu.memory_space<semaphore_mem>>) src(%dma_wait3A_384 : memref<80xi32, #tpu.memory_space<hbm>>) dst(%arg11 : memref<80xi32, #tpu.memory_space<vmem>>)
      %dma_wait3A_385 = arith.constant 0 : i32
      %dma_wait3A_386 = tpu.memref_slice %arg4[%dma_wait3A_385] : memref<320000xi32, #tpu.memory_space<hbm>> -> memref<80xi32, #tpu.memory_space<hbm>>
      %dma_wait3A_387 = arith.constant 0 : i32
      %dma_wait3A_388 = tpu.memref_slice %arg4[%dma_wait3A_387] : memref<320000xi32, #tpu.memory_space<hbm>> -> memref<80xi32, #tpu.memory_space<hbm>>
      tpu.wait_dma2 semaphore(%arg27 : memref<!tpu.dma_semaphore, #tpu.memory_space<semaphore_mem>>) src(%dma_wait3A_388 : memref<80xi32, #tpu.memory_space<hbm>>) dst(%arg15 : memref<80xi32, #tpu.memory_space<vmem>>)
      %dma_start3A_389 = arith.constant 0 : i32
      %dma_start3A_390 = arith.constant 0 : i32
      %dma_start3A_391 = tpu.memref_slice %arg2[%dma_start3A_389, %dma_start3A_390] : memref<10000x128xf32, #tpu.memory_space<hbm>> -> memref<10000x128xf32, #tpu.memory_space<hbm>>
      tpu.enqueue_indirect_dma source(%dma_start3A_391 : memref<10000x128xf32, #tpu.memory_space<hbm>>) target(%arg7 : memref<80x128xf32, #tpu.memory_space<vmem>>) offsets(%arg11 : memref<80xi32, #tpu.memory_space<vmem>>) semaphore(%arg19 : memref<!tpu.dma_semaphore, #tpu.memory_space<semaphore_mem>>)
      %dma_wait3A_392 = arith.constant 0 : i32
      %dma_wait3A_393 = arith.constant 0 : i32
      %dma_wait3A_394 = tpu.memref_slice %arg2[%dma_wait3A_392, %dma_wait3A_393] : memref<10000x128xf32, #tpu.memory_space<hbm>> -> memref<80x128xf32, #tpu.memory_space<hbm>>
      %dma_wait3A_395 = arith.constant 0 : i32
      %dma_wait3A_396 = arith.constant 0 : i32
      %dma_wait3A_397 = tpu.memref_slice %arg2[%dma_wait3A_395, %dma_wait3A_396] : memref<10000x128xf32, #tpu.memory_space<hbm>> -> memref<80x128xf32, #tpu.memory_space<hbm>>
      tpu.wait_dma2 semaphore(%arg22 : memref<!tpu.dma_semaphore, #tpu.memory_space<semaphore_mem>>) src(%dma_wait3A_397 : memref<80x128xf32, #tpu.memory_space<hbm>>) dst(%arg10 : memref<80x128xf32, #tpu.memory_space<vmem>>)
      %dma_wait3A_398 = arith.constant 0 : i32
      %dma_wait3A_399 = arith.constant 0 : i32
      %dma_wait3A_400 = tpu.memref_slice %arg6[%dma_wait3A_398, %dma_wait3A_399] : memref<10000x128xf32, #tpu.memory_space<vmem_shared>> -> memref<80x128xf32, #tpu.memory_space<vmem_shared>>
      %dma_wait3A_401 = arith.constant 0 : i32
      %dma_wait3A_402 = arith.constant 0 : i32
      %dma_wait3A_403 = tpu.memref_slice %arg6[%dma_wait3A_401, %dma_wait3A_402] : memref<10000x128xf32, #tpu.memory_space<vmem_shared>> -> memref<80x128xf32, #tpu.memory_space<vmem_shared>>
      tpu.wait_dma2 semaphore(%arg25 : memref<!tpu.dma_semaphore, #tpu.memory_space<semaphore_mem>>) src(%arg9 : memref<80x128xf32, #tpu.memory_space<vmem>>) dst(%dma_wait3A_403 : memref<80x128xf32, #tpu.memory_space<vmem_shared>>)
      %dma_start3A_404 = arith.constant 0 : i32
      %dma_start3A_405 = arith.constant 0 : i32
      %dma_start3A_406 = tpu.memref_slice %arg6[%dma_start3A_404, %dma_start3A_405] : memref<10000x128xf32, #tpu.memory_space<vmem_shared>> -> memref<10000x128xf32, #tpu.memory_space<vmem_shared>>
      tpu.enqueue_indirect_dma source(%arg10 : memref<80x128xf32, #tpu.memory_space<vmem>>) target(%dma_start3A_406 : memref<10000x128xf32, #tpu.memory_space<vmem_shared>>) offsets(%arg18 : memref<80xi32, #tpu.memory_space<vmem>>) semaphore(%arg26 : memref<!tpu.dma_semaphore, #tpu.memory_space<semaphore_mem>>) {add = true}
      %mul3A_407 = arith.constant 4 : i32
      %mul3A_408 = arith.muli %scan3A_303, %mul3A_407 : i32
      %add3A_409 = arith.constant 2 : i32
      %add3A_410 = arith.addi %mul3A_408, %add3A_409 : i32
      %add3A_411 = arith.constant 4 : i32
      %add3A_412 = arith.addi %add3A_410, %add3A_411 : i32
      %mul3A_413 = arith.constant 80 : i32
      %mul3A_414 = arith.muli %add3A_412, %mul3A_413 : i32
      %add3A_415 = arith.addi %mul3A_115, %mul3A_414 : i32
      %dma_start3A_416 = tpu.memref_slice %arg3[%add3A_415] : memref<320000xi32, #tpu.memory_space<hbm>> -> memref<80xi32, #tpu.memory_space<hbm>>
      %dma_start3A_417 = tpu.memref_slice %arg3[%add3A_415] : memref<320000xi32, #tpu.memory_space<hbm>> -> memref<80xi32, #tpu.memory_space<hbm>>
      tpu.enqueue_dma source(%dma_start3A_417 : memref<80xi32, #tpu.memory_space<hbm>>) target(%arg13 : memref<80xi32, #tpu.memory_space<vmem>>) target_semaphore(%arg29 : memref<!tpu.dma_semaphore, #tpu.memory_space<semaphore_mem>>)
      %add3A_418 = arith.constant 4 : i32
      %add3A_419 = arith.addi %add3A_410, %add3A_418 : i32
      %mul3A_420 = arith.constant 80 : i32
      %mul3A_421 = arith.muli %add3A_419, %mul3A_420 : i32
      %add3A_422 = arith.addi %mul3A_115, %mul3A_421 : i32
      %dma_start3A_423 = tpu.memref_slice %arg4[%add3A_422] : memref<320000xi32, #tpu.memory_space<hbm>> -> memref<80xi32, #tpu.memory_space<hbm>>
      %dma_start3A_424 = tpu.memref_slice %arg4[%add3A_422] : memref<320000xi32, #tpu.memory_space<hbm>> -> memref<80xi32, #tpu.memory_space<hbm>>
      tpu.enqueue_dma source(%dma_start3A_424 : memref<80xi32, #tpu.memory_space<hbm>>) target(%arg17 : memref<80xi32, #tpu.memory_space<vmem>>) target_semaphore(%arg29 : memref<!tpu.dma_semaphore, #tpu.memory_space<semaphore_mem>>)
      %dma_wait3A_425 = arith.constant 0 : i32
      %dma_wait3A_426 = tpu.memref_slice %arg3[%dma_wait3A_425] : memref<320000xi32, #tpu.memory_space<hbm>> -> memref<80xi32, #tpu.memory_space<hbm>>
      %dma_wait3A_427 = arith.constant 0 : i32
      %dma_wait3A_428 = tpu.memref_slice %arg3[%dma_wait3A_427] : memref<320000xi32, #tpu.memory_space<hbm>> -> memref<80xi32, #tpu.memory_space<hbm>>
      tpu.wait_dma2 semaphore(%arg28 : memref<!tpu.dma_semaphore, #tpu.memory_space<semaphore_mem>>) src(%dma_wait3A_428 : memref<80xi32, #tpu.memory_space<hbm>>) dst(%arg12 : memref<80xi32, #tpu.memory_space<vmem>>)
      %dma_wait3A_429 = arith.constant 0 : i32
      %dma_wait3A_430 = tpu.memref_slice %arg4[%dma_wait3A_429] : memref<320000xi32, #tpu.memory_space<hbm>> -> memref<80xi32, #tpu.memory_space<hbm>>
      %dma_wait3A_431 = arith.constant 0 : i32
      %dma_wait3A_432 = tpu.memref_slice %arg4[%dma_wait3A_431] : memref<320000xi32, #tpu.memory_space<hbm>> -> memref<80xi32, #tpu.memory_space<hbm>>
      tpu.wait_dma2 semaphore(%arg28 : memref<!tpu.dma_semaphore, #tpu.memory_space<semaphore_mem>>) src(%dma_wait3A_432 : memref<80xi32, #tpu.memory_space<hbm>>) dst(%arg16 : memref<80xi32, #tpu.memory_space<vmem>>)
      %dma_start3A_433 = arith.constant 0 : i32
      %dma_start3A_434 = arith.constant 0 : i32
      %dma_start3A_435 = tpu.memref_slice %arg2[%dma_start3A_433, %dma_start3A_434] : memref<10000x128xf32, #tpu.memory_space<hbm>> -> memref<10000x128xf32, #tpu.memory_space<hbm>>
      tpu.enqueue_indirect_dma source(%dma_start3A_435 : memref<10000x128xf32, #tpu.memory_space<hbm>>) target(%arg8 : memref<80x128xf32, #tpu.memory_space<vmem>>) offsets(%arg12 : memref<80xi32, #tpu.memory_space<vmem>>) semaphore(%arg20 : memref<!tpu.dma_semaphore, #tpu.memory_space<semaphore_mem>>)
      %dma_wait3A_436 = arith.constant 0 : i32
      %dma_wait3A_437 = arith.constant 0 : i32
      %dma_wait3A_438 = tpu.memref_slice %arg2[%dma_wait3A_436, %dma_wait3A_437] : memref<10000x128xf32, #tpu.memory_space<hbm>> -> memref<80x128xf32, #tpu.memory_space<hbm>>
      %dma_wait3A_439 = arith.constant 0 : i32
      %dma_wait3A_440 = arith.constant 0 : i32
      %dma_wait3A_441 = tpu.memref_slice %arg2[%dma_wait3A_439, %dma_wait3A_440] : memref<10000x128xf32, #tpu.memory_space<hbm>> -> memref<80x128xf32, #tpu.memory_space<hbm>>
      tpu.wait_dma2 semaphore(%arg19 : memref<!tpu.dma_semaphore, #tpu.memory_space<semaphore_mem>>) src(%dma_wait3A_441 : memref<80x128xf32, #tpu.memory_space<hbm>>) dst(%arg7 : memref<80x128xf32, #tpu.memory_space<vmem>>)
      %dma_wait3A_442 = arith.constant 0 : i32
      %dma_wait3A_443 = arith.constant 0 : i32
      %dma_wait3A_444 = tpu.memref_slice %arg6[%dma_wait3A_442, %dma_wait3A_443] : memref<10000x128xf32, #tpu.memory_space<vmem_shared>> -> memref<80x128xf32, #tpu.memory_space<vmem_shared>>
      %dma_wait3A_445 = arith.constant 0 : i32
      %dma_wait3A_446 = arith.constant 0 : i32
      %dma_wait3A_447 = tpu.memref_slice %arg6[%dma_wait3A_445, %dma_wait3A_446] : memref<10000x128xf32, #tpu.memory_space<vmem_shared>> -> memref<80x128xf32, #tpu.memory_space<vmem_shared>>
      tpu.wait_dma2 semaphore(%arg26 : memref<!tpu.dma_semaphore, #tpu.memory_space<semaphore_mem>>) src(%arg10 : memref<80x128xf32, #tpu.memory_space<vmem>>) dst(%dma_wait3A_447 : memref<80x128xf32, #tpu.memory_space<vmem_shared>>)
      %dma_start3A_448 = arith.constant 0 : i32
      %dma_start3A_449 = arith.constant 0 : i32
      %dma_start3A_450 = tpu.memref_slice %arg6[%dma_start3A_448, %dma_start3A_449] : memref<10000x128xf32, #tpu.memory_space<vmem_shared>> -> memref<10000x128xf32, #tpu.memory_space<vmem_shared>>
      tpu.enqueue_indirect_dma source(%arg7 : memref<80x128xf32, #tpu.memory_space<vmem>>) target(%dma_start3A_450 : memref<10000x128xf32, #tpu.memory_space<vmem_shared>>) offsets(%arg15 : memref<80xi32, #tpu.memory_space<vmem>>) semaphore(%arg23 : memref<!tpu.dma_semaphore, #tpu.memory_space<semaphore_mem>>) {add = true}
      %mul3A_451 = arith.constant 4 : i32
      %mul3A_452 = arith.muli %scan3A_303, %mul3A_451 : i32
      %add3A_453 = arith.constant 3 : i32
      %add3A_454 = arith.addi %mul3A_452, %add3A_453 : i32
      %add3A_455 = arith.constant 4 : i32
      %add3A_456 = arith.addi %add3A_454, %add3A_455 : i32
      %mul3A_457 = arith.constant 80 : i32
      %mul3A_458 = arith.muli %add3A_456, %mul3A_457 : i32
      %add3A_459 = arith.addi %mul3A_115, %mul3A_458 : i32
      %dma_start3A_460 = tpu.memref_slice %arg3[%add3A_459] : memref<320000xi32, #tpu.memory_space<hbm>> -> memref<80xi32, #tpu.memory_space<hbm>>
      %dma_start3A_461 = tpu.memref_slice %arg3[%add3A_459] : memref<320000xi32, #tpu.memory_space<hbm>> -> memref<80xi32, #tpu.memory_space<hbm>>
      tpu.enqueue_dma source(%dma_start3A_461 : memref<80xi32, #tpu.memory_space<hbm>>) target(%arg14 : memref<80xi32, #tpu.memory_space<vmem>>) target_semaphore(%arg30 : memref<!tpu.dma_semaphore, #tpu.memory_space<semaphore_mem>>)
      %add3A_462 = arith.constant 4 : i32
      %add3A_463 = arith.addi %add3A_454, %add3A_462 : i32
      %mul3A_464 = arith.constant 80 : i32
      %mul3A_465 = arith.muli %add3A_463, %mul3A_464 : i32
      %add3A_466 = arith.addi %mul3A_115, %mul3A_465 : i32
      %dma_start3A_467 = tpu.memref_slice %arg4[%add3A_466] : memref<320000xi32, #tpu.memory_space<hbm>> -> memref<80xi32, #tpu.memory_space<hbm>>
      %dma_start3A_468 = tpu.memref_slice %arg4[%add3A_466] : memref<320000xi32, #tpu.memory_space<hbm>> -> memref<80xi32, #tpu.memory_space<hbm>>
      tpu.enqueue_dma source(%dma_start3A_468 : memref<80xi32, #tpu.memory_space<hbm>>) target(%arg18 : memref<80xi32, #tpu.memory_space<vmem>>) target_semaphore(%arg30 : memref<!tpu.dma_semaphore, #tpu.memory_space<semaphore_mem>>)
      %dma_wait3A_469 = arith.constant 0 : i32
      %dma_wait3A_470 = tpu.memref_slice %arg3[%dma_wait3A_469] : memref<320000xi32, #tpu.memory_space<hbm>> -> memref<80xi32, #tpu.memory_space<hbm>>
      %dma_wait3A_471 = arith.constant 0 : i32
      %dma_wait3A_472 = tpu.memref_slice %arg3[%dma_wait3A_471] : memref<320000xi32, #tpu.memory_space<hbm>> -> memref<80xi32, #tpu.memory_space<hbm>>
      tpu.wait_dma2 semaphore(%arg29 : memref<!tpu.dma_semaphore, #tpu.memory_space<semaphore_mem>>) src(%dma_wait3A_472 : memref<80xi32, #tpu.memory_space<hbm>>) dst(%arg13 : memref<80xi32, #tpu.memory_space<vmem>>)
      %dma_wait3A_473 = arith.constant 0 : i32
      %dma_wait3A_474 = tpu.memref_slice %arg4[%dma_wait3A_473] : memref<320000xi32, #tpu.memory_space<hbm>> -> memref<80xi32, #tpu.memory_space<hbm>>
      %dma_wait3A_475 = arith.constant 0 : i32
      %dma_wait3A_476 = tpu.memref_slice %arg4[%dma_wait3A_475] : memref<320000xi32, #tpu.memory_space<hbm>> -> memref<80xi32, #tpu.memory_space<hbm>>
      tpu.wait_dma2 semaphore(%arg29 : memref<!tpu.dma_semaphore, #tpu.memory_space<semaphore_mem>>) src(%dma_wait3A_476 : memref<80xi32, #tpu.memory_space<hbm>>) dst(%arg17 : memref<80xi32, #tpu.memory_space<vmem>>)
      %dma_start3A_477 = arith.constant 0 : i32
      %dma_start3A_478 = arith.constant 0 : i32
      %dma_start3A_479 = tpu.memref_slice %arg2[%dma_start3A_477, %dma_start3A_478] : memref<10000x128xf32, #tpu.memory_space<hbm>> -> memref<10000x128xf32, #tpu.memory_space<hbm>>
      tpu.enqueue_indirect_dma source(%dma_start3A_479 : memref<10000x128xf32, #tpu.memory_space<hbm>>) target(%arg9 : memref<80x128xf32, #tpu.memory_space<vmem>>) offsets(%arg13 : memref<80xi32, #tpu.memory_space<vmem>>) semaphore(%arg21 : memref<!tpu.dma_semaphore, #tpu.memory_space<semaphore_mem>>)
    }
    %scan3A_195 = arith.constant 30 : i32
    %dma_wait3A_196 = arith.constant 0 : i32
    %dma_wait3A_197 = arith.constant 0 : i32
    %dma_wait3A_198 = tpu.memref_slice %arg2[%dma_wait3A_196, %dma_wait3A_197] : memref<10000x128xf32, #tpu.memory_space<hbm>> -> memref<80x128xf32, #tpu.memory_space<hbm>>
    %dma_wait3A_199 = arith.constant 0 : i32
    %dma_wait3A_200 = arith.constant 0 : i32
    %dma_wait3A_201 = tpu.memref_slice %arg2[%dma_wait3A_199, %dma_wait3A_200] : memref<10000x128xf32, #tpu.memory_space<hbm>> -> memref<80x128xf32, #tpu.memory_space<hbm>>
    tpu.wait_dma2 semaphore(%arg20 : memref<!tpu.dma_semaphore, #tpu.memory_space<semaphore_mem>>) src(%dma_wait3A_201 : memref<80x128xf32, #tpu.memory_space<hbm>>) dst(%arg8 : memref<80x128xf32, #tpu.memory_space<vmem>>)
    %dma_wait3A_202 = arith.constant 0 : i32
    %dma_wait3A_203 = arith.constant 0 : i32
    %dma_wait3A_204 = tpu.memref_slice %arg6[%dma_wait3A_202, %dma_wait3A_203] : memref<10000x128xf32, #tpu.memory_space<vmem_shared>> -> memref<80x128xf32, #tpu.memory_space<vmem_shared>>
    %dma_wait3A_205 = arith.constant 0 : i32
    %dma_wait3A_206 = arith.constant 0 : i32
    %dma_wait3A_207 = tpu.memref_slice %arg6[%dma_wait3A_205, %dma_wait3A_206] : memref<10000x128xf32, #tpu.memory_space<vmem_shared>> -> memref<80x128xf32, #tpu.memory_space<vmem_shared>>
    tpu.wait_dma2 semaphore(%arg23 : memref<!tpu.dma_semaphore, #tpu.memory_space<semaphore_mem>>) src(%arg7 : memref<80x128xf32, #tpu.memory_space<vmem>>) dst(%dma_wait3A_207 : memref<80x128xf32, #tpu.memory_space<vmem_shared>>)
    %dma_start3A_208 = arith.constant 0 : i32
    %dma_start3A_209 = arith.constant 0 : i32
    %dma_start3A_210 = tpu.memref_slice %arg6[%dma_start3A_208, %dma_start3A_209] : memref<10000x128xf32, #tpu.memory_space<vmem_shared>> -> memref<10000x128xf32, #tpu.memory_space<vmem_shared>>
    tpu.enqueue_indirect_dma source(%arg8 : memref<80x128xf32, #tpu.memory_space<vmem>>) target(%dma_start3A_210 : memref<10000x128xf32, #tpu.memory_space<vmem_shared>>) offsets(%arg16 : memref<80xi32, #tpu.memory_space<vmem>>) semaphore(%arg24 : memref<!tpu.dma_semaphore, #tpu.memory_space<semaphore_mem>>) {add = true}
    %add3A_211 = arith.constant 9920 : i32
    %add3A_212 = arith.addi %mul3A_115, %add3A_211 : i32
    %dma_start3A_213 = tpu.memref_slice %arg3[%add3A_212] : memref<320000xi32, #tpu.memory_space<hbm>> -> memref<80xi32, #tpu.memory_space<hbm>>
    %dma_start3A_214 = tpu.memref_slice %arg3[%add3A_212] : memref<320000xi32, #tpu.memory_space<hbm>> -> memref<80xi32, #tpu.memory_space<hbm>>
    tpu.enqueue_dma source(%dma_start3A_214 : memref<80xi32, #tpu.memory_space<hbm>>) target(%arg11 : memref<80xi32, #tpu.memory_space<vmem>>) target_semaphore(%arg27 : memref<!tpu.dma_semaphore, #tpu.memory_space<semaphore_mem>>)
    %add3A_215 = arith.constant 9920 : i32
    %add3A_216 = arith.addi %mul3A_115, %add3A_215 : i32
    %dma_start3A_217 = tpu.memref_slice %arg4[%add3A_216] : memref<320000xi32, #tpu.memory_space<hbm>> -> memref<80xi32, #tpu.memory_space<hbm>>
    %dma_start3A_218 = tpu.memref_slice %arg4[%add3A_216] : memref<320000xi32, #tpu.memory_space<hbm>> -> memref<80xi32, #tpu.memory_space<hbm>>
    tpu.enqueue_dma source(%dma_start3A_218 : memref<80xi32, #tpu.memory_space<hbm>>) target(%arg15 : memref<80xi32, #tpu.memory_space<vmem>>) target_semaphore(%arg27 : memref<!tpu.dma_semaphore, #tpu.memory_space<semaphore_mem>>)
    %dma_wait3A_219 = arith.constant 0 : i32
    %dma_wait3A_220 = tpu.memref_slice %arg3[%dma_wait3A_219] : memref<320000xi32, #tpu.memory_space<hbm>> -> memref<80xi32, #tpu.memory_space<hbm>>
    %dma_wait3A_221 = arith.constant 0 : i32
    %dma_wait3A_222 = tpu.memref_slice %arg3[%dma_wait3A_221] : memref<320000xi32, #tpu.memory_space<hbm>> -> memref<80xi32, #tpu.memory_space<hbm>>
    tpu.wait_dma2 semaphore(%arg30 : memref<!tpu.dma_semaphore, #tpu.memory_space<semaphore_mem>>) src(%dma_wait3A_222 : memref<80xi32, #tpu.memory_space<hbm>>) dst(%arg14 : memref<80xi32, #tpu.memory_space<vmem>>)
    %dma_wait3A_223 = arith.constant 0 : i32
    %dma_wait3A_224 = tpu.memref_slice %arg4[%dma_wait3A_223] : memref<320000xi32, #tpu.memory_space<hbm>> -> memref<80xi32, #tpu.memory_space<hbm>>
    %dma_wait3A_225 = arith.constant 0 : i32
    %dma_wait3A_226 = tpu.memref_slice %arg4[%dma_wait3A_225] : memref<320000xi32, #tpu.memory_space<hbm>> -> memref<80xi32, #tpu.memory_space<hbm>>
    tpu.wait_dma2 semaphore(%arg30 : memref<!tpu.dma_semaphore, #tpu.memory_space<semaphore_mem>>) src(%dma_wait3A_226 : memref<80xi32, #tpu.memory_space<hbm>>) dst(%arg18 : memref<80xi32, #tpu.memory_space<vmem>>)
    %dma_start3A_227 = arith.constant 0 : i32
    %dma_start3A_228 = arith.constant 0 : i32
    %dma_start3A_229 = tpu.memref_slice %arg2[%dma_start3A_227, %dma_start3A_228] : memref<10000x128xf32, #tpu.memory_space<hbm>> -> memref<10000x128xf32, #tpu.memory_space<hbm>>
    tpu.enqueue_indirect_dma source(%dma_start3A_229 : memref<10000x128xf32, #tpu.memory_space<hbm>>) target(%arg10 : memref<80x128xf32, #tpu.memory_space<vmem>>) offsets(%arg14 : memref<80xi32, #tpu.memory_space<vmem>>) semaphore(%arg22 : memref<!tpu.dma_semaphore, #tpu.memory_space<semaphore_mem>>)
    %dma_wait3A_230 = arith.constant 0 : i32
    %dma_wait3A_231 = arith.constant 0 : i32
    %dma_wait3A_232 = tpu.memref_slice %arg2[%dma_wait3A_230, %dma_wait3A_231] : memref<10000x128xf32, #tpu.memory_space<hbm>> -> memref<80x128xf32, #tpu.memory_space<hbm>>
    %dma_wait3A_233 = arith.constant 0 : i32
    %dma_wait3A_234 = arith.constant 0 : i32
    %dma_wait3A_235 = tpu.memref_slice %arg2[%dma_wait3A_233, %dma_wait3A_234] : memref<10000x128xf32, #tpu.memory_space<hbm>> -> memref<80x128xf32, #tpu.memory_space<hbm>>
    tpu.wait_dma2 semaphore(%arg21 : memref<!tpu.dma_semaphore, #tpu.memory_space<semaphore_mem>>) src(%dma_wait3A_235 : memref<80x128xf32, #tpu.memory_space<hbm>>) dst(%arg9 : memref<80x128xf32, #tpu.memory_space<vmem>>)
    %dma_wait3A_236 = arith.constant 0 : i32
    %dma_wait3A_237 = arith.constant 0 : i32
    %dma_wait3A_238 = tpu.memref_slice %arg6[%dma_wait3A_236, %dma_wait3A_237] : memref<10000x128xf32, #tpu.memory_space<vmem_shared>> -> memref<80x128xf32, #tpu.memory_space<vmem_shared>>
    %dma_wait3A_239 = arith.constant 0 : i32
    %dma_wait3A_240 = arith.constant 0 : i32
    %dma_wait3A_241 = tpu.memref_slice %arg6[%dma_wait3A_239, %dma_wait3A_240] : memref<10000x128xf32, #tpu.memory_space<vmem_shared>> -> memref<80x128xf32, #tpu.memory_space<vmem_shared>>
    tpu.wait_dma2 semaphore(%arg24 : memref<!tpu.dma_semaphore, #tpu.memory_space<semaphore_mem>>) src(%arg8 : memref<80x128xf32, #tpu.memory_space<vmem>>) dst(%dma_wait3A_241 : memref<80x128xf32, #tpu.memory_space<vmem_shared>>)
    %dma_start3A_242 = arith.constant 0 : i32
    %dma_start3A_243 = arith.constant 0 : i32
    %dma_start3A_244 = tpu.memref_slice %arg6[%dma_start3A_242, %dma_start3A_243] : memref<10000x128xf32, #tpu.memory_space<vmem_shared>> -> memref<10000x128xf32, #tpu.memory_space<vmem_shared>>
    tpu.enqueue_indirect_dma source(%arg9 : memref<80x128xf32, #tpu.memory_space<vmem>>) target(%dma_start3A_244 : memref<10000x128xf32, #tpu.memory_space<vmem_shared>>) offsets(%arg17 : memref<80xi32, #tpu.memory_space<vmem>>) semaphore(%arg25 : memref<!tpu.dma_semaphore, #tpu.memory_space<semaphore_mem>>) {add = true}
    %dma_wait3A_245 = arith.constant 0 : i32
    %dma_wait3A_246 = tpu.memref_slice %arg3[%dma_wait3A_245] : memref<320000xi32, #tpu.memory_space<hbm>> -> memref<80xi32, #tpu.memory_space<hbm>>
    %dma_wait3A_247 = arith.constant 0 : i32
    %dma_wait3A_248 = tpu.memref_slice %arg3[%dma_wait3A_247] : memref<320000xi32, #tpu.memory_space<hbm>> -> memref<80xi32, #tpu.memory_space<hbm>>
    tpu.wait_dma2 semaphore(%arg27 : memref<!tpu.dma_semaphore, #tpu.memory_space<semaphore_mem>>) src(%dma_wait3A_248 : memref<80xi32, #tpu.memory_space<hbm>>) dst(%arg11 : memref<80xi32, #tpu.memory_space<vmem>>)
    %dma_wait3A_249 = arith.constant 0 : i32
    %dma_wait3A_250 = tpu.memref_slice %arg4[%dma_wait3A_249] : memref<320000xi32, #tpu.memory_space<hbm>> -> memref<80xi32, #tpu.memory_space<hbm>>
    %dma_wait3A_251 = arith.constant 0 : i32
    %dma_wait3A_252 = tpu.memref_slice %arg4[%dma_wait3A_251] : memref<320000xi32, #tpu.memory_space<hbm>> -> memref<80xi32, #tpu.memory_space<hbm>>
    tpu.wait_dma2 semaphore(%arg27 : memref<!tpu.dma_semaphore, #tpu.memory_space<semaphore_mem>>) src(%dma_wait3A_252 : memref<80xi32, #tpu.memory_space<hbm>>) dst(%arg15 : memref<80xi32, #tpu.memory_space<vmem>>)
    %dma_start3A_253 = arith.constant 0 : i32
    %dma_start3A_254 = arith.constant 0 : i32
    %dma_start3A_255 = tpu.memref_slice %arg2[%dma_start3A_253, %dma_start3A_254] : memref<10000x128xf32, #tpu.memory_space<hbm>> -> memref<10000x128xf32, #tpu.memory_space<hbm>>
    tpu.enqueue_indirect_dma source(%dma_start3A_255 : memref<10000x128xf32, #tpu.memory_space<hbm>>) target(%arg7 : memref<80x128xf32, #tpu.memory_space<vmem>>) offsets(%arg11 : memref<80xi32, #tpu.memory_space<vmem>>) semaphore(%arg19 : memref<!tpu.dma_semaphore, #tpu.memory_space<semaphore_mem>>)
    %dma_wait3A_256 = arith.constant 0 : i32
    %dma_wait3A_257 = arith.constant 0 : i32
    %dma_wait3A_258 = tpu.memref_slice %arg2[%dma_wait3A_256, %dma_wait3A_257] : memref<10000x128xf32, #tpu.memory_space<hbm>> -> memref<80x128xf32, #tpu.memory_space<hbm>>
    %dma_wait3A_259 = arith.constant 0 : i32
    %dma_wait3A_260 = arith.constant 0 : i32
    %dma_wait3A_261 = tpu.memref_slice %arg2[%dma_wait3A_259, %dma_wait3A_260] : memref<10000x128xf32, #tpu.memory_space<hbm>> -> memref<80x128xf32, #tpu.memory_space<hbm>>
    tpu.wait_dma2 semaphore(%arg22 : memref<!tpu.dma_semaphore, #tpu.memory_space<semaphore_mem>>) src(%dma_wait3A_261 : memref<80x128xf32, #tpu.memory_space<hbm>>) dst(%arg10 : memref<80x128xf32, #tpu.memory_space<vmem>>)
    %dma_wait3A_262 = arith.constant 0 : i32
    %dma_wait3A_263 = arith.constant 0 : i32
    %dma_wait3A_264 = tpu.memref_slice %arg6[%dma_wait3A_262, %dma_wait3A_263] : memref<10000x128xf32, #tpu.memory_space<vmem_shared>> -> memref<80x128xf32, #tpu.memory_space<vmem_shared>>
    %dma_wait3A_265 = arith.constant 0 : i32
    %dma_wait3A_266 = arith.constant 0 : i32
    %dma_wait3A_267 = tpu.memref_slice %arg6[%dma_wait3A_265, %dma_wait3A_266] : memref<10000x128xf32, #tpu.memory_space<vmem_shared>> -> memref<80x128xf32, #tpu.memory_space<vmem_shared>>
    tpu.wait_dma2 semaphore(%arg25 : memref<!tpu.dma_semaphore, #tpu.memory_space<semaphore_mem>>) src(%arg9 : memref<80x128xf32, #tpu.memory_space<vmem>>) dst(%dma_wait3A_267 : memref<80x128xf32, #tpu.memory_space<vmem_shared>>)
    %dma_start3A_268 = arith.constant 0 : i32
    %dma_start3A_269 = arith.constant 0 : i32
    %dma_start3A_270 = tpu.memref_slice %arg6[%dma_start3A_268, %dma_start3A_269] : memref<10000x128xf32, #tpu.memory_space<vmem_shared>> -> memref<10000x128xf32, #tpu.memory_space<vmem_shared>>
    tpu.enqueue_indirect_dma source(%arg10 : memref<80x128xf32, #tpu.memory_space<vmem>>) target(%dma_start3A_270 : memref<10000x128xf32, #tpu.memory_space<vmem_shared>>) offsets(%arg18 : memref<80xi32, #tpu.memory_space<vmem>>) semaphore(%arg26 : memref<!tpu.dma_semaphore, #tpu.memory_space<semaphore_mem>>) {add = true}
    %dma_wait3A_271 = arith.constant 0 : i32
    %dma_wait3A_272 = arith.constant 0 : i32
    %dma_wait3A_273 = tpu.memref_slice %arg2[%dma_wait3A_271, %dma_wait3A_272] : memref<10000x128xf32, #tpu.memory_space<hbm>> -> memref<80x128xf32, #tpu.memory_space<hbm>>
    %dma_wait3A_274 = arith.constant 0 : i32
    %dma_wait3A_275 = arith.constant 0 : i32
    %dma_wait3A_276 = tpu.memref_slice %arg2[%dma_wait3A_274, %dma_wait3A_275] : memref<10000x128xf32, #tpu.memory_space<hbm>> -> memref<80x128xf32, #tpu.memory_space<hbm>>
    tpu.wait_dma2 semaphore(%arg19 : memref<!tpu.dma_semaphore, #tpu.memory_space<semaphore_mem>>) src(%dma_wait3A_276 : memref<80x128xf32, #tpu.memory_space<hbm>>) dst(%arg7 : memref<80x128xf32, #tpu.memory_space<vmem>>)
    %dma_wait3A_277 = arith.constant 0 : i32
    %dma_wait3A_278 = arith.constant 0 : i32
    %dma_wait3A_279 = tpu.memref_slice %arg6[%dma_wait3A_277, %dma_wait3A_278] : memref<10000x128xf32, #tpu.memory_space<vmem_shared>> -> memref<80x128xf32, #tpu.memory_space<vmem_shared>>
    %dma_wait3A_280 = arith.constant 0 : i32
    %dma_wait3A_281 = arith.constant 0 : i32
    %dma_wait3A_282 = tpu.memref_slice %arg6[%dma_wait3A_280, %dma_wait3A_281] : memref<10000x128xf32, #tpu.memory_space<vmem_shared>> -> memref<80x128xf32, #tpu.memory_space<vmem_shared>>
    tpu.wait_dma2 semaphore(%arg26 : memref<!tpu.dma_semaphore, #tpu.memory_space<semaphore_mem>>) src(%arg10 : memref<80x128xf32, #tpu.memory_space<vmem>>) dst(%dma_wait3A_282 : memref<80x128xf32, #tpu.memory_space<vmem_shared>>)
    %dma_start3A_283 = arith.constant 0 : i32
    %dma_start3A_284 = arith.constant 0 : i32
    %dma_start3A_285 = tpu.memref_slice %arg6[%dma_start3A_283, %dma_start3A_284] : memref<10000x128xf32, #tpu.memory_space<vmem_shared>> -> memref<10000x128xf32, #tpu.memory_space<vmem_shared>>
    tpu.enqueue_indirect_dma source(%arg7 : memref<80x128xf32, #tpu.memory_space<vmem>>) target(%dma_start3A_285 : memref<10000x128xf32, #tpu.memory_space<vmem_shared>>) offsets(%arg15 : memref<80xi32, #tpu.memory_space<vmem>>) semaphore(%arg23 : memref<!tpu.dma_semaphore, #tpu.memory_space<semaphore_mem>>) {add = true}
    %dma_wait3A_286 = arith.constant 0 : i32
    %dma_wait3A_287 = arith.constant 0 : i32
    %dma_wait3A_288 = tpu.memref_slice %arg6[%dma_wait3A_286, %dma_wait3A_287] : memref<10000x128xf32, #tpu.memory_space<vmem_shared>> -> memref<80x128xf32, #tpu.memory_space<vmem_shared>>
    %dma_wait3A_289 = arith.constant 0 : i32
    %dma_wait3A_290 = arith.constant 0 : i32
    %dma_wait3A_291 = tpu.memref_slice %arg6[%dma_wait3A_289, %dma_wait3A_290] : memref<10000x128xf32, #tpu.memory_space<vmem_shared>> -> memref<80x128xf32, #tpu.memory_space<vmem_shared>>
    tpu.wait_dma2 semaphore(%arg23 : memref<!tpu.dma_semaphore, #tpu.memory_space<semaphore_mem>>) src(%arg7 : memref<80x128xf32, #tpu.memory_space<vmem>>) dst(%dma_wait3A_291 : memref<80x128xf32, #tpu.memory_space<vmem_shared>>)
    %barrier3A_292 = arith.constant 0 : index
    tpu.barrier barrier_id(%barrier3A_292)
    %lt3A_293 = arith.constant 2 : i32
    %lt3A_294 = arith.cmpi slt, %arg1, %lt3A_293 : i32
    %convert_element_type3A_295 = arith.extui %lt3A_294 : i1 to i32
    %cond3A_296 = arith.constant 0 : i32
    %cond3A_297 = arith.cmpi ne, %convert_element_type3A_295, %cond3A_296 : i32
    scf.if %cond3A_297 {
      %mul3A_303 = arith.constant 632 : i32
      %mul3A_304 = arith.muli %arg1, %mul3A_303 : i32
      "tpu.region"() ({
        %run_scoped3A = tpu.sem_alloc : memref<!tpu.dma_semaphore, #tpu.memory_space<semaphore_mem>>
        %dma_start3A_305 = arith.constant 0 : i32
        %dma_start3A_306 = tpu.memref_slice %arg5[%arg0, %mul3A_304, %dma_start3A_305] : memref<2x10000x128xf32, #tpu.memory_space<hbm>> -> memref<1x632x128xf32, #tpu.memory_space<hbm>>
        %dma_start3A_307 = tpu.memref_squeeze %dma_start3A_306 : memref<1x632x128xf32, #tpu.memory_space<hbm>> -> memref<632x128xf32, #tpu.memory_space<hbm>>
        %dma_start3A_308 = arith.constant 0 : i32
        %dma_start3A_309 = tpu.memref_slice %arg6[%mul3A_304, %dma_start3A_308] : memref<10000x128xf32, #tpu.memory_space<vmem_shared>> -> memref<632x128xf32, #tpu.memory_space<vmem_shared>>
        tpu.enqueue_dma source(%dma_start3A_309 : memref<632x128xf32, #tpu.memory_space<vmem_shared>>) target(%dma_start3A_307 : memref<632x128xf32, #tpu.memory_space<hbm>>) target_semaphore(%run_scoped3A : memref<!tpu.dma_semaphore, #tpu.memory_space<semaphore_mem>>)
        %dma_wait3A_310 = arith.constant 0 : i32
        %dma_wait3A_311 = tpu.memref_slice %arg5[%arg0, %mul3A_304, %dma_wait3A_310] : memref<2x10000x128xf32, #tpu.memory_space<hbm>> -> memref<1x632x128xf32, #tpu.memory_space<hbm>>
        %dma_wait3A_312 = tpu.memref_squeeze %dma_wait3A_311 : memref<1x632x128xf32, #tpu.memory_space<hbm>> -> memref<632x128xf32, #tpu.memory_space<hbm>>
        %dma_wait3A_313 = arith.constant 0 : i32
        %dma_wait3A_314 = tpu.memref_slice %arg6[%mul3A_304, %dma_wait3A_313] : memref<10000x128xf32, #tpu.memory_space<vmem_shared>> -> memref<632x128xf32, #tpu.memory_space<vmem_shared>>
        tpu.wait_dma2 semaphore(%run_scoped3A : memref<!tpu.dma_semaphore, #tpu.memory_space<semaphore_mem>>) src(%dma_wait3A_314 : memref<632x128xf32, #tpu.memory_space<vmem_shared>>) dst(%dma_wait3A_312 : memref<632x128xf32, #tpu.memory_space<hbm>>)
        tpu.yield
      }) : () -> ()
    } else {
    }
    %ge3A_298 = arith.constant 2 : i32
    %ge3A_299 = arith.cmpi sge, %arg1, %ge3A_298 : i32
    %convert_element_type3A_300 = arith.extui %ge3A_299 : i1 to i32
    %cond3A_301 = arith.constant 0 : i32
    %cond3A_302 = arith.cmpi ne, %convert_element_type3A_300, %cond3A_301 : i32
    scf.if %cond3A_302 {
      %sub3A_303 = arith.constant 2 : i32
      %sub3A_304 = arith.subi %arg1, %sub3A_303 : i32
      %mul3A_305 = arith.constant 624 : i32
      %mul3A_306 = arith.muli %sub3A_304, %mul3A_305 : i32
      %add3A_307 = arith.constant 1264 : i32
      %add3A_308 = arith.addi %add3A_307, %mul3A_306 : i32
      "tpu.region"() ({
        %run_scoped3A = tpu.sem_alloc : memref<!tpu.dma_semaphore, #tpu.memory_space<semaphore_mem>>
        %dma_start3A_309 = arith.constant 0 : i32
        %dma_start3A_310 = tpu.memref_slice %arg5[%arg0, %add3A_308, %dma_start3A_309] : memref<2x10000x128xf32, #tpu.memory_space<hbm>> -> memref<1x624x128xf32, #tpu.memory_space<hbm>>
        %dma_start3A_311 = tpu.memref_squeeze %dma_start3A_310 : memref<1x624x128xf32, #tpu.memory_space<hbm>> -> memref<624x128xf32, #tpu.memory_space<hbm>>
        %dma_start3A_312 = arith.constant 0 : i32
        %dma_start3A_313 = tpu.memref_slice %arg6[%add3A_308, %dma_start3A_312] : memref<10000x128xf32, #tpu.memory_space<vmem_shared>> -> memref<624x128xf32, #tpu.memory_space<vmem_shared>>
        tpu.enqueue_dma source(%dma_start3A_313 : memref<624x128xf32, #tpu.memory_space<vmem_shared>>) target(%dma_start3A_311 : memref<624x128xf32, #tpu.memory_space<hbm>>) target_semaphore(%run_scoped3A : memref<!tpu.dma_semaphore, #tpu.memory_space<semaphore_mem>>)
        %dma_wait3A_314 = arith.constant 0 : i32
        %dma_wait3A_315 = tpu.memref_slice %arg5[%arg0, %add3A_308, %dma_wait3A_314] : memref<2x10000x128xf32, #tpu.memory_space<hbm>> -> memref<1x624x128xf32, #tpu.memory_space<hbm>>
        %dma_wait3A_316 = tpu.memref_squeeze %dma_wait3A_315 : memref<1x624x128xf32, #tpu.memory_space<hbm>> -> memref<624x128xf32, #tpu.memory_space<hbm>>
        %dma_wait3A_317 = arith.constant 0 : i32
        %dma_wait3A_318 = tpu.memref_slice %arg6[%add3A_308, %dma_wait3A_317] : memref<10000x128xf32, #tpu.memory_space<vmem_shared>> -> memref<624x128xf32, #tpu.memory_space<vmem_shared>>
        tpu.wait_dma2 semaphore(%run_scoped3A : memref<!tpu.dma_semaphore, #tpu.memory_space<semaphore_mem>>) src(%dma_wait3A_318 : memref<624x128xf32, #tpu.memory_space<vmem_shared>>) dst(%dma_wait3A_316 : memref<624x128xf32, #tpu.memory_space<hbm>>)
        tpu.yield
      }) : () -> ()
    } else {
    }
    return
  }
}

#map = affine_map<(d0, d1) -> (0, 0)>
#map1 = affine_map<(d0, d1) -> (0)>
#map2 = affine_map<(d0, d1) -> (0, 0, 0)>
module attributes {stable_mosaic.version = 14 : i64} {
  func.func @_sc_aggregate_body(%arg0: i32, %arg1: i32, %arg2: memref<10000x128xf32, #tpu.memory_space<hbm>>, %arg3: memref<320000xi32, #tpu.memory_space<hbm>>, %arg4: memref<320000xi32, #tpu.memory_space<hbm>>, %arg5: memref<2x10000x128xf32, #tpu.memory_space<hbm>>, %arg6: memref<10000x128xf32, #tpu.memory_space<vmem_shared>>, %arg7: memref<80x128xf32, #tpu.memory_space<vmem>>, %arg8: memref<80x128xf32, #tpu.memory_space<vmem>>, %arg9: memref<80x128xf32, #tpu.memory_space<vmem>>, %arg10: memref<80x128xf32, #tpu.memory_space<vmem>>, %arg11: memref<80xi32, #tpu.memory_space<vmem>>, %arg12: memref<80xi32, #tpu.memory_space<vmem>>, %arg13: memref<80xi32, #tpu.memory_space<vmem>>, %arg14: memref<80xi32, #tpu.memory_space<vmem>>, %arg15: memref<80xi32, #tpu.memory_space<vmem>>, %arg16: memref<80xi32, #tpu.memory_space<vmem>>, %arg17: memref<80xi32, #tpu.memory_space<vmem>>, %arg18: memref<80xi32, #tpu.memory_space<vmem>>, %arg19: memref<!tpu.dma_semaphore, #tpu.memory_space<semaphore_mem>>, %arg20: memref<!tpu.dma_semaphore, #tpu.memory_space<semaphore_mem>>, %arg21: memref<!tpu.dma_semaphore, #tpu.memory_space<semaphore_mem>>, %arg22: memref<!tpu.dma_semaphore, #tpu.memory_space<semaphore_mem>>, %arg23: memref<!tpu.dma_semaphore, #tpu.memory_space<semaphore_mem>>, %arg24: memref<!tpu.dma_semaphore, #tpu.memory_space<semaphore_mem>>, %arg25: memref<!tpu.dma_semaphore, #tpu.memory_space<semaphore_mem>>, %arg26: memref<!tpu.dma_semaphore, #tpu.memory_space<semaphore_mem>>, %arg27: memref<!tpu.dma_semaphore, #tpu.memory_space<semaphore_mem>>, %arg28: memref<!tpu.dma_semaphore, #tpu.memory_space<semaphore_mem>>, %arg29: memref<!tpu.dma_semaphore, #tpu.memory_space<semaphore_mem>>, %arg30: memref<!tpu.dma_semaphore, #tpu.memory_space<semaphore_mem>>) attributes {dimension_semantics = [#tpu.dimension_semantics<core_parallel>, #tpu.dimension_semantics<subcore_parallel>], iteration_bounds = array<i64: 2, 16>, scalar_prefetch = 0 : i64, scratch_operands = 25 : i64, tpu.core_type = #tpu.core_type<sc_vector_subcore>, window_params = [{transform_indices = #map}, {transform_indices = #map1}, {transform_indices = #map1}, {transform_indices = #map2}]} {
    %mul3A = arith.constant 16 : i32
    %mul3A_0 = arith.muli %arg0, %mul3A : i32
    %add3A = arith.addi %mul3A_0, %arg1 : i32
    %broadcast_in_dim3A = arith.constant 0.000000e+00 : f32
    %broadcast_in_dim3A_1 = vector.broadcast %broadcast_in_dim3A : f32 to vector<16xf32>
    %scan3A = arith.constant 0 : i32
    %scan3A_2 = arith.constant 0 : i32
    %scan3A_3 = arith.constant 640 : i32
    %scan3A_4 = arith.addi %scan3A_2, %scan3A_3 : i32
    %scan3A_5 = arith.constant 1 : i32
    scf.for %scan3A_303 = %scan3A_2 to %scan3A_4 step %scan3A_5  : i32 {
      %jit3A = arith.constant 8 : i32
      %div3A = arith.divsi %scan3A_303, %jit3A : i32
      %sign3A = arith.constant 0 : i32
      %sign3A_304 = arith.cmpi sgt, %scan3A_303, %sign3A : i32
      %sign3A_305 = arith.extui %sign3A_304 : i1 to i32
      %sign3A_306 = arith.constant 0 : i32
      %sign3A_307 = arith.cmpi slt, %scan3A_303, %sign3A_306 : i32
      %sign3A_308 = arith.extui %sign3A_307 : i1 to i32
      %sign3A_309 = arith.subi %sign3A_305, %sign3A_308 : i32
      %sign3A_310 = arith.constant 0 : i32
      %sign3A_311 = arith.cmpi sgt, %jit3A, %sign3A_310 : i32
      %sign3A_312 = arith.extui %sign3A_311 : i1 to i32
      %sign3A_313 = arith.constant 0 : i32
      %sign3A_314 = arith.cmpi slt, %jit3A, %sign3A_313 : i32
      %sign3A_315 = arith.extui %sign3A_314 : i1 to i32
      %sign3A_316 = arith.subi %sign3A_312, %sign3A_315 : i32
      %ne3A = arith.cmpi ne, %sign3A_309, %sign3A_316 : i32
      %rem3A = arith.remsi %scan3A_303, %jit3A : i32
      %ne3A_317 = arith.constant 0 : i32
      %ne3A_318 = arith.cmpi ne, %rem3A, %ne3A_317 : i32
      %and3A = arith.andi %ne3A, %ne3A_318 : i1
      %sub3A_319 = arith.constant 1 : i32
      %sub3A_320 = arith.subi %div3A, %sub3A_319 : i32
      %select_n3A_321 = arith.select %and3A, %sub3A_320, %div3A : i32
      %jit3A_322 = arith.constant 8 : i32
      %eq3A = arith.constant 0 : i32
      %eq3A_323 = arith.cmpi eq, %jit3A_322, %eq3A : i32
      %jit3A_324 = arith.constant 1 : i32
      %select_n3A_325 = arith.select %eq3A_323, %jit3A_324, %jit3A_322 : i32
      %rem3A_326 = arith.remsi %scan3A_303, %select_n3A_325 : i32
      %ne3A_327 = arith.constant 0 : i32
      %ne3A_328 = arith.cmpi ne, %rem3A_326, %ne3A_327 : i32
      %lt3A_329 = arith.constant 0 : i32
      %lt3A_330 = arith.cmpi slt, %rem3A_326, %lt3A_329 : i32
      %lt3A_331 = arith.constant 0 : i32
      %lt3A_332 = arith.cmpi slt, %select_n3A_325, %lt3A_331 : i32
      %ne3A_333 = arith.xori %lt3A_330, %lt3A_332 : i1
      %and3A_334 = arith.andi %ne3A_333, %ne3A_328 : i1
      %add3A_335 = arith.addi %rem3A_326, %select_n3A_325 : i32
      %select_n3A_336 = arith.select %and3A_334, %add3A_335, %rem3A_326 : i32
      %mul3A_337 = arith.constant 16 : i32
      %mul3A_338 = arith.muli %select_n3A_336, %mul3A_337 : i32
      %swap3A = arith.index_cast %select_n3A_321 : i32 to index
      %swap3A_339 = arith.index_cast %mul3A_338 : i32 to index
      %swap3A_340 = tpu.vector_load %arg7[%swap3A, %swap3A_339] {strides = array<i32>} : memref<80x128xf32, #tpu.memory_space<vmem>>, vector<1x16xf32>,
      %swap3A_341 = vector.shape_cast %swap3A_340 : vector<1x16xf32> to vector<16xf32>
      %swap3A_342 = vector.shape_cast %broadcast_in_dim3A_1 : vector<16xf32> to vector<1x16xf32>
      tpu.vector_store %arg7[%swap3A, %swap3A_339], %swap3A_342 {strides = array<i32>} : memref<80x128xf32, #tpu.memory_space<vmem>>, vector<1x16xf32>,
    }
    %scan3A_6 = arith.constant 640 : i32
    %mul3A_7 = arith.constant 632 : i32
    %mul3A_8 = arith.muli %arg1, %mul3A_7 : i32
    %sub3A = arith.constant 2 : i32
    %sub3A_9 = arith.subi %arg1, %sub3A : i32
    %mul3A_10 = arith.constant 624 : i32
    %mul3A_11 = arith.muli %sub3A_9, %mul3A_10 : i32
    %add3A_12 = arith.constant 1264 : i32
    %add3A_13 = arith.addi %add3A_12, %mul3A_11 : i32
    %lt3A = arith.constant 2 : i32
    %lt3A_14 = arith.cmpi slt, %arg1, %lt3A : i32
    %select_n3A = arith.select %lt3A_14, %mul3A_8, %add3A_13 : i32
    %add3A_15 = arith.constant 0 : i32
    %add3A_16 = arith.addi %select_n3A, %add3A_15 : i32
    %dma_start3A = arith.constant 0 : i32
    %dma_start3A_17 = tpu.memref_slice %arg6[%add3A_16, %dma_start3A] : memref<10000x128xf32, #tpu.memory_space<vmem_shared>> -> memref<80x128xf32, #tpu.memory_space<vmem_shared>>
    %dma_start3A_18 = arith.constant 0 : i32
    %dma_start3A_19 = tpu.memref_slice %arg6[%add3A_16, %dma_start3A_18] : memref<10000x128xf32, #tpu.memory_space<vmem_shared>> -> memref<80x128xf32, #tpu.memory_space<vmem_shared>>
    tpu.enqueue_dma source(%arg7 : memref<80x128xf32, #tpu.memory_space<vmem>>) target(%dma_start3A_19 : memref<80x128xf32, #tpu.memory_space<vmem_shared>>) target_semaphore(%arg19 : memref<!tpu.dma_semaphore, #tpu.memory_space<semaphore_mem>>)
    %add3A_20 = arith.constant 80 : i32
    %add3A_21 = arith.addi %select_n3A, %add3A_20 : i32
    %dma_start3A_22 = arith.constant 0 : i32
    %dma_start3A_23 = tpu.memref_slice %arg6[%add3A_21, %dma_start3A_22] : memref<10000x128xf32, #tpu.memory_space<vmem_shared>> -> memref<80x128xf32, #tpu.memory_space<vmem_shared>>
    %dma_start3A_24 = arith.constant 0 : i32
    %dma_start3A_25 = tpu.memref_slice %arg6[%add3A_21, %dma_start3A_24] : memref<10000x128xf32, #tpu.memory_space<vmem_shared>> -> memref<80x128xf32, #tpu.memory_space<vmem_shared>>
    tpu.enqueue_dma source(%arg7 : memref<80x128xf32, #tpu.memory_space<vmem>>) target(%dma_start3A_25 : memref<80x128xf32, #tpu.memory_space<vmem_shared>>) target_semaphore(%arg19 : memref<!tpu.dma_semaphore, #tpu.memory_space<semaphore_mem>>)
    %add3A_26 = arith.constant 160 : i32
    %add3A_27 = arith.addi %select_n3A, %add3A_26 : i32
    %dma_start3A_28 = arith.constant 0 : i32
    %dma_start3A_29 = tpu.memref_slice %arg6[%add3A_27, %dma_start3A_28] : memref<10000x128xf32, #tpu.memory_space<vmem_shared>> -> memref<80x128xf32, #tpu.memory_space<vmem_shared>>
    %dma_start3A_30 = arith.constant 0 : i32
    %dma_start3A_31 = tpu.memref_slice %arg6[%add3A_27, %dma_start3A_30] : memref<10000x128xf32, #tpu.memory_space<vmem_shared>> -> memref<80x128xf32, #tpu.memory_space<vmem_shared>>
    tpu.enqueue_dma source(%arg7 : memref<80x128xf32, #tpu.memory_space<vmem>>) target(%dma_start3A_31 : memref<80x128xf32, #tpu.memory_space<vmem_shared>>) target_semaphore(%arg19 : memref<!tpu.dma_semaphore, #tpu.memory_space<semaphore_mem>>)
    %add3A_32 = arith.constant 240 : i32
    %add3A_33 = arith.addi %select_n3A, %add3A_32 : i32
    %dma_start3A_34 = arith.constant 0 : i32
    %dma_start3A_35 = tpu.memref_slice %arg6[%add3A_33, %dma_start3A_34] : memref<10000x128xf32, #tpu.memory_space<vmem_shared>> -> memref<80x128xf32, #tpu.memory_space<vmem_shared>>
    %dma_start3A_36 = arith.constant 0 : i32
    %dma_start3A_37 = tpu.memref_slice %arg6[%add3A_33, %dma_start3A_36] : memref<10000x128xf32, #tpu.memory_space<vmem_shared>> -> memref<80x128xf32, #tpu.memory_space<vmem_shared>>
    tpu.enqueue_dma source(%arg7 : memref<80x128xf32, #tpu.memory_space<vmem>>) target(%dma_start3A_37 : memref<80x128xf32, #tpu.memory_space<vmem_shared>>) target_semaphore(%arg19 : memref<!tpu.dma_semaphore, #tpu.memory_space<semaphore_mem>>)
    %add3A_38 = arith.constant 320 : i32
    %add3A_39 = arith.addi %select_n3A, %add3A_38 : i32
    %dma_start3A_40 = arith.constant 0 : i32
    %dma_start3A_41 = tpu.memref_slice %arg6[%add3A_39, %dma_start3A_40] : memref<10000x128xf32, #tpu.memory_space<vmem_shared>> -> memref<80x128xf32, #tpu.memory_space<vmem_shared>>
    %dma_start3A_42 = arith.constant 0 : i32
    %dma_start3A_43 = tpu.memref_slice %arg6[%add3A_39, %dma_start3A_42] : memref<10000x128xf32, #tpu.memory_space<vmem_shared>> -> memref<80x128xf32, #tpu.memory_space<vmem_shared>>
    tpu.enqueue_dma source(%arg7 : memref<80x128xf32, #tpu.memory_space<vmem>>) target(%dma_start3A_43 : memref<80x128xf32, #tpu.memory_space<vmem_shared>>) target_semaphore(%arg19 : memref<!tpu.dma_semaphore, #tpu.memory_space<semaphore_mem>>)
    %add3A_44 = arith.constant 400 : i32
    %add3A_45 = arith.addi %select_n3A, %add3A_44 : i32
    %dma_start3A_46 = arith.constant 0 : i32
    %dma_start3A_47 = tpu.memref_slice %arg6[%add3A_45, %dma_start3A_46] : memref<10000x128xf32, #tpu.memory_space<vmem_shared>> -> memref<80x128xf32, #tpu.memory_space<vmem_shared>>
    %dma_start3A_48 = arith.constant 0 : i32
    %dma_start3A_49 = tpu.memref_slice %arg6[%add3A_45, %dma_start3A_48] : memref<10000x128xf32, #tpu.memory_space<vmem_shared>> -> memref<80x128xf32, #tpu.memory_space<vmem_shared>>
    tpu.enqueue_dma source(%arg7 : memref<80x128xf32, #tpu.memory_space<vmem>>) target(%dma_start3A_49 : memref<80x128xf32, #tpu.memory_space<vmem_shared>>) target_semaphore(%arg19 : memref<!tpu.dma_semaphore, #tpu.memory_space<semaphore_mem>>)
    %add3A_50 = arith.constant 480 : i32
    %add3A_51 = arith.addi %select_n3A, %add3A_50 : i32
    %dma_start3A_52 = arith.constant 0 : i32
    %dma_start3A_53 = tpu.memref_slice %arg6[%add3A_51, %dma_start3A_52] : memref<10000x128xf32, #tpu.memory_space<vmem_shared>> -> memref<80x128xf32, #tpu.memory_space<vmem_shared>>
    %dma_start3A_54 = arith.constant 0 : i32
    %dma_start3A_55 = tpu.memref_slice %arg6[%add3A_51, %dma_start3A_54] : memref<10000x128xf32, #tpu.memory_space<vmem_shared>> -> memref<80x128xf32, #tpu.memory_space<vmem_shared>>
    tpu.enqueue_dma source(%arg7 : memref<80x128xf32, #tpu.memory_space<vmem>>) target(%dma_start3A_55 : memref<80x128xf32, #tpu.memory_space<vmem_shared>>) target_semaphore(%arg19 : memref<!tpu.dma_semaphore, #tpu.memory_space<semaphore_mem>>)
    %lt3A_56 = arith.constant 2 : i32
    %lt3A_57 = arith.cmpi slt, %arg1, %lt3A_56 : i32
    %convert_element_type3A = arith.extui %lt3A_57 : i1 to i32
    %cond3A = arith.constant 0 : i32
    %cond3A_58 = arith.cmpi ne, %convert_element_type3A, %cond3A : i32
    scf.if %cond3A_58 {
      %add3A_303 = arith.constant 560 : i32
      %add3A_304 = arith.addi %select_n3A, %add3A_303 : i32
      %dma_start3A_305 = arith.constant 0 : i32
      %dma_start3A_306 = arith.constant 0 : i32
      %dma_start3A_307 = tpu.memref_slice %arg7[%dma_start3A_305, %dma_start3A_306] : memref<80x128xf32, #tpu.memory_space<vmem>> -> memref<72x128xf32, #tpu.memory_space<vmem>>
      %dma_start3A_308 = arith.constant 0 : i32
      %dma_start3A_309 = tpu.memref_slice %arg6[%add3A_304, %dma_start3A_308] : memref<10000x128xf32, #tpu.memory_space<vmem_shared>> -> memref<72x128xf32, #tpu.memory_space<vmem_shared>>
      %dma_start3A_310 = arith.constant 0 : i32
      %dma_start3A_311 = tpu.memref_slice %arg6[%add3A_304, %dma_start3A_310] : memref<10000x128xf32, #tpu.memory_space<vmem_shared>> -> memref<72x128xf32, #tpu.memory_space<vmem_shared>>
      %dma_start3A_312 = arith.constant 0 : i32
      %dma_start3A_313 = arith.constant 0 : i32
      %dma_start3A_314 = tpu.memref_slice %arg7[%dma_start3A_312, %dma_start3A_313] : memref<80x128xf32, #tpu.memory_space<vmem>> -> memref<72x128xf32, #tpu.memory_space<vmem>>
      tpu.enqueue_dma source(%dma_start3A_314 : memref<72x128xf32, #tpu.memory_space<vmem>>) target(%dma_start3A_311 : memref<72x128xf32, #tpu.memory_space<vmem_shared>>) target_semaphore(%arg19 : memref<!tpu.dma_semaphore, #tpu.memory_space<semaphore_mem>>)
    } else {
    }
    %ge3A = arith.constant 2 : i32
    %ge3A_59 = arith.cmpi sge, %arg1, %ge3A : i32
    %convert_element_type3A_60 = arith.extui %ge3A_59 : i1 to i32
    %cond3A_61 = arith.constant 0 : i32
    %cond3A_62 = arith.cmpi ne, %convert_element_type3A_60, %cond3A_61 : i32
    scf.if %cond3A_62 {
      %add3A_303 = arith.constant 560 : i32
      %add3A_304 = arith.addi %select_n3A, %add3A_303 : i32
      %dma_start3A_305 = arith.constant 0 : i32
      %dma_start3A_306 = arith.constant 0 : i32
      %dma_start3A_307 = tpu.memref_slice %arg7[%dma_start3A_305, %dma_start3A_306] : memref<80x128xf32, #tpu.memory_space<vmem>> -> memref<64x128xf32, #tpu.memory_space<vmem>>
      %dma_start3A_308 = arith.constant 0 : i32
      %dma_start3A_309 = tpu.memref_slice %arg6[%add3A_304, %dma_start3A_308] : memref<10000x128xf32, #tpu.memory_space<vmem_shared>> -> memref<64x128xf32, #tpu.memory_space<vmem_shared>>
      %dma_start3A_310 = arith.constant 0 : i32
      %dma_start3A_311 = tpu.memref_slice %arg6[%add3A_304, %dma_start3A_310] : memref<10000x128xf32, #tpu.memory_space<vmem_shared>> -> memref<64x128xf32, #tpu.memory_space<vmem_shared>>
      %dma_start3A_312 = arith.constant 0 : i32
      %dma_start3A_313 = arith.constant 0 : i32
      %dma_start3A_314 = tpu.memref_slice %arg7[%dma_start3A_312, %dma_start3A_313] : memref<80x128xf32, #tpu.memory_space<vmem>> -> memref<64x128xf32, #tpu.memory_space<vmem>>
      tpu.enqueue_dma source(%dma_start3A_314 : memref<64x128xf32, #tpu.memory_space<vmem>>) target(%dma_start3A_311 : memref<64x128xf32, #tpu.memory_space<vmem_shared>>) target_semaphore(%arg19 : memref<!tpu.dma_semaphore, #tpu.memory_space<semaphore_mem>>)
    } else {
    }
    %dma_wait3A = arith.constant 0 : i32
    %dma_wait3A_63 = arith.constant 0 : i32
    %dma_wait3A_64 = tpu.memref_slice %arg6[%dma_wait3A, %dma_wait3A_63] : memref<10000x128xf32, #tpu.memory_space<vmem_shared>> -> memref<80x128xf32, #tpu.memory_space<vmem_shared>>
    %dma_wait3A_65 = arith.constant 0 : i32
    %dma_wait3A_66 = arith.constant 0 : i32
    %dma_wait3A_67 = tpu.memref_slice %arg6[%dma_wait3A_65, %dma_wait3A_66] : memref<10000x128xf32, #tpu.memory_space<vmem_shared>> -> memref<80x128xf32, #tpu.memory_space<vmem_shared>>
    tpu.wait_dma2 semaphore(%arg19 : memref<!tpu.dma_semaphore, #tpu.memory_space<semaphore_mem>>) src(%arg7 : memref<80x128xf32, #tpu.memory_space<vmem>>) dst(%dma_wait3A_67 : memref<80x128xf32, #tpu.memory_space<vmem_shared>>)
    %dma_wait3A_68 = arith.constant 0 : i32
    %dma_wait3A_69 = arith.constant 0 : i32
    %dma_wait3A_70 = tpu.memref_slice %arg6[%dma_wait3A_68, %dma_wait3A_69] : memref<10000x128xf32, #tpu.memory_space<vmem_shared>> -> memref<80x128xf32, #tpu.memory_space<vmem_shared>>
    %dma_wait3A_71 = arith.constant 0 : i32
    %dma_wait3A_72 = arith.constant 0 : i32
    %dma_wait3A_73 = tpu.memref_slice %arg6[%dma_wait3A_71, %dma_wait3A_72] : memref<10000x128xf32, #tpu.memory_space<vmem_shared>> -> memref<80x128xf32, #tpu.memory_space<vmem_shared>>
    tpu.wait_dma2 semaphore(%arg19 : memref<!tpu.dma_semaphore, #tpu.memory_space<semaphore_mem>>) src(%arg7 : memref<80x128xf32, #tpu.memory_space<vmem>>) dst(%dma_wait3A_73 : memref<80x128xf32, #tpu.memory_space<vmem_shared>>)
    %dma_wait3A_74 = arith.constant 0 : i32
    %dma_wait3A_75 = arith.constant 0 : i32
    %dma_wait3A_76 = tpu.memref_slice %arg6[%dma_wait3A_74, %dma_wait3A_75] : memref<10000x128xf32, #tpu.memory_space<vmem_shared>> -> memref<80x128xf32, #tpu.memory_space<vmem_shared>>
    %dma_wait3A_77 = arith.constant 0 : i32
    %dma_wait3A_78 = arith.constant 0 : i32
    %dma_wait3A_79 = tpu.memref_slice %arg6[%dma_wait3A_77, %dma_wait3A_78] : memref<10000x128xf32, #tpu.memory_space<vmem_shared>> -> memref<80x128xf32, #tpu.memory_space<vmem_shared>>
    tpu.wait_dma2 semaphore(%arg19 : memref<!tpu.dma_semaphore, #tpu.memory_space<semaphore_mem>>) src(%arg7 : memref<80x128xf32, #tpu.memory_space<vmem>>) dst(%dma_wait3A_79 : memref<80x128xf32, #tpu.memory_space<vmem_shared>>)
    %dma_wait3A_80 = arith.constant 0 : i32
    %dma_wait3A_81 = arith.constant 0 : i32
    %dma_wait3A_82 = tpu.memref_slice %arg6[%dma_wait3A_80, %dma_wait3A_81] : memref<10000x128xf32, #tpu.memory_space<vmem_shared>> -> memref<80x128xf32, #tpu.memory_space<vmem_shared>>
    %dma_wait3A_83 = arith.constant 0 : i32
    %dma_wait3A_84 = arith.constant 0 : i32
    %dma_wait3A_85 = tpu.memref_slice %arg6[%dma_wait3A_83, %dma_wait3A_84] : memref<10000x128xf32, #tpu.memory_space<vmem_shared>> -> memref<80x128xf32, #tpu.memory_space<vmem_shared>>
    tpu.wait_dma2 semaphore(%arg19 : memref<!tpu.dma_semaphore, #tpu.memory_space<semaphore_mem>>) src(%arg7 : memref<80x128xf32, #tpu.memory_space<vmem>>) dst(%dma_wait3A_85 : memref<80x128xf32, #tpu.memory_space<vmem_shared>>)
    %dma_wait3A_86 = arith.constant 0 : i32
    %dma_wait3A_87 = arith.constant 0 : i32
    %dma_wait3A_88 = tpu.memref_slice %arg6[%dma_wait3A_86, %dma_wait3A_87] : memref<10000x128xf32, #tpu.memory_space<vmem_shared>> -> memref<80x128xf32, #tpu.memory_space<vmem_shared>>
    %dma_wait3A_89 = arith.constant 0 : i32
    %dma_wait3A_90 = arith.constant 0 : i32
    %dma_wait3A_91 = tpu.memref_slice %arg6[%dma_wait3A_89, %dma_wait3A_90] : memref<10000x128xf32, #tpu.memory_space<vmem_shared>> -> memref<80x128xf32, #tpu.memory_space<vmem_shared>>
    tpu.wait_dma2 semaphore(%arg19 : memref<!tpu.dma_semaphore, #tpu.memory_space<semaphore_mem>>) src(%arg7 : memref<80x128xf32, #tpu.memory_space<vmem>>) dst(%dma_wait3A_91 : memref<80x128xf32, #tpu.memory_space<vmem_shared>>)
    %dma_wait3A_92 = arith.constant 0 : i32
    %dma_wait3A_93 = arith.constant 0 : i32
    %dma_wait3A_94 = tpu.memref_slice %arg6[%dma_wait3A_92, %dma_wait3A_93] : memref<10000x128xf32, #tpu.memory_space<vmem_shared>> -> memref<80x128xf32, #tpu.memory_space<vmem_shared>>
    %dma_wait3A_95 = arith.constant 0 : i32
    %dma_wait3A_96 = arith.constant 0 : i32
    %dma_wait3A_97 = tpu.memref_slice %arg6[%dma_wait3A_95, %dma_wait3A_96] : memref<10000x128xf32, #tpu.memory_space<vmem_shared>> -> memref<80x128xf32, #tpu.memory_space<vmem_shared>>
    tpu.wait_dma2 semaphore(%arg19 : memref<!tpu.dma_semaphore, #tpu.memory_space<semaphore_mem>>) src(%arg7 : memref<80x128xf32, #tpu.memory_space<vmem>>) dst(%dma_wait3A_97 : memref<80x128xf32, #tpu.memory_space<vmem_shared>>)
    %dma_wait3A_98 = arith.constant 0 : i32
    %dma_wait3A_99 = arith.constant 0 : i32
    %dma_wait3A_100 = tpu.memref_slice %arg6[%dma_wait3A_98, %dma_wait3A_99] : memref<10000x128xf32, #tpu.memory_space<vmem_shared>> -> memref<80x128xf32, #tpu.memory_space<vmem_shared>>
    %dma_wait3A_101 = arith.constant 0 : i32
    %dma_wait3A_102 = arith.constant 0 : i32
    %dma_wait3A_103 = tpu.memref_slice %arg6[%dma_wait3A_101, %dma_wait3A_102] : memref<10000x128xf32, #tpu.memory_space<vmem_shared>> -> memref<80x128xf32, #tpu.memory_space<vmem_shared>>
    tpu.wait_dma2 semaphore(%arg19 : memref<!tpu.dma_semaphore, #tpu.memory_space<semaphore_mem>>) src(%arg7 : memref<80x128xf32, #tpu.memory_space<vmem>>) dst(%dma_wait3A_103 : memref<80x128xf32, #tpu.memory_space<vmem_shared>>)
    %lt3A_104 = arith.constant 2 : i32
    %lt3A_105 = arith.cmpi slt, %arg1, %lt3A_104 : i32
    %convert_element_type3A_106 = arith.extui %lt3A_105 : i1 to i32
    %cond3A_107 = arith.constant 0 : i32
    %cond3A_108 = arith.cmpi ne, %convert_element_type3A_106, %cond3A_107 : i32
    scf.if %cond3A_108 {
      %dma_wait3A_303 = arith.constant 0 : i32
      %dma_wait3A_304 = arith.constant 0 : i32
      %dma_wait3A_305 = tpu.memref_slice %arg7[%dma_wait3A_303, %dma_wait3A_304] : memref<80x128xf32, #tpu.memory_space<vmem>> -> memref<72x128xf32, #tpu.memory_space<vmem>>
      %dma_wait3A_306 = arith.constant 0 : i32
      %dma_wait3A_307 = arith.constant 0 : i32
      %dma_wait3A_308 = tpu.memref_slice %arg6[%dma_wait3A_306, %dma_wait3A_307] : memref<10000x128xf32, #tpu.memory_space<vmem_shared>> -> memref<72x128xf32, #tpu.memory_space<vmem_shared>>
      %dma_wait3A_309 = arith.constant 0 : i32
      %dma_wait3A_310 = arith.constant 0 : i32
      %dma_wait3A_311 = tpu.memref_slice %arg6[%dma_wait3A_309, %dma_wait3A_310] : memref<10000x128xf32, #tpu.memory_space<vmem_shared>> -> memref<72x128xf32, #tpu.memory_space<vmem_shared>>
      %dma_wait3A_312 = arith.constant 0 : i32
      %dma_wait3A_313 = arith.constant 0 : i32
      %dma_wait3A_314 = tpu.memref_slice %arg7[%dma_wait3A_312, %dma_wait3A_313] : memref<80x128xf32, #tpu.memory_space<vmem>> -> memref<72x128xf32, #tpu.memory_space<vmem>>
      tpu.wait_dma2 semaphore(%arg19 : memref<!tpu.dma_semaphore, #tpu.memory_space<semaphore_mem>>) src(%dma_wait3A_314 : memref<72x128xf32, #tpu.memory_space<vmem>>) dst(%dma_wait3A_311 : memref<72x128xf32, #tpu.memory_space<vmem_shared>>)
    } else {
    }
    %ge3A_109 = arith.constant 2 : i32
    %ge3A_110 = arith.cmpi sge, %arg1, %ge3A_109 : i32
    %convert_element_type3A_111 = arith.extui %ge3A_110 : i1 to i32
    %cond3A_112 = arith.constant 0 : i32
    %cond3A_113 = arith.cmpi ne, %convert_element_type3A_111, %cond3A_112 : i32
    scf.if %cond3A_113 {
      %dma_wait3A_303 = arith.constant 0 : i32
      %dma_wait3A_304 = arith.constant 0 : i32
      %dma_wait3A_305 = tpu.memref_slice %arg7[%dma_wait3A_303, %dma_wait3A_304] : memref<80x128xf32, #tpu.memory_space<vmem>> -> memref<64x128xf32, #tpu.memory_space<vmem>>
      %dma_wait3A_306 = arith.constant 0 : i32
      %dma_wait3A_307 = arith.constant 0 : i32
      %dma_wait3A_308 = tpu.memref_slice %arg6[%dma_wait3A_306, %dma_wait3A_307] : memref<10000x128xf32, #tpu.memory_space<vmem_shared>> -> memref<64x128xf32, #tpu.memory_space<vmem_shared>>
      %dma_wait3A_309 = arith.constant 0 : i32
      %dma_wait3A_310 = arith.constant 0 : i32
      %dma_wait3A_311 = tpu.memref_slice %arg6[%dma_wait3A_309, %dma_wait3A_310] : memref<10000x128xf32, #tpu.memory_space<vmem_shared>> -> memref<64x128xf32, #tpu.memory_space<vmem_shared>>
      %dma_wait3A_312 = arith.constant 0 : i32
      %dma_wait3A_313 = arith.constant 0 : i32
      %dma_wait3A_314 = tpu.memref_slice %arg7[%dma_wait3A_312, %dma_wait3A_313] : memref<80x128xf32, #tpu.memory_space<vmem>> -> memref<64x128xf32, #tpu.memory_space<vmem>>
      tpu.wait_dma2 semaphore(%arg19 : memref<!tpu.dma_semaphore, #tpu.memory_space<semaphore_mem>>) src(%dma_wait3A_314 : memref<64x128xf32, #tpu.memory_space<vmem>>) dst(%dma_wait3A_311 : memref<64x128xf32, #tpu.memory_space<vmem_shared>>)
    } else {
    }
    %barrier3A = arith.constant 0 : index
    tpu.barrier barrier_id(%barrier3A)
    %mul3A_114 = arith.constant 10000 : i32
    %mul3A_115 = arith.muli %add3A, %mul3A_114 : i32
    %add3A_116 = arith.constant 0 : i32
    %add3A_117 = arith.addi %mul3A_115, %add3A_116 : i32
    %dma_start3A_118 = tpu.memref_slice %arg3[%add3A_117] : memref<320000xi32, #tpu.memory_space<hbm>> -> memref<80xi32, #tpu.memory_space<hbm>>
    %dma_start3A_119 = tpu.memref_slice %arg3[%add3A_117] : memref<320000xi32, #tpu.memory_space<hbm>> -> memref<80xi32, #tpu.memory_space<hbm>>
    tpu.enqueue_dma source(%dma_start3A_119 : memref<80xi32, #tpu.memory_space<hbm>>) target(%arg11 : memref<80xi32, #tpu.memory_space<vmem>>) target_semaphore(%arg27 : memref<!tpu.dma_semaphore, #tpu.memory_space<semaphore_mem>>)
    %add3A_120 = arith.constant 0 : i32
    %add3A_121 = arith.addi %mul3A_115, %add3A_120 : i32
    %dma_start3A_122 = tpu.memref_slice %arg4[%add3A_121] : memref<320000xi32, #tpu.memory_space<hbm>> -> memref<80xi32, #tpu.memory_space<hbm>>
    %dma_start3A_123 = tpu.memref_slice %arg4[%add3A_121] : memref<320000xi32, #tpu.memory_space<hbm>> -> memref<80xi32, #tpu.memory_space<hbm>>
    tpu.enqueue_dma source(%dma_start3A_123 : memref<80xi32, #tpu.memory_space<hbm>>) target(%arg15 : memref<80xi32, #tpu.memory_space<vmem>>) target_semaphore(%arg27 : memref<!tpu.dma_semaphore, #tpu.memory_space<semaphore_mem>>)
    %add3A_124 = arith.constant 80 : i32
    %add3A_125 = arith.addi %mul3A_115, %add3A_124 : i32
    %dma_start3A_126 = tpu.memref_slice %arg3[%add3A_125] : memref<320000xi32, #tpu.memory_space<hbm>> -> memref<80xi32, #tpu.memory_space<hbm>>
    %dma_start3A_127 = tpu.memref_slice %arg3[%add3A_125] : memref<320000xi32, #tpu.memory_space<hbm>> -> memref<80xi32, #tpu.memory_space<hbm>>
    tpu.enqueue_dma source(%dma_start3A_127 : memref<80xi32, #tpu.memory_space<hbm>>) target(%arg12 : memref<80xi32, #tpu.memory_space<vmem>>) target_semaphore(%arg28 : memref<!tpu.dma_semaphore, #tpu.memory_space<semaphore_mem>>)
    %add3A_128 = arith.constant 80 : i32
    %add3A_129 = arith.addi %mul3A_115, %add3A_128 : i32
    %dma_start3A_130 = tpu.memref_slice %arg4[%add3A_129] : memref<320000xi32, #tpu.memory_space<hbm>> -> memref<80xi32, #tpu.memory_space<hbm>>
    %dma_start3A_131 = tpu.memref_slice %arg4[%add3A_129] : memref<320000xi32, #tpu.memory_space<hbm>> -> memref<80xi32, #tpu.memory_space<hbm>>
    tpu.enqueue_dma source(%dma_start3A_131 : memref<80xi32, #tpu.memory_space<hbm>>) target(%arg16 : memref<80xi32, #tpu.memory_space<vmem>>) target_semaphore(%arg28 : memref<!tpu.dma_semaphore, #tpu.memory_space<semaphore_mem>>)
    %add3A_132 = arith.constant 160 : i32
    %add3A_133 = arith.addi %mul3A_115, %add3A_132 : i32
    %dma_start3A_134 = tpu.memref_slice %arg3[%add3A_133] : memref<320000xi32, #tpu.memory_space<hbm>> -> memref<80xi32, #tpu.memory_space<hbm>>
    %dma_start3A_135 = tpu.memref_slice %arg3[%add3A_133] : memref<320000xi32, #tpu.memory_space<hbm>> -> memref<80xi32, #tpu.memory_space<hbm>>
    tpu.enqueue_dma source(%dma_start3A_135 : memref<80xi32, #tpu.memory_space<hbm>>) target(%arg13 : memref<80xi32, #tpu.memory_space<vmem>>) target_semaphore(%arg29 : memref<!tpu.dma_semaphore, #tpu.memory_space<semaphore_mem>>)
    %add3A_136 = arith.constant 160 : i32
    %add3A_137 = arith.addi %mul3A_115, %add3A_136 : i32
    %dma_start3A_138 = tpu.memref_slice %arg4[%add3A_137] : memref<320000xi32, #tpu.memory_space<hbm>> -> memref<80xi32, #tpu.memory_space<hbm>>
    %dma_start3A_139 = tpu.memref_slice %arg4[%add3A_137] : memref<320000xi32, #tpu.memory_space<hbm>> -> memref<80xi32, #tpu.memory_space<hbm>>
    tpu.enqueue_dma source(%dma_start3A_139 : memref<80xi32, #tpu.memory_space<hbm>>) target(%arg17 : memref<80xi32, #tpu.memory_space<vmem>>) target_semaphore(%arg29 : memref<!tpu.dma_semaphore, #tpu.memory_space<semaphore_mem>>)
    %dma_wait3A_140 = arith.constant 0 : i32
    %dma_wait3A_141 = tpu.memref_slice %arg3[%dma_wait3A_140] : memref<320000xi32, #tpu.memory_space<hbm>> -> memref<80xi32, #tpu.memory_space<hbm>>
    %dma_wait3A_142 = arith.constant 0 : i32
    %dma_wait3A_143 = tpu.memref_slice %arg3[%dma_wait3A_142] : memref<320000xi32, #tpu.memory_space<hbm>> -> memref<80xi32, #tpu.memory_space<hbm>>
    tpu.wait_dma2 semaphore(%arg27 : memref<!tpu.dma_semaphore, #tpu.memory_space<semaphore_mem>>) src(%dma_wait3A_143 : memref<80xi32, #tpu.memory_space<hbm>>) dst(%arg11 : memref<80xi32, #tpu.memory_space<vmem>>)
    %dma_wait3A_144 = arith.constant 0 : i32
    %dma_wait3A_145 = tpu.memref_slice %arg4[%dma_wait3A_144] : memref<320000xi32, #tpu.memory_space<hbm>> -> memref<80xi32, #tpu.memory_space<hbm>>
    %dma_wait3A_146 = arith.constant 0 : i32
    %dma_wait3A_147 = tpu.memref_slice %arg4[%dma_wait3A_146] : memref<320000xi32, #tpu.memory_space<hbm>> -> memref<80xi32, #tpu.memory_space<hbm>>
    tpu.wait_dma2 semaphore(%arg27 : memref<!tpu.dma_semaphore, #tpu.memory_space<semaphore_mem>>) src(%dma_wait3A_147 : memref<80xi32, #tpu.memory_space<hbm>>) dst(%arg15 : memref<80xi32, #tpu.memory_space<vmem>>)
    %dma_start3A_148 = arith.constant 0 : i32
    %dma_start3A_149 = arith.constant 0 : i32
    %dma_start3A_150 = tpu.memref_slice %arg2[%dma_start3A_148, %dma_start3A_149] : memref<10000x128xf32, #tpu.memory_space<hbm>> -> memref<10000x128xf32, #tpu.memory_space<hbm>>
    tpu.enqueue_indirect_dma source(%dma_start3A_150 : memref<10000x128xf32, #tpu.memory_space<hbm>>) target(%arg7 : memref<80x128xf32, #tpu.memory_space<vmem>>) offsets(%arg11 : memref<80xi32, #tpu.memory_space<vmem>>) semaphore(%arg19 : memref<!tpu.dma_semaphore, #tpu.memory_space<semaphore_mem>>)
    %dma_wait3A_151 = arith.constant 0 : i32
    %dma_wait3A_152 = tpu.memref_slice %arg3[%dma_wait3A_151] : memref<320000xi32, #tpu.memory_space<hbm>> -> memref<80xi32, #tpu.memory_space<hbm>>
    %dma_wait3A_153 = arith.constant 0 : i32
    %dma_wait3A_154 = tpu.memref_slice %arg3[%dma_wait3A_153] : memref<320000xi32, #tpu.memory_space<hbm>> -> memref<80xi32, #tpu.memory_space<hbm>>
    tpu.wait_dma2 semaphore(%arg28 : memref<!tpu.dma_semaphore, #tpu.memory_space<semaphore_mem>>) src(%dma_wait3A_154 : memref<80xi32, #tpu.memory_space<hbm>>) dst(%arg12 : memref<80xi32, #tpu.memory_space<vmem>>)
    %dma_wait3A_155 = arith.constant 0 : i32
    %dma_wait3A_156 = tpu.memref_slice %arg4[%dma_wait3A_155] : memref<320000xi32, #tpu.memory_space<hbm>> -> memref<80xi32, #tpu.memory_space<hbm>>
    %dma_wait3A_157 = arith.constant 0 : i32
    %dma_wait3A_158 = tpu.memref_slice %arg4[%dma_wait3A_157] : memref<320000xi32, #tpu.memory_space<hbm>> -> memref<80xi32, #tpu.memory_space<hbm>>
    tpu.wait_dma2 semaphore(%arg28 : memref<!tpu.dma_semaphore, #tpu.memory_space<semaphore_mem>>) src(%dma_wait3A_158 : memref<80xi32, #tpu.memory_space<hbm>>) dst(%arg16 : memref<80xi32, #tpu.memory_space<vmem>>)
    %dma_start3A_159 = arith.constant 0 : i32
    %dma_start3A_160 = arith.constant 0 : i32
    %dma_start3A_161 = tpu.memref_slice %arg2[%dma_start3A_159, %dma_start3A_160] : memref<10000x128xf32, #tpu.memory_space<hbm>> -> memref<10000x128xf32, #tpu.memory_space<hbm>>
    tpu.enqueue_indirect_dma source(%dma_start3A_161 : memref<10000x128xf32, #tpu.memory_space<hbm>>) target(%arg8 : memref<80x128xf32, #tpu.memory_space<vmem>>) offsets(%arg12 : memref<80xi32, #tpu.memory_space<vmem>>) semaphore(%arg20 : memref<!tpu.dma_semaphore, #tpu.memory_space<semaphore_mem>>)
    %dma_wait3A_162 = arith.constant 0 : i32
    %dma_wait3A_163 = arith.constant 0 : i32
    %dma_wait3A_164 = tpu.memref_slice %arg2[%dma_wait3A_162, %dma_wait3A_163] : memref<10000x128xf32, #tpu.memory_space<hbm>> -> memref<80x128xf32, #tpu.memory_space<hbm>>
    %dma_wait3A_165 = arith.constant 0 : i32
    %dma_wait3A_166 = arith.constant 0 : i32
    %dma_wait3A_167 = tpu.memref_slice %arg2[%dma_wait3A_165, %dma_wait3A_166] : memref<10000x128xf32, #tpu.memory_space<hbm>> -> memref<80x128xf32, #tpu.memory_space<hbm>>
    tpu.wait_dma2 semaphore(%arg19 : memref<!tpu.dma_semaphore, #tpu.memory_space<semaphore_mem>>) src(%dma_wait3A_167 : memref<80x128xf32, #tpu.memory_space<hbm>>) dst(%arg7 : memref<80x128xf32, #tpu.memory_space<vmem>>)
    %dma_start3A_168 = arith.constant 0 : i32
    %dma_start3A_169 = arith.constant 0 : i32
    %dma_start3A_170 = tpu.memref_slice %arg6[%dma_start3A_168, %dma_start3A_169] : memref<10000x128xf32, #tpu.memory_space<vmem_shared>> -> memref<10000x128xf32, #tpu.memory_space<vmem_shared>>
    tpu.enqueue_indirect_dma source(%arg7 : memref<80x128xf32, #tpu.memory_space<vmem>>) target(%dma_start3A_170 : memref<10000x128xf32, #tpu.memory_space<vmem_shared>>) offsets(%arg15 : memref<80xi32, #tpu.memory_space<vmem>>) semaphore(%arg23 : memref<!tpu.dma_semaphore, #tpu.memory_space<semaphore_mem>>) {add = true}
    %add3A_171 = arith.constant 240 : i32
    %add3A_172 = arith.addi %mul3A_115, %add3A_171 : i32
    %dma_start3A_173 = tpu.memref_slice %arg3[%add3A_172] : memref<320000xi32, #tpu.memory_space<hbm>> -> memref<80xi32, #tpu.memory_space<hbm>>
    %dma_start3A_174 = tpu.memref_slice %arg3[%add3A_172] : memref<320000xi32, #tpu.memory_space<hbm>> -> memref<80xi32, #tpu.memory_space<hbm>>
    tpu.enqueue_dma source(%dma_start3A_174 : memref<80xi32, #tpu.memory_space<hbm>>) target(%arg14 : memref<80xi32, #tpu.memory_space<vmem>>) target_semaphore(%arg30 : memref<!tpu.dma_semaphore, #tpu.memory_space<semaphore_mem>>)
    %add3A_175 = arith.constant 240 : i32
    %add3A_176 = arith.addi %mul3A_115, %add3A_175 : i32
    %dma_start3A_177 = tpu.memref_slice %arg4[%add3A_176] : memref<320000xi32, #tpu.memory_space<hbm>> -> memref<80xi32, #tpu.memory_space<hbm>>
    %dma_start3A_178 = tpu.memref_slice %arg4[%add3A_176] : memref<320000xi32, #tpu.memory_space<hbm>> -> memref<80xi32, #tpu.memory_space<hbm>>
    tpu.enqueue_dma source(%dma_start3A_178 : memref<80xi32, #tpu.memory_space<hbm>>) target(%arg18 : memref<80xi32, #tpu.memory_space<vmem>>) target_semaphore(%arg30 : memref<!tpu.dma_semaphore, #tpu.memory_space<semaphore_mem>>)
    %dma_wait3A_179 = arith.constant 0 : i32
    %dma_wait3A_180 = tpu.memref_slice %arg3[%dma_wait3A_179] : memref<320000xi32, #tpu.memory_space<hbm>> -> memref<80xi32, #tpu.memory_space<hbm>>
    %dma_wait3A_181 = arith.constant 0 : i32
    %dma_wait3A_182 = tpu.memref_slice %arg3[%dma_wait3A_181] : memref<320000xi32, #tpu.memory_space<hbm>> -> memref<80xi32, #tpu.memory_space<hbm>>
    tpu.wait_dma2 semaphore(%arg29 : memref<!tpu.dma_semaphore, #tpu.memory_space<semaphore_mem>>) src(%dma_wait3A_182 : memref<80xi32, #tpu.memory_space<hbm>>) dst(%arg13 : memref<80xi32, #tpu.memory_space<vmem>>)
    %dma_wait3A_183 = arith.constant 0 : i32
    %dma_wait3A_184 = tpu.memref_slice %arg4[%dma_wait3A_183] : memref<320000xi32, #tpu.memory_space<hbm>> -> memref<80xi32, #tpu.memory_space<hbm>>
    %dma_wait3A_185 = arith.constant 0 : i32
    %dma_wait3A_186 = tpu.memref_slice %arg4[%dma_wait3A_185] : memref<320000xi32, #tpu.memory_space<hbm>> -> memref<80xi32, #tpu.memory_space<hbm>>
    tpu.wait_dma2 semaphore(%arg29 : memref<!tpu.dma_semaphore, #tpu.memory_space<semaphore_mem>>) src(%dma_wait3A_186 : memref<80xi32, #tpu.memory_space<hbm>>) dst(%arg17 : memref<80xi32, #tpu.memory_space<vmem>>)
    %dma_start3A_187 = arith.constant 0 : i32
    %dma_start3A_188 = arith.constant 0 : i32
    %dma_start3A_189 = tpu.memref_slice %arg2[%dma_start3A_187, %dma_start3A_188] : memref<10000x128xf32, #tpu.memory_space<hbm>> -> memref<10000x128xf32, #tpu.memory_space<hbm>>
    tpu.enqueue_indirect_dma source(%dma_start3A_189 : memref<10000x128xf32, #tpu.memory_space<hbm>>) target(%arg9 : memref<80x128xf32, #tpu.memory_space<vmem>>) offsets(%arg13 : memref<80xi32, #tpu.memory_space<vmem>>) semaphore(%arg21 : memref<!tpu.dma_semaphore, #tpu.memory_space<semaphore_mem>>)
    %scan3A_190 = arith.constant 0 : i32
    %scan3A_191 = arith.constant 0 : i32
    %scan3A_192 = arith.constant 30 : i32
    %scan3A_193 = arith.addi %scan3A_191, %scan3A_192 : i32
    %scan3A_194 = arith.constant 1 : i32
    scf.for %scan3A_303 = %scan3A_191 to %scan3A_193 step %scan3A_194  : i32 {
      %dma_wait3A_304 = arith.constant 0 : i32
      %dma_wait3A_305 = arith.constant 0 : i32
      %dma_wait3A_306 = tpu.memref_slice %arg2[%dma_wait3A_304, %dma_wait3A_305] : memref<10000x128xf32, #tpu.memory_space<hbm>> -> memref<80x128xf32, #tpu.memory_space<hbm>>
      %dma_wait3A_307 = arith.constant 0 : i32
      %dma_wait3A_308 = arith.constant 0 : i32
      %dma_wait3A_309 = tpu.memref_slice %arg2[%dma_wait3A_307, %dma_wait3A_308] : memref<10000x128xf32, #tpu.memory_space<hbm>> -> memref<80x128xf32, #tpu.memory_space<hbm>>
      tpu.wait_dma2 semaphore(%arg20 : memref<!tpu.dma_semaphore, #tpu.memory_space<semaphore_mem>>) src(%dma_wait3A_309 : memref<80x128xf32, #tpu.memory_space<hbm>>) dst(%arg8 : memref<80x128xf32, #tpu.memory_space<vmem>>)
      %dma_wait3A_310 = arith.constant 0 : i32
      %dma_wait3A_311 = arith.constant 0 : i32
      %dma_wait3A_312 = tpu.memref_slice %arg6[%dma_wait3A_310, %dma_wait3A_311] : memref<10000x128xf32, #tpu.memory_space<vmem_shared>> -> memref<80x128xf32, #tpu.memory_space<vmem_shared>>
      %dma_wait3A_313 = arith.constant 0 : i32
      %dma_wait3A_314 = arith.constant 0 : i32
      %dma_wait3A_315 = tpu.memref_slice %arg6[%dma_wait3A_313, %dma_wait3A_314] : memref<10000x128xf32, #tpu.memory_space<vmem_shared>> -> memref<80x128xf32, #tpu.memory_space<vmem_shared>>
      tpu.wait_dma2 semaphore(%arg23 : memref<!tpu.dma_semaphore, #tpu.memory_space<semaphore_mem>>) src(%arg7 : memref<80x128xf32, #tpu.memory_space<vmem>>) dst(%dma_wait3A_315 : memref<80x128xf32, #tpu.memory_space<vmem_shared>>)
      %dma_start3A_316 = arith.constant 0 : i32
      %dma_start3A_317 = arith.constant 0 : i32
      %dma_start3A_318 = tpu.memref_slice %arg6[%dma_start3A_316, %dma_start3A_317] : memref<10000x128xf32, #tpu.memory_space<vmem_shared>> -> memref<10000x128xf32, #tpu.memory_space<vmem_shared>>
      tpu.enqueue_indirect_dma source(%arg8 : memref<80x128xf32, #tpu.memory_space<vmem>>) target(%dma_start3A_318 : memref<10000x128xf32, #tpu.memory_space<vmem_shared>>) offsets(%arg16 : memref<80xi32, #tpu.memory_space<vmem>>) semaphore(%arg24 : memref<!tpu.dma_semaphore, #tpu.memory_space<semaphore_mem>>) {add = true}
      %mul3A_319 = arith.constant 4 : i32
      %mul3A_320 = arith.muli %scan3A_303, %mul3A_319 : i32
      %add3A_321 = arith.constant 0 : i32
      %add3A_322 = arith.addi %mul3A_320, %add3A_321 : i32
      %add3A_323 = arith.constant 4 : i32
      %add3A_324 = arith.addi %add3A_322, %add3A_323 : i32
      %mul3A_325 = arith.constant 80 : i32
      %mul3A_326 = arith.muli %add3A_324, %mul3A_325 : i32
      %add3A_327 = arith.addi %mul3A_115, %mul3A_326 : i32
      %dma_start3A_328 = tpu.memref_slice %arg3[%add3A_327] : memref<320000xi32, #tpu.memory_space<hbm>> -> memref<80xi32, #tpu.memory_space<hbm>>
      %dma_start3A_329 = tpu.memref_slice %arg3[%add3A_327] : memref<320000xi32, #tpu.memory_space<hbm>> -> memref<80xi32, #tpu.memory_space<hbm>>
      tpu.enqueue_dma source(%dma_start3A_329 : memref<80xi32, #tpu.memory_space<hbm>>) target(%arg11 : memref<80xi32, #tpu.memory_space<vmem>>) target_semaphore(%arg27 : memref<!tpu.dma_semaphore, #tpu.memory_space<semaphore_mem>>)
      %add3A_330 = arith.constant 4 : i32
      %add3A_331 = arith.addi %add3A_322, %add3A_330 : i32
      %mul3A_332 = arith.constant 80 : i32
      %mul3A_333 = arith.muli %add3A_331, %mul3A_332 : i32
      %add3A_334 = arith.addi %mul3A_115, %mul3A_333 : i32
      %dma_start3A_335 = tpu.memref_slice %arg4[%add3A_334] : memref<320000xi32, #tpu.memory_space<hbm>> -> memref<80xi32, #tpu.memory_space<hbm>>
      %dma_start3A_336 = tpu.memref_slice %arg4[%add3A_334] : memref<320000xi32, #tpu.memory_space<hbm>> -> memref<80xi32, #tpu.memory_space<hbm>>
      tpu.enqueue_dma source(%dma_start3A_336 : memref<80xi32, #tpu.memory_space<hbm>>) target(%arg15 : memref<80xi32, #tpu.memory_space<vmem>>) target_semaphore(%arg27 : memref<!tpu.dma_semaphore, #tpu.memory_space<semaphore_mem>>)
      %dma_wait3A_337 = arith.constant 0 : i32
      %dma_wait3A_338 = tpu.memref_slice %arg3[%dma_wait3A_337] : memref<320000xi32, #tpu.memory_space<hbm>> -> memref<80xi32, #tpu.memory_space<hbm>>
      %dma_wait3A_339 = arith.constant 0 : i32
      %dma_wait3A_340 = tpu.memref_slice %arg3[%dma_wait3A_339] : memref<320000xi32, #tpu.memory_space<hbm>> -> memref<80xi32, #tpu.memory_space<hbm>>
      tpu.wait_dma2 semaphore(%arg30 : memref<!tpu.dma_semaphore, #tpu.memory_space<semaphore_mem>>) src(%dma_wait3A_340 : memref<80xi32, #tpu.memory_space<hbm>>) dst(%arg14 : memref<80xi32, #tpu.memory_space<vmem>>)
      %dma_wait3A_341 = arith.constant 0 : i32
      %dma_wait3A_342 = tpu.memref_slice %arg4[%dma_wait3A_341] : memref<320000xi32, #tpu.memory_space<hbm>> -> memref<80xi32, #tpu.memory_space<hbm>>
      %dma_wait3A_343 = arith.constant 0 : i32
      %dma_wait3A_344 = tpu.memref_slice %arg4[%dma_wait3A_343] : memref<320000xi32, #tpu.memory_space<hbm>> -> memref<80xi32, #tpu.memory_space<hbm>>
      tpu.wait_dma2 semaphore(%arg30 : memref<!tpu.dma_semaphore, #tpu.memory_space<semaphore_mem>>) src(%dma_wait3A_344 : memref<80xi32, #tpu.memory_space<hbm>>) dst(%arg18 : memref<80xi32, #tpu.memory_space<vmem>>)
      %dma_start3A_345 = arith.constant 0 : i32
      %dma_start3A_346 = arith.constant 0 : i32
      %dma_start3A_347 = tpu.memref_slice %arg2[%dma_start3A_345, %dma_start3A_346] : memref<10000x128xf32, #tpu.memory_space<hbm>> -> memref<10000x128xf32, #tpu.memory_space<hbm>>
      tpu.enqueue_indirect_dma source(%dma_start3A_347 : memref<10000x128xf32, #tpu.memory_space<hbm>>) target(%arg10 : memref<80x128xf32, #tpu.memory_space<vmem>>) offsets(%arg14 : memref<80xi32, #tpu.memory_space<vmem>>) semaphore(%arg22 : memref<!tpu.dma_semaphore, #tpu.memory_space<semaphore_mem>>)
      %dma_wait3A_348 = arith.constant 0 : i32
      %dma_wait3A_349 = arith.constant 0 : i32
      %dma_wait3A_350 = tpu.memref_slice %arg2[%dma_wait3A_348, %dma_wait3A_349] : memref<10000x128xf32, #tpu.memory_space<hbm>> -> memref<80x128xf32, #tpu.memory_space<hbm>>
      %dma_wait3A_351 = arith.constant 0 : i32
      %dma_wait3A_352 = arith.constant 0 : i32
      %dma_wait3A_353 = tpu.memref_slice %arg2[%dma_wait3A_351, %dma_wait3A_352] : memref<10000x128xf32, #tpu.memory_space<hbm>> -> memref<80x128xf32, #tpu.memory_space<hbm>>
      tpu.wait_dma2 semaphore(%arg21 : memref<!tpu.dma_semaphore, #tpu.memory_space<semaphore_mem>>) src(%dma_wait3A_353 : memref<80x128xf32, #tpu.memory_space<hbm>>) dst(%arg9 : memref<80x128xf32, #tpu.memory_space<vmem>>)
      %dma_wait3A_354 = arith.constant 0 : i32
      %dma_wait3A_355 = arith.constant 0 : i32
      %dma_wait3A_356 = tpu.memref_slice %arg6[%dma_wait3A_354, %dma_wait3A_355] : memref<10000x128xf32, #tpu.memory_space<vmem_shared>> -> memref<80x128xf32, #tpu.memory_space<vmem_shared>>
      %dma_wait3A_357 = arith.constant 0 : i32
      %dma_wait3A_358 = arith.constant 0 : i32
      %dma_wait3A_359 = tpu.memref_slice %arg6[%dma_wait3A_357, %dma_wait3A_358] : memref<10000x128xf32, #tpu.memory_space<vmem_shared>> -> memref<80x128xf32, #tpu.memory_space<vmem_shared>>
      tpu.wait_dma2 semaphore(%arg24 : memref<!tpu.dma_semaphore, #tpu.memory_space<semaphore_mem>>) src(%arg8 : memref<80x128xf32, #tpu.memory_space<vmem>>) dst(%dma_wait3A_359 : memref<80x128xf32, #tpu.memory_space<vmem_shared>>)
      %dma_start3A_360 = arith.constant 0 : i32
      %dma_start3A_361 = arith.constant 0 : i32
      %dma_start3A_362 = tpu.memref_slice %arg6[%dma_start3A_360, %dma_start3A_361] : memref<10000x128xf32, #tpu.memory_space<vmem_shared>> -> memref<10000x128xf32, #tpu.memory_space<vmem_shared>>
      tpu.enqueue_indirect_dma source(%arg9 : memref<80x128xf32, #tpu.memory_space<vmem>>) target(%dma_start3A_362 : memref<10000x128xf32, #tpu.memory_space<vmem_shared>>) offsets(%arg17 : memref<80xi32, #tpu.memory_space<vmem>>) semaphore(%arg25 : memref<!tpu.dma_semaphore, #tpu.memory_space<semaphore_mem>>) {add = true}
      %mul3A_363 = arith.constant 4 : i32
      %mul3A_364 = arith.muli %scan3A_303, %mul3A_363 : i32
      %add3A_365 = arith.constant 1 : i32
      %add3A_366 = arith.addi %mul3A_364, %add3A_365 : i32
      %add3A_367 = arith.constant 4 : i32
      %add3A_368 = arith.addi %add3A_366, %add3A_367 : i32
      %mul3A_369 = arith.constant 80 : i32
      %mul3A_370 = arith.muli %add3A_368, %mul3A_369 : i32
      %add3A_371 = arith.addi %mul3A_115, %mul3A_370 : i32
      %dma_start3A_372 = tpu.memref_slice %arg3[%add3A_371] : memref<320000xi32, #tpu.memory_space<hbm>> -> memref<80xi32, #tpu.memory_space<hbm>>
      %dma_start3A_373 = tpu.memref_slice %arg3[%add3A_371] : memref<320000xi32, #tpu.memory_space<hbm>> -> memref<80xi32, #tpu.memory_space<hbm>>
      tpu.enqueue_dma source(%dma_start3A_373 : memref<80xi32, #tpu.memory_space<hbm>>) target(%arg12 : memref<80xi32, #tpu.memory_space<vmem>>) target_semaphore(%arg28 : memref<!tpu.dma_semaphore, #tpu.memory_space<semaphore_mem>>)
      %add3A_374 = arith.constant 4 : i32
      %add3A_375 = arith.addi %add3A_366, %add3A_374 : i32
      %mul3A_376 = arith.constant 80 : i32
      %mul3A_377 = arith.muli %add3A_375, %mul3A_376 : i32
      %add3A_378 = arith.addi %mul3A_115, %mul3A_377 : i32
      %dma_start3A_379 = tpu.memref_slice %arg4[%add3A_378] : memref<320000xi32, #tpu.memory_space<hbm>> -> memref<80xi32, #tpu.memory_space<hbm>>
      %dma_start3A_380 = tpu.memref_slice %arg4[%add3A_378] : memref<320000xi32, #tpu.memory_space<hbm>> -> memref<80xi32, #tpu.memory_space<hbm>>
      tpu.enqueue_dma source(%dma_start3A_380 : memref<80xi32, #tpu.memory_space<hbm>>) target(%arg16 : memref<80xi32, #tpu.memory_space<vmem>>) target_semaphore(%arg28 : memref<!tpu.dma_semaphore, #tpu.memory_space<semaphore_mem>>)
      %dma_wait3A_381 = arith.constant 0 : i32
      %dma_wait3A_382 = tpu.memref_slice %arg3[%dma_wait3A_381] : memref<320000xi32, #tpu.memory_space<hbm>> -> memref<80xi32, #tpu.memory_space<hbm>>
      %dma_wait3A_383 = arith.constant 0 : i32
      %dma_wait3A_384 = tpu.memref_slice %arg3[%dma_wait3A_383] : memref<320000xi32, #tpu.memory_space<hbm>> -> memref<80xi32, #tpu.memory_space<hbm>>
      tpu.wait_dma2 semaphore(%arg27 : memref<!tpu.dma_semaphore, #tpu.memory_space<semaphore_mem>>) src(%dma_wait3A_384 : memref<80xi32, #tpu.memory_space<hbm>>) dst(%arg11 : memref<80xi32, #tpu.memory_space<vmem>>)
      %dma_wait3A_385 = arith.constant 0 : i32
      %dma_wait3A_386 = tpu.memref_slice %arg4[%dma_wait3A_385] : memref<320000xi32, #tpu.memory_space<hbm>> -> memref<80xi32, #tpu.memory_space<hbm>>
      %dma_wait3A_387 = arith.constant 0 : i32
      %dma_wait3A_388 = tpu.memref_slice %arg4[%dma_wait3A_387] : memref<320000xi32, #tpu.memory_space<hbm>> -> memref<80xi32, #tpu.memory_space<hbm>>
      tpu.wait_dma2 semaphore(%arg27 : memref<!tpu.dma_semaphore, #tpu.memory_space<semaphore_mem>>) src(%dma_wait3A_388 : memref<80xi32, #tpu.memory_space<hbm>>) dst(%arg15 : memref<80xi32, #tpu.memory_space<vmem>>)
      %dma_start3A_389 = arith.constant 0 : i32
      %dma_start3A_390 = arith.constant 0 : i32
      %dma_start3A_391 = tpu.memref_slice %arg2[%dma_start3A_389, %dma_start3A_390] : memref<10000x128xf32, #tpu.memory_space<hbm>> -> memref<10000x128xf32, #tpu.memory_space<hbm>>
      tpu.enqueue_indirect_dma source(%dma_start3A_391 : memref<10000x128xf32, #tpu.memory_space<hbm>>) target(%arg7 : memref<80x128xf32, #tpu.memory_space<vmem>>) offsets(%arg11 : memref<80xi32, #tpu.memory_space<vmem>>) semaphore(%arg19 : memref<!tpu.dma_semaphore, #tpu.memory_space<semaphore_mem>>)
      %dma_wait3A_392 = arith.constant 0 : i32
      %dma_wait3A_393 = arith.constant 0 : i32
      %dma_wait3A_394 = tpu.memref_slice %arg2[%dma_wait3A_392, %dma_wait3A_393] : memref<10000x128xf32, #tpu.memory_space<hbm>> -> memref<80x128xf32, #tpu.memory_space<hbm>>
      %dma_wait3A_395 = arith.constant 0 : i32
      %dma_wait3A_396 = arith.constant 0 : i32
      %dma_wait3A_397 = tpu.memref_slice %arg2[%dma_wait3A_395, %dma_wait3A_396] : memref<10000x128xf32, #tpu.memory_space<hbm>> -> memref<80x128xf32, #tpu.memory_space<hbm>>
      tpu.wait_dma2 semaphore(%arg22 : memref<!tpu.dma_semaphore, #tpu.memory_space<semaphore_mem>>) src(%dma_wait3A_397 : memref<80x128xf32, #tpu.memory_space<hbm>>) dst(%arg10 : memref<80x128xf32, #tpu.memory_space<vmem>>)
      %dma_wait3A_398 = arith.constant 0 : i32
      %dma_wait3A_399 = arith.constant 0 : i32
      %dma_wait3A_400 = tpu.memref_slice %arg6[%dma_wait3A_398, %dma_wait3A_399] : memref<10000x128xf32, #tpu.memory_space<vmem_shared>> -> memref<80x128xf32, #tpu.memory_space<vmem_shared>>
      %dma_wait3A_401 = arith.constant 0 : i32
      %dma_wait3A_402 = arith.constant 0 : i32
      %dma_wait3A_403 = tpu.memref_slice %arg6[%dma_wait3A_401, %dma_wait3A_402] : memref<10000x128xf32, #tpu.memory_space<vmem_shared>> -> memref<80x128xf32, #tpu.memory_space<vmem_shared>>
      tpu.wait_dma2 semaphore(%arg25 : memref<!tpu.dma_semaphore, #tpu.memory_space<semaphore_mem>>) src(%arg9 : memref<80x128xf32, #tpu.memory_space<vmem>>) dst(%dma_wait3A_403 : memref<80x128xf32, #tpu.memory_space<vmem_shared>>)
      %dma_start3A_404 = arith.constant 0 : i32
      %dma_start3A_405 = arith.constant 0 : i32
      %dma_start3A_406 = tpu.memref_slice %arg6[%dma_start3A_404, %dma_start3A_405] : memref<10000x128xf32, #tpu.memory_space<vmem_shared>> -> memref<10000x128xf32, #tpu.memory_space<vmem_shared>>
      tpu.enqueue_indirect_dma source(%arg10 : memref<80x128xf32, #tpu.memory_space<vmem>>) target(%dma_start3A_406 : memref<10000x128xf32, #tpu.memory_space<vmem_shared>>) offsets(%arg18 : memref<80xi32, #tpu.memory_space<vmem>>) semaphore(%arg26 : memref<!tpu.dma_semaphore, #tpu.memory_space<semaphore_mem>>) {add = true}
      %mul3A_407 = arith.constant 4 : i32
      %mul3A_408 = arith.muli %scan3A_303, %mul3A_407 : i32
      %add3A_409 = arith.constant 2 : i32
      %add3A_410 = arith.addi %mul3A_408, %add3A_409 : i32
      %add3A_411 = arith.constant 4 : i32
      %add3A_412 = arith.addi %add3A_410, %add3A_411 : i32
      %mul3A_413 = arith.constant 80 : i32
      %mul3A_414 = arith.muli %add3A_412, %mul3A_413 : i32
      %add3A_415 = arith.addi %mul3A_115, %mul3A_414 : i32
      %dma_start3A_416 = tpu.memref_slice %arg3[%add3A_415] : memref<320000xi32, #tpu.memory_space<hbm>> -> memref<80xi32, #tpu.memory_space<hbm>>
      %dma_start3A_417 = tpu.memref_slice %arg3[%add3A_415] : memref<320000xi32, #tpu.memory_space<hbm>> -> memref<80xi32, #tpu.memory_space<hbm>>
      tpu.enqueue_dma source(%dma_start3A_417 : memref<80xi32, #tpu.memory_space<hbm>>) target(%arg13 : memref<80xi32, #tpu.memory_space<vmem>>) target_semaphore(%arg29 : memref<!tpu.dma_semaphore, #tpu.memory_space<semaphore_mem>>)
      %add3A_418 = arith.constant 4 : i32
      %add3A_419 = arith.addi %add3A_410, %add3A_418 : i32
      %mul3A_420 = arith.constant 80 : i32
      %mul3A_421 = arith.muli %add3A_419, %mul3A_420 : i32
      %add3A_422 = arith.addi %mul3A_115, %mul3A_421 : i32
      %dma_start3A_423 = tpu.memref_slice %arg4[%add3A_422] : memref<320000xi32, #tpu.memory_space<hbm>> -> memref<80xi32, #tpu.memory_space<hbm>>
      %dma_start3A_424 = tpu.memref_slice %arg4[%add3A_422] : memref<320000xi32, #tpu.memory_space<hbm>> -> memref<80xi32, #tpu.memory_space<hbm>>
      tpu.enqueue_dma source(%dma_start3A_424 : memref<80xi32, #tpu.memory_space<hbm>>) target(%arg17 : memref<80xi32, #tpu.memory_space<vmem>>) target_semaphore(%arg29 : memref<!tpu.dma_semaphore, #tpu.memory_space<semaphore_mem>>)
      %dma_wait3A_425 = arith.constant 0 : i32
      %dma_wait3A_426 = tpu.memref_slice %arg3[%dma_wait3A_425] : memref<320000xi32, #tpu.memory_space<hbm>> -> memref<80xi32, #tpu.memory_space<hbm>>
      %dma_wait3A_427 = arith.constant 0 : i32
      %dma_wait3A_428 = tpu.memref_slice %arg3[%dma_wait3A_427] : memref<320000xi32, #tpu.memory_space<hbm>> -> memref<80xi32, #tpu.memory_space<hbm>>
      tpu.wait_dma2 semaphore(%arg28 : memref<!tpu.dma_semaphore, #tpu.memory_space<semaphore_mem>>) src(%dma_wait3A_428 : memref<80xi32, #tpu.memory_space<hbm>>) dst(%arg12 : memref<80xi32, #tpu.memory_space<vmem>>)
      %dma_wait3A_429 = arith.constant 0 : i32
      %dma_wait3A_430 = tpu.memref_slice %arg4[%dma_wait3A_429] : memref<320000xi32, #tpu.memory_space<hbm>> -> memref<80xi32, #tpu.memory_space<hbm>>
      %dma_wait3A_431 = arith.constant 0 : i32
      %dma_wait3A_432 = tpu.memref_slice %arg4[%dma_wait3A_431] : memref<320000xi32, #tpu.memory_space<hbm>> -> memref<80xi32, #tpu.memory_space<hbm>>
      tpu.wait_dma2 semaphore(%arg28 : memref<!tpu.dma_semaphore, #tpu.memory_space<semaphore_mem>>) src(%dma_wait3A_432 : memref<80xi32, #tpu.memory_space<hbm>>) dst(%arg16 : memref<80xi32, #tpu.memory_space<vmem>>)
      %dma_start3A_433 = arith.constant 0 : i32
      %dma_start3A_434 = arith.constant 0 : i32
      %dma_start3A_435 = tpu.memref_slice %arg2[%dma_start3A_433, %dma_start3A_434] : memref<10000x128xf32, #tpu.memory_space<hbm>> -> memref<10000x128xf32, #tpu.memory_space<hbm>>
      tpu.enqueue_indirect_dma source(%dma_start3A_435 : memref<10000x128xf32, #tpu.memory_space<hbm>>) target(%arg8 : memref<80x128xf32, #tpu.memory_space<vmem>>) offsets(%arg12 : memref<80xi32, #tpu.memory_space<vmem>>) semaphore(%arg20 : memref<!tpu.dma_semaphore, #tpu.memory_space<semaphore_mem>>)
      %dma_wait3A_436 = arith.constant 0 : i32
      %dma_wait3A_437 = arith.constant 0 : i32
      %dma_wait3A_438 = tpu.memref_slice %arg2[%dma_wait3A_436, %dma_wait3A_437] : memref<10000x128xf32, #tpu.memory_space<hbm>> -> memref<80x128xf32, #tpu.memory_space<hbm>>
      %dma_wait3A_439 = arith.constant 0 : i32
      %dma_wait3A_440 = arith.constant 0 : i32
      %dma_wait3A_441 = tpu.memref_slice %arg2[%dma_wait3A_439, %dma_wait3A_440] : memref<10000x128xf32, #tpu.memory_space<hbm>> -> memref<80x128xf32, #tpu.memory_space<hbm>>
      tpu.wait_dma2 semaphore(%arg19 : memref<!tpu.dma_semaphore, #tpu.memory_space<semaphore_mem>>) src(%dma_wait3A_441 : memref<80x128xf32, #tpu.memory_space<hbm>>) dst(%arg7 : memref<80x128xf32, #tpu.memory_space<vmem>>)
      %dma_wait3A_442 = arith.constant 0 : i32
      %dma_wait3A_443 = arith.constant 0 : i32
      %dma_wait3A_444 = tpu.memref_slice %arg6[%dma_wait3A_442, %dma_wait3A_443] : memref<10000x128xf32, #tpu.memory_space<vmem_shared>> -> memref<80x128xf32, #tpu.memory_space<vmem_shared>>
      %dma_wait3A_445 = arith.constant 0 : i32
      %dma_wait3A_446 = arith.constant 0 : i32
      %dma_wait3A_447 = tpu.memref_slice %arg6[%dma_wait3A_445, %dma_wait3A_446] : memref<10000x128xf32, #tpu.memory_space<vmem_shared>> -> memref<80x128xf32, #tpu.memory_space<vmem_shared>>
      tpu.wait_dma2 semaphore(%arg26 : memref<!tpu.dma_semaphore, #tpu.memory_space<semaphore_mem>>) src(%arg10 : memref<80x128xf32, #tpu.memory_space<vmem>>) dst(%dma_wait3A_447 : memref<80x128xf32, #tpu.memory_space<vmem_shared>>)
      %dma_start3A_448 = arith.constant 0 : i32
      %dma_start3A_449 = arith.constant 0 : i32
      %dma_start3A_450 = tpu.memref_slice %arg6[%dma_start3A_448, %dma_start3A_449] : memref<10000x128xf32, #tpu.memory_space<vmem_shared>> -> memref<10000x128xf32, #tpu.memory_space<vmem_shared>>
      tpu.enqueue_indirect_dma source(%arg7 : memref<80x128xf32, #tpu.memory_space<vmem>>) target(%dma_start3A_450 : memref<10000x128xf32, #tpu.memory_space<vmem_shared>>) offsets(%arg15 : memref<80xi32, #tpu.memory_space<vmem>>) semaphore(%arg23 : memref<!tpu.dma_semaphore, #tpu.memory_space<semaphore_mem>>) {add = true}
      %mul3A_451 = arith.constant 4 : i32
      %mul3A_452 = arith.muli %scan3A_303, %mul3A_451 : i32
      %add3A_453 = arith.constant 3 : i32
      %add3A_454 = arith.addi %mul3A_452, %add3A_453 : i32
      %add3A_455 = arith.constant 4 : i32
      %add3A_456 = arith.addi %add3A_454, %add3A_455 : i32
      %mul3A_457 = arith.constant 80 : i32
      %mul3A_458 = arith.muli %add3A_456, %mul3A_457 : i32
      %add3A_459 = arith.addi %mul3A_115, %mul3A_458 : i32
      %dma_start3A_460 = tpu.memref_slice %arg3[%add3A_459] : memref<320000xi32, #tpu.memory_space<hbm>> -> memref<80xi32, #tpu.memory_space<hbm>>
      %dma_start3A_461 = tpu.memref_slice %arg3[%add3A_459] : memref<320000xi32, #tpu.memory_space<hbm>> -> memref<80xi32, #tpu.memory_space<hbm>>
      tpu.enqueue_dma source(%dma_start3A_461 : memref<80xi32, #tpu.memory_space<hbm>>) target(%arg14 : memref<80xi32, #tpu.memory_space<vmem>>) target_semaphore(%arg30 : memref<!tpu.dma_semaphore, #tpu.memory_space<semaphore_mem>>)
      %add3A_462 = arith.constant 4 : i32
      %add3A_463 = arith.addi %add3A_454, %add3A_462 : i32
      %mul3A_464 = arith.constant 80 : i32
      %mul3A_465 = arith.muli %add3A_463, %mul3A_464 : i32
      %add3A_466 = arith.addi %mul3A_115, %mul3A_465 : i32
      %dma_start3A_467 = tpu.memref_slice %arg4[%add3A_466] : memref<320000xi32, #tpu.memory_space<hbm>> -> memref<80xi32, #tpu.memory_space<hbm>>
      %dma_start3A_468 = tpu.memref_slice %arg4[%add3A_466] : memref<320000xi32, #tpu.memory_space<hbm>> -> memref<80xi32, #tpu.memory_space<hbm>>
      tpu.enqueue_dma source(%dma_start3A_468 : memref<80xi32, #tpu.memory_space<hbm>>) target(%arg18 : memref<80xi32, #tpu.memory_space<vmem>>) target_semaphore(%arg30 : memref<!tpu.dma_semaphore, #tpu.memory_space<semaphore_mem>>)
      %dma_wait3A_469 = arith.constant 0 : i32
      %dma_wait3A_470 = tpu.memref_slice %arg3[%dma_wait3A_469] : memref<320000xi32, #tpu.memory_space<hbm>> -> memref<80xi32, #tpu.memory_space<hbm>>
      %dma_wait3A_471 = arith.constant 0 : i32
      %dma_wait3A_472 = tpu.memref_slice %arg3[%dma_wait3A_471] : memref<320000xi32, #tpu.memory_space<hbm>> -> memref<80xi32, #tpu.memory_space<hbm>>
      tpu.wait_dma2 semaphore(%arg29 : memref<!tpu.dma_semaphore, #tpu.memory_space<semaphore_mem>>) src(%dma_wait3A_472 : memref<80xi32, #tpu.memory_space<hbm>>) dst(%arg13 : memref<80xi32, #tpu.memory_space<vmem>>)
      %dma_wait3A_473 = arith.constant 0 : i32
      %dma_wait3A_474 = tpu.memref_slice %arg4[%dma_wait3A_473] : memref<320000xi32, #tpu.memory_space<hbm>> -> memref<80xi32, #tpu.memory_space<hbm>>
      %dma_wait3A_475 = arith.constant 0 : i32
      %dma_wait3A_476 = tpu.memref_slice %arg4[%dma_wait3A_475] : memref<320000xi32, #tpu.memory_space<hbm>> -> memref<80xi32, #tpu.memory_space<hbm>>
      tpu.wait_dma2 semaphore(%arg29 : memref<!tpu.dma_semaphore, #tpu.memory_space<semaphore_mem>>) src(%dma_wait3A_476 : memref<80xi32, #tpu.memory_space<hbm>>) dst(%arg17 : memref<80xi32, #tpu.memory_space<vmem>>)
      %dma_start3A_477 = arith.constant 0 : i32
      %dma_start3A_478 = arith.constant 0 : i32
      %dma_start3A_479 = tpu.memref_slice %arg2[%dma_start3A_477, %dma_start3A_478] : memref<10000x128xf32, #tpu.memory_space<hbm>> -> memref<10000x128xf32, #tpu.memory_space<hbm>>
      tpu.enqueue_indirect_dma source(%dma_start3A_479 : memref<10000x128xf32, #tpu.memory_space<hbm>>) target(%arg9 : memref<80x128xf32, #tpu.memory_space<vmem>>) offsets(%arg13 : memref<80xi32, #tpu.memory_space<vmem>>) semaphore(%arg21 : memref<!tpu.dma_semaphore, #tpu.memory_space<semaphore_mem>>)
    }
    %scan3A_195 = arith.constant 30 : i32
    %dma_wait3A_196 = arith.constant 0 : i32
    %dma_wait3A_197 = arith.constant 0 : i32
    %dma_wait3A_198 = tpu.memref_slice %arg2[%dma_wait3A_196, %dma_wait3A_197] : memref<10000x128xf32, #tpu.memory_space<hbm>> -> memref<80x128xf32, #tpu.memory_space<hbm>>
    %dma_wait3A_199 = arith.constant 0 : i32
    %dma_wait3A_200 = arith.constant 0 : i32
    %dma_wait3A_201 = tpu.memref_slice %arg2[%dma_wait3A_199, %dma_wait3A_200] : memref<10000x128xf32, #tpu.memory_space<hbm>> -> memref<80x128xf32, #tpu.memory_space<hbm>>
    tpu.wait_dma2 semaphore(%arg20 : memref<!tpu.dma_semaphore, #tpu.memory_space<semaphore_mem>>) src(%dma_wait3A_201 : memref<80x128xf32, #tpu.memory_space<hbm>>) dst(%arg8 : memref<80x128xf32, #tpu.memory_space<vmem>>)
    %dma_wait3A_202 = arith.constant 0 : i32
    %dma_wait3A_203 = arith.constant 0 : i32
    %dma_wait3A_204 = tpu.memref_slice %arg6[%dma_wait3A_202, %dma_wait3A_203] : memref<10000x128xf32, #tpu.memory_space<vmem_shared>> -> memref<80x128xf32, #tpu.memory_space<vmem_shared>>
    %dma_wait3A_205 = arith.constant 0 : i32
    %dma_wait3A_206 = arith.constant 0 : i32
    %dma_wait3A_207 = tpu.memref_slice %arg6[%dma_wait3A_205, %dma_wait3A_206] : memref<10000x128xf32, #tpu.memory_space<vmem_shared>> -> memref<80x128xf32, #tpu.memory_space<vmem_shared>>
    tpu.wait_dma2 semaphore(%arg23 : memref<!tpu.dma_semaphore, #tpu.memory_space<semaphore_mem>>) src(%arg7 : memref<80x128xf32, #tpu.memory_space<vmem>>) dst(%dma_wait3A_207 : memref<80x128xf32, #tpu.memory_space<vmem_shared>>)
    %dma_start3A_208 = arith.constant 0 : i32
    %dma_start3A_209 = arith.constant 0 : i32
    %dma_start3A_210 = tpu.memref_slice %arg6[%dma_start3A_208, %dma_start3A_209] : memref<10000x128xf32, #tpu.memory_space<vmem_shared>> -> memref<10000x128xf32, #tpu.memory_space<vmem_shared>>
    tpu.enqueue_indirect_dma source(%arg8 : memref<80x128xf32, #tpu.memory_space<vmem>>) target(%dma_start3A_210 : memref<10000x128xf32, #tpu.memory_space<vmem_shared>>) offsets(%arg16 : memref<80xi32, #tpu.memory_space<vmem>>) semaphore(%arg24 : memref<!tpu.dma_semaphore, #tpu.memory_space<semaphore_mem>>) {add = true}
    %add3A_211 = arith.constant 9920 : i32
    %add3A_212 = arith.addi %mul3A_115, %add3A_211 : i32
    %dma_start3A_213 = tpu.memref_slice %arg3[%add3A_212] : memref<320000xi32, #tpu.memory_space<hbm>> -> memref<80xi32, #tpu.memory_space<hbm>>
    %dma_start3A_214 = tpu.memref_slice %arg3[%add3A_212] : memref<320000xi32, #tpu.memory_space<hbm>> -> memref<80xi32, #tpu.memory_space<hbm>>
    tpu.enqueue_dma source(%dma_start3A_214 : memref<80xi32, #tpu.memory_space<hbm>>) target(%arg11 : memref<80xi32, #tpu.memory_space<vmem>>) target_semaphore(%arg27 : memref<!tpu.dma_semaphore, #tpu.memory_space<semaphore_mem>>)
    %add3A_215 = arith.constant 9920 : i32
    %add3A_216 = arith.addi %mul3A_115, %add3A_215 : i32
    %dma_start3A_217 = tpu.memref_slice %arg4[%add3A_216] : memref<320000xi32, #tpu.memory_space<hbm>> -> memref<80xi32, #tpu.memory_space<hbm>>
    %dma_start3A_218 = tpu.memref_slice %arg4[%add3A_216] : memref<320000xi32, #tpu.memory_space<hbm>> -> memref<80xi32, #tpu.memory_space<hbm>>
    tpu.enqueue_dma source(%dma_start3A_218 : memref<80xi32, #tpu.memory_space<hbm>>) target(%arg15 : memref<80xi32, #tpu.memory_space<vmem>>) target_semaphore(%arg27 : memref<!tpu.dma_semaphore, #tpu.memory_space<semaphore_mem>>)
    %dma_wait3A_219 = arith.constant 0 : i32
    %dma_wait3A_220 = tpu.memref_slice %arg3[%dma_wait3A_219] : memref<320000xi32, #tpu.memory_space<hbm>> -> memref<80xi32, #tpu.memory_space<hbm>>
    %dma_wait3A_221 = arith.constant 0 : i32
    %dma_wait3A_222 = tpu.memref_slice %arg3[%dma_wait3A_221] : memref<320000xi32, #tpu.memory_space<hbm>> -> memref<80xi32, #tpu.memory_space<hbm>>
    tpu.wait_dma2 semaphore(%arg30 : memref<!tpu.dma_semaphore, #tpu.memory_space<semaphore_mem>>) src(%dma_wait3A_222 : memref<80xi32, #tpu.memory_space<hbm>>) dst(%arg14 : memref<80xi32, #tpu.memory_space<vmem>>)
    %dma_wait3A_223 = arith.constant 0 : i32
    %dma_wait3A_224 = tpu.memref_slice %arg4[%dma_wait3A_223] : memref<320000xi32, #tpu.memory_space<hbm>> -> memref<80xi32, #tpu.memory_space<hbm>>
    %dma_wait3A_225 = arith.constant 0 : i32
    %dma_wait3A_226 = tpu.memref_slice %arg4[%dma_wait3A_225] : memref<320000xi32, #tpu.memory_space<hbm>> -> memref<80xi32, #tpu.memory_space<hbm>>
    tpu.wait_dma2 semaphore(%arg30 : memref<!tpu.dma_semaphore, #tpu.memory_space<semaphore_mem>>) src(%dma_wait3A_226 : memref<80xi32, #tpu.memory_space<hbm>>) dst(%arg18 : memref<80xi32, #tpu.memory_space<vmem>>)
    %dma_start3A_227 = arith.constant 0 : i32
    %dma_start3A_228 = arith.constant 0 : i32
    %dma_start3A_229 = tpu.memref_slice %arg2[%dma_start3A_227, %dma_start3A_228] : memref<10000x128xf32, #tpu.memory_space<hbm>> -> memref<10000x128xf32, #tpu.memory_space<hbm>>
    tpu.enqueue_indirect_dma source(%dma_start3A_229 : memref<10000x128xf32, #tpu.memory_space<hbm>>) target(%arg10 : memref<80x128xf32, #tpu.memory_space<vmem>>) offsets(%arg14 : memref<80xi32, #tpu.memory_space<vmem>>) semaphore(%arg22 : memref<!tpu.dma_semaphore, #tpu.memory_space<semaphore_mem>>)
    %dma_wait3A_230 = arith.constant 0 : i32
    %dma_wait3A_231 = arith.constant 0 : i32
    %dma_wait3A_232 = tpu.memref_slice %arg2[%dma_wait3A_230, %dma_wait3A_231] : memref<10000x128xf32, #tpu.memory_space<hbm>> -> memref<80x128xf32, #tpu.memory_space<hbm>>
    %dma_wait3A_233 = arith.constant 0 : i32
    %dma_wait3A_234 = arith.constant 0 : i32
    %dma_wait3A_235 = tpu.memref_slice %arg2[%dma_wait3A_233, %dma_wait3A_234] : memref<10000x128xf32, #tpu.memory_space<hbm>> -> memref<80x128xf32, #tpu.memory_space<hbm>>
    tpu.wait_dma2 semaphore(%arg21 : memref<!tpu.dma_semaphore, #tpu.memory_space<semaphore_mem>>) src(%dma_wait3A_235 : memref<80x128xf32, #tpu.memory_space<hbm>>) dst(%arg9 : memref<80x128xf32, #tpu.memory_space<vmem>>)
    %dma_wait3A_236 = arith.constant 0 : i32
    %dma_wait3A_237 = arith.constant 0 : i32
    %dma_wait3A_238 = tpu.memref_slice %arg6[%dma_wait3A_236, %dma_wait3A_237] : memref<10000x128xf32, #tpu.memory_space<vmem_shared>> -> memref<80x128xf32, #tpu.memory_space<vmem_shared>>
    %dma_wait3A_239 = arith.constant 0 : i32
    %dma_wait3A_240 = arith.constant 0 : i32
    %dma_wait3A_241 = tpu.memref_slice %arg6[%dma_wait3A_239, %dma_wait3A_240] : memref<10000x128xf32, #tpu.memory_space<vmem_shared>> -> memref<80x128xf32, #tpu.memory_space<vmem_shared>>
    tpu.wait_dma2 semaphore(%arg24 : memref<!tpu.dma_semaphore, #tpu.memory_space<semaphore_mem>>) src(%arg8 : memref<80x128xf32, #tpu.memory_space<vmem>>) dst(%dma_wait3A_241 : memref<80x128xf32, #tpu.memory_space<vmem_shared>>)
    %dma_start3A_242 = arith.constant 0 : i32
    %dma_start3A_243 = arith.constant 0 : i32
    %dma_start3A_244 = tpu.memref_slice %arg6[%dma_start3A_242, %dma_start3A_243] : memref<10000x128xf32, #tpu.memory_space<vmem_shared>> -> memref<10000x128xf32, #tpu.memory_space<vmem_shared>>
    tpu.enqueue_indirect_dma source(%arg9 : memref<80x128xf32, #tpu.memory_space<vmem>>) target(%dma_start3A_244 : memref<10000x128xf32, #tpu.memory_space<vmem_shared>>) offsets(%arg17 : memref<80xi32, #tpu.memory_space<vmem>>) semaphore(%arg25 : memref<!tpu.dma_semaphore, #tpu.memory_space<semaphore_mem>>) {add = true}
    %dma_wait3A_245 = arith.constant 0 : i32
    %dma_wait3A_246 = tpu.memref_slice %arg3[%dma_wait3A_245] : memref<320000xi32, #tpu.memory_space<hbm>> -> memref<80xi32, #tpu.memory_space<hbm>>
    %dma_wait3A_247 = arith.constant 0 : i32
    %dma_wait3A_248 = tpu.memref_slice %arg3[%dma_wait3A_247] : memref<320000xi32, #tpu.memory_space<hbm>> -> memref<80xi32, #tpu.memory_space<hbm>>
    tpu.wait_dma2 semaphore(%arg27 : memref<!tpu.dma_semaphore, #tpu.memory_space<semaphore_mem>>) src(%dma_wait3A_248 : memref<80xi32, #tpu.memory_space<hbm>>) dst(%arg11 : memref<80xi32, #tpu.memory_space<vmem>>)
    %dma_wait3A_249 = arith.constant 0 : i32
    %dma_wait3A_250 = tpu.memref_slice %arg4[%dma_wait3A_249] : memref<320000xi32, #tpu.memory_space<hbm>> -> memref<80xi32, #tpu.memory_space<hbm>>
    %dma_wait3A_251 = arith.constant 0 : i32
    %dma_wait3A_252 = tpu.memref_slice %arg4[%dma_wait3A_251] : memref<320000xi32, #tpu.memory_space<hbm>> -> memref<80xi32, #tpu.memory_space<hbm>>
    tpu.wait_dma2 semaphore(%arg27 : memref<!tpu.dma_semaphore, #tpu.memory_space<semaphore_mem>>) src(%dma_wait3A_252 : memref<80xi32, #tpu.memory_space<hbm>>) dst(%arg15 : memref<80xi32, #tpu.memory_space<vmem>>)
    %dma_start3A_253 = arith.constant 0 : i32
    %dma_start3A_254 = arith.constant 0 : i32
    %dma_start3A_255 = tpu.memref_slice %arg2[%dma_start3A_253, %dma_start3A_254] : memref<10000x128xf32, #tpu.memory_space<hbm>> -> memref<10000x128xf32, #tpu.memory_space<hbm>>
    tpu.enqueue_indirect_dma source(%dma_start3A_255 : memref<10000x128xf32, #tpu.memory_space<hbm>>) target(%arg7 : memref<80x128xf32, #tpu.memory_space<vmem>>) offsets(%arg11 : memref<80xi32, #tpu.memory_space<vmem>>) semaphore(%arg19 : memref<!tpu.dma_semaphore, #tpu.memory_space<semaphore_mem>>)
    %dma_wait3A_256 = arith.constant 0 : i32
    %dma_wait3A_257 = arith.constant 0 : i32
    %dma_wait3A_258 = tpu.memref_slice %arg2[%dma_wait3A_256, %dma_wait3A_257] : memref<10000x128xf32, #tpu.memory_space<hbm>> -> memref<80x128xf32, #tpu.memory_space<hbm>>
    %dma_wait3A_259 = arith.constant 0 : i32
    %dma_wait3A_260 = arith.constant 0 : i32
    %dma_wait3A_261 = tpu.memref_slice %arg2[%dma_wait3A_259, %dma_wait3A_260] : memref<10000x128xf32, #tpu.memory_space<hbm>> -> memref<80x128xf32, #tpu.memory_space<hbm>>
    tpu.wait_dma2 semaphore(%arg22 : memref<!tpu.dma_semaphore, #tpu.memory_space<semaphore_mem>>) src(%dma_wait3A_261 : memref<80x128xf32, #tpu.memory_space<hbm>>) dst(%arg10 : memref<80x128xf32, #tpu.memory_space<vmem>>)
    %dma_wait3A_262 = arith.constant 0 : i32
    %dma_wait3A_263 = arith.constant 0 : i32
    %dma_wait3A_264 = tpu.memref_slice %arg6[%dma_wait3A_262, %dma_wait3A_263] : memref<10000x128xf32, #tpu.memory_space<vmem_shared>> -> memref<80x128xf32, #tpu.memory_space<vmem_shared>>
    %dma_wait3A_265 = arith.constant 0 : i32
    %dma_wait3A_266 = arith.constant 0 : i32
    %dma_wait3A_267 = tpu.memref_slice %arg6[%dma_wait3A_265, %dma_wait3A_266] : memref<10000x128xf32, #tpu.memory_space<vmem_shared>> -> memref<80x128xf32, #tpu.memory_space<vmem_shared>>
    tpu.wait_dma2 semaphore(%arg25 : memref<!tpu.dma_semaphore, #tpu.memory_space<semaphore_mem>>) src(%arg9 : memref<80x128xf32, #tpu.memory_space<vmem>>) dst(%dma_wait3A_267 : memref<80x128xf32, #tpu.memory_space<vmem_shared>>)
    %dma_start3A_268 = arith.constant 0 : i32
    %dma_start3A_269 = arith.constant 0 : i32
    %dma_start3A_270 = tpu.memref_slice %arg6[%dma_start3A_268, %dma_start3A_269] : memref<10000x128xf32, #tpu.memory_space<vmem_shared>> -> memref<10000x128xf32, #tpu.memory_space<vmem_shared>>
    tpu.enqueue_indirect_dma source(%arg10 : memref<80x128xf32, #tpu.memory_space<vmem>>) target(%dma_start3A_270 : memref<10000x128xf32, #tpu.memory_space<vmem_shared>>) offsets(%arg18 : memref<80xi32, #tpu.memory_space<vmem>>) semaphore(%arg26 : memref<!tpu.dma_semaphore, #tpu.memory_space<semaphore_mem>>) {add = true}
    %dma_wait3A_271 = arith.constant 0 : i32
    %dma_wait3A_272 = arith.constant 0 : i32
    %dma_wait3A_273 = tpu.memref_slice %arg2[%dma_wait3A_271, %dma_wait3A_272] : memref<10000x128xf32, #tpu.memory_space<hbm>> -> memref<80x128xf32, #tpu.memory_space<hbm>>
    %dma_wait3A_274 = arith.constant 0 : i32
    %dma_wait3A_275 = arith.constant 0 : i32
    %dma_wait3A_276 = tpu.memref_slice %arg2[%dma_wait3A_274, %dma_wait3A_275] : memref<10000x128xf32, #tpu.memory_space<hbm>> -> memref<80x128xf32, #tpu.memory_space<hbm>>
    tpu.wait_dma2 semaphore(%arg19 : memref<!tpu.dma_semaphore, #tpu.memory_space<semaphore_mem>>) src(%dma_wait3A_276 : memref<80x128xf32, #tpu.memory_space<hbm>>) dst(%arg7 : memref<80x128xf32, #tpu.memory_space<vmem>>)
    %dma_wait3A_277 = arith.constant 0 : i32
    %dma_wait3A_278 = arith.constant 0 : i32
    %dma_wait3A_279 = tpu.memref_slice %arg6[%dma_wait3A_277, %dma_wait3A_278] : memref<10000x128xf32, #tpu.memory_space<vmem_shared>> -> memref<80x128xf32, #tpu.memory_space<vmem_shared>>
    %dma_wait3A_280 = arith.constant 0 : i32
    %dma_wait3A_281 = arith.constant 0 : i32
    %dma_wait3A_282 = tpu.memref_slice %arg6[%dma_wait3A_280, %dma_wait3A_281] : memref<10000x128xf32, #tpu.memory_space<vmem_shared>> -> memref<80x128xf32, #tpu.memory_space<vmem_shared>>
    tpu.wait_dma2 semaphore(%arg26 : memref<!tpu.dma_semaphore, #tpu.memory_space<semaphore_mem>>) src(%arg10 : memref<80x128xf32, #tpu.memory_space<vmem>>) dst(%dma_wait3A_282 : memref<80x128xf32, #tpu.memory_space<vmem_shared>>)
    %dma_start3A_283 = arith.constant 0 : i32
    %dma_start3A_284 = arith.constant 0 : i32
    %dma_start3A_285 = tpu.memref_slice %arg6[%dma_start3A_283, %dma_start3A_284] : memref<10000x128xf32, #tpu.memory_space<vmem_shared>> -> memref<10000x128xf32, #tpu.memory_space<vmem_shared>>
    tpu.enqueue_indirect_dma source(%arg7 : memref<80x128xf32, #tpu.memory_space<vmem>>) target(%dma_start3A_285 : memref<10000x128xf32, #tpu.memory_space<vmem_shared>>) offsets(%arg15 : memref<80xi32, #tpu.memory_space<vmem>>) semaphore(%arg23 : memref<!tpu.dma_semaphore, #tpu.memory_space<semaphore_mem>>) {add = true}
    %dma_wait3A_286 = arith.constant 0 : i32
    %dma_wait3A_287 = arith.constant 0 : i32
    %dma_wait3A_288 = tpu.memref_slice %arg6[%dma_wait3A_286, %dma_wait3A_287] : memref<10000x128xf32, #tpu.memory_space<vmem_shared>> -> memref<80x128xf32, #tpu.memory_space<vmem_shared>>
    %dma_wait3A_289 = arith.constant 0 : i32
    %dma_wait3A_290 = arith.constant 0 : i32
    %dma_wait3A_291 = tpu.memref_slice %arg6[%dma_wait3A_289, %dma_wait3A_290] : memref<10000x128xf32, #tpu.memory_space<vmem_shared>> -> memref<80x128xf32, #tpu.memory_space<vmem_shared>>
    tpu.wait_dma2 semaphore(%arg23 : memref<!tpu.dma_semaphore, #tpu.memory_space<semaphore_mem>>) src(%arg7 : memref<80x128xf32, #tpu.memory_space<vmem>>) dst(%dma_wait3A_291 : memref<80x128xf32, #tpu.memory_space<vmem_shared>>)
    %barrier3A_292 = arith.constant 0 : index
    tpu.barrier barrier_id(%barrier3A_292)
    %lt3A_293 = arith.constant 2 : i32
    %lt3A_294 = arith.cmpi slt, %arg1, %lt3A_293 : i32
    %convert_element_type3A_295 = arith.extui %lt3A_294 : i1 to i32
    %cond3A_296 = arith.constant 0 : i32
    %cond3A_297 = arith.cmpi ne, %convert_element_type3A_295, %cond3A_296 : i32
    scf.if %cond3A_297 {
      %mul3A_303 = arith.constant 632 : i32
      %mul3A_304 = arith.muli %arg1, %mul3A_303 : i32
      "tpu.region"() ({
        %run_scoped3A = tpu.sem_alloc : memref<!tpu.dma_semaphore, #tpu.memory_space<semaphore_mem>>
        %dma_start3A_305 = arith.constant 0 : i32
        %dma_start3A_306 = tpu.memref_slice %arg5[%arg0, %mul3A_304, %dma_start3A_305] : memref<2x10000x128xf32, #tpu.memory_space<hbm>> -> memref<1x632x128xf32, #tpu.memory_space<hbm>>
        %dma_start3A_307 = tpu.memref_squeeze %dma_start3A_306 : memref<1x632x128xf32, #tpu.memory_space<hbm>> -> memref<632x128xf32, #tpu.memory_space<hbm>>
        %dma_start3A_308 = arith.constant 0 : i32
        %dma_start3A_309 = tpu.memref_slice %arg6[%mul3A_304, %dma_start3A_308] : memref<10000x128xf32, #tpu.memory_space<vmem_shared>> -> memref<632x128xf32, #tpu.memory_space<vmem_shared>>
        tpu.enqueue_dma source(%dma_start3A_309 : memref<632x128xf32, #tpu.memory_space<vmem_shared>>) target(%dma_start3A_307 : memref<632x128xf32, #tpu.memory_space<hbm>>) target_semaphore(%run_scoped3A : memref<!tpu.dma_semaphore, #tpu.memory_space<semaphore_mem>>)
        %dma_wait3A_310 = arith.constant 0 : i32
        %dma_wait3A_311 = tpu.memref_slice %arg5[%arg0, %mul3A_304, %dma_wait3A_310] : memref<2x10000x128xf32, #tpu.memory_space<hbm>> -> memref<1x632x128xf32, #tpu.memory_space<hbm>>
        %dma_wait3A_312 = tpu.memref_squeeze %dma_wait3A_311 : memref<1x632x128xf32, #tpu.memory_space<hbm>> -> memref<632x128xf32, #tpu.memory_space<hbm>>
        %dma_wait3A_313 = arith.constant 0 : i32
        %dma_wait3A_314 = tpu.memref_slice %arg6[%mul3A_304, %dma_wait3A_313] : memref<10000x128xf32, #tpu.memory_space<vmem_shared>> -> memref<632x128xf32, #tpu.memory_space<vmem_shared>>
        tpu.wait_dma2 semaphore(%run_scoped3A : memref<!tpu.dma_semaphore, #tpu.memory_space<semaphore_mem>>) src(%dma_wait3A_314 : memref<632x128xf32, #tpu.memory_space<vmem_shared>>) dst(%dma_wait3A_312 : memref<632x128xf32, #tpu.memory_space<hbm>>)
        tpu.yield
      }) : () -> ()
    } else {
    }
    %ge3A_298 = arith.constant 2 : i32
    %ge3A_299 = arith.cmpi sge, %arg1, %ge3A_298 : i32
    %convert_element_type3A_300 = arith.extui %ge3A_299 : i1 to i32
    %cond3A_301 = arith.constant 0 : i32
    %cond3A_302 = arith.cmpi ne, %convert_element_type3A_300, %cond3A_301 : i32
    scf.if %cond3A_302 {
      %sub3A_303 = arith.constant 2 : i32
      %sub3A_304 = arith.subi %arg1, %sub3A_303 : i32
      %mul3A_305 = arith.constant 624 : i32
      %mul3A_306 = arith.muli %sub3A_304, %mul3A_305 : i32
      %add3A_307 = arith.constant 1264 : i32
      %add3A_308 = arith.addi %add3A_307, %mul3A_306 : i32
      "tpu.region"() ({
        %run_scoped3A = tpu.sem_alloc : memref<!tpu.dma_semaphore, #tpu.memory_space<semaphore_mem>>
        %dma_start3A_309 = arith.constant 0 : i32
        %dma_start3A_310 = tpu.memref_slice %arg5[%arg0, %add3A_308, %dma_start3A_309] : memref<2x10000x128xf32, #tpu.memory_space<hbm>> -> memref<1x624x128xf32, #tpu.memory_space<hbm>>
        %dma_start3A_311 = tpu.memref_squeeze %dma_start3A_310 : memref<1x624x128xf32, #tpu.memory_space<hbm>> -> memref<624x128xf32, #tpu.memory_space<hbm>>
        %dma_start3A_312 = arith.constant 0 : i32
        %dma_start3A_313 = tpu.memref_slice %arg6[%add3A_308, %dma_start3A_312] : memref<10000x128xf32, #tpu.memory_space<vmem_shared>> -> memref<624x128xf32, #tpu.memory_space<vmem_shared>>
        tpu.enqueue_dma source(%dma_start3A_313 : memref<624x128xf32, #tpu.memory_space<vmem_shared>>) target(%dma_start3A_311 : memref<624x128xf32, #tpu.memory_space<hbm>>) target_semaphore(%run_scoped3A : memref<!tpu.dma_semaphore, #tpu.memory_space<semaphore_mem>>)
        %dma_wait3A_314 = arith.constant 0 : i32
        %dma_wait3A_315 = tpu.memref_slice %arg5[%arg0, %add3A_308, %dma_wait3A_314] : memref<2x10000x128xf32, #tpu.memory_space<hbm>> -> memref<1x624x128xf32, #tpu.memory_space<hbm>>
        %dma_wait3A_316 = tpu.memref_squeeze %dma_wait3A_315 : memref<1x624x128xf32, #tpu.memory_space<hbm>> -> memref<624x128xf32, #tpu.memory_space<hbm>>
        %dma_wait3A_317 = arith.constant 0 : i32
        %dma_wait3A_318 = tpu.memref_slice %arg6[%add3A_308, %dma_wait3A_317] : memref<10000x128xf32, #tpu.memory_space<vmem_shared>> -> memref<624x128xf32, #tpu.memory_space<vmem_shared>>
        tpu.wait_dma2 semaphore(%run_scoped3A : memref<!tpu.dma_semaphore, #tpu.memory_space<semaphore_mem>>) src(%dma_wait3A_318 : memref<624x128xf32, #tpu.memory_space<vmem_shared>>) dst(%dma_wait3A_316 : memref<624x128xf32, #tpu.memory_space<hbm>>)
        tpu.yield
      }) : () -> ()
    } else {
    }
    return
  }
}

#map = affine_map<(d0, d1) -> (0, 0)>
#map1 = affine_map<(d0, d1) -> (0)>
#map2 = affine_map<(d0, d1) -> (0, 0, 0)>
module attributes {stable_mosaic.version = 14 : i64} {
  func.func @_sc_aggregate_body(%arg0: i32, %arg1: i32, %arg2: memref<10000x128xf32, #tpu.memory_space<hbm>>, %arg3: memref<320000xi32, #tpu.memory_space<hbm>>, %arg4: memref<320000xi32, #tpu.memory_space<hbm>>, %arg5: memref<2x10000x128xf32, #tpu.memory_space<hbm>>, %arg6: memref<10000x128xf32, #tpu.memory_space<vmem_shared>>, %arg7: memref<80x128xf32, #tpu.memory_space<vmem>>, %arg8: memref<80x128xf32, #tpu.memory_space<vmem>>, %arg9: memref<80x128xf32, #tpu.memory_space<vmem>>, %arg10: memref<80x128xf32, #tpu.memory_space<vmem>>, %arg11: memref<80xi32, #tpu.memory_space<vmem>>, %arg12: memref<80xi32, #tpu.memory_space<vmem>>, %arg13: memref<80xi32, #tpu.memory_space<vmem>>, %arg14: memref<80xi32, #tpu.memory_space<vmem>>, %arg15: memref<80xi32, #tpu.memory_space<vmem>>, %arg16: memref<80xi32, #tpu.memory_space<vmem>>, %arg17: memref<80xi32, #tpu.memory_space<vmem>>, %arg18: memref<80xi32, #tpu.memory_space<vmem>>, %arg19: memref<!tpu.dma_semaphore, #tpu.memory_space<semaphore_mem>>, %arg20: memref<!tpu.dma_semaphore, #tpu.memory_space<semaphore_mem>>, %arg21: memref<!tpu.dma_semaphore, #tpu.memory_space<semaphore_mem>>, %arg22: memref<!tpu.dma_semaphore, #tpu.memory_space<semaphore_mem>>, %arg23: memref<!tpu.dma_semaphore, #tpu.memory_space<semaphore_mem>>, %arg24: memref<!tpu.dma_semaphore, #tpu.memory_space<semaphore_mem>>, %arg25: memref<!tpu.dma_semaphore, #tpu.memory_space<semaphore_mem>>, %arg26: memref<!tpu.dma_semaphore, #tpu.memory_space<semaphore_mem>>, %arg27: memref<!tpu.dma_semaphore, #tpu.memory_space<semaphore_mem>>, %arg28: memref<!tpu.dma_semaphore, #tpu.memory_space<semaphore_mem>>, %arg29: memref<!tpu.dma_semaphore, #tpu.memory_space<semaphore_mem>>, %arg30: memref<!tpu.dma_semaphore, #tpu.memory_space<semaphore_mem>>) attributes {dimension_semantics = [#tpu.dimension_semantics<core_parallel>, #tpu.dimension_semantics<subcore_parallel>], iteration_bounds = array<i64: 2, 16>, scalar_prefetch = 0 : i64, scratch_operands = 25 : i64, tpu.core_type = #tpu.core_type<sc_vector_subcore>, window_params = [{transform_indices = #map}, {transform_indices = #map1}, {transform_indices = #map1}, {transform_indices = #map2}]} {
    %mul3A = arith.constant 16 : i32
    %mul3A_0 = arith.muli %arg0, %mul3A : i32
    %add3A = arith.addi %mul3A_0, %arg1 : i32
    %broadcast_in_dim3A = arith.constant 0.000000e+00 : f32
    %broadcast_in_dim3A_1 = vector.broadcast %broadcast_in_dim3A : f32 to vector<16xf32>
    %scan3A = arith.constant 0 : i32
    %scan3A_2 = arith.constant 0 : i32
    %scan3A_3 = arith.constant 640 : i32
    %scan3A_4 = arith.addi %scan3A_2, %scan3A_3 : i32
    %scan3A_5 = arith.constant 1 : i32
    scf.for %scan3A_303 = %scan3A_2 to %scan3A_4 step %scan3A_5  : i32 {
      %jit3A = arith.constant 8 : i32
      %div3A = arith.divsi %scan3A_303, %jit3A : i32
      %sign3A = arith.constant 0 : i32
      %sign3A_304 = arith.cmpi sgt, %scan3A_303, %sign3A : i32
      %sign3A_305 = arith.extui %sign3A_304 : i1 to i32
      %sign3A_306 = arith.constant 0 : i32
      %sign3A_307 = arith.cmpi slt, %scan3A_303, %sign3A_306 : i32
      %sign3A_308 = arith.extui %sign3A_307 : i1 to i32
      %sign3A_309 = arith.subi %sign3A_305, %sign3A_308 : i32
      %sign3A_310 = arith.constant 0 : i32
      %sign3A_311 = arith.cmpi sgt, %jit3A, %sign3A_310 : i32
      %sign3A_312 = arith.extui %sign3A_311 : i1 to i32
      %sign3A_313 = arith.constant 0 : i32
      %sign3A_314 = arith.cmpi slt, %jit3A, %sign3A_313 : i32
      %sign3A_315 = arith.extui %sign3A_314 : i1 to i32
      %sign3A_316 = arith.subi %sign3A_312, %sign3A_315 : i32
      %ne3A = arith.cmpi ne, %sign3A_309, %sign3A_316 : i32
      %rem3A = arith.remsi %scan3A_303, %jit3A : i32
      %ne3A_317 = arith.constant 0 : i32
      %ne3A_318 = arith.cmpi ne, %rem3A, %ne3A_317 : i32
      %and3A = arith.andi %ne3A, %ne3A_318 : i1
      %sub3A_319 = arith.constant 1 : i32
      %sub3A_320 = arith.subi %div3A, %sub3A_319 : i32
      %select_n3A_321 = arith.select %and3A, %sub3A_320, %div3A : i32
      %jit3A_322 = arith.constant 8 : i32
      %eq3A = arith.constant 0 : i32
      %eq3A_323 = arith.cmpi eq, %jit3A_322, %eq3A : i32
      %jit3A_324 = arith.constant 1 : i32
      %select_n3A_325 = arith.select %eq3A_323, %jit3A_324, %jit3A_322 : i32
      %rem3A_326 = arith.remsi %scan3A_303, %select_n3A_325 : i32
      %ne3A_327 = arith.constant 0 : i32
      %ne3A_328 = arith.cmpi ne, %rem3A_326, %ne3A_327 : i32
      %lt3A_329 = arith.constant 0 : i32
      %lt3A_330 = arith.cmpi slt, %rem3A_326, %lt3A_329 : i32
      %lt3A_331 = arith.constant 0 : i32
      %lt3A_332 = arith.cmpi slt, %select_n3A_325, %lt3A_331 : i32
      %ne3A_333 = arith.xori %lt3A_330, %lt3A_332 : i1
      %and3A_334 = arith.andi %ne3A_333, %ne3A_328 : i1
      %add3A_335 = arith.addi %rem3A_326, %select_n3A_325 : i32
      %select_n3A_336 = arith.select %and3A_334, %add3A_335, %rem3A_326 : i32
      %mul3A_337 = arith.constant 16 : i32
      %mul3A_338 = arith.muli %select_n3A_336, %mul3A_337 : i32
      %swap3A = arith.index_cast %select_n3A_321 : i32 to index
      %swap3A_339 = arith.index_cast %mul3A_338 : i32 to index
      %swap3A_340 = tpu.vector_load %arg7[%swap3A, %swap3A_339] {strides = array<i32>} : memref<80x128xf32, #tpu.memory_space<vmem>>, vector<1x16xf32>,
      %swap3A_341 = vector.shape_cast %swap3A_340 : vector<1x16xf32> to vector<16xf32>
      %swap3A_342 = vector.shape_cast %broadcast_in_dim3A_1 : vector<16xf32> to vector<1x16xf32>
      tpu.vector_store %arg7[%swap3A, %swap3A_339], %swap3A_342 {strides = array<i32>} : memref<80x128xf32, #tpu.memory_space<vmem>>, vector<1x16xf32>,
    }
    %scan3A_6 = arith.constant 640 : i32
    %mul3A_7 = arith.constant 632 : i32
    %mul3A_8 = arith.muli %arg1, %mul3A_7 : i32
    %sub3A = arith.constant 2 : i32
    %sub3A_9 = arith.subi %arg1, %sub3A : i32
    %mul3A_10 = arith.constant 624 : i32
    %mul3A_11 = arith.muli %sub3A_9, %mul3A_10 : i32
    %add3A_12 = arith.constant 1264 : i32
    %add3A_13 = arith.addi %add3A_12, %mul3A_11 : i32
    %lt3A = arith.constant 2 : i32
    %lt3A_14 = arith.cmpi slt, %arg1, %lt3A : i32
    %select_n3A = arith.select %lt3A_14, %mul3A_8, %add3A_13 : i32
    %add3A_15 = arith.constant 0 : i32
    %add3A_16 = arith.addi %select_n3A, %add3A_15 : i32
    %dma_start3A = arith.constant 0 : i32
    %dma_start3A_17 = tpu.memref_slice %arg6[%add3A_16, %dma_start3A] : memref<10000x128xf32, #tpu.memory_space<vmem_shared>> -> memref<80x128xf32, #tpu.memory_space<vmem_shared>>
    %dma_start3A_18 = arith.constant 0 : i32
    %dma_start3A_19 = tpu.memref_slice %arg6[%add3A_16, %dma_start3A_18] : memref<10000x128xf32, #tpu.memory_space<vmem_shared>> -> memref<80x128xf32, #tpu.memory_space<vmem_shared>>
    tpu.enqueue_dma source(%arg7 : memref<80x128xf32, #tpu.memory_space<vmem>>) target(%dma_start3A_19 : memref<80x128xf32, #tpu.memory_space<vmem_shared>>) target_semaphore(%arg19 : memref<!tpu.dma_semaphore, #tpu.memory_space<semaphore_mem>>)
    %add3A_20 = arith.constant 80 : i32
    %add3A_21 = arith.addi %select_n3A, %add3A_20 : i32
    %dma_start3A_22 = arith.constant 0 : i32
    %dma_start3A_23 = tpu.memref_slice %arg6[%add3A_21, %dma_start3A_22] : memref<10000x128xf32, #tpu.memory_space<vmem_shared>> -> memref<80x128xf32, #tpu.memory_space<vmem_shared>>
    %dma_start3A_24 = arith.constant 0 : i32
    %dma_start3A_25 = tpu.memref_slice %arg6[%add3A_21, %dma_start3A_24] : memref<10000x128xf32, #tpu.memory_space<vmem_shared>> -> memref<80x128xf32, #tpu.memory_space<vmem_shared>>
    tpu.enqueue_dma source(%arg7 : memref<80x128xf32, #tpu.memory_space<vmem>>) target(%dma_start3A_25 : memref<80x128xf32, #tpu.memory_space<vmem_shared>>) target_semaphore(%arg19 : memref<!tpu.dma_semaphore, #tpu.memory_space<semaphore_mem>>)
    %add3A_26 = arith.constant 160 : i32
    %add3A_27 = arith.addi %select_n3A, %add3A_26 : i32
    %dma_start3A_28 = arith.constant 0 : i32
    %dma_start3A_29 = tpu.memref_slice %arg6[%add3A_27, %dma_start3A_28] : memref<10000x128xf32, #tpu.memory_space<vmem_shared>> -> memref<80x128xf32, #tpu.memory_space<vmem_shared>>
    %dma_start3A_30 = arith.constant 0 : i32
    %dma_start3A_31 = tpu.memref_slice %arg6[%add3A_27, %dma_start3A_30] : memref<10000x128xf32, #tpu.memory_space<vmem_shared>> -> memref<80x128xf32, #tpu.memory_space<vmem_shared>>
    tpu.enqueue_dma source(%arg7 : memref<80x128xf32, #tpu.memory_space<vmem>>) target(%dma_start3A_31 : memref<80x128xf32, #tpu.memory_space<vmem_shared>>) target_semaphore(%arg19 : memref<!tpu.dma_semaphore, #tpu.memory_space<semaphore_mem>>)
    %add3A_32 = arith.constant 240 : i32
    %add3A_33 = arith.addi %select_n3A, %add3A_32 : i32
    %dma_start3A_34 = arith.constant 0 : i32
    %dma_start3A_35 = tpu.memref_slice %arg6[%add3A_33, %dma_start3A_34] : memref<10000x128xf32, #tpu.memory_space<vmem_shared>> -> memref<80x128xf32, #tpu.memory_space<vmem_shared>>
    %dma_start3A_36 = arith.constant 0 : i32
    %dma_start3A_37 = tpu.memref_slice %arg6[%add3A_33, %dma_start3A_36] : memref<10000x128xf32, #tpu.memory_space<vmem_shared>> -> memref<80x128xf32, #tpu.memory_space<vmem_shared>>
    tpu.enqueue_dma source(%arg7 : memref<80x128xf32, #tpu.memory_space<vmem>>) target(%dma_start3A_37 : memref<80x128xf32, #tpu.memory_space<vmem_shared>>) target_semaphore(%arg19 : memref<!tpu.dma_semaphore, #tpu.memory_space<semaphore_mem>>)
    %add3A_38 = arith.constant 320 : i32
    %add3A_39 = arith.addi %select_n3A, %add3A_38 : i32
    %dma_start3A_40 = arith.constant 0 : i32
    %dma_start3A_41 = tpu.memref_slice %arg6[%add3A_39, %dma_start3A_40] : memref<10000x128xf32, #tpu.memory_space<vmem_shared>> -> memref<80x128xf32, #tpu.memory_space<vmem_shared>>
    %dma_start3A_42 = arith.constant 0 : i32
    %dma_start3A_43 = tpu.memref_slice %arg6[%add3A_39, %dma_start3A_42] : memref<10000x128xf32, #tpu.memory_space<vmem_shared>> -> memref<80x128xf32, #tpu.memory_space<vmem_shared>>
    tpu.enqueue_dma source(%arg7 : memref<80x128xf32, #tpu.memory_space<vmem>>) target(%dma_start3A_43 : memref<80x128xf32, #tpu.memory_space<vmem_shared>>) target_semaphore(%arg19 : memref<!tpu.dma_semaphore, #tpu.memory_space<semaphore_mem>>)
    %add3A_44 = arith.constant 400 : i32
    %add3A_45 = arith.addi %select_n3A, %add3A_44 : i32
    %dma_start3A_46 = arith.constant 0 : i32
    %dma_start3A_47 = tpu.memref_slice %arg6[%add3A_45, %dma_start3A_46] : memref<10000x128xf32, #tpu.memory_space<vmem_shared>> -> memref<80x128xf32, #tpu.memory_space<vmem_shared>>
    %dma_start3A_48 = arith.constant 0 : i32
    %dma_start3A_49 = tpu.memref_slice %arg6[%add3A_45, %dma_start3A_48] : memref<10000x128xf32, #tpu.memory_space<vmem_shared>> -> memref<80x128xf32, #tpu.memory_space<vmem_shared>>
    tpu.enqueue_dma source(%arg7 : memref<80x128xf32, #tpu.memory_space<vmem>>) target(%dma_start3A_49 : memref<80x128xf32, #tpu.memory_space<vmem_shared>>) target_semaphore(%arg19 : memref<!tpu.dma_semaphore, #tpu.memory_space<semaphore_mem>>)
    %add3A_50 = arith.constant 480 : i32
    %add3A_51 = arith.addi %select_n3A, %add3A_50 : i32
    %dma_start3A_52 = arith.constant 0 : i32
    %dma_start3A_53 = tpu.memref_slice %arg6[%add3A_51, %dma_start3A_52] : memref<10000x128xf32, #tpu.memory_space<vmem_shared>> -> memref<80x128xf32, #tpu.memory_space<vmem_shared>>
    %dma_start3A_54 = arith.constant 0 : i32
    %dma_start3A_55 = tpu.memref_slice %arg6[%add3A_51, %dma_start3A_54] : memref<10000x128xf32, #tpu.memory_space<vmem_shared>> -> memref<80x128xf32, #tpu.memory_space<vmem_shared>>
    tpu.enqueue_dma source(%arg7 : memref<80x128xf32, #tpu.memory_space<vmem>>) target(%dma_start3A_55 : memref<80x128xf32, #tpu.memory_space<vmem_shared>>) target_semaphore(%arg19 : memref<!tpu.dma_semaphore, #tpu.memory_space<semaphore_mem>>)
    %lt3A_56 = arith.constant 2 : i32
    %lt3A_57 = arith.cmpi slt, %arg1, %lt3A_56 : i32
    %convert_element_type3A = arith.extui %lt3A_57 : i1 to i32
    %cond3A = arith.constant 0 : i32
    %cond3A_58 = arith.cmpi ne, %convert_element_type3A, %cond3A : i32
    scf.if %cond3A_58 {
      %add3A_303 = arith.constant 560 : i32
      %add3A_304 = arith.addi %select_n3A, %add3A_303 : i32
      %dma_start3A_305 = arith.constant 0 : i32
      %dma_start3A_306 = arith.constant 0 : i32
      %dma_start3A_307 = tpu.memref_slice %arg7[%dma_start3A_305, %dma_start3A_306] : memref<80x128xf32, #tpu.memory_space<vmem>> -> memref<72x128xf32, #tpu.memory_space<vmem>>
      %dma_start3A_308 = arith.constant 0 : i32
      %dma_start3A_309 = tpu.memref_slice %arg6[%add3A_304, %dma_start3A_308] : memref<10000x128xf32, #tpu.memory_space<vmem_shared>> -> memref<72x128xf32, #tpu.memory_space<vmem_shared>>
      %dma_start3A_310 = arith.constant 0 : i32
      %dma_start3A_311 = tpu.memref_slice %arg6[%add3A_304, %dma_start3A_310] : memref<10000x128xf32, #tpu.memory_space<vmem_shared>> -> memref<72x128xf32, #tpu.memory_space<vmem_shared>>
      %dma_start3A_312 = arith.constant 0 : i32
      %dma_start3A_313 = arith.constant 0 : i32
      %dma_start3A_314 = tpu.memref_slice %arg7[%dma_start3A_312, %dma_start3A_313] : memref<80x128xf32, #tpu.memory_space<vmem>> -> memref<72x128xf32, #tpu.memory_space<vmem>>
      tpu.enqueue_dma source(%dma_start3A_314 : memref<72x128xf32, #tpu.memory_space<vmem>>) target(%dma_start3A_311 : memref<72x128xf32, #tpu.memory_space<vmem_shared>>) target_semaphore(%arg19 : memref<!tpu.dma_semaphore, #tpu.memory_space<semaphore_mem>>)
    } else {
    }
    %ge3A = arith.constant 2 : i32
    %ge3A_59 = arith.cmpi sge, %arg1, %ge3A : i32
    %convert_element_type3A_60 = arith.extui %ge3A_59 : i1 to i32
    %cond3A_61 = arith.constant 0 : i32
    %cond3A_62 = arith.cmpi ne, %convert_element_type3A_60, %cond3A_61 : i32
    scf.if %cond3A_62 {
      %add3A_303 = arith.constant 560 : i32
      %add3A_304 = arith.addi %select_n3A, %add3A_303 : i32
      %dma_start3A_305 = arith.constant 0 : i32
      %dma_start3A_306 = arith.constant 0 : i32
      %dma_start3A_307 = tpu.memref_slice %arg7[%dma_start3A_305, %dma_start3A_306] : memref<80x128xf32, #tpu.memory_space<vmem>> -> memref<64x128xf32, #tpu.memory_space<vmem>>
      %dma_start3A_308 = arith.constant 0 : i32
      %dma_start3A_309 = tpu.memref_slice %arg6[%add3A_304, %dma_start3A_308] : memref<10000x128xf32, #tpu.memory_space<vmem_shared>> -> memref<64x128xf32, #tpu.memory_space<vmem_shared>>
      %dma_start3A_310 = arith.constant 0 : i32
      %dma_start3A_311 = tpu.memref_slice %arg6[%add3A_304, %dma_start3A_310] : memref<10000x128xf32, #tpu.memory_space<vmem_shared>> -> memref<64x128xf32, #tpu.memory_space<vmem_shared>>
      %dma_start3A_312 = arith.constant 0 : i32
      %dma_start3A_313 = arith.constant 0 : i32
      %dma_start3A_314 = tpu.memref_slice %arg7[%dma_start3A_312, %dma_start3A_313] : memref<80x128xf32, #tpu.memory_space<vmem>> -> memref<64x128xf32, #tpu.memory_space<vmem>>
      tpu.enqueue_dma source(%dma_start3A_314 : memref<64x128xf32, #tpu.memory_space<vmem>>) target(%dma_start3A_311 : memref<64x128xf32, #tpu.memory_space<vmem_shared>>) target_semaphore(%arg19 : memref<!tpu.dma_semaphore, #tpu.memory_space<semaphore_mem>>)
    } else {
    }
    %dma_wait3A = arith.constant 0 : i32
    %dma_wait3A_63 = arith.constant 0 : i32
    %dma_wait3A_64 = tpu.memref_slice %arg6[%dma_wait3A, %dma_wait3A_63] : memref<10000x128xf32, #tpu.memory_space<vmem_shared>> -> memref<80x128xf32, #tpu.memory_space<vmem_shared>>
    %dma_wait3A_65 = arith.constant 0 : i32
    %dma_wait3A_66 = arith.constant 0 : i32
    %dma_wait3A_67 = tpu.memref_slice %arg6[%dma_wait3A_65, %dma_wait3A_66] : memref<10000x128xf32, #tpu.memory_space<vmem_shared>> -> memref<80x128xf32, #tpu.memory_space<vmem_shared>>
    tpu.wait_dma2 semaphore(%arg19 : memref<!tpu.dma_semaphore, #tpu.memory_space<semaphore_mem>>) src(%arg7 : memref<80x128xf32, #tpu.memory_space<vmem>>) dst(%dma_wait3A_67 : memref<80x128xf32, #tpu.memory_space<vmem_shared>>)
    %dma_wait3A_68 = arith.constant 0 : i32
    %dma_wait3A_69 = arith.constant 0 : i32
    %dma_wait3A_70 = tpu.memref_slice %arg6[%dma_wait3A_68, %dma_wait3A_69] : memref<10000x128xf32, #tpu.memory_space<vmem_shared>> -> memref<80x128xf32, #tpu.memory_space<vmem_shared>>
    %dma_wait3A_71 = arith.constant 0 : i32
    %dma_wait3A_72 = arith.constant 0 : i32
    %dma_wait3A_73 = tpu.memref_slice %arg6[%dma_wait3A_71, %dma_wait3A_72] : memref<10000x128xf32, #tpu.memory_space<vmem_shared>> -> memref<80x128xf32, #tpu.memory_space<vmem_shared>>
    tpu.wait_dma2 semaphore(%arg19 : memref<!tpu.dma_semaphore, #tpu.memory_space<semaphore_mem>>) src(%arg7 : memref<80x128xf32, #tpu.memory_space<vmem>>) dst(%dma_wait3A_73 : memref<80x128xf32, #tpu.memory_space<vmem_shared>>)
    %dma_wait3A_74 = arith.constant 0 : i32
    %dma_wait3A_75 = arith.constant 0 : i32
    %dma_wait3A_76 = tpu.memref_slice %arg6[%dma_wait3A_74, %dma_wait3A_75] : memref<10000x128xf32, #tpu.memory_space<vmem_shared>> -> memref<80x128xf32, #tpu.memory_space<vmem_shared>>
    %dma_wait3A_77 = arith.constant 0 : i32
    %dma_wait3A_78 = arith.constant 0 : i32
    %dma_wait3A_79 = tpu.memref_slice %arg6[%dma_wait3A_77, %dma_wait3A_78] : memref<10000x128xf32, #tpu.memory_space<vmem_shared>> -> memref<80x128xf32, #tpu.memory_space<vmem_shared>>
    tpu.wait_dma2 semaphore(%arg19 : memref<!tpu.dma_semaphore, #tpu.memory_space<semaphore_mem>>) src(%arg7 : memref<80x128xf32, #tpu.memory_space<vmem>>) dst(%dma_wait3A_79 : memref<80x128xf32, #tpu.memory_space<vmem_shared>>)
    %dma_wait3A_80 = arith.constant 0 : i32
    %dma_wait3A_81 = arith.constant 0 : i32
    %dma_wait3A_82 = tpu.memref_slice %arg6[%dma_wait3A_80, %dma_wait3A_81] : memref<10000x128xf32, #tpu.memory_space<vmem_shared>> -> memref<80x128xf32, #tpu.memory_space<vmem_shared>>
    %dma_wait3A_83 = arith.constant 0 : i32
    %dma_wait3A_84 = arith.constant 0 : i32
    %dma_wait3A_85 = tpu.memref_slice %arg6[%dma_wait3A_83, %dma_wait3A_84] : memref<10000x128xf32, #tpu.memory_space<vmem_shared>> -> memref<80x128xf32, #tpu.memory_space<vmem_shared>>
    tpu.wait_dma2 semaphore(%arg19 : memref<!tpu.dma_semaphore, #tpu.memory_space<semaphore_mem>>) src(%arg7 : memref<80x128xf32, #tpu.memory_space<vmem>>) dst(%dma_wait3A_85 : memref<80x128xf32, #tpu.memory_space<vmem_shared>>)
    %dma_wait3A_86 = arith.constant 0 : i32
    %dma_wait3A_87 = arith.constant 0 : i32
    %dma_wait3A_88 = tpu.memref_slice %arg6[%dma_wait3A_86, %dma_wait3A_87] : memref<10000x128xf32, #tpu.memory_space<vmem_shared>> -> memref<80x128xf32, #tpu.memory_space<vmem_shared>>
    %dma_wait3A_89 = arith.constant 0 : i32
    %dma_wait3A_90 = arith.constant 0 : i32
    %dma_wait3A_91 = tpu.memref_slice %arg6[%dma_wait3A_89, %dma_wait3A_90] : memref<10000x128xf32, #tpu.memory_space<vmem_shared>> -> memref<80x128xf32, #tpu.memory_space<vmem_shared>>
    tpu.wait_dma2 semaphore(%arg19 : memref<!tpu.dma_semaphore, #tpu.memory_space<semaphore_mem>>) src(%arg7 : memref<80x128xf32, #tpu.memory_space<vmem>>) dst(%dma_wait3A_91 : memref<80x128xf32, #tpu.memory_space<vmem_shared>>)
    %dma_wait3A_92 = arith.constant 0 : i32
    %dma_wait3A_93 = arith.constant 0 : i32
    %dma_wait3A_94 = tpu.memref_slice %arg6[%dma_wait3A_92, %dma_wait3A_93] : memref<10000x128xf32, #tpu.memory_space<vmem_shared>> -> memref<80x128xf32, #tpu.memory_space<vmem_shared>>
    %dma_wait3A_95 = arith.constant 0 : i32
    %dma_wait3A_96 = arith.constant 0 : i32
    %dma_wait3A_97 = tpu.memref_slice %arg6[%dma_wait3A_95, %dma_wait3A_96] : memref<10000x128xf32, #tpu.memory_space<vmem_shared>> -> memref<80x128xf32, #tpu.memory_space<vmem_shared>>
    tpu.wait_dma2 semaphore(%arg19 : memref<!tpu.dma_semaphore, #tpu.memory_space<semaphore_mem>>) src(%arg7 : memref<80x128xf32, #tpu.memory_space<vmem>>) dst(%dma_wait3A_97 : memref<80x128xf32, #tpu.memory_space<vmem_shared>>)
    %dma_wait3A_98 = arith.constant 0 : i32
    %dma_wait3A_99 = arith.constant 0 : i32
    %dma_wait3A_100 = tpu.memref_slice %arg6[%dma_wait3A_98, %dma_wait3A_99] : memref<10000x128xf32, #tpu.memory_space<vmem_shared>> -> memref<80x128xf32, #tpu.memory_space<vmem_shared>>
    %dma_wait3A_101 = arith.constant 0 : i32
    %dma_wait3A_102 = arith.constant 0 : i32
    %dma_wait3A_103 = tpu.memref_slice %arg6[%dma_wait3A_101, %dma_wait3A_102] : memref<10000x128xf32, #tpu.memory_space<vmem_shared>> -> memref<80x128xf32, #tpu.memory_space<vmem_shared>>
    tpu.wait_dma2 semaphore(%arg19 : memref<!tpu.dma_semaphore, #tpu.memory_space<semaphore_mem>>) src(%arg7 : memref<80x128xf32, #tpu.memory_space<vmem>>) dst(%dma_wait3A_103 : memref<80x128xf32, #tpu.memory_space<vmem_shared>>)
    %lt3A_104 = arith.constant 2 : i32
    %lt3A_105 = arith.cmpi slt, %arg1, %lt3A_104 : i32
    %convert_element_type3A_106 = arith.extui %lt3A_105 : i1 to i32
    %cond3A_107 = arith.constant 0 : i32
    %cond3A_108 = arith.cmpi ne, %convert_element_type3A_106, %cond3A_107 : i32
    scf.if %cond3A_108 {
      %dma_wait3A_303 = arith.constant 0 : i32
      %dma_wait3A_304 = arith.constant 0 : i32
      %dma_wait3A_305 = tpu.memref_slice %arg7[%dma_wait3A_303, %dma_wait3A_304] : memref<80x128xf32, #tpu.memory_space<vmem>> -> memref<72x128xf32, #tpu.memory_space<vmem>>
      %dma_wait3A_306 = arith.constant 0 : i32
      %dma_wait3A_307 = arith.constant 0 : i32
      %dma_wait3A_308 = tpu.memref_slice %arg6[%dma_wait3A_306, %dma_wait3A_307] : memref<10000x128xf32, #tpu.memory_space<vmem_shared>> -> memref<72x128xf32, #tpu.memory_space<vmem_shared>>
      %dma_wait3A_309 = arith.constant 0 : i32
      %dma_wait3A_310 = arith.constant 0 : i32
      %dma_wait3A_311 = tpu.memref_slice %arg6[%dma_wait3A_309, %dma_wait3A_310] : memref<10000x128xf32, #tpu.memory_space<vmem_shared>> -> memref<72x128xf32, #tpu.memory_space<vmem_shared>>
      %dma_wait3A_312 = arith.constant 0 : i32
      %dma_wait3A_313 = arith.constant 0 : i32
      %dma_wait3A_314 = tpu.memref_slice %arg7[%dma_wait3A_312, %dma_wait3A_313] : memref<80x128xf32, #tpu.memory_space<vmem>> -> memref<72x128xf32, #tpu.memory_space<vmem>>
      tpu.wait_dma2 semaphore(%arg19 : memref<!tpu.dma_semaphore, #tpu.memory_space<semaphore_mem>>) src(%dma_wait3A_314 : memref<72x128xf32, #tpu.memory_space<vmem>>) dst(%dma_wait3A_311 : memref<72x128xf32, #tpu.memory_space<vmem_shared>>)
    } else {
    }
    %ge3A_109 = arith.constant 2 : i32
    %ge3A_110 = arith.cmpi sge, %arg1, %ge3A_109 : i32
    %convert_element_type3A_111 = arith.extui %ge3A_110 : i1 to i32
    %cond3A_112 = arith.constant 0 : i32
    %cond3A_113 = arith.cmpi ne, %convert_element_type3A_111, %cond3A_112 : i32
    scf.if %cond3A_113 {
      %dma_wait3A_303 = arith.constant 0 : i32
      %dma_wait3A_304 = arith.constant 0 : i32
      %dma_wait3A_305 = tpu.memref_slice %arg7[%dma_wait3A_303, %dma_wait3A_304] : memref<80x128xf32, #tpu.memory_space<vmem>> -> memref<64x128xf32, #tpu.memory_space<vmem>>
      %dma_wait3A_306 = arith.constant 0 : i32
      %dma_wait3A_307 = arith.constant 0 : i32
      %dma_wait3A_308 = tpu.memref_slice %arg6[%dma_wait3A_306, %dma_wait3A_307] : memref<10000x128xf32, #tpu.memory_space<vmem_shared>> -> memref<64x128xf32, #tpu.memory_space<vmem_shared>>
      %dma_wait3A_309 = arith.constant 0 : i32
      %dma_wait3A_310 = arith.constant 0 : i32
      %dma_wait3A_311 = tpu.memref_slice %arg6[%dma_wait3A_309, %dma_wait3A_310] : memref<10000x128xf32, #tpu.memory_space<vmem_shared>> -> memref<64x128xf32, #tpu.memory_space<vmem_shared>>
      %dma_wait3A_312 = arith.constant 0 : i32
      %dma_wait3A_313 = arith.constant 0 : i32
      %dma_wait3A_314 = tpu.memref_slice %arg7[%dma_wait3A_312, %dma_wait3A_313] : memref<80x128xf32, #tpu.memory_space<vmem>> -> memref<64x128xf32, #tpu.memory_space<vmem>>
      tpu.wait_dma2 semaphore(%arg19 : memref<!tpu.dma_semaphore, #tpu.memory_space<semaphore_mem>>) src(%dma_wait3A_314 : memref<64x128xf32, #tpu.memory_space<vmem>>) dst(%dma_wait3A_311 : memref<64x128xf32, #tpu.memory_space<vmem_shared>>)
    } else {
    }
    %barrier3A = arith.constant 0 : index
    tpu.barrier barrier_id(%barrier3A)
    %mul3A_114 = arith.constant 10000 : i32
    %mul3A_115 = arith.muli %add3A, %mul3A_114 : i32
    %add3A_116 = arith.constant 0 : i32
    %add3A_117 = arith.addi %mul3A_115, %add3A_116 : i32
    %dma_start3A_118 = tpu.memref_slice %arg3[%add3A_117] : memref<320000xi32, #tpu.memory_space<hbm>> -> memref<80xi32, #tpu.memory_space<hbm>>
    %dma_start3A_119 = tpu.memref_slice %arg3[%add3A_117] : memref<320000xi32, #tpu.memory_space<hbm>> -> memref<80xi32, #tpu.memory_space<hbm>>
    tpu.enqueue_dma source(%dma_start3A_119 : memref<80xi32, #tpu.memory_space<hbm>>) target(%arg11 : memref<80xi32, #tpu.memory_space<vmem>>) target_semaphore(%arg27 : memref<!tpu.dma_semaphore, #tpu.memory_space<semaphore_mem>>)
    %add3A_120 = arith.constant 0 : i32
    %add3A_121 = arith.addi %mul3A_115, %add3A_120 : i32
    %dma_start3A_122 = tpu.memref_slice %arg4[%add3A_121] : memref<320000xi32, #tpu.memory_space<hbm>> -> memref<80xi32, #tpu.memory_space<hbm>>
    %dma_start3A_123 = tpu.memref_slice %arg4[%add3A_121] : memref<320000xi32, #tpu.memory_space<hbm>> -> memref<80xi32, #tpu.memory_space<hbm>>
    tpu.enqueue_dma source(%dma_start3A_123 : memref<80xi32, #tpu.memory_space<hbm>>) target(%arg15 : memref<80xi32, #tpu.memory_space<vmem>>) target_semaphore(%arg27 : memref<!tpu.dma_semaphore, #tpu.memory_space<semaphore_mem>>)
    %add3A_124 = arith.constant 80 : i32
    %add3A_125 = arith.addi %mul3A_115, %add3A_124 : i32
    %dma_start3A_126 = tpu.memref_slice %arg3[%add3A_125] : memref<320000xi32, #tpu.memory_space<hbm>> -> memref<80xi32, #tpu.memory_space<hbm>>
    %dma_start3A_127 = tpu.memref_slice %arg3[%add3A_125] : memref<320000xi32, #tpu.memory_space<hbm>> -> memref<80xi32, #tpu.memory_space<hbm>>
    tpu.enqueue_dma source(%dma_start3A_127 : memref<80xi32, #tpu.memory_space<hbm>>) target(%arg12 : memref<80xi32, #tpu.memory_space<vmem>>) target_semaphore(%arg28 : memref<!tpu.dma_semaphore, #tpu.memory_space<semaphore_mem>>)
    %add3A_128 = arith.constant 80 : i32
    %add3A_129 = arith.addi %mul3A_115, %add3A_128 : i32
    %dma_start3A_130 = tpu.memref_slice %arg4[%add3A_129] : memref<320000xi32, #tpu.memory_space<hbm>> -> memref<80xi32, #tpu.memory_space<hbm>>
    %dma_start3A_131 = tpu.memref_slice %arg4[%add3A_129] : memref<320000xi32, #tpu.memory_space<hbm>> -> memref<80xi32, #tpu.memory_space<hbm>>
    tpu.enqueue_dma source(%dma_start3A_131 : memref<80xi32, #tpu.memory_space<hbm>>) target(%arg16 : memref<80xi32, #tpu.memory_space<vmem>>) target_semaphore(%arg28 : memref<!tpu.dma_semaphore, #tpu.memory_space<semaphore_mem>>)
    %add3A_132 = arith.constant 160 : i32
    %add3A_133 = arith.addi %mul3A_115, %add3A_132 : i32
    %dma_start3A_134 = tpu.memref_slice %arg3[%add3A_133] : memref<320000xi32, #tpu.memory_space<hbm>> -> memref<80xi32, #tpu.memory_space<hbm>>
    %dma_start3A_135 = tpu.memref_slice %arg3[%add3A_133] : memref<320000xi32, #tpu.memory_space<hbm>> -> memref<80xi32, #tpu.memory_space<hbm>>
    tpu.enqueue_dma source(%dma_start3A_135 : memref<80xi32, #tpu.memory_space<hbm>>) target(%arg13 : memref<80xi32, #tpu.memory_space<vmem>>) target_semaphore(%arg29 : memref<!tpu.dma_semaphore, #tpu.memory_space<semaphore_mem>>)
    %add3A_136 = arith.constant 160 : i32
    %add3A_137 = arith.addi %mul3A_115, %add3A_136 : i32
    %dma_start3A_138 = tpu.memref_slice %arg4[%add3A_137] : memref<320000xi32, #tpu.memory_space<hbm>> -> memref<80xi32, #tpu.memory_space<hbm>>
    %dma_start3A_139 = tpu.memref_slice %arg4[%add3A_137] : memref<320000xi32, #tpu.memory_space<hbm>> -> memref<80xi32, #tpu.memory_space<hbm>>
    tpu.enqueue_dma source(%dma_start3A_139 : memref<80xi32, #tpu.memory_space<hbm>>) target(%arg17 : memref<80xi32, #tpu.memory_space<vmem>>) target_semaphore(%arg29 : memref<!tpu.dma_semaphore, #tpu.memory_space<semaphore_mem>>)
    %dma_wait3A_140 = arith.constant 0 : i32
    %dma_wait3A_141 = tpu.memref_slice %arg3[%dma_wait3A_140] : memref<320000xi32, #tpu.memory_space<hbm>> -> memref<80xi32, #tpu.memory_space<hbm>>
    %dma_wait3A_142 = arith.constant 0 : i32
    %dma_wait3A_143 = tpu.memref_slice %arg3[%dma_wait3A_142] : memref<320000xi32, #tpu.memory_space<hbm>> -> memref<80xi32, #tpu.memory_space<hbm>>
    tpu.wait_dma2 semaphore(%arg27 : memref<!tpu.dma_semaphore, #tpu.memory_space<semaphore_mem>>) src(%dma_wait3A_143 : memref<80xi32, #tpu.memory_space<hbm>>) dst(%arg11 : memref<80xi32, #tpu.memory_space<vmem>>)
    %dma_wait3A_144 = arith.constant 0 : i32
    %dma_wait3A_145 = tpu.memref_slice %arg4[%dma_wait3A_144] : memref<320000xi32, #tpu.memory_space<hbm>> -> memref<80xi32, #tpu.memory_space<hbm>>
    %dma_wait3A_146 = arith.constant 0 : i32
    %dma_wait3A_147 = tpu.memref_slice %arg4[%dma_wait3A_146] : memref<320000xi32, #tpu.memory_space<hbm>> -> memref<80xi32, #tpu.memory_space<hbm>>
    tpu.wait_dma2 semaphore(%arg27 : memref<!tpu.dma_semaphore, #tpu.memory_space<semaphore_mem>>) src(%dma_wait3A_147 : memref<80xi32, #tpu.memory_space<hbm>>) dst(%arg15 : memref<80xi32, #tpu.memory_space<vmem>>)
    %dma_start3A_148 = arith.constant 0 : i32
    %dma_start3A_149 = arith.constant 0 : i32
    %dma_start3A_150 = tpu.memref_slice %arg2[%dma_start3A_148, %dma_start3A_149] : memref<10000x128xf32, #tpu.memory_space<hbm>> -> memref<10000x128xf32, #tpu.memory_space<hbm>>
    tpu.enqueue_indirect_dma source(%dma_start3A_150 : memref<10000x128xf32, #tpu.memory_space<hbm>>) target(%arg7 : memref<80x128xf32, #tpu.memory_space<vmem>>) offsets(%arg11 : memref<80xi32, #tpu.memory_space<vmem>>) semaphore(%arg19 : memref<!tpu.dma_semaphore, #tpu.memory_space<semaphore_mem>>)
    %dma_wait3A_151 = arith.constant 0 : i32
    %dma_wait3A_152 = tpu.memref_slice %arg3[%dma_wait3A_151] : memref<320000xi32, #tpu.memory_space<hbm>> -> memref<80xi32, #tpu.memory_space<hbm>>
    %dma_wait3A_153 = arith.constant 0 : i32
    %dma_wait3A_154 = tpu.memref_slice %arg3[%dma_wait3A_153] : memref<320000xi32, #tpu.memory_space<hbm>> -> memref<80xi32, #tpu.memory_space<hbm>>
    tpu.wait_dma2 semaphore(%arg28 : memref<!tpu.dma_semaphore, #tpu.memory_space<semaphore_mem>>) src(%dma_wait3A_154 : memref<80xi32, #tpu.memory_space<hbm>>) dst(%arg12 : memref<80xi32, #tpu.memory_space<vmem>>)
    %dma_wait3A_155 = arith.constant 0 : i32
    %dma_wait3A_156 = tpu.memref_slice %arg4[%dma_wait3A_155] : memref<320000xi32, #tpu.memory_space<hbm>> -> memref<80xi32, #tpu.memory_space<hbm>>
    %dma_wait3A_157 = arith.constant 0 : i32
    %dma_wait3A_158 = tpu.memref_slice %arg4[%dma_wait3A_157] : memref<320000xi32, #tpu.memory_space<hbm>> -> memref<80xi32, #tpu.memory_space<hbm>>
    tpu.wait_dma2 semaphore(%arg28 : memref<!tpu.dma_semaphore, #tpu.memory_space<semaphore_mem>>) src(%dma_wait3A_158 : memref<80xi32, #tpu.memory_space<hbm>>) dst(%arg16 : memref<80xi32, #tpu.memory_space<vmem>>)
    %dma_start3A_159 = arith.constant 0 : i32
    %dma_start3A_160 = arith.constant 0 : i32
    %dma_start3A_161 = tpu.memref_slice %arg2[%dma_start3A_159, %dma_start3A_160] : memref<10000x128xf32, #tpu.memory_space<hbm>> -> memref<10000x128xf32, #tpu.memory_space<hbm>>
    tpu.enqueue_indirect_dma source(%dma_start3A_161 : memref<10000x128xf32, #tpu.memory_space<hbm>>) target(%arg8 : memref<80x128xf32, #tpu.memory_space<vmem>>) offsets(%arg12 : memref<80xi32, #tpu.memory_space<vmem>>) semaphore(%arg20 : memref<!tpu.dma_semaphore, #tpu.memory_space<semaphore_mem>>)
    %dma_wait3A_162 = arith.constant 0 : i32
    %dma_wait3A_163 = arith.constant 0 : i32
    %dma_wait3A_164 = tpu.memref_slice %arg2[%dma_wait3A_162, %dma_wait3A_163] : memref<10000x128xf32, #tpu.memory_space<hbm>> -> memref<80x128xf32, #tpu.memory_space<hbm>>
    %dma_wait3A_165 = arith.constant 0 : i32
    %dma_wait3A_166 = arith.constant 0 : i32
    %dma_wait3A_167 = tpu.memref_slice %arg2[%dma_wait3A_165, %dma_wait3A_166] : memref<10000x128xf32, #tpu.memory_space<hbm>> -> memref<80x128xf32, #tpu.memory_space<hbm>>
    tpu.wait_dma2 semaphore(%arg19 : memref<!tpu.dma_semaphore, #tpu.memory_space<semaphore_mem>>) src(%dma_wait3A_167 : memref<80x128xf32, #tpu.memory_space<hbm>>) dst(%arg7 : memref<80x128xf32, #tpu.memory_space<vmem>>)
    %dma_start3A_168 = arith.constant 0 : i32
    %dma_start3A_169 = arith.constant 0 : i32
    %dma_start3A_170 = tpu.memref_slice %arg6[%dma_start3A_168, %dma_start3A_169] : memref<10000x128xf32, #tpu.memory_space<vmem_shared>> -> memref<10000x128xf32, #tpu.memory_space<vmem_shared>>
    tpu.enqueue_indirect_dma source(%arg7 : memref<80x128xf32, #tpu.memory_space<vmem>>) target(%dma_start3A_170 : memref<10000x128xf32, #tpu.memory_space<vmem_shared>>) offsets(%arg15 : memref<80xi32, #tpu.memory_space<vmem>>) semaphore(%arg23 : memref<!tpu.dma_semaphore, #tpu.memory_space<semaphore_mem>>) {add = true}
    %add3A_171 = arith.constant 240 : i32
    %add3A_172 = arith.addi %mul3A_115, %add3A_171 : i32
    %dma_start3A_173 = tpu.memref_slice %arg3[%add3A_172] : memref<320000xi32, #tpu.memory_space<hbm>> -> memref<80xi32, #tpu.memory_space<hbm>>
    %dma_start3A_174 = tpu.memref_slice %arg3[%add3A_172] : memref<320000xi32, #tpu.memory_space<hbm>> -> memref<80xi32, #tpu.memory_space<hbm>>
    tpu.enqueue_dma source(%dma_start3A_174 : memref<80xi32, #tpu.memory_space<hbm>>) target(%arg14 : memref<80xi32, #tpu.memory_space<vmem>>) target_semaphore(%arg30 : memref<!tpu.dma_semaphore, #tpu.memory_space<semaphore_mem>>)
    %add3A_175 = arith.constant 240 : i32
    %add3A_176 = arith.addi %mul3A_115, %add3A_175 : i32
    %dma_start3A_177 = tpu.memref_slice %arg4[%add3A_176] : memref<320000xi32, #tpu.memory_space<hbm>> -> memref<80xi32, #tpu.memory_space<hbm>>
    %dma_start3A_178 = tpu.memref_slice %arg4[%add3A_176] : memref<320000xi32, #tpu.memory_space<hbm>> -> memref<80xi32, #tpu.memory_space<hbm>>
    tpu.enqueue_dma source(%dma_start3A_178 : memref<80xi32, #tpu.memory_space<hbm>>) target(%arg18 : memref<80xi32, #tpu.memory_space<vmem>>) target_semaphore(%arg30 : memref<!tpu.dma_semaphore, #tpu.memory_space<semaphore_mem>>)
    %dma_wait3A_179 = arith.constant 0 : i32
    %dma_wait3A_180 = tpu.memref_slice %arg3[%dma_wait3A_179] : memref<320000xi32, #tpu.memory_space<hbm>> -> memref<80xi32, #tpu.memory_space<hbm>>
    %dma_wait3A_181 = arith.constant 0 : i32
    %dma_wait3A_182 = tpu.memref_slice %arg3[%dma_wait3A_181] : memref<320000xi32, #tpu.memory_space<hbm>> -> memref<80xi32, #tpu.memory_space<hbm>>
    tpu.wait_dma2 semaphore(%arg29 : memref<!tpu.dma_semaphore, #tpu.memory_space<semaphore_mem>>) src(%dma_wait3A_182 : memref<80xi32, #tpu.memory_space<hbm>>) dst(%arg13 : memref<80xi32, #tpu.memory_space<vmem>>)
    %dma_wait3A_183 = arith.constant 0 : i32
    %dma_wait3A_184 = tpu.memref_slice %arg4[%dma_wait3A_183] : memref<320000xi32, #tpu.memory_space<hbm>> -> memref<80xi32, #tpu.memory_space<hbm>>
    %dma_wait3A_185 = arith.constant 0 : i32
    %dma_wait3A_186 = tpu.memref_slice %arg4[%dma_wait3A_185] : memref<320000xi32, #tpu.memory_space<hbm>> -> memref<80xi32, #tpu.memory_space<hbm>>
    tpu.wait_dma2 semaphore(%arg29 : memref<!tpu.dma_semaphore, #tpu.memory_space<semaphore_mem>>) src(%dma_wait3A_186 : memref<80xi32, #tpu.memory_space<hbm>>) dst(%arg17 : memref<80xi32, #tpu.memory_space<vmem>>)
    %dma_start3A_187 = arith.constant 0 : i32
    %dma_start3A_188 = arith.constant 0 : i32
    %dma_start3A_189 = tpu.memref_slice %arg2[%dma_start3A_187, %dma_start3A_188] : memref<10000x128xf32, #tpu.memory_space<hbm>> -> memref<10000x128xf32, #tpu.memory_space<hbm>>
    tpu.enqueue_indirect_dma source(%dma_start3A_189 : memref<10000x128xf32, #tpu.memory_space<hbm>>) target(%arg9 : memref<80x128xf32, #tpu.memory_space<vmem>>) offsets(%arg13 : memref<80xi32, #tpu.memory_space<vmem>>) semaphore(%arg21 : memref<!tpu.dma_semaphore, #tpu.memory_space<semaphore_mem>>)
    %scan3A_190 = arith.constant 0 : i32
    %scan3A_191 = arith.constant 0 : i32
    %scan3A_192 = arith.constant 30 : i32
    %scan3A_193 = arith.addi %scan3A_191, %scan3A_192 : i32
    %scan3A_194 = arith.constant 1 : i32
    scf.for %scan3A_303 = %scan3A_191 to %scan3A_193 step %scan3A_194  : i32 {
      %dma_wait3A_304 = arith.constant 0 : i32
      %dma_wait3A_305 = arith.constant 0 : i32
      %dma_wait3A_306 = tpu.memref_slice %arg2[%dma_wait3A_304, %dma_wait3A_305] : memref<10000x128xf32, #tpu.memory_space<hbm>> -> memref<80x128xf32, #tpu.memory_space<hbm>>
      %dma_wait3A_307 = arith.constant 0 : i32
      %dma_wait3A_308 = arith.constant 0 : i32
      %dma_wait3A_309 = tpu.memref_slice %arg2[%dma_wait3A_307, %dma_wait3A_308] : memref<10000x128xf32, #tpu.memory_space<hbm>> -> memref<80x128xf32, #tpu.memory_space<hbm>>
      tpu.wait_dma2 semaphore(%arg20 : memref<!tpu.dma_semaphore, #tpu.memory_space<semaphore_mem>>) src(%dma_wait3A_309 : memref<80x128xf32, #tpu.memory_space<hbm>>) dst(%arg8 : memref<80x128xf32, #tpu.memory_space<vmem>>)
      %dma_wait3A_310 = arith.constant 0 : i32
      %dma_wait3A_311 = arith.constant 0 : i32
      %dma_wait3A_312 = tpu.memref_slice %arg6[%dma_wait3A_310, %dma_wait3A_311] : memref<10000x128xf32, #tpu.memory_space<vmem_shared>> -> memref<80x128xf32, #tpu.memory_space<vmem_shared>>
      %dma_wait3A_313 = arith.constant 0 : i32
      %dma_wait3A_314 = arith.constant 0 : i32
      %dma_wait3A_315 = tpu.memref_slice %arg6[%dma_wait3A_313, %dma_wait3A_314] : memref<10000x128xf32, #tpu.memory_space<vmem_shared>> -> memref<80x128xf32, #tpu.memory_space<vmem_shared>>
      tpu.wait_dma2 semaphore(%arg23 : memref<!tpu.dma_semaphore, #tpu.memory_space<semaphore_mem>>) src(%arg7 : memref<80x128xf32, #tpu.memory_space<vmem>>) dst(%dma_wait3A_315 : memref<80x128xf32, #tpu.memory_space<vmem_shared>>)
      %dma_start3A_316 = arith.constant 0 : i32
      %dma_start3A_317 = arith.constant 0 : i32
      %dma_start3A_318 = tpu.memref_slice %arg6[%dma_start3A_316, %dma_start3A_317] : memref<10000x128xf32, #tpu.memory_space<vmem_shared>> -> memref<10000x128xf32, #tpu.memory_space<vmem_shared>>
      tpu.enqueue_indirect_dma source(%arg8 : memref<80x128xf32, #tpu.memory_space<vmem>>) target(%dma_start3A_318 : memref<10000x128xf32, #tpu.memory_space<vmem_shared>>) offsets(%arg16 : memref<80xi32, #tpu.memory_space<vmem>>) semaphore(%arg24 : memref<!tpu.dma_semaphore, #tpu.memory_space<semaphore_mem>>) {add = true}
      %mul3A_319 = arith.constant 4 : i32
      %mul3A_320 = arith.muli %scan3A_303, %mul3A_319 : i32
      %add3A_321 = arith.constant 0 : i32
      %add3A_322 = arith.addi %mul3A_320, %add3A_321 : i32
      %add3A_323 = arith.constant 4 : i32
      %add3A_324 = arith.addi %add3A_322, %add3A_323 : i32
      %mul3A_325 = arith.constant 80 : i32
      %mul3A_326 = arith.muli %add3A_324, %mul3A_325 : i32
      %add3A_327 = arith.addi %mul3A_115, %mul3A_326 : i32
      %dma_start3A_328 = tpu.memref_slice %arg3[%add3A_327] : memref<320000xi32, #tpu.memory_space<hbm>> -> memref<80xi32, #tpu.memory_space<hbm>>
      %dma_start3A_329 = tpu.memref_slice %arg3[%add3A_327] : memref<320000xi32, #tpu.memory_space<hbm>> -> memref<80xi32, #tpu.memory_space<hbm>>
      tpu.enqueue_dma source(%dma_start3A_329 : memref<80xi32, #tpu.memory_space<hbm>>) target(%arg11 : memref<80xi32, #tpu.memory_space<vmem>>) target_semaphore(%arg27 : memref<!tpu.dma_semaphore, #tpu.memory_space<semaphore_mem>>)
      %add3A_330 = arith.constant 4 : i32
      %add3A_331 = arith.addi %add3A_322, %add3A_330 : i32
      %mul3A_332 = arith.constant 80 : i32
      %mul3A_333 = arith.muli %add3A_331, %mul3A_332 : i32
      %add3A_334 = arith.addi %mul3A_115, %mul3A_333 : i32
      %dma_start3A_335 = tpu.memref_slice %arg4[%add3A_334] : memref<320000xi32, #tpu.memory_space<hbm>> -> memref<80xi32, #tpu.memory_space<hbm>>
      %dma_start3A_336 = tpu.memref_slice %arg4[%add3A_334] : memref<320000xi32, #tpu.memory_space<hbm>> -> memref<80xi32, #tpu.memory_space<hbm>>
      tpu.enqueue_dma source(%dma_start3A_336 : memref<80xi32, #tpu.memory_space<hbm>>) target(%arg15 : memref<80xi32, #tpu.memory_space<vmem>>) target_semaphore(%arg27 : memref<!tpu.dma_semaphore, #tpu.memory_space<semaphore_mem>>)
      %dma_wait3A_337 = arith.constant 0 : i32
      %dma_wait3A_338 = tpu.memref_slice %arg3[%dma_wait3A_337] : memref<320000xi32, #tpu.memory_space<hbm>> -> memref<80xi32, #tpu.memory_space<hbm>>
      %dma_wait3A_339 = arith.constant 0 : i32
      %dma_wait3A_340 = tpu.memref_slice %arg3[%dma_wait3A_339] : memref<320000xi32, #tpu.memory_space<hbm>> -> memref<80xi32, #tpu.memory_space<hbm>>
      tpu.wait_dma2 semaphore(%arg30 : memref<!tpu.dma_semaphore, #tpu.memory_space<semaphore_mem>>) src(%dma_wait3A_340 : memref<80xi32, #tpu.memory_space<hbm>>) dst(%arg14 : memref<80xi32, #tpu.memory_space<vmem>>)
      %dma_wait3A_341 = arith.constant 0 : i32
      %dma_wait3A_342 = tpu.memref_slice %arg4[%dma_wait3A_341] : memref<320000xi32, #tpu.memory_space<hbm>> -> memref<80xi32, #tpu.memory_space<hbm>>
      %dma_wait3A_343 = arith.constant 0 : i32
      %dma_wait3A_344 = tpu.memref_slice %arg4[%dma_wait3A_343] : memref<320000xi32, #tpu.memory_space<hbm>> -> memref<80xi32, #tpu.memory_space<hbm>>
      tpu.wait_dma2 semaphore(%arg30 : memref<!tpu.dma_semaphore, #tpu.memory_space<semaphore_mem>>) src(%dma_wait3A_344 : memref<80xi32, #tpu.memory_space<hbm>>) dst(%arg18 : memref<80xi32, #tpu.memory_space<vmem>>)
      %dma_start3A_345 = arith.constant 0 : i32
      %dma_start3A_346 = arith.constant 0 : i32
      %dma_start3A_347 = tpu.memref_slice %arg2[%dma_start3A_345, %dma_start3A_346] : memref<10000x128xf32, #tpu.memory_space<hbm>> -> memref<10000x128xf32, #tpu.memory_space<hbm>>
      tpu.enqueue_indirect_dma source(%dma_start3A_347 : memref<10000x128xf32, #tpu.memory_space<hbm>>) target(%arg10 : memref<80x128xf32, #tpu.memory_space<vmem>>) offsets(%arg14 : memref<80xi32, #tpu.memory_space<vmem>>) semaphore(%arg22 : memref<!tpu.dma_semaphore, #tpu.memory_space<semaphore_mem>>)
      %dma_wait3A_348 = arith.constant 0 : i32
      %dma_wait3A_349 = arith.constant 0 : i32
      %dma_wait3A_350 = tpu.memref_slice %arg2[%dma_wait3A_348, %dma_wait3A_349] : memref<10000x128xf32, #tpu.memory_space<hbm>> -> memref<80x128xf32, #tpu.memory_space<hbm>>
      %dma_wait3A_351 = arith.constant 0 : i32
      %dma_wait3A_352 = arith.constant 0 : i32
      %dma_wait3A_353 = tpu.memref_slice %arg2[%dma_wait3A_351, %dma_wait3A_352] : memref<10000x128xf32, #tpu.memory_space<hbm>> -> memref<80x128xf32, #tpu.memory_space<hbm>>
      tpu.wait_dma2 semaphore(%arg21 : memref<!tpu.dma_semaphore, #tpu.memory_space<semaphore_mem>>) src(%dma_wait3A_353 : memref<80x128xf32, #tpu.memory_space<hbm>>) dst(%arg9 : memref<80x128xf32, #tpu.memory_space<vmem>>)
      %dma_wait3A_354 = arith.constant 0 : i32
      %dma_wait3A_355 = arith.constant 0 : i32
      %dma_wait3A_356 = tpu.memref_slice %arg6[%dma_wait3A_354, %dma_wait3A_355] : memref<10000x128xf32, #tpu.memory_space<vmem_shared>> -> memref<80x128xf32, #tpu.memory_space<vmem_shared>>
      %dma_wait3A_357 = arith.constant 0 : i32
      %dma_wait3A_358 = arith.constant 0 : i32
      %dma_wait3A_359 = tpu.memref_slice %arg6[%dma_wait3A_357, %dma_wait3A_358] : memref<10000x128xf32, #tpu.memory_space<vmem_shared>> -> memref<80x128xf32, #tpu.memory_space<vmem_shared>>
      tpu.wait_dma2 semaphore(%arg24 : memref<!tpu.dma_semaphore, #tpu.memory_space<semaphore_mem>>) src(%arg8 : memref<80x128xf32, #tpu.memory_space<vmem>>) dst(%dma_wait3A_359 : memref<80x128xf32, #tpu.memory_space<vmem_shared>>)
      %dma_start3A_360 = arith.constant 0 : i32
      %dma_start3A_361 = arith.constant 0 : i32
      %dma_start3A_362 = tpu.memref_slice %arg6[%dma_start3A_360, %dma_start3A_361] : memref<10000x128xf32, #tpu.memory_space<vmem_shared>> -> memref<10000x128xf32, #tpu.memory_space<vmem_shared>>
      tpu.enqueue_indirect_dma source(%arg9 : memref<80x128xf32, #tpu.memory_space<vmem>>) target(%dma_start3A_362 : memref<10000x128xf32, #tpu.memory_space<vmem_shared>>) offsets(%arg17 : memref<80xi32, #tpu.memory_space<vmem>>) semaphore(%arg25 : memref<!tpu.dma_semaphore, #tpu.memory_space<semaphore_mem>>) {add = true}
      %mul3A_363 = arith.constant 4 : i32
      %mul3A_364 = arith.muli %scan3A_303, %mul3A_363 : i32
      %add3A_365 = arith.constant 1 : i32
      %add3A_366 = arith.addi %mul3A_364, %add3A_365 : i32
      %add3A_367 = arith.constant 4 : i32
      %add3A_368 = arith.addi %add3A_366, %add3A_367 : i32
      %mul3A_369 = arith.constant 80 : i32
      %mul3A_370 = arith.muli %add3A_368, %mul3A_369 : i32
      %add3A_371 = arith.addi %mul3A_115, %mul3A_370 : i32
      %dma_start3A_372 = tpu.memref_slice %arg3[%add3A_371] : memref<320000xi32, #tpu.memory_space<hbm>> -> memref<80xi32, #tpu.memory_space<hbm>>
      %dma_start3A_373 = tpu.memref_slice %arg3[%add3A_371] : memref<320000xi32, #tpu.memory_space<hbm>> -> memref<80xi32, #tpu.memory_space<hbm>>
      tpu.enqueue_dma source(%dma_start3A_373 : memref<80xi32, #tpu.memory_space<hbm>>) target(%arg12 : memref<80xi32, #tpu.memory_space<vmem>>) target_semaphore(%arg28 : memref<!tpu.dma_semaphore, #tpu.memory_space<semaphore_mem>>)
      %add3A_374 = arith.constant 4 : i32
      %add3A_375 = arith.addi %add3A_366, %add3A_374 : i32
      %mul3A_376 = arith.constant 80 : i32
      %mul3A_377 = arith.muli %add3A_375, %mul3A_376 : i32
      %add3A_378 = arith.addi %mul3A_115, %mul3A_377 : i32
      %dma_start3A_379 = tpu.memref_slice %arg4[%add3A_378] : memref<320000xi32, #tpu.memory_space<hbm>> -> memref<80xi32, #tpu.memory_space<hbm>>
      %dma_start3A_380 = tpu.memref_slice %arg4[%add3A_378] : memref<320000xi32, #tpu.memory_space<hbm>> -> memref<80xi32, #tpu.memory_space<hbm>>
      tpu.enqueue_dma source(%dma_start3A_380 : memref<80xi32, #tpu.memory_space<hbm>>) target(%arg16 : memref<80xi32, #tpu.memory_space<vmem>>) target_semaphore(%arg28 : memref<!tpu.dma_semaphore, #tpu.memory_space<semaphore_mem>>)
      %dma_wait3A_381 = arith.constant 0 : i32
      %dma_wait3A_382 = tpu.memref_slice %arg3[%dma_wait3A_381] : memref<320000xi32, #tpu.memory_space<hbm>> -> memref<80xi32, #tpu.memory_space<hbm>>
      %dma_wait3A_383 = arith.constant 0 : i32
      %dma_wait3A_384 = tpu.memref_slice %arg3[%dma_wait3A_383] : memref<320000xi32, #tpu.memory_space<hbm>> -> memref<80xi32, #tpu.memory_space<hbm>>
      tpu.wait_dma2 semaphore(%arg27 : memref<!tpu.dma_semaphore, #tpu.memory_space<semaphore_mem>>) src(%dma_wait3A_384 : memref<80xi32, #tpu.memory_space<hbm>>) dst(%arg11 : memref<80xi32, #tpu.memory_space<vmem>>)
      %dma_wait3A_385 = arith.constant 0 : i32
      %dma_wait3A_386 = tpu.memref_slice %arg4[%dma_wait3A_385] : memref<320000xi32, #tpu.memory_space<hbm>> -> memref<80xi32, #tpu.memory_space<hbm>>
      %dma_wait3A_387 = arith.constant 0 : i32
      %dma_wait3A_388 = tpu.memref_slice %arg4[%dma_wait3A_387] : memref<320000xi32, #tpu.memory_space<hbm>> -> memref<80xi32, #tpu.memory_space<hbm>>
      tpu.wait_dma2 semaphore(%arg27 : memref<!tpu.dma_semaphore, #tpu.memory_space<semaphore_mem>>) src(%dma_wait3A_388 : memref<80xi32, #tpu.memory_space<hbm>>) dst(%arg15 : memref<80xi32, #tpu.memory_space<vmem>>)
      %dma_start3A_389 = arith.constant 0 : i32
      %dma_start3A_390 = arith.constant 0 : i32
      %dma_start3A_391 = tpu.memref_slice %arg2[%dma_start3A_389, %dma_start3A_390] : memref<10000x128xf32, #tpu.memory_space<hbm>> -> memref<10000x128xf32, #tpu.memory_space<hbm>>
      tpu.enqueue_indirect_dma source(%dma_start3A_391 : memref<10000x128xf32, #tpu.memory_space<hbm>>) target(%arg7 : memref<80x128xf32, #tpu.memory_space<vmem>>) offsets(%arg11 : memref<80xi32, #tpu.memory_space<vmem>>) semaphore(%arg19 : memref<!tpu.dma_semaphore, #tpu.memory_space<semaphore_mem>>)
      %dma_wait3A_392 = arith.constant 0 : i32
      %dma_wait3A_393 = arith.constant 0 : i32
      %dma_wait3A_394 = tpu.memref_slice %arg2[%dma_wait3A_392, %dma_wait3A_393] : memref<10000x128xf32, #tpu.memory_space<hbm>> -> memref<80x128xf32, #tpu.memory_space<hbm>>
      %dma_wait3A_395 = arith.constant 0 : i32
      %dma_wait3A_396 = arith.constant 0 : i32
      %dma_wait3A_397 = tpu.memref_slice %arg2[%dma_wait3A_395, %dma_wait3A_396] : memref<10000x128xf32, #tpu.memory_space<hbm>> -> memref<80x128xf32, #tpu.memory_space<hbm>>
      tpu.wait_dma2 semaphore(%arg22 : memref<!tpu.dma_semaphore, #tpu.memory_space<semaphore_mem>>) src(%dma_wait3A_397 : memref<80x128xf32, #tpu.memory_space<hbm>>) dst(%arg10 : memref<80x128xf32, #tpu.memory_space<vmem>>)
      %dma_wait3A_398 = arith.constant 0 : i32
      %dma_wait3A_399 = arith.constant 0 : i32
      %dma_wait3A_400 = tpu.memref_slice %arg6[%dma_wait3A_398, %dma_wait3A_399] : memref<10000x128xf32, #tpu.memory_space<vmem_shared>> -> memref<80x128xf32, #tpu.memory_space<vmem_shared>>
      %dma_wait3A_401 = arith.constant 0 : i32
      %dma_wait3A_402 = arith.constant 0 : i32
      %dma_wait3A_403 = tpu.memref_slice %arg6[%dma_wait3A_401, %dma_wait3A_402] : memref<10000x128xf32, #tpu.memory_space<vmem_shared>> -> memref<80x128xf32, #tpu.memory_space<vmem_shared>>
      tpu.wait_dma2 semaphore(%arg25 : memref<!tpu.dma_semaphore, #tpu.memory_space<semaphore_mem>>) src(%arg9 : memref<80x128xf32, #tpu.memory_space<vmem>>) dst(%dma_wait3A_403 : memref<80x128xf32, #tpu.memory_space<vmem_shared>>)
      %dma_start3A_404 = arith.constant 0 : i32
      %dma_start3A_405 = arith.constant 0 : i32
      %dma_start3A_406 = tpu.memref_slice %arg6[%dma_start3A_404, %dma_start3A_405] : memref<10000x128xf32, #tpu.memory_space<vmem_shared>> -> memref<10000x128xf32, #tpu.memory_space<vmem_shared>>
      tpu.enqueue_indirect_dma source(%arg10 : memref<80x128xf32, #tpu.memory_space<vmem>>) target(%dma_start3A_406 : memref<10000x128xf32, #tpu.memory_space<vmem_shared>>) offsets(%arg18 : memref<80xi32, #tpu.memory_space<vmem>>) semaphore(%arg26 : memref<!tpu.dma_semaphore, #tpu.memory_space<semaphore_mem>>) {add = true}
      %mul3A_407 = arith.constant 4 : i32
      %mul3A_408 = arith.muli %scan3A_303, %mul3A_407 : i32
      %add3A_409 = arith.constant 2 : i32
      %add3A_410 = arith.addi %mul3A_408, %add3A_409 : i32
      %add3A_411 = arith.constant 4 : i32
      %add3A_412 = arith.addi %add3A_410, %add3A_411 : i32
      %mul3A_413 = arith.constant 80 : i32
      %mul3A_414 = arith.muli %add3A_412, %mul3A_413 : i32
      %add3A_415 = arith.addi %mul3A_115, %mul3A_414 : i32
      %dma_start3A_416 = tpu.memref_slice %arg3[%add3A_415] : memref<320000xi32, #tpu.memory_space<hbm>> -> memref<80xi32, #tpu.memory_space<hbm>>
      %dma_start3A_417 = tpu.memref_slice %arg3[%add3A_415] : memref<320000xi32, #tpu.memory_space<hbm>> -> memref<80xi32, #tpu.memory_space<hbm>>
      tpu.enqueue_dma source(%dma_start3A_417 : memref<80xi32, #tpu.memory_space<hbm>>) target(%arg13 : memref<80xi32, #tpu.memory_space<vmem>>) target_semaphore(%arg29 : memref<!tpu.dma_semaphore, #tpu.memory_space<semaphore_mem>>)
      %add3A_418 = arith.constant 4 : i32
      %add3A_419 = arith.addi %add3A_410, %add3A_418 : i32
      %mul3A_420 = arith.constant 80 : i32
      %mul3A_421 = arith.muli %add3A_419, %mul3A_420 : i32
      %add3A_422 = arith.addi %mul3A_115, %mul3A_421 : i32
      %dma_start3A_423 = tpu.memref_slice %arg4[%add3A_422] : memref<320000xi32, #tpu.memory_space<hbm>> -> memref<80xi32, #tpu.memory_space<hbm>>
      %dma_start3A_424 = tpu.memref_slice %arg4[%add3A_422] : memref<320000xi32, #tpu.memory_space<hbm>> -> memref<80xi32, #tpu.memory_space<hbm>>
      tpu.enqueue_dma source(%dma_start3A_424 : memref<80xi32, #tpu.memory_space<hbm>>) target(%arg17 : memref<80xi32, #tpu.memory_space<vmem>>) target_semaphore(%arg29 : memref<!tpu.dma_semaphore, #tpu.memory_space<semaphore_mem>>)
      %dma_wait3A_425 = arith.constant 0 : i32
      %dma_wait3A_426 = tpu.memref_slice %arg3[%dma_wait3A_425] : memref<320000xi32, #tpu.memory_space<hbm>> -> memref<80xi32, #tpu.memory_space<hbm>>
      %dma_wait3A_427 = arith.constant 0 : i32
      %dma_wait3A_428 = tpu.memref_slice %arg3[%dma_wait3A_427] : memref<320000xi32, #tpu.memory_space<hbm>> -> memref<80xi32, #tpu.memory_space<hbm>>
      tpu.wait_dma2 semaphore(%arg28 : memref<!tpu.dma_semaphore, #tpu.memory_space<semaphore_mem>>) src(%dma_wait3A_428 : memref<80xi32, #tpu.memory_space<hbm>>) dst(%arg12 : memref<80xi32, #tpu.memory_space<vmem>>)
      %dma_wait3A_429 = arith.constant 0 : i32
      %dma_wait3A_430 = tpu.memref_slice %arg4[%dma_wait3A_429] : memref<320000xi32, #tpu.memory_space<hbm>> -> memref<80xi32, #tpu.memory_space<hbm>>
      %dma_wait3A_431 = arith.constant 0 : i32
      %dma_wait3A_432 = tpu.memref_slice %arg4[%dma_wait3A_431] : memref<320000xi32, #tpu.memory_space<hbm>> -> memref<80xi32, #tpu.memory_space<hbm>>
      tpu.wait_dma2 semaphore(%arg28 : memref<!tpu.dma_semaphore, #tpu.memory_space<semaphore_mem>>) src(%dma_wait3A_432 : memref<80xi32, #tpu.memory_space<hbm>>) dst(%arg16 : memref<80xi32, #tpu.memory_space<vmem>>)
      %dma_start3A_433 = arith.constant 0 : i32
      %dma_start3A_434 = arith.constant 0 : i32
      %dma_start3A_435 = tpu.memref_slice %arg2[%dma_start3A_433, %dma_start3A_434] : memref<10000x128xf32, #tpu.memory_space<hbm>> -> memref<10000x128xf32, #tpu.memory_space<hbm>>
      tpu.enqueue_indirect_dma source(%dma_start3A_435 : memref<10000x128xf32, #tpu.memory_space<hbm>>) target(%arg8 : memref<80x128xf32, #tpu.memory_space<vmem>>) offsets(%arg12 : memref<80xi32, #tpu.memory_space<vmem>>) semaphore(%arg20 : memref<!tpu.dma_semaphore, #tpu.memory_space<semaphore_mem>>)
      %dma_wait3A_436 = arith.constant 0 : i32
      %dma_wait3A_437 = arith.constant 0 : i32
      %dma_wait3A_438 = tpu.memref_slice %arg2[%dma_wait3A_436, %dma_wait3A_437] : memref<10000x128xf32, #tpu.memory_space<hbm>> -> memref<80x128xf32, #tpu.memory_space<hbm>>
      %dma_wait3A_439 = arith.constant 0 : i32
      %dma_wait3A_440 = arith.constant 0 : i32
      %dma_wait3A_441 = tpu.memref_slice %arg2[%dma_wait3A_439, %dma_wait3A_440] : memref<10000x128xf32, #tpu.memory_space<hbm>> -> memref<80x128xf32, #tpu.memory_space<hbm>>
      tpu.wait_dma2 semaphore(%arg19 : memref<!tpu.dma_semaphore, #tpu.memory_space<semaphore_mem>>) src(%dma_wait3A_441 : memref<80x128xf32, #tpu.memory_space<hbm>>) dst(%arg7 : memref<80x128xf32, #tpu.memory_space<vmem>>)
      %dma_wait3A_442 = arith.constant 0 : i32
      %dma_wait3A_443 = arith.constant 0 : i32
      %dma_wait3A_444 = tpu.memref_slice %arg6[%dma_wait3A_442, %dma_wait3A_443] : memref<10000x128xf32, #tpu.memory_space<vmem_shared>> -> memref<80x128xf32, #tpu.memory_space<vmem_shared>>
      %dma_wait3A_445 = arith.constant 0 : i32
      %dma_wait3A_446 = arith.constant 0 : i32
      %dma_wait3A_447 = tpu.memref_slice %arg6[%dma_wait3A_445, %dma_wait3A_446] : memref<10000x128xf32, #tpu.memory_space<vmem_shared>> -> memref<80x128xf32, #tpu.memory_space<vmem_shared>>
      tpu.wait_dma2 semaphore(%arg26 : memref<!tpu.dma_semaphore, #tpu.memory_space<semaphore_mem>>) src(%arg10 : memref<80x128xf32, #tpu.memory_space<vmem>>) dst(%dma_wait3A_447 : memref<80x128xf32, #tpu.memory_space<vmem_shared>>)
      %dma_start3A_448 = arith.constant 0 : i32
      %dma_start3A_449 = arith.constant 0 : i32
      %dma_start3A_450 = tpu.memref_slice %arg6[%dma_start3A_448, %dma_start3A_449] : memref<10000x128xf32, #tpu.memory_space<vmem_shared>> -> memref<10000x128xf32, #tpu.memory_space<vmem_shared>>
      tpu.enqueue_indirect_dma source(%arg7 : memref<80x128xf32, #tpu.memory_space<vmem>>) target(%dma_start3A_450 : memref<10000x128xf32, #tpu.memory_space<vmem_shared>>) offsets(%arg15 : memref<80xi32, #tpu.memory_space<vmem>>) semaphore(%arg23 : memref<!tpu.dma_semaphore, #tpu.memory_space<semaphore_mem>>) {add = true}
      %mul3A_451 = arith.constant 4 : i32
      %mul3A_452 = arith.muli %scan3A_303, %mul3A_451 : i32
      %add3A_453 = arith.constant 3 : i32
      %add3A_454 = arith.addi %mul3A_452, %add3A_453 : i32
      %add3A_455 = arith.constant 4 : i32
      %add3A_456 = arith.addi %add3A_454, %add3A_455 : i32
      %mul3A_457 = arith.constant 80 : i32
      %mul3A_458 = arith.muli %add3A_456, %mul3A_457 : i32
      %add3A_459 = arith.addi %mul3A_115, %mul3A_458 : i32
      %dma_start3A_460 = tpu.memref_slice %arg3[%add3A_459] : memref<320000xi32, #tpu.memory_space<hbm>> -> memref<80xi32, #tpu.memory_space<hbm>>
      %dma_start3A_461 = tpu.memref_slice %arg3[%add3A_459] : memref<320000xi32, #tpu.memory_space<hbm>> -> memref<80xi32, #tpu.memory_space<hbm>>
      tpu.enqueue_dma source(%dma_start3A_461 : memref<80xi32, #tpu.memory_space<hbm>>) target(%arg14 : memref<80xi32, #tpu.memory_space<vmem>>) target_semaphore(%arg30 : memref<!tpu.dma_semaphore, #tpu.memory_space<semaphore_mem>>)
      %add3A_462 = arith.constant 4 : i32
      %add3A_463 = arith.addi %add3A_454, %add3A_462 : i32
      %mul3A_464 = arith.constant 80 : i32
      %mul3A_465 = arith.muli %add3A_463, %mul3A_464 : i32
      %add3A_466 = arith.addi %mul3A_115, %mul3A_465 : i32
      %dma_start3A_467 = tpu.memref_slice %arg4[%add3A_466] : memref<320000xi32, #tpu.memory_space<hbm>> -> memref<80xi32, #tpu.memory_space<hbm>>
      %dma_start3A_468 = tpu.memref_slice %arg4[%add3A_466] : memref<320000xi32, #tpu.memory_space<hbm>> -> memref<80xi32, #tpu.memory_space<hbm>>
      tpu.enqueue_dma source(%dma_start3A_468 : memref<80xi32, #tpu.memory_space<hbm>>) target(%arg18 : memref<80xi32, #tpu.memory_space<vmem>>) target_semaphore(%arg30 : memref<!tpu.dma_semaphore, #tpu.memory_space<semaphore_mem>>)
      %dma_wait3A_469 = arith.constant 0 : i32
      %dma_wait3A_470 = tpu.memref_slice %arg3[%dma_wait3A_469] : memref<320000xi32, #tpu.memory_space<hbm>> -> memref<80xi32, #tpu.memory_space<hbm>>
      %dma_wait3A_471 = arith.constant 0 : i32
      %dma_wait3A_472 = tpu.memref_slice %arg3[%dma_wait3A_471] : memref<320000xi32, #tpu.memory_space<hbm>> -> memref<80xi32, #tpu.memory_space<hbm>>
      tpu.wait_dma2 semaphore(%arg29 : memref<!tpu.dma_semaphore, #tpu.memory_space<semaphore_mem>>) src(%dma_wait3A_472 : memref<80xi32, #tpu.memory_space<hbm>>) dst(%arg13 : memref<80xi32, #tpu.memory_space<vmem>>)
      %dma_wait3A_473 = arith.constant 0 : i32
      %dma_wait3A_474 = tpu.memref_slice %arg4[%dma_wait3A_473] : memref<320000xi32, #tpu.memory_space<hbm>> -> memref<80xi32, #tpu.memory_space<hbm>>
      %dma_wait3A_475 = arith.constant 0 : i32
      %dma_wait3A_476 = tpu.memref_slice %arg4[%dma_wait3A_475] : memref<320000xi32, #tpu.memory_space<hbm>> -> memref<80xi32, #tpu.memory_space<hbm>>
      tpu.wait_dma2 semaphore(%arg29 : memref<!tpu.dma_semaphore, #tpu.memory_space<semaphore_mem>>) src(%dma_wait3A_476 : memref<80xi32, #tpu.memory_space<hbm>>) dst(%arg17 : memref<80xi32, #tpu.memory_space<vmem>>)
      %dma_start3A_477 = arith.constant 0 : i32
      %dma_start3A_478 = arith.constant 0 : i32
      %dma_start3A_479 = tpu.memref_slice %arg2[%dma_start3A_477, %dma_start3A_478] : memref<10000x128xf32, #tpu.memory_space<hbm>> -> memref<10000x128xf32, #tpu.memory_space<hbm>>
      tpu.enqueue_indirect_dma source(%dma_start3A_479 : memref<10000x128xf32, #tpu.memory_space<hbm>>) target(%arg9 : memref<80x128xf32, #tpu.memory_space<vmem>>) offsets(%arg13 : memref<80xi32, #tpu.memory_space<vmem>>) semaphore(%arg21 : memref<!tpu.dma_semaphore, #tpu.memory_space<semaphore_mem>>)
    }
    %scan3A_195 = arith.constant 30 : i32
    %dma_wait3A_196 = arith.constant 0 : i32
    %dma_wait3A_197 = arith.constant 0 : i32
    %dma_wait3A_198 = tpu.memref_slice %arg2[%dma_wait3A_196, %dma_wait3A_197] : memref<10000x128xf32, #tpu.memory_space<hbm>> -> memref<80x128xf32, #tpu.memory_space<hbm>>
    %dma_wait3A_199 = arith.constant 0 : i32
    %dma_wait3A_200 = arith.constant 0 : i32
    %dma_wait3A_201 = tpu.memref_slice %arg2[%dma_wait3A_199, %dma_wait3A_200] : memref<10000x128xf32, #tpu.memory_space<hbm>> -> memref<80x128xf32, #tpu.memory_space<hbm>>
    tpu.wait_dma2 semaphore(%arg20 : memref<!tpu.dma_semaphore, #tpu.memory_space<semaphore_mem>>) src(%dma_wait3A_201 : memref<80x128xf32, #tpu.memory_space<hbm>>) dst(%arg8 : memref<80x128xf32, #tpu.memory_space<vmem>>)
    %dma_wait3A_202 = arith.constant 0 : i32
    %dma_wait3A_203 = arith.constant 0 : i32
    %dma_wait3A_204 = tpu.memref_slice %arg6[%dma_wait3A_202, %dma_wait3A_203] : memref<10000x128xf32, #tpu.memory_space<vmem_shared>> -> memref<80x128xf32, #tpu.memory_space<vmem_shared>>
    %dma_wait3A_205 = arith.constant 0 : i32
    %dma_wait3A_206 = arith.constant 0 : i32
    %dma_wait3A_207 = tpu.memref_slice %arg6[%dma_wait3A_205, %dma_wait3A_206] : memref<10000x128xf32, #tpu.memory_space<vmem_shared>> -> memref<80x128xf32, #tpu.memory_space<vmem_shared>>
    tpu.wait_dma2 semaphore(%arg23 : memref<!tpu.dma_semaphore, #tpu.memory_space<semaphore_mem>>) src(%arg7 : memref<80x128xf32, #tpu.memory_space<vmem>>) dst(%dma_wait3A_207 : memref<80x128xf32, #tpu.memory_space<vmem_shared>>)
    %dma_start3A_208 = arith.constant 0 : i32
    %dma_start3A_209 = arith.constant 0 : i32
    %dma_start3A_210 = tpu.memref_slice %arg6[%dma_start3A_208, %dma_start3A_209] : memref<10000x128xf32, #tpu.memory_space<vmem_shared>> -> memref<10000x128xf32, #tpu.memory_space<vmem_shared>>
    tpu.enqueue_indirect_dma source(%arg8 : memref<80x128xf32, #tpu.memory_space<vmem>>) target(%dma_start3A_210 : memref<10000x128xf32, #tpu.memory_space<vmem_shared>>) offsets(%arg16 : memref<80xi32, #tpu.memory_space<vmem>>) semaphore(%arg24 : memref<!tpu.dma_semaphore, #tpu.memory_space<semaphore_mem>>) {add = true}
    %add3A_211 = arith.constant 9920 : i32
    %add3A_212 = arith.addi %mul3A_115, %add3A_211 : i32
    %dma_start3A_213 = tpu.memref_slice %arg3[%add3A_212] : memref<320000xi32, #tpu.memory_space<hbm>> -> memref<80xi32, #tpu.memory_space<hbm>>
    %dma_start3A_214 = tpu.memref_slice %arg3[%add3A_212] : memref<320000xi32, #tpu.memory_space<hbm>> -> memref<80xi32, #tpu.memory_space<hbm>>
    tpu.enqueue_dma source(%dma_start3A_214 : memref<80xi32, #tpu.memory_space<hbm>>) target(%arg11 : memref<80xi32, #tpu.memory_space<vmem>>) target_semaphore(%arg27 : memref<!tpu.dma_semaphore, #tpu.memory_space<semaphore_mem>>)
    %add3A_215 = arith.constant 9920 : i32
    %add3A_216 = arith.addi %mul3A_115, %add3A_215 : i32
    %dma_start3A_217 = tpu.memref_slice %arg4[%add3A_216] : memref<320000xi32, #tpu.memory_space<hbm>> -> memref<80xi32, #tpu.memory_space<hbm>>
    %dma_start3A_218 = tpu.memref_slice %arg4[%add3A_216] : memref<320000xi32, #tpu.memory_space<hbm>> -> memref<80xi32, #tpu.memory_space<hbm>>
    tpu.enqueue_dma source(%dma_start3A_218 : memref<80xi32, #tpu.memory_space<hbm>>) target(%arg15 : memref<80xi32, #tpu.memory_space<vmem>>) target_semaphore(%arg27 : memref<!tpu.dma_semaphore, #tpu.memory_space<semaphore_mem>>)
    %dma_wait3A_219 = arith.constant 0 : i32
    %dma_wait3A_220 = tpu.memref_slice %arg3[%dma_wait3A_219] : memref<320000xi32, #tpu.memory_space<hbm>> -> memref<80xi32, #tpu.memory_space<hbm>>
    %dma_wait3A_221 = arith.constant 0 : i32
    %dma_wait3A_222 = tpu.memref_slice %arg3[%dma_wait3A_221] : memref<320000xi32, #tpu.memory_space<hbm>> -> memref<80xi32, #tpu.memory_space<hbm>>
    tpu.wait_dma2 semaphore(%arg30 : memref<!tpu.dma_semaphore, #tpu.memory_space<semaphore_mem>>) src(%dma_wait3A_222 : memref<80xi32, #tpu.memory_space<hbm>>) dst(%arg14 : memref<80xi32, #tpu.memory_space<vmem>>)
    %dma_wait3A_223 = arith.constant 0 : i32
    %dma_wait3A_224 = tpu.memref_slice %arg4[%dma_wait3A_223] : memref<320000xi32, #tpu.memory_space<hbm>> -> memref<80xi32, #tpu.memory_space<hbm>>
    %dma_wait3A_225 = arith.constant 0 : i32
    %dma_wait3A_226 = tpu.memref_slice %arg4[%dma_wait3A_225] : memref<320000xi32, #tpu.memory_space<hbm>> -> memref<80xi32, #tpu.memory_space<hbm>>
    tpu.wait_dma2 semaphore(%arg30 : memref<!tpu.dma_semaphore, #tpu.memory_space<semaphore_mem>>) src(%dma_wait3A_226 : memref<80xi32, #tpu.memory_space<hbm>>) dst(%arg18 : memref<80xi32, #tpu.memory_space<vmem>>)
    %dma_start3A_227 = arith.constant 0 : i32
    %dma_start3A_228 = arith.constant 0 : i32
    %dma_start3A_229 = tpu.memref_slice %arg2[%dma_start3A_227, %dma_start3A_228] : memref<10000x128xf32, #tpu.memory_space<hbm>> -> memref<10000x128xf32, #tpu.memory_space<hbm>>
    tpu.enqueue_indirect_dma source(%dma_start3A_229 : memref<10000x128xf32, #tpu.memory_space<hbm>>) target(%arg10 : memref<80x128xf32, #tpu.memory_space<vmem>>) offsets(%arg14 : memref<80xi32, #tpu.memory_space<vmem>>) semaphore(%arg22 : memref<!tpu.dma_semaphore, #tpu.memory_space<semaphore_mem>>)
    %dma_wait3A_230 = arith.constant 0 : i32
    %dma_wait3A_231 = arith.constant 0 : i32
    %dma_wait3A_232 = tpu.memref_slice %arg2[%dma_wait3A_230, %dma_wait3A_231] : memref<10000x128xf32, #tpu.memory_space<hbm>> -> memref<80x128xf32, #tpu.memory_space<hbm>>
    %dma_wait3A_233 = arith.constant 0 : i32
    %dma_wait3A_234 = arith.constant 0 : i32
    %dma_wait3A_235 = tpu.memref_slice %arg2[%dma_wait3A_233, %dma_wait3A_234] : memref<10000x128xf32, #tpu.memory_space<hbm>> -> memref<80x128xf32, #tpu.memory_space<hbm>>
    tpu.wait_dma2 semaphore(%arg21 : memref<!tpu.dma_semaphore, #tpu.memory_space<semaphore_mem>>) src(%dma_wait3A_235 : memref<80x128xf32, #tpu.memory_space<hbm>>) dst(%arg9 : memref<80x128xf32, #tpu.memory_space<vmem>>)
    %dma_wait3A_236 = arith.constant 0 : i32
    %dma_wait3A_237 = arith.constant 0 : i32
    %dma_wait3A_238 = tpu.memref_slice %arg6[%dma_wait3A_236, %dma_wait3A_237] : memref<10000x128xf32, #tpu.memory_space<vmem_shared>> -> memref<80x128xf32, #tpu.memory_space<vmem_shared>>
    %dma_wait3A_239 = arith.constant 0 : i32
    %dma_wait3A_240 = arith.constant 0 : i32
    %dma_wait3A_241 = tpu.memref_slice %arg6[%dma_wait3A_239, %dma_wait3A_240] : memref<10000x128xf32, #tpu.memory_space<vmem_shared>> -> memref<80x128xf32, #tpu.memory_space<vmem_shared>>
    tpu.wait_dma2 semaphore(%arg24 : memref<!tpu.dma_semaphore, #tpu.memory_space<semaphore_mem>>) src(%arg8 : memref<80x128xf32, #tpu.memory_space<vmem>>) dst(%dma_wait3A_241 : memref<80x128xf32, #tpu.memory_space<vmem_shared>>)
    %dma_start3A_242 = arith.constant 0 : i32
    %dma_start3A_243 = arith.constant 0 : i32
    %dma_start3A_244 = tpu.memref_slice %arg6[%dma_start3A_242, %dma_start3A_243] : memref<10000x128xf32, #tpu.memory_space<vmem_shared>> -> memref<10000x128xf32, #tpu.memory_space<vmem_shared>>
    tpu.enqueue_indirect_dma source(%arg9 : memref<80x128xf32, #tpu.memory_space<vmem>>) target(%dma_start3A_244 : memref<10000x128xf32, #tpu.memory_space<vmem_shared>>) offsets(%arg17 : memref<80xi32, #tpu.memory_space<vmem>>) semaphore(%arg25 : memref<!tpu.dma_semaphore, #tpu.memory_space<semaphore_mem>>) {add = true}
    %dma_wait3A_245 = arith.constant 0 : i32
    %dma_wait3A_246 = tpu.memref_slice %arg3[%dma_wait3A_245] : memref<320000xi32, #tpu.memory_space<hbm>> -> memref<80xi32, #tpu.memory_space<hbm>>
    %dma_wait3A_247 = arith.constant 0 : i32
    %dma_wait3A_248 = tpu.memref_slice %arg3[%dma_wait3A_247] : memref<320000xi32, #tpu.memory_space<hbm>> -> memref<80xi32, #tpu.memory_space<hbm>>
    tpu.wait_dma2 semaphore(%arg27 : memref<!tpu.dma_semaphore, #tpu.memory_space<semaphore_mem>>) src(%dma_wait3A_248 : memref<80xi32, #tpu.memory_space<hbm>>) dst(%arg11 : memref<80xi32, #tpu.memory_space<vmem>>)
    %dma_wait3A_249 = arith.constant 0 : i32
    %dma_wait3A_250 = tpu.memref_slice %arg4[%dma_wait3A_249] : memref<320000xi32, #tpu.memory_space<hbm>> -> memref<80xi32, #tpu.memory_space<hbm>>
    %dma_wait3A_251 = arith.constant 0 : i32
    %dma_wait3A_252 = tpu.memref_slice %arg4[%dma_wait3A_251] : memref<320000xi32, #tpu.memory_space<hbm>> -> memref<80xi32, #tpu.memory_space<hbm>>
    tpu.wait_dma2 semaphore(%arg27 : memref<!tpu.dma_semaphore, #tpu.memory_space<semaphore_mem>>) src(%dma_wait3A_252 : memref<80xi32, #tpu.memory_space<hbm>>) dst(%arg15 : memref<80xi32, #tpu.memory_space<vmem>>)
    %dma_start3A_253 = arith.constant 0 : i32
    %dma_start3A_254 = arith.constant 0 : i32
    %dma_start3A_255 = tpu.memref_slice %arg2[%dma_start3A_253, %dma_start3A_254] : memref<10000x128xf32, #tpu.memory_space<hbm>> -> memref<10000x128xf32, #tpu.memory_space<hbm>>
    tpu.enqueue_indirect_dma source(%dma_start3A_255 : memref<10000x128xf32, #tpu.memory_space<hbm>>) target(%arg7 : memref<80x128xf32, #tpu.memory_space<vmem>>) offsets(%arg11 : memref<80xi32, #tpu.memory_space<vmem>>) semaphore(%arg19 : memref<!tpu.dma_semaphore, #tpu.memory_space<semaphore_mem>>)
    %dma_wait3A_256 = arith.constant 0 : i32
    %dma_wait3A_257 = arith.constant 0 : i32
    %dma_wait3A_258 = tpu.memref_slice %arg2[%dma_wait3A_256, %dma_wait3A_257] : memref<10000x128xf32, #tpu.memory_space<hbm>> -> memref<80x128xf32, #tpu.memory_space<hbm>>
    %dma_wait3A_259 = arith.constant 0 : i32
    %dma_wait3A_260 = arith.constant 0 : i32
    %dma_wait3A_261 = tpu.memref_slice %arg2[%dma_wait3A_259, %dma_wait3A_260] : memref<10000x128xf32, #tpu.memory_space<hbm>> -> memref<80x128xf32, #tpu.memory_space<hbm>>
    tpu.wait_dma2 semaphore(%arg22 : memref<!tpu.dma_semaphore, #tpu.memory_space<semaphore_mem>>) src(%dma_wait3A_261 : memref<80x128xf32, #tpu.memory_space<hbm>>) dst(%arg10 : memref<80x128xf32, #tpu.memory_space<vmem>>)
    %dma_wait3A_262 = arith.constant 0 : i32
    %dma_wait3A_263 = arith.constant 0 : i32
    %dma_wait3A_264 = tpu.memref_slice %arg6[%dma_wait3A_262, %dma_wait3A_263] : memref<10000x128xf32, #tpu.memory_space<vmem_shared>> -> memref<80x128xf32, #tpu.memory_space<vmem_shared>>
    %dma_wait3A_265 = arith.constant 0 : i32
    %dma_wait3A_266 = arith.constant 0 : i32
    %dma_wait3A_267 = tpu.memref_slice %arg6[%dma_wait3A_265, %dma_wait3A_266] : memref<10000x128xf32, #tpu.memory_space<vmem_shared>> -> memref<80x128xf32, #tpu.memory_space<vmem_shared>>
    tpu.wait_dma2 semaphore(%arg25 : memref<!tpu.dma_semaphore, #tpu.memory_space<semaphore_mem>>) src(%arg9 : memref<80x128xf32, #tpu.memory_space<vmem>>) dst(%dma_wait3A_267 : memref<80x128xf32, #tpu.memory_space<vmem_shared>>)
    %dma_start3A_268 = arith.constant 0 : i32
    %dma_start3A_269 = arith.constant 0 : i32
    %dma_start3A_270 = tpu.memref_slice %arg6[%dma_start3A_268, %dma_start3A_269] : memref<10000x128xf32, #tpu.memory_space<vmem_shared>> -> memref<10000x128xf32, #tpu.memory_space<vmem_shared>>
    tpu.enqueue_indirect_dma source(%arg10 : memref<80x128xf32, #tpu.memory_space<vmem>>) target(%dma_start3A_270 : memref<10000x128xf32, #tpu.memory_space<vmem_shared>>) offsets(%arg18 : memref<80xi32, #tpu.memory_space<vmem>>) semaphore(%arg26 : memref<!tpu.dma_semaphore, #tpu.memory_space<semaphore_mem>>) {add = true}
    %dma_wait3A_271 = arith.constant 0 : i32
    %dma_wait3A_272 = arith.constant 0 : i32
    %dma_wait3A_273 = tpu.memref_slice %arg2[%dma_wait3A_271, %dma_wait3A_272] : memref<10000x128xf32, #tpu.memory_space<hbm>> -> memref<80x128xf32, #tpu.memory_space<hbm>>
    %dma_wait3A_274 = arith.constant 0 : i32
    %dma_wait3A_275 = arith.constant 0 : i32
    %dma_wait3A_276 = tpu.memref_slice %arg2[%dma_wait3A_274, %dma_wait3A_275] : memref<10000x128xf32, #tpu.memory_space<hbm>> -> memref<80x128xf32, #tpu.memory_space<hbm>>
    tpu.wait_dma2 semaphore(%arg19 : memref<!tpu.dma_semaphore, #tpu.memory_space<semaphore_mem>>) src(%dma_wait3A_276 : memref<80x128xf32, #tpu.memory_space<hbm>>) dst(%arg7 : memref<80x128xf32, #tpu.memory_space<vmem>>)
    %dma_wait3A_277 = arith.constant 0 : i32
    %dma_wait3A_278 = arith.constant 0 : i32
    %dma_wait3A_279 = tpu.memref_slice %arg6[%dma_wait3A_277, %dma_wait3A_278] : memref<10000x128xf32, #tpu.memory_space<vmem_shared>> -> memref<80x128xf32, #tpu.memory_space<vmem_shared>>
    %dma_wait3A_280 = arith.constant 0 : i32
    %dma_wait3A_281 = arith.constant 0 : i32
    %dma_wait3A_282 = tpu.memref_slice %arg6[%dma_wait3A_280, %dma_wait3A_281] : memref<10000x128xf32, #tpu.memory_space<vmem_shared>> -> memref<80x128xf32, #tpu.memory_space<vmem_shared>>
    tpu.wait_dma2 semaphore(%arg26 : memref<!tpu.dma_semaphore, #tpu.memory_space<semaphore_mem>>) src(%arg10 : memref<80x128xf32, #tpu.memory_space<vmem>>) dst(%dma_wait3A_282 : memref<80x128xf32, #tpu.memory_space<vmem_shared>>)
    %dma_start3A_283 = arith.constant 0 : i32
    %dma_start3A_284 = arith.constant 0 : i32
    %dma_start3A_285 = tpu.memref_slice %arg6[%dma_start3A_283, %dma_start3A_284] : memref<10000x128xf32, #tpu.memory_space<vmem_shared>> -> memref<10000x128xf32, #tpu.memory_space<vmem_shared>>
    tpu.enqueue_indirect_dma source(%arg7 : memref<80x128xf32, #tpu.memory_space<vmem>>) target(%dma_start3A_285 : memref<10000x128xf32, #tpu.memory_space<vmem_shared>>) offsets(%arg15 : memref<80xi32, #tpu.memory_space<vmem>>) semaphore(%arg23 : memref<!tpu.dma_semaphore, #tpu.memory_space<semaphore_mem>>) {add = true}
    %dma_wait3A_286 = arith.constant 0 : i32
    %dma_wait3A_287 = arith.constant 0 : i32
    %dma_wait3A_288 = tpu.memref_slice %arg6[%dma_wait3A_286, %dma_wait3A_287] : memref<10000x128xf32, #tpu.memory_space<vmem_shared>> -> memref<80x128xf32, #tpu.memory_space<vmem_shared>>
    %dma_wait3A_289 = arith.constant 0 : i32
    %dma_wait3A_290 = arith.constant 0 : i32
    %dma_wait3A_291 = tpu.memref_slice %arg6[%dma_wait3A_289, %dma_wait3A_290] : memref<10000x128xf32, #tpu.memory_space<vmem_shared>> -> memref<80x128xf32, #tpu.memory_space<vmem_shared>>
    tpu.wait_dma2 semaphore(%arg23 : memref<!tpu.dma_semaphore, #tpu.memory_space<semaphore_mem>>) src(%arg7 : memref<80x128xf32, #tpu.memory_space<vmem>>) dst(%dma_wait3A_291 : memref<80x128xf32, #tpu.memory_space<vmem_shared>>)
    %barrier3A_292 = arith.constant 0 : index
    tpu.barrier barrier_id(%barrier3A_292)
    %lt3A_293 = arith.constant 2 : i32
    %lt3A_294 = arith.cmpi slt, %arg1, %lt3A_293 : i32
    %convert_element_type3A_295 = arith.extui %lt3A_294 : i1 to i32
    %cond3A_296 = arith.constant 0 : i32
    %cond3A_297 = arith.cmpi ne, %convert_element_type3A_295, %cond3A_296 : i32
    scf.if %cond3A_297 {
      %mul3A_303 = arith.constant 632 : i32
      %mul3A_304 = arith.muli %arg1, %mul3A_303 : i32
      "tpu.region"() ({
        %run_scoped3A = tpu.sem_alloc : memref<!tpu.dma_semaphore, #tpu.memory_space<semaphore_mem>>
        %dma_start3A_305 = arith.constant 0 : i32
        %dma_start3A_306 = tpu.memref_slice %arg5[%arg0, %mul3A_304, %dma_start3A_305] : memref<2x10000x128xf32, #tpu.memory_space<hbm>> -> memref<1x632x128xf32, #tpu.memory_space<hbm>>
        %dma_start3A_307 = tpu.memref_squeeze %dma_start3A_306 : memref<1x632x128xf32, #tpu.memory_space<hbm>> -> memref<632x128xf32, #tpu.memory_space<hbm>>
        %dma_start3A_308 = arith.constant 0 : i32
        %dma_start3A_309 = tpu.memref_slice %arg6[%mul3A_304, %dma_start3A_308] : memref<10000x128xf32, #tpu.memory_space<vmem_shared>> -> memref<632x128xf32, #tpu.memory_space<vmem_shared>>
        tpu.enqueue_dma source(%dma_start3A_309 : memref<632x128xf32, #tpu.memory_space<vmem_shared>>) target(%dma_start3A_307 : memref<632x128xf32, #tpu.memory_space<hbm>>) target_semaphore(%run_scoped3A : memref<!tpu.dma_semaphore, #tpu.memory_space<semaphore_mem>>)
        %dma_wait3A_310 = arith.constant 0 : i32
        %dma_wait3A_311 = tpu.memref_slice %arg5[%arg0, %mul3A_304, %dma_wait3A_310] : memref<2x10000x128xf32, #tpu.memory_space<hbm>> -> memref<1x632x128xf32, #tpu.memory_space<hbm>>
        %dma_wait3A_312 = tpu.memref_squeeze %dma_wait3A_311 : memref<1x632x128xf32, #tpu.memory_space<hbm>> -> memref<632x128xf32, #tpu.memory_space<hbm>>
        %dma_wait3A_313 = arith.constant 0 : i32
        %dma_wait3A_314 = tpu.memref_slice %arg6[%mul3A_304, %dma_wait3A_313] : memref<10000x128xf32, #tpu.memory_space<vmem_shared>> -> memref<632x128xf32, #tpu.memory_space<vmem_shared>>
        tpu.wait_dma2 semaphore(%run_scoped3A : memref<!tpu.dma_semaphore, #tpu.memory_space<semaphore_mem>>) src(%dma_wait3A_314 : memref<632x128xf32, #tpu.memory_space<vmem_shared>>) dst(%dma_wait3A_312 : memref<632x128xf32, #tpu.memory_space<hbm>>)
        tpu.yield
      }) : () -> ()
    } else {
    }
    %ge3A_298 = arith.constant 2 : i32
    %ge3A_299 = arith.cmpi sge, %arg1, %ge3A_298 : i32
    %convert_element_type3A_300 = arith.extui %ge3A_299 : i1 to i32
    %cond3A_301 = arith.constant 0 : i32
    %cond3A_302 = arith.cmpi ne, %convert_element_type3A_300, %cond3A_301 : i32
    scf.if %cond3A_302 {
      %sub3A_303 = arith.constant 2 : i32
      %sub3A_304 = arith.subi %arg1, %sub3A_303 : i32
      %mul3A_305 = arith.constant 624 : i32
      %mul3A_306 = arith.muli %sub3A_304, %mul3A_305 : i32
      %add3A_307 = arith.constant 1264 : i32
      %add3A_308 = arith.addi %add3A_307, %mul3A_306 : i32
      "tpu.region"() ({
        %run_scoped3A = tpu.sem_alloc : memref<!tpu.dma_semaphore, #tpu.memory_space<semaphore_mem>>
        %dma_start3A_309 = arith.constant 0 : i32
        %dma_start3A_310 = tpu.memref_slice %arg5[%arg0, %add3A_308, %dma_start3A_309] : memref<2x10000x128xf32, #tpu.memory_space<hbm>> -> memref<1x624x128xf32, #tpu.memory_space<hbm>>
        %dma_start3A_311 = tpu.memref_squeeze %dma_start3A_310 : memref<1x624x128xf32, #tpu.memory_space<hbm>> -> memref<624x128xf32, #tpu.memory_space<hbm>>
        %dma_start3A_312 = arith.constant 0 : i32
        %dma_start3A_313 = tpu.memref_slice %arg6[%add3A_308, %dma_start3A_312] : memref<10000x128xf32, #tpu.memory_space<vmem_shared>> -> memref<624x128xf32, #tpu.memory_space<vmem_shared>>
        tpu.enqueue_dma source(%dma_start3A_313 : memref<624x128xf32, #tpu.memory_space<vmem_shared>>) target(%dma_start3A_311 : memref<624x128xf32, #tpu.memory_space<hbm>>) target_semaphore(%run_scoped3A : memref<!tpu.dma_semaphore, #tpu.memory_space<semaphore_mem>>)
        %dma_wait3A_314 = arith.constant 0 : i32
        %dma_wait3A_315 = tpu.memref_slice %arg5[%arg0, %add3A_308, %dma_wait3A_314] : memref<2x10000x128xf32, #tpu.memory_space<hbm>> -> memref<1x624x128xf32, #tpu.memory_space<hbm>>
        %dma_wait3A_316 = tpu.memref_squeeze %dma_wait3A_315 : memref<1x624x128xf32, #tpu.memory_space<hbm>> -> memref<624x128xf32, #tpu.memory_space<hbm>>
        %dma_wait3A_317 = arith.constant 0 : i32
        %dma_wait3A_318 = tpu.memref_slice %arg6[%add3A_308, %dma_wait3A_317] : memref<10000x128xf32, #tpu.memory_space<vmem_shared>> -> memref<624x128xf32, #tpu.memory_space<vmem_shared>>
        tpu.wait_dma2 semaphore(%run_scoped3A : memref<!tpu.dma_semaphore, #tpu.memory_space<semaphore_mem>>) src(%dma_wait3A_318 : memref<624x128xf32, #tpu.memory_space<vmem_shared>>) dst(%dma_wait3A_316 : memref<624x128xf32, #tpu.memory_space<hbm>>)
        tpu.yield
      }) : () -> ()
    } else {
    }
    return
  }
}

module attributes {stable_mosaic.version = 14 : i64} {
  func.func @_emb_body(%arg0: i32, %arg1: memref<2000x128xf32, #tpu.memory_space<vmem>>, %arg2: memref<128x128xf32, #tpu.memory_space<vmem>>, %arg3: memref<1x128xf32, #tpu.memory_space<vmem>>, %arg4: memref<2000x128xf32, #tpu.memory_space<vmem>>) attributes {dimension_semantics = [#tpu.dimension_semantics<arbitrary>], iteration_bounds = array<i64: 5>, scalar_prefetch = 0 : i64, scratch_operands = 0 : i64, tpu.core_type = #tpu.core_type<tc>, window_params = [{transform_indices = @transform_0, window_bounds = array<i64: 2000, 128>}, {pipeline_mode = #tpu.pipeline_mode<synchronous>, transform_indices = @transform_1, window_bounds = array<i64: 128, 128>}, {pipeline_mode = #tpu.pipeline_mode<synchronous>, transform_indices = @transform_2, window_bounds = array<i64: 1, 128>}, {transform_indices = @transform_3, window_bounds = array<i64: 2000, 128>}]} {
    %get3A = arith.constant 0 : index
    %get3A_0 = arith.constant 0 : index
    %get3A_1 = vector.load %arg1[%get3A, %get3A_0] : memref<2000x128xf32, #tpu.memory_space<vmem>>, vector<2000x128xf32>
    %get3A_2 = arith.constant 0 : index
    %get3A_3 = arith.constant 0 : index
    %get3A_4 = vector.load %arg2[%get3A_2, %get3A_3] : memref<128x128xf32, #tpu.memory_space<vmem>>, vector<128x128xf32>
    %dot_general3A = arith.constant dense<0.000000e+00> : vector<2000x128xf32>
    %dot_general3A_5 = tpu.matmul %get3A_1, %get3A_4, %dot_general3A {dimension_numbers = #tpu.dot_dimension_numbers<[1], [0], [0], [1], [0, 0, 1, 1], [], []>, transpose_lhs_hint = false} : vector<2000x128xf32>, vector<128x128xf32>, vector<2000x128xf32> -> vector<2000x128xf32>
    %get3A_6 = arith.constant 0 : index
    %get3A_7 = arith.constant 0 : index
    %get3A_8 = vector.load %arg3[%get3A_6, %get3A_7] : memref<1x128xf32, #tpu.memory_space<vmem>>, vector<1x128xf32>
    %add3A = vector.broadcast %get3A_8 : vector<1x128xf32> to vector<2000x128xf32>
    %add3A_9 = arith.addf %dot_general3A_5, %add3A : vector<2000x128xf32>
    %max3A = arith.constant 0.000000e+00 : f32
    %max3A_10 = vector.broadcast %max3A : f32 to vector<2000x128xf32>
    %max3A_11 = arith.maximumf %add3A_9, %max3A_10 : vector<2000x128xf32>
    %swap3A = arith.constant 0 : index
    %swap3A_12 = arith.constant 0 : index
    %swap3A_13 = vector.load %arg4[%swap3A, %swap3A_12] : memref<2000x128xf32, #tpu.memory_space<vmem>>, vector<2000x128xf32>
    tpu.vector_store %arg4[%swap3A, %swap3A_12], %max3A_11 {strides = array<i32>} : memref<2000x128xf32, #tpu.memory_space<vmem>>, vector<2000x128xf32>,
    return
  }
  func.func @transform_0(%arg0: i32) -> (i32, i32) {
    %c0_i32 = arith.constant 0 : i32
    %c0_i32_0 = arith.constant 0 : i32
    return %arg0, %c0_i32 : i32, i32
  }
  func.func @transform_1(%arg0: i32) -> (i32, i32) {
    %c0_i32 = arith.constant 0 : i32
    %c0_i32_0 = arith.constant 0 : i32
    %c0_i32_1 = arith.constant 0 : i32
    return %c0_i32, %c0_i32_0 : i32, i32
  }
  func.func @transform_2(%arg0: i32) -> (i32, i32) {
    %c0_i32 = arith.constant 0 : i32
    %c0_i32_0 = arith.constant 0 : i32
    %c0_i32_1 = arith.constant 0 : i32
    return %c0_i32, %c0_i32_0 : i32, i32
  }
  func.func @transform_3(%arg0: i32) -> (i32, i32) {
    %c0_i32 = arith.constant 0 : i32
    %c0_i32_0 = arith.constant 0 : i32
    return %arg0, %c0_i32 : i32, i32
  }
}

module attributes {stable_mosaic.version = 14 : i64} {
  func.func @_layer_body(%arg0: i32, %arg1: i32, %arg2: memref<2x2000x128xf32, #tpu.memory_space<vmem>>, %arg3: memref<2000x128xf32, #tpu.memory_space<vmem>>, %arg4: memref<128x128xf32, #tpu.memory_space<vmem>>, %arg5: memref<1x128xf32, #tpu.memory_space<vmem>>, %arg6: memref<1x128xf32, #tpu.memory_space<vmem>>, %arg7: memref<1x128xf32, #tpu.memory_space<vmem>>, %arg8: memref<128x128xf32, #tpu.memory_space<vmem>>, %arg9: memref<1x128xf32, #tpu.memory_space<vmem>>, %arg10: memref<1x1x2000xi32, #tpu.memory_space<vmem>>, %arg11: memref<2000x128xf32, #tpu.memory_space<vmem>>, %arg12: memref<64x128xf32, #tpu.memory_space<vmem>>, %arg13: memref<10000x128xf32, #tpu.memory_space<vmem>>, %arg14: memref<8x128xf32, #tpu.memory_space<vmem>>) attributes {dimension_semantics = [#tpu.dimension_semantics<arbitrary>, #tpu.dimension_semantics<arbitrary>], iteration_bounds = array<i64: 2, 5>, scalar_prefetch = 0 : i64, scratch_operands = 2 : i64, tpu.core_type = #tpu.core_type<tc>, window_params = [{transform_indices = @transform_0, window_bounds = array<i64: 2, 2000, 128>}, {transform_indices = @transform_1, window_bounds = array<i64: 2000, 128>}, {pipeline_mode = #tpu.pipeline_mode<synchronous>, transform_indices = @transform_2, window_bounds = array<i64: 128, 128>}, {pipeline_mode = #tpu.pipeline_mode<synchronous>, transform_indices = @transform_3, window_bounds = array<i64: 1, 128>}, {pipeline_mode = #tpu.pipeline_mode<synchronous>, transform_indices = @transform_4, window_bounds = array<i64: 1, 128>}, {pipeline_mode = #tpu.pipeline_mode<synchronous>, transform_indices = @transform_5, window_bounds = array<i64: 1, 128>}, {pipeline_mode = #tpu.pipeline_mode<synchronous>, transform_indices = @transform_6, window_bounds = array<i64: 128, 128>}, {pipeline_mode = #tpu.pipeline_mode<synchronous>, transform_indices = @transform_7, window_bounds = array<i64: 1, 128>}, {transform_indices = @transform_8, window_bounds = array<i64: 1, 1, 2000>}, {transform_indices = @transform_9, window_bounds = array<i64: 2000, 128>}, {pipeline_mode = #tpu.pipeline_mode<synchronous>, transform_indices = @transform_10, window_bounds = array<i64: 64, 128>}]} {
    %eq3A = arith.constant 0 : i32
    %eq3A_0 = arith.cmpi eq, %arg0, %eq3A : i32
    %convert_element_type3A = arith.extui %eq3A_0 : i1 to i32
    %cond3A = arith.constant 0 : i32
    %cond3A_1 = arith.cmpi ne, %convert_element_type3A, %cond3A : i32
    scf.if %cond3A_1 {
      %get3A = arith.constant 0 : index
      %get3A_7 = arith.constant 0 : index
      %get3A_8 = arith.constant 0 : index
      %get3A_9 = vector.load %arg2[%get3A, %get3A_7, %get3A_8] : memref<2x2000x128xf32, #tpu.memory_space<vmem>>, vector<1x2000x128xf32>
      %get3A_10 = vector.shape_cast %get3A_9 : vector<1x2000x128xf32> to vector<2000x128xf32>
      %get3A_11 = arith.constant 1 : index
      %get3A_12 = arith.constant 0 : index
      %get3A_13 = arith.constant 0 : index
      %get3A_14 = vector.load %arg2[%get3A_11, %get3A_12, %get3A_13] : memref<2x2000x128xf32, #tpu.memory_space<vmem>>, vector<1x2000x128xf32>
      %get3A_15 = vector.shape_cast %get3A_14 : vector<1x2000x128xf32> to vector<2000x128xf32>
      %add3A = arith.addf %get3A_10, %get3A_15 : vector<2000x128xf32>
      %get3A_16 = arith.constant 0 : index
      %get3A_17 = arith.constant 0 : index
      %get3A_18 = vector.load %arg3[%get3A_16, %get3A_17] : memref<2000x128xf32, #tpu.memory_space<vmem>>, vector<2000x128xf32>
      %add3A_19 = arith.addf %add3A, %get3A_18 : vector<2000x128xf32>
      %get3A_20 = arith.constant 0 : index
      %get3A_21 = arith.constant 0 : index
      %get3A_22 = vector.load %arg4[%get3A_20, %get3A_21] : memref<128x128xf32, #tpu.memory_space<vmem>>, vector<128x128xf32>
      %dot_general3A = arith.constant dense<0.000000e+00> : vector<2000x128xf32>
      %dot_general3A_23 = tpu.matmul %add3A_19, %get3A_22, %dot_general3A {dimension_numbers = #tpu.dot_dimension_numbers<[1], [0], [0], [1], [0, 0, 1, 1], [], []>, transpose_lhs_hint = false} : vector<2000x128xf32>, vector<128x128xf32>, vector<2000x128xf32> -> vector<2000x128xf32>
      %get3A_24 = arith.constant 0 : index
      %get3A_25 = arith.constant 0 : index
      %get3A_26 = vector.load %arg5[%get3A_24, %get3A_25] : memref<1x128xf32, #tpu.memory_space<vmem>>, vector<1x128xf32>
      %add3A_27 = vector.broadcast %get3A_26 : vector<1x128xf32> to vector<2000x128xf32>
      %add3A_28 = arith.addf %dot_general3A_23, %add3A_27 : vector<2000x128xf32>
      %mul3A = arith.constant 2000 : i32
      %mul3A_29 = arith.muli %arg1, %mul3A : i32
      %swap3A = arith.index_cast %mul3A_29 : i32 to index
      %swap3A_30 = arith.constant 0 : index
      %swap3A_31 = vector.load %arg13[%swap3A, %swap3A_30] : memref<10000x128xf32, #tpu.memory_space<vmem>>, vector<2000x128xf32>
      tpu.vector_store %arg13[%swap3A, %swap3A_30], %add3A_28 {strides = array<i32>} : memref<10000x128xf32, #tpu.memory_space<vmem>>, vector<2000x128xf32>,
      %reduce_sum3A = arith.constant dense<0.000000e+00> : vector<128xf32>
      %reduce_sum3A_32 = vector.multi_reduction <add>, %add3A_28, %reduce_sum3A [0] : vector<2000x128xf32> to vector<128xf32>
      %broadcast_in_dim3A = vector.shape_cast %reduce_sum3A_32 : vector<128xf32> to vector<1x128xf32>
      %mul3A_33 = arith.mulf %add3A_28, %add3A_28 : vector<2000x128xf32>
      %reduce_sum3A_34 = arith.constant dense<0.000000e+00> : vector<128xf32>
      %reduce_sum3A_35 = vector.multi_reduction <add>, %mul3A_33, %reduce_sum3A_34 [0] : vector<2000x128xf32> to vector<128xf32>
      %broadcast_in_dim3A_36 = vector.shape_cast %reduce_sum3A_35 : vector<128xf32> to vector<1x128xf32>
      %eq3A_37 = arith.constant 0 : i32
      %eq3A_38 = arith.cmpi eq, %arg1, %eq3A_37 : i32
      %convert_element_type3A_39 = arith.extui %eq3A_38 : i1 to i32
      %cond3A_40 = arith.constant 0 : i32
      %cond3A_41 = arith.cmpi ne, %convert_element_type3A_39, %cond3A_40 : i32
      scf.if %cond3A_41 {
        %swap3A_46 = arith.constant 0 : index
        %swap3A_47 = arith.constant 0 : index
        %swap3A_48 = vector.load %arg14[%swap3A_46, %swap3A_47] : memref<8x128xf32, #tpu.memory_space<vmem>>, vector<1x128xf32>
        tpu.vector_store %arg14[%swap3A_46, %swap3A_47], %broadcast_in_dim3A {strides = array<i32>} : memref<8x128xf32, #tpu.memory_space<vmem>>, vector<1x128xf32>,
        %swap3A_49 = arith.constant 1 : index
        %swap3A_50 = arith.constant 0 : index
        %swap3A_51 = vector.load %arg14[%swap3A_49, %swap3A_50] : memref<8x128xf32, #tpu.memory_space<vmem>>, vector<1x128xf32>
        tpu.vector_store %arg14[%swap3A_49, %swap3A_50], %broadcast_in_dim3A_36 {strides = array<i32>} : memref<8x128xf32, #tpu.memory_space<vmem>>, vector<1x128xf32>,
      } else {
      }
      %gt3A = arith.constant 0 : i32
      %gt3A_42 = arith.cmpi sgt, %arg1, %gt3A : i32
      %convert_element_type3A_43 = arith.extui %gt3A_42 : i1 to i32
      %cond3A_44 = arith.constant 0 : i32
      %cond3A_45 = arith.cmpi ne, %convert_element_type3A_43, %cond3A_44 : i32
      scf.if %cond3A_45 {
        %get3A_46 = arith.constant 0 : index
        %get3A_47 = arith.constant 0 : index
        %get3A_48 = vector.load %arg14[%get3A_46, %get3A_47] : memref<8x128xf32, #tpu.memory_space<vmem>>, vector<1x128xf32>
        %add3A_49 = arith.addf %get3A_48, %broadcast_in_dim3A : vector<1x128xf32>
        %swap3A_50 = arith.constant 0 : index
        %swap3A_51 = arith.constant 0 : index
        %swap3A_52 = vector.load %arg14[%swap3A_50, %swap3A_51] : memref<8x128xf32, #tpu.memory_space<vmem>>, vector<1x128xf32>
        tpu.vector_store %arg14[%swap3A_50, %swap3A_51], %add3A_49 {strides = array<i32>} : memref<8x128xf32, #tpu.memory_space<vmem>>, vector<1x128xf32>,
        %get3A_53 = arith.constant 1 : index
        %get3A_54 = arith.constant 0 : index
        %get3A_55 = vector.load %arg14[%get3A_53, %get3A_54] : memref<8x128xf32, #tpu.memory_space<vmem>>, vector<1x128xf32>
        %add3A_56 = arith.addf %get3A_55, %broadcast_in_dim3A_36 : vector<1x128xf32>
        %swap3A_57 = arith.constant 1 : index
        %swap3A_58 = arith.constant 0 : index
        %swap3A_59 = vector.load %arg14[%swap3A_57, %swap3A_58] : memref<8x128xf32, #tpu.memory_space<vmem>>, vector<1x128xf32>
        tpu.vector_store %arg14[%swap3A_57, %swap3A_58], %add3A_56 {strides = array<i32>} : memref<8x128xf32, #tpu.memory_space<vmem>>, vector<1x128xf32>,
      } else {
      }
    } else {
    }
    %eq3A_2 = arith.constant 1 : i32
    %eq3A_3 = arith.cmpi eq, %arg0, %eq3A_2 : i32
    %convert_element_type3A_4 = arith.extui %eq3A_3 : i1 to i32
    %cond3A_5 = arith.constant 0 : i32
    %cond3A_6 = arith.cmpi ne, %convert_element_type3A_4, %cond3A_5 : i32
    scf.if %cond3A_6 {
      %get3A = arith.constant 0 : index
      %get3A_7 = arith.constant 0 : index
      %get3A_8 = vector.load %arg14[%get3A, %get3A_7] : memref<8x128xf32, #tpu.memory_space<vmem>>, vector<1x128xf32>
      %mul3A = arith.constant 9.99999974E-5 : f32
      %mul3A_9 = vector.broadcast %mul3A : f32 to vector<1x128xf32>
      %mul3A_10 = arith.mulf %get3A_8, %mul3A_9 : vector<1x128xf32>
      %get3A_11 = arith.constant 1 : index
      %get3A_12 = arith.constant 0 : index
      %get3A_13 = vector.load %arg14[%get3A_11, %get3A_12] : memref<8x128xf32, #tpu.memory_space<vmem>>, vector<1x128xf32>
      %mul3A_14 = arith.constant 9.99999974E-5 : f32
      %mul3A_15 = vector.broadcast %mul3A_14 : f32 to vector<1x128xf32>
      %mul3A_16 = arith.mulf %get3A_13, %mul3A_15 : vector<1x128xf32>
      %mul3A_17 = arith.mulf %mul3A_10, %mul3A_10 : vector<1x128xf32>
      %sub3A = arith.subf %mul3A_16, %mul3A_17 : vector<1x128xf32>
      %mul3A_18 = arith.constant 2000 : i32
      %mul3A_19 = arith.muli %arg1, %mul3A_18 : i32
      %get3A_20 = arith.index_cast %mul3A_19 : i32 to index
      %get3A_21 = arith.constant 0 : index
      %get3A_22 = vector.load %arg13[%get3A_20, %get3A_21] : memref<10000x128xf32, #tpu.memory_space<vmem>>, vector<2000x128xf32>
      %sub3A_23 = vector.broadcast %mul3A_10 : vector<1x128xf32> to vector<2000x128xf32>
      %sub3A_24 = arith.subf %get3A_22, %sub3A_23 : vector<2000x128xf32>
      %add3A = arith.constant 9.99999974E-6 : f32
      %add3A_25 = vector.broadcast %add3A : f32 to vector<1x128xf32>
      %add3A_26 = arith.addf %sub3A, %add3A_25 : vector<1x128xf32>
      %rsqrt3A = math.rsqrt %add3A_26 : vector<1x128xf32>
      %mul3A_27 = vector.broadcast %rsqrt3A : vector<1x128xf32> to vector<2000x128xf32>
      %mul3A_28 = arith.mulf %sub3A_24, %mul3A_27 : vector<2000x128xf32>
      %get3A_29 = arith.constant 0 : index
      %get3A_30 = arith.constant 0 : index
      %get3A_31 = vector.load %arg6[%get3A_29, %get3A_30] : memref<1x128xf32, #tpu.memory_space<vmem>>, vector<1x128xf32>
      %mul3A_32 = vector.broadcast %get3A_31 : vector<1x128xf32> to vector<2000x128xf32>
      %mul3A_33 = arith.mulf %mul3A_28, %mul3A_32 : vector<2000x128xf32>
      %get3A_34 = arith.constant 0 : index
      %get3A_35 = arith.constant 0 : index
      %get3A_36 = vector.load %arg7[%get3A_34, %get3A_35] : memref<1x128xf32, #tpu.memory_space<vmem>>, vector<1x128xf32>
      %add3A_37 = vector.broadcast %get3A_36 : vector<1x128xf32> to vector<2000x128xf32>
      %add3A_38 = arith.addf %mul3A_33, %add3A_37 : vector<2000x128xf32>
      %max3A = arith.constant 0.000000e+00 : f32
      %max3A_39 = vector.broadcast %max3A : f32 to vector<2000x128xf32>
      %max3A_40 = arith.maximumf %add3A_38, %max3A_39 : vector<2000x128xf32>
      %get3A_41 = arith.constant 0 : index
      %get3A_42 = arith.constant 0 : index
      %get3A_43 = vector.load %arg8[%get3A_41, %get3A_42] : memref<128x128xf32, #tpu.memory_space<vmem>>, vector<128x128xf32>
      %dot_general3A = arith.constant dense<0.000000e+00> : vector<2000x128xf32>
      %dot_general3A_44 = tpu.matmul %max3A_40, %get3A_43, %dot_general3A {dimension_numbers = #tpu.dot_dimension_numbers<[1], [0], [0], [1], [0, 0, 1, 1], [], []>, transpose_lhs_hint = false} : vector<2000x128xf32>, vector<128x128xf32>, vector<2000x128xf32> -> vector<2000x128xf32>
      %get3A_45 = arith.constant 0 : index
      %get3A_46 = arith.constant 0 : index
      %get3A_47 = vector.load %arg9[%get3A_45, %get3A_46] : memref<1x128xf32, #tpu.memory_space<vmem>>, vector<1x128xf32>
      %add3A_48 = vector.broadcast %get3A_47 : vector<1x128xf32> to vector<2000x128xf32>
      %add3A_49 = arith.addf %dot_general3A_44, %add3A_48 : vector<2000x128xf32>
      %max3A_50 = arith.constant 0.000000e+00 : f32
      %max3A_51 = vector.broadcast %max3A_50 : f32 to vector<2000x128xf32>
      %max3A_52 = arith.maximumf %add3A_49, %max3A_51 : vector<2000x128xf32>
      %swap3A = arith.constant 0 : index
      %swap3A_53 = arith.constant 0 : index
      %swap3A_54 = vector.load %arg11[%swap3A, %swap3A_53] : memref<2000x128xf32, #tpu.memory_space<vmem>>, vector<2000x128xf32>
      tpu.vector_store %arg11[%swap3A, %swap3A_53], %max3A_52 {strides = array<i32>} : memref<2000x128xf32, #tpu.memory_space<vmem>>, vector<2000x128xf32>,
      %iota3A = tpu.iota {dimensions = array<i32: 0>} : vector<64x2000xi32>
      %get3A_55 = arith.constant 0 : index
      %get3A_56 = arith.constant 0 : index
      %get3A_57 = arith.constant 0 : index
      %get3A_58 = vector.load %arg10[%get3A_55, %get3A_56, %get3A_57] : memref<1x1x2000xi32, #tpu.memory_space<vmem>>, vector<1x1x2000xi32>
      %get3A_59 = vector.shape_cast %get3A_58 : vector<1x1x2000xi32> to vector<1x2000xi32>
      %eq3A_60 = vector.broadcast %get3A_59 : vector<1x2000xi32> to vector<64x2000xi32>
      %eq3A_61 = arith.cmpi eq, %eq3A_60, %iota3A : vector<64x2000xi32>
      %convert_element_type3A_62 = arith.extui %eq3A_61 : vector<64x2000xi1> to vector<64x2000xi32>
      %convert_element_type3A_63 = arith.sitofp %convert_element_type3A_62 : vector<64x2000xi32> to vector<64x2000xf32>
      %dot_general3A_64 = arith.constant dense<0.000000e+00> : vector<64x128xf32>
      %dot_general3A_65 = tpu.matmul %convert_element_type3A_63, %max3A_52, %dot_general3A_64 {dimension_numbers = #tpu.dot_dimension_numbers<[1], [0], [0], [1], [0, 0, 1, 1], [], []>, transpose_lhs_hint = false} : vector<64x2000xf32>, vector<2000x128xf32>, vector<64x128xf32> -> vector<64x128xf32>
      %eq3A_66 = arith.constant 0 : i32
      %eq3A_67 = arith.cmpi eq, %arg1, %eq3A_66 : i32
      %convert_element_type3A_68 = arith.extui %eq3A_67 : i1 to i32
      %cond3A_69 = arith.constant 0 : i32
      %cond3A_70 = arith.cmpi ne, %convert_element_type3A_68, %cond3A_69 : i32
      scf.if %cond3A_70 {
        %swap3A_75 = arith.constant 0 : index
        %swap3A_76 = arith.constant 0 : index
        %swap3A_77 = vector.load %arg12[%swap3A_75, %swap3A_76] : memref<64x128xf32, #tpu.memory_space<vmem>>, vector<64x128xf32>
        tpu.vector_store %arg12[%swap3A_75, %swap3A_76], %dot_general3A_65 {strides = array<i32>} : memref<64x128xf32, #tpu.memory_space<vmem>>, vector<64x128xf32>,
      } else {
      }
      %gt3A = arith.constant 0 : i32
      %gt3A_71 = arith.cmpi sgt, %arg1, %gt3A : i32
      %convert_element_type3A_72 = arith.extui %gt3A_71 : i1 to i32
      %cond3A_73 = arith.constant 0 : i32
      %cond3A_74 = arith.cmpi ne, %convert_element_type3A_72, %cond3A_73 : i32
      scf.if %cond3A_74 {
        %get3A_75 = arith.constant 0 : index
        %get3A_76 = arith.constant 0 : index
        %get3A_77 = vector.load %arg12[%get3A_75, %get3A_76] : memref<64x128xf32, #tpu.memory_space<vmem>>, vector<64x128xf32>
        %add3A_78 = arith.addf %get3A_77, %dot_general3A_65 : vector<64x128xf32>
        %swap3A_79 = arith.constant 0 : index
        %swap3A_80 = arith.constant 0 : index
        %swap3A_81 = vector.load %arg12[%swap3A_79, %swap3A_80] : memref<64x128xf32, #tpu.memory_space<vmem>>, vector<64x128xf32>
        tpu.vector_store %arg12[%swap3A_79, %swap3A_80], %add3A_78 {strides = array<i32>} : memref<64x128xf32, #tpu.memory_space<vmem>>, vector<64x128xf32>,
      } else {
      }
    } else {
    }
    return
  }
  func.func @transform_0(%arg0: i32, %arg1: i32) -> (i32, i32, i32) {
    %eq3A = arith.constant 0 : i32
    %eq3A_0 = arith.cmpi eq, %arg0, %eq3A : i32
    %jit3A = arith.constant 4 : i32
    %select_n3A = arith.select %eq3A_0, %arg1, %jit3A : i32
    %c0_i32 = arith.constant 0 : i32
    %c0_i32_1 = arith.constant 0 : i32
    %c0_i32_2 = arith.constant 0 : i32
    return %c0_i32, %select_n3A, %c0_i32_1 : i32, i32, i32
  }
  func.func @transform_1(%arg0: i32, %arg1: i32) -> (i32, i32) {
    %eq3A = arith.constant 0 : i32
    %eq3A_0 = arith.cmpi eq, %arg0, %eq3A : i32
    %jit3A = arith.constant 4 : i32
    %select_n3A = arith.select %eq3A_0, %arg1, %jit3A : i32
    %c0_i32 = arith.constant 0 : i32
    %c0_i32_1 = arith.constant 0 : i32
    return %select_n3A, %c0_i32 : i32, i32
  }
  func.func @transform_2(%arg0: i32, %arg1: i32) -> (i32, i32) {
    %c0_i32 = arith.constant 0 : i32
    %c0_i32_0 = arith.constant 0 : i32
    %c0_i32_1 = arith.constant 0 : i32
    return %c0_i32, %c0_i32_0 : i32, i32
  }
  func.func @transform_3(%arg0: i32, %arg1: i32) -> (i32, i32) {
    %c0_i32 = arith.constant 0 : i32
    %c0_i32_0 = arith.constant 0 : i32
    %c0_i32_1 = arith.constant 0 : i32
    return %c0_i32, %c0_i32_0 : i32, i32
  }
  func.func @transform_4(%arg0: i32, %arg1: i32) -> (i32, i32) {
    %c0_i32 = arith.constant 0 : i32
    %c0_i32_0 = arith.constant 0 : i32
    %c0_i32_1 = arith.constant 0 : i32
    return %c0_i32, %c0_i32_0 : i32, i32
  }
  func.func @transform_5(%arg0: i32, %arg1: i32) -> (i32, i32) {
    %c0_i32 = arith.constant 0 : i32
    %c0_i32_0 = arith.constant 0 : i32
    %c0_i32_1 = arith.constant 0 : i32
    return %c0_i32, %c0_i32_0 : i32, i32
  }
  func.func @transform_6(%arg0: i32, %arg1: i32) -> (i32, i32) {
    %c0_i32 = arith.constant 0 : i32
    %c0_i32_0 = arith.constant 0 : i32
    %c0_i32_1 = arith.constant 0 : i32
    return %c0_i32, %c0_i32_0 : i32, i32
  }
  func.func @transform_7(%arg0: i32, %arg1: i32) -> (i32, i32) {
    %c0_i32 = arith.constant 0 : i32
    %c0_i32_0 = arith.constant 0 : i32
    %c0_i32_1 = arith.constant 0 : i32
    return %c0_i32, %c0_i32_0 : i32, i32
  }
  func.func @transform_8(%arg0: i32, %arg1: i32) -> (i32, i32, i32) {
    %eq3A = arith.constant 1 : i32
    %eq3A_0 = arith.cmpi eq, %arg0, %eq3A : i32
    %jit3A = arith.constant 0 : i32
    %select_n3A = arith.select %eq3A_0, %arg1, %jit3A : i32
    %c0_i32 = arith.constant 0 : i32
    %c0_i32_1 = arith.constant 0 : i32
    %c0_i32_2 = arith.constant 0 : i32
    return %select_n3A, %c0_i32, %c0_i32_1 : i32, i32, i32
  }
  func.func @transform_9(%arg0: i32, %arg1: i32) -> (i32, i32) {
    %eq3A = arith.constant 1 : i32
    %eq3A_0 = arith.cmpi eq, %arg0, %eq3A : i32
    %jit3A = arith.constant 0 : i32
    %select_n3A = arith.select %eq3A_0, %arg1, %jit3A : i32
    %c0_i32 = arith.constant 0 : i32
    %c0_i32_1 = arith.constant 0 : i32
    return %select_n3A, %c0_i32 : i32, i32
  }
  func.func @transform_10(%arg0: i32, %arg1: i32) -> (i32, i32) {
    %c0_i32 = arith.constant 0 : i32
    %c0_i32_0 = arith.constant 0 : i32
    %c0_i32_1 = arith.constant 0 : i32
    return %c0_i32, %c0_i32_0 : i32, i32
  }
}

module attributes {stable_mosaic.version = 14 : i64} {
  func.func @_layer_head_body(%arg0: i32, %arg1: i32, %arg2: memref<2x2000x128xf32, #tpu.memory_space<vmem>>, %arg3: memref<2000x128xf32, #tpu.memory_space<vmem>>, %arg4: memref<128x128xf32, #tpu.memory_space<vmem>>, %arg5: memref<1x128xf32, #tpu.memory_space<vmem>>, %arg6: memref<1x128xf32, #tpu.memory_space<vmem>>, %arg7: memref<1x128xf32, #tpu.memory_space<vmem>>, %arg8: memref<128x128xf32, #tpu.memory_space<vmem>>, %arg9: memref<1x128xf32, #tpu.memory_space<vmem>>, %arg10: memref<1x1x2000xi32, #tpu.memory_space<vmem>>, %arg11: memref<64x128xf32, #tpu.memory_space<vmem>>, %arg12: memref<64x128xf32, #tpu.memory_space<vmem>>, %arg13: memref<384x128xf32, #tpu.memory_space<vmem>>, %arg14: memref<1x128xf32, #tpu.memory_space<vmem>>, %arg15: memref<128x64xf32, #tpu.memory_space<vmem>>, %arg16: memref<1x64xf32, #tpu.memory_space<vmem>>, %arg17: memref<64x10xf32, #tpu.memory_space<vmem>>, %arg18: memref<1x10xf32, #tpu.memory_space<vmem>>, %arg19: memref<2000x128xf32, #tpu.memory_space<vmem>>, %arg20: memref<64x128xf32, #tpu.memory_space<vmem>>, %arg21: memref<64x10xf32, #tpu.memory_space<vmem>>, %arg22: memref<64x64xf32, #tpu.memory_space<vmem>>, %arg23: memref<10000x128xf32, #tpu.memory_space<vmem>>, %arg24: memref<8x128xf32, #tpu.memory_space<vmem>>) attributes {dimension_semantics = [#tpu.dimension_semantics<arbitrary>, #tpu.dimension_semantics<arbitrary>], iteration_bounds = array<i64: 2, 5>, scalar_prefetch = 0 : i64, scratch_operands = 2 : i64, tpu.core_type = #tpu.core_type<tc>, window_params = [{transform_indices = @transform_0, window_bounds = array<i64: 2, 2000, 128>}, {transform_indices = @transform_1, window_bounds = array<i64: 2000, 128>}, {pipeline_mode = #tpu.pipeline_mode<synchronous>, transform_indices = @transform_2, window_bounds = array<i64: 128, 128>}, {pipeline_mode = #tpu.pipeline_mode<synchronous>, transform_indices = @transform_3, window_bounds = array<i64: 1, 128>}, {pipeline_mode = #tpu.pipeline_mode<synchronous>, transform_indices = @transform_4, window_bounds = array<i64: 1, 128>}, {pipeline_mode = #tpu.pipeline_mode<synchronous>, transform_indices = @transform_5, window_bounds = array<i64: 1, 128>}, {pipeline_mode = #tpu.pipeline_mode<synchronous>, transform_indices = @transform_6, window_bounds = array<i64: 128, 128>}, {pipeline_mode = #tpu.pipeline_mode<synchronous>, transform_indices = @transform_7, window_bounds = array<i64: 1, 128>}, {transform_indices = @transform_8, window_bounds = array<i64: 1, 1, 2000>}, {pipeline_mode = #tpu.pipeline_mode<synchronous>, transform_indices = @transform_9, window_bounds = array<i64: 64, 128>}, {pipeline_mode = #tpu.pipeline_mode<synchronous>, transform_indices = @transform_10, window_bounds = array<i64: 64, 128>}, {pipeline_mode = #tpu.pipeline_mode<synchronous>, transform_indices = @transform_11, window_bounds = array<i64: 384, 128>}, {pipeline_mode = #tpu.pipeline_mode<synchronous>, transform_indices = @transform_12, window_bounds = array<i64: 1, 128>}, {pipeline_mode = #tpu.pipeline_mode<synchronous>, transform_indices = @transform_13, window_bounds = array<i64: 128, 64>}, {pipeline_mode = #tpu.pipeline_mode<synchronous>, transform_indices = @transform_14, window_bounds = array<i64: 1, 64>}, {pipeline_mode = #tpu.pipeline_mode<synchronous>, transform_indices = @transform_15, window_bounds = array<i64: 64, 10>}, {pipeline_mode = #tpu.pipeline_mode<synchronous>, transform_indices = @transform_16, window_bounds = array<i64: 1, 10>}, {transform_indices = @transform_17, window_bounds = array<i64: 2000, 128>}, {pipeline_mode = #tpu.pipeline_mode<synchronous>, transform_indices = @transform_18, window_bounds = array<i64: 64, 128>}, {pipeline_mode = #tpu.pipeline_mode<synchronous>, transform_indices = @transform_19, window_bounds = array<i64: 64, 10>}, {pipeline_mode = #tpu.pipeline_mode<synchronous>, transform_indices = @transform_20, window_bounds = array<i64: 64, 64>}]} {
    %eq3A = arith.constant 0 : i32
    %eq3A_0 = arith.cmpi eq, %arg0, %eq3A : i32
    %convert_element_type3A = arith.extui %eq3A_0 : i1 to i32
    %cond3A = arith.constant 0 : i32
    %cond3A_1 = arith.cmpi ne, %convert_element_type3A, %cond3A : i32
    scf.if %cond3A_1 {
      %get3A = arith.constant 0 : index
      %get3A_14 = arith.constant 0 : index
      %get3A_15 = arith.constant 0 : index
      %get3A_16 = vector.load %arg2[%get3A, %get3A_14, %get3A_15] : memref<2x2000x128xf32, #tpu.memory_space<vmem>>, vector<1x2000x128xf32>
      %get3A_17 = vector.shape_cast %get3A_16 : vector<1x2000x128xf32> to vector<2000x128xf32>
      %get3A_18 = arith.constant 1 : index
      %get3A_19 = arith.constant 0 : index
      %get3A_20 = arith.constant 0 : index
      %get3A_21 = vector.load %arg2[%get3A_18, %get3A_19, %get3A_20] : memref<2x2000x128xf32, #tpu.memory_space<vmem>>, vector<1x2000x128xf32>
      %get3A_22 = vector.shape_cast %get3A_21 : vector<1x2000x128xf32> to vector<2000x128xf32>
      %add3A = arith.addf %get3A_17, %get3A_22 : vector<2000x128xf32>
      %get3A_23 = arith.constant 0 : index
      %get3A_24 = arith.constant 0 : index
      %get3A_25 = vector.load %arg3[%get3A_23, %get3A_24] : memref<2000x128xf32, #tpu.memory_space<vmem>>, vector<2000x128xf32>
      %add3A_26 = arith.addf %add3A, %get3A_25 : vector<2000x128xf32>
      %get3A_27 = arith.constant 0 : index
      %get3A_28 = arith.constant 0 : index
      %get3A_29 = vector.load %arg4[%get3A_27, %get3A_28] : memref<128x128xf32, #tpu.memory_space<vmem>>, vector<128x128xf32>
      %dot_general3A = arith.constant dense<0.000000e+00> : vector<2000x128xf32>
      %dot_general3A_30 = tpu.matmul %add3A_26, %get3A_29, %dot_general3A {dimension_numbers = #tpu.dot_dimension_numbers<[1], [0], [0], [1], [0, 0, 1, 1], [], []>, transpose_lhs_hint = false} : vector<2000x128xf32>, vector<128x128xf32>, vector<2000x128xf32> -> vector<2000x128xf32>
      %get3A_31 = arith.constant 0 : index
      %get3A_32 = arith.constant 0 : index
      %get3A_33 = vector.load %arg5[%get3A_31, %get3A_32] : memref<1x128xf32, #tpu.memory_space<vmem>>, vector<1x128xf32>
      %add3A_34 = vector.broadcast %get3A_33 : vector<1x128xf32> to vector<2000x128xf32>
      %add3A_35 = arith.addf %dot_general3A_30, %add3A_34 : vector<2000x128xf32>
      %mul3A = arith.constant 2000 : i32
      %mul3A_36 = arith.muli %arg1, %mul3A : i32
      %swap3A = arith.index_cast %mul3A_36 : i32 to index
      %swap3A_37 = arith.constant 0 : index
      %swap3A_38 = vector.load %arg23[%swap3A, %swap3A_37] : memref<10000x128xf32, #tpu.memory_space<vmem>>, vector<2000x128xf32>
      tpu.vector_store %arg23[%swap3A, %swap3A_37], %add3A_35 {strides = array<i32>} : memref<10000x128xf32, #tpu.memory_space<vmem>>, vector<2000x128xf32>,
      %reduce_sum3A = arith.constant dense<0.000000e+00> : vector<128xf32>
      %reduce_sum3A_39 = vector.multi_reduction <add>, %add3A_35, %reduce_sum3A [0] : vector<2000x128xf32> to vector<128xf32>
      %broadcast_in_dim3A = vector.shape_cast %reduce_sum3A_39 : vector<128xf32> to vector<1x128xf32>
      %mul3A_40 = arith.mulf %add3A_35, %add3A_35 : vector<2000x128xf32>
      %reduce_sum3A_41 = arith.constant dense<0.000000e+00> : vector<128xf32>
      %reduce_sum3A_42 = vector.multi_reduction <add>, %mul3A_40, %reduce_sum3A_41 [0] : vector<2000x128xf32> to vector<128xf32>
      %broadcast_in_dim3A_43 = vector.shape_cast %reduce_sum3A_42 : vector<128xf32> to vector<1x128xf32>
      %eq3A_44 = arith.constant 0 : i32
      %eq3A_45 = arith.cmpi eq, %arg1, %eq3A_44 : i32
      %convert_element_type3A_46 = arith.extui %eq3A_45 : i1 to i32
      %cond3A_47 = arith.constant 0 : i32
      %cond3A_48 = arith.cmpi ne, %convert_element_type3A_46, %cond3A_47 : i32
      scf.if %cond3A_48 {
        %swap3A_53 = arith.constant 0 : index
        %swap3A_54 = arith.constant 0 : index
        %swap3A_55 = vector.load %arg24[%swap3A_53, %swap3A_54] : memref<8x128xf32, #tpu.memory_space<vmem>>, vector<1x128xf32>
        tpu.vector_store %arg24[%swap3A_53, %swap3A_54], %broadcast_in_dim3A {strides = array<i32>} : memref<8x128xf32, #tpu.memory_space<vmem>>, vector<1x128xf32>,
        %swap3A_56 = arith.constant 1 : index
        %swap3A_57 = arith.constant 0 : index
        %swap3A_58 = vector.load %arg24[%swap3A_56, %swap3A_57] : memref<8x128xf32, #tpu.memory_space<vmem>>, vector<1x128xf32>
        tpu.vector_store %arg24[%swap3A_56, %swap3A_57], %broadcast_in_dim3A_43 {strides = array<i32>} : memref<8x128xf32, #tpu.memory_space<vmem>>, vector<1x128xf32>,
      } else {
      }
      %gt3A = arith.constant 0 : i32
      %gt3A_49 = arith.cmpi sgt, %arg1, %gt3A : i32
      %convert_element_type3A_50 = arith.extui %gt3A_49 : i1 to i32
      %cond3A_51 = arith.constant 0 : i32
      %cond3A_52 = arith.cmpi ne, %convert_element_type3A_50, %cond3A_51 : i32
      scf.if %cond3A_52 {
        %get3A_53 = arith.constant 0 : index
        %get3A_54 = arith.constant 0 : index
        %get3A_55 = vector.load %arg24[%get3A_53, %get3A_54] : memref<8x128xf32, #tpu.memory_space<vmem>>, vector<1x128xf32>
        %add3A_56 = arith.addf %get3A_55, %broadcast_in_dim3A : vector<1x128xf32>
        %swap3A_57 = arith.constant 0 : index
        %swap3A_58 = arith.constant 0 : index
        %swap3A_59 = vector.load %arg24[%swap3A_57, %swap3A_58] : memref<8x128xf32, #tpu.memory_space<vmem>>, vector<1x128xf32>
        tpu.vector_store %arg24[%swap3A_57, %swap3A_58], %add3A_56 {strides = array<i32>} : memref<8x128xf32, #tpu.memory_space<vmem>>, vector<1x128xf32>,
        %get3A_60 = arith.constant 1 : index
        %get3A_61 = arith.constant 0 : index
        %get3A_62 = vector.load %arg24[%get3A_60, %get3A_61] : memref<8x128xf32, #tpu.memory_space<vmem>>, vector<1x128xf32>
        %add3A_63 = arith.addf %get3A_62, %broadcast_in_dim3A_43 : vector<1x128xf32>
        %swap3A_64 = arith.constant 1 : index
        %swap3A_65 = arith.constant 0 : index
        %swap3A_66 = vector.load %arg24[%swap3A_64, %swap3A_65] : memref<8x128xf32, #tpu.memory_space<vmem>>, vector<1x128xf32>
        tpu.vector_store %arg24[%swap3A_64, %swap3A_65], %add3A_63 {strides = array<i32>} : memref<8x128xf32, #tpu.memory_space<vmem>>, vector<1x128xf32>,
      } else {
      }
    } else {
    }
    %eq3A_2 = arith.constant 1 : i32
    %eq3A_3 = arith.cmpi eq, %arg0, %eq3A_2 : i32
    %convert_element_type3A_4 = arith.extui %eq3A_3 : i1 to i32
    %cond3A_5 = arith.constant 0 : i32
    %cond3A_6 = arith.cmpi ne, %convert_element_type3A_4, %cond3A_5 : i32
    scf.if %cond3A_6 {
      %get3A = arith.constant 0 : index
      %get3A_14 = arith.constant 0 : index
      %get3A_15 = vector.load %arg24[%get3A, %get3A_14] : memref<8x128xf32, #tpu.memory_space<vmem>>, vector<1x128xf32>
      %mul3A = arith.constant 9.99999974E-5 : f32
      %mul3A_16 = vector.broadcast %mul3A : f32 to vector<1x128xf32>
      %mul3A_17 = arith.mulf %get3A_15, %mul3A_16 : vector<1x128xf32>
      %get3A_18 = arith.constant 1 : index
      %get3A_19 = arith.constant 0 : index
      %get3A_20 = vector.load %arg24[%get3A_18, %get3A_19] : memref<8x128xf32, #tpu.memory_space<vmem>>, vector<1x128xf32>
      %mul3A_21 = arith.constant 9.99999974E-5 : f32
      %mul3A_22 = vector.broadcast %mul3A_21 : f32 to vector<1x128xf32>
      %mul3A_23 = arith.mulf %get3A_20, %mul3A_22 : vector<1x128xf32>
      %mul3A_24 = arith.mulf %mul3A_17, %mul3A_17 : vector<1x128xf32>
      %sub3A = arith.subf %mul3A_23, %mul3A_24 : vector<1x128xf32>
      %mul3A_25 = arith.constant 2000 : i32
      %mul3A_26 = arith.muli %arg1, %mul3A_25 : i32
      %get3A_27 = arith.index_cast %mul3A_26 : i32 to index
      %get3A_28 = arith.constant 0 : index
      %get3A_29 = vector.load %arg23[%get3A_27, %get3A_28] : memref<10000x128xf32, #tpu.memory_space<vmem>>, vector<2000x128xf32>
      %sub3A_30 = vector.broadcast %mul3A_17 : vector<1x128xf32> to vector<2000x128xf32>
      %sub3A_31 = arith.subf %get3A_29, %sub3A_30 : vector<2000x128xf32>
      %add3A = arith.constant 9.99999974E-6 : f32
      %add3A_32 = vector.broadcast %add3A : f32 to vector<1x128xf32>
      %add3A_33 = arith.addf %sub3A, %add3A_32 : vector<1x128xf32>
      %rsqrt3A = math.rsqrt %add3A_33 : vector<1x128xf32>
      %mul3A_34 = vector.broadcast %rsqrt3A : vector<1x128xf32> to vector<2000x128xf32>
      %mul3A_35 = arith.mulf %sub3A_31, %mul3A_34 : vector<2000x128xf32>
      %get3A_36 = arith.constant 0 : index
      %get3A_37 = arith.constant 0 : index
      %get3A_38 = vector.load %arg6[%get3A_36, %get3A_37] : memref<1x128xf32, #tpu.memory_space<vmem>>, vector<1x128xf32>
      %mul3A_39 = vector.broadcast %get3A_38 : vector<1x128xf32> to vector<2000x128xf32>
      %mul3A_40 = arith.mulf %mul3A_35, %mul3A_39 : vector<2000x128xf32>
      %get3A_41 = arith.constant 0 : index
      %get3A_42 = arith.constant 0 : index
      %get3A_43 = vector.load %arg7[%get3A_41, %get3A_42] : memref<1x128xf32, #tpu.memory_space<vmem>>, vector<1x128xf32>
      %add3A_44 = vector.broadcast %get3A_43 : vector<1x128xf32> to vector<2000x128xf32>
      %add3A_45 = arith.addf %mul3A_40, %add3A_44 : vector<2000x128xf32>
      %max3A = arith.constant 0.000000e+00 : f32
      %max3A_46 = vector.broadcast %max3A : f32 to vector<2000x128xf32>
      %max3A_47 = arith.maximumf %add3A_45, %max3A_46 : vector<2000x128xf32>
      %get3A_48 = arith.constant 0 : index
      %get3A_49 = arith.constant 0 : index
      %get3A_50 = vector.load %arg8[%get3A_48, %get3A_49] : memref<128x128xf32, #tpu.memory_space<vmem>>, vector<128x128xf32>
      %dot_general3A = arith.constant dense<0.000000e+00> : vector<2000x128xf32>
      %dot_general3A_51 = tpu.matmul %max3A_47, %get3A_50, %dot_general3A {dimension_numbers = #tpu.dot_dimension_numbers<[1], [0], [0], [1], [0, 0, 1, 1], [], []>, transpose_lhs_hint = false} : vector<2000x128xf32>, vector<128x128xf32>, vector<2000x128xf32> -> vector<2000x128xf32>
      %get3A_52 = arith.constant 0 : index
      %get3A_53 = arith.constant 0 : index
      %get3A_54 = vector.load %arg9[%get3A_52, %get3A_53] : memref<1x128xf32, #tpu.memory_space<vmem>>, vector<1x128xf32>
      %add3A_55 = vector.broadcast %get3A_54 : vector<1x128xf32> to vector<2000x128xf32>
      %add3A_56 = arith.addf %dot_general3A_51, %add3A_55 : vector<2000x128xf32>
      %max3A_57 = arith.constant 0.000000e+00 : f32
      %max3A_58 = vector.broadcast %max3A_57 : f32 to vector<2000x128xf32>
      %max3A_59 = arith.maximumf %add3A_56, %max3A_58 : vector<2000x128xf32>
      %swap3A = arith.constant 0 : index
      %swap3A_60 = arith.constant 0 : index
      %swap3A_61 = vector.load %arg19[%swap3A, %swap3A_60] : memref<2000x128xf32, #tpu.memory_space<vmem>>, vector<2000x128xf32>
      tpu.vector_store %arg19[%swap3A, %swap3A_60], %max3A_59 {strides = array<i32>} : memref<2000x128xf32, #tpu.memory_space<vmem>>, vector<2000x128xf32>,
      %iota3A = tpu.iota {dimensions = array<i32: 0>} : vector<64x2000xi32>
      %get3A_62 = arith.constant 0 : index
      %get3A_63 = arith.constant 0 : index
      %get3A_64 = arith.constant 0 : index
      %get3A_65 = vector.load %arg10[%get3A_62, %get3A_63, %get3A_64] : memref<1x1x2000xi32, #tpu.memory_space<vmem>>, vector<1x1x2000xi32>
      %get3A_66 = vector.shape_cast %get3A_65 : vector<1x1x2000xi32> to vector<1x2000xi32>
      %eq3A_67 = vector.broadcast %get3A_66 : vector<1x2000xi32> to vector<64x2000xi32>
      %eq3A_68 = arith.cmpi eq, %eq3A_67, %iota3A : vector<64x2000xi32>
      %convert_element_type3A_69 = arith.extui %eq3A_68 : vector<64x2000xi1> to vector<64x2000xi32>
      %convert_element_type3A_70 = arith.sitofp %convert_element_type3A_69 : vector<64x2000xi32> to vector<64x2000xf32>
      %dot_general3A_71 = arith.constant dense<0.000000e+00> : vector<64x128xf32>
      %dot_general3A_72 = tpu.matmul %convert_element_type3A_70, %max3A_59, %dot_general3A_71 {dimension_numbers = #tpu.dot_dimension_numbers<[1], [0], [0], [1], [0, 0, 1, 1], [], []>, transpose_lhs_hint = false} : vector<64x2000xf32>, vector<2000x128xf32>, vector<64x128xf32> -> vector<64x128xf32>
      %eq3A_73 = arith.constant 0 : i32
      %eq3A_74 = arith.cmpi eq, %arg1, %eq3A_73 : i32
      %convert_element_type3A_75 = arith.extui %eq3A_74 : i1 to i32
      %cond3A_76 = arith.constant 0 : i32
      %cond3A_77 = arith.cmpi ne, %convert_element_type3A_75, %cond3A_76 : i32
      scf.if %cond3A_77 {
        %swap3A_82 = arith.constant 0 : index
        %swap3A_83 = arith.constant 0 : index
        %swap3A_84 = vector.load %arg20[%swap3A_82, %swap3A_83] : memref<64x128xf32, #tpu.memory_space<vmem>>, vector<64x128xf32>
        tpu.vector_store %arg20[%swap3A_82, %swap3A_83], %dot_general3A_72 {strides = array<i32>} : memref<64x128xf32, #tpu.memory_space<vmem>>, vector<64x128xf32>,
      } else {
      }
      %gt3A = arith.constant 0 : i32
      %gt3A_78 = arith.cmpi sgt, %arg1, %gt3A : i32
      %convert_element_type3A_79 = arith.extui %gt3A_78 : i1 to i32
      %cond3A_80 = arith.constant 0 : i32
      %cond3A_81 = arith.cmpi ne, %convert_element_type3A_79, %cond3A_80 : i32
      scf.if %cond3A_81 {
        %get3A_82 = arith.constant 0 : index
        %get3A_83 = arith.constant 0 : index
        %get3A_84 = vector.load %arg20[%get3A_82, %get3A_83] : memref<64x128xf32, #tpu.memory_space<vmem>>, vector<64x128xf32>
        %add3A_85 = arith.addf %get3A_84, %dot_general3A_72 : vector<64x128xf32>
        %swap3A_86 = arith.constant 0 : index
        %swap3A_87 = arith.constant 0 : index
        %swap3A_88 = vector.load %arg20[%swap3A_86, %swap3A_87] : memref<64x128xf32, #tpu.memory_space<vmem>>, vector<64x128xf32>
        tpu.vector_store %arg20[%swap3A_86, %swap3A_87], %add3A_85 {strides = array<i32>} : memref<64x128xf32, #tpu.memory_space<vmem>>, vector<64x128xf32>,
      } else {
      }
    } else {
    }
    %eq3A_7 = arith.constant 1 : i32
    %eq3A_8 = arith.cmpi eq, %arg0, %eq3A_7 : i32
    %eq3A_9 = arith.constant 4 : i32
    %eq3A_10 = arith.cmpi eq, %arg1, %eq3A_9 : i32
    %and3A = arith.andi %eq3A_8, %eq3A_10 : i1
    %convert_element_type3A_11 = arith.extui %and3A : i1 to i32
    %cond3A_12 = arith.constant 0 : i32
    %cond3A_13 = arith.cmpi ne, %convert_element_type3A_11, %cond3A_12 : i32
    scf.if %cond3A_13 {
      %get3A = arith.constant 0 : index
      %get3A_14 = arith.constant 0 : index
      %get3A_15 = vector.load %arg11[%get3A, %get3A_14] : memref<64x128xf32, #tpu.memory_space<vmem>>, vector<64x128xf32>
      %get3A_16 = arith.constant 0 : index
      %get3A_17 = arith.constant 0 : index
      %get3A_18 = vector.load %arg13[%get3A_16, %get3A_17] : memref<384x128xf32, #tpu.memory_space<vmem>>, vector<128x128xf32>
      %dot_general3A = arith.constant dense<0.000000e+00> : vector<64x128xf32>
      %dot_general3A_19 = tpu.matmul %get3A_15, %get3A_18, %dot_general3A {dimension_numbers = #tpu.dot_dimension_numbers<[1], [0], [0], [1], [0, 0, 1, 1], [], []>, transpose_lhs_hint = false} : vector<64x128xf32>, vector<128x128xf32>, vector<64x128xf32> -> vector<64x128xf32>
      %get3A_20 = arith.constant 0 : index
      %get3A_21 = arith.constant 0 : index
      %get3A_22 = vector.load %arg12[%get3A_20, %get3A_21] : memref<64x128xf32, #tpu.memory_space<vmem>>, vector<64x128xf32>
      %get3A_23 = arith.constant 128 : index
      %get3A_24 = arith.constant 0 : index
      %get3A_25 = vector.load %arg13[%get3A_23, %get3A_24] : memref<384x128xf32, #tpu.memory_space<vmem>>, vector<128x128xf32>
      %dot_general3A_26 = arith.constant dense<0.000000e+00> : vector<64x128xf32>
      %dot_general3A_27 = tpu.matmul %get3A_22, %get3A_25, %dot_general3A_26 {dimension_numbers = #tpu.dot_dimension_numbers<[1], [0], [0], [1], [0, 0, 1, 1], [], []>, transpose_lhs_hint = false} : vector<64x128xf32>, vector<128x128xf32>, vector<64x128xf32> -> vector<64x128xf32>
      %add3A = arith.addf %dot_general3A_19, %dot_general3A_27 : vector<64x128xf32>
      %get3A_28 = arith.constant 0 : index
      %get3A_29 = arith.constant 0 : index
      %get3A_30 = vector.load %arg20[%get3A_28, %get3A_29] : memref<64x128xf32, #tpu.memory_space<vmem>>, vector<64x128xf32>
      %get3A_31 = arith.constant 256 : index
      %get3A_32 = arith.constant 0 : index
      %get3A_33 = vector.load %arg13[%get3A_31, %get3A_32] : memref<384x128xf32, #tpu.memory_space<vmem>>, vector<128x128xf32>
      %dot_general3A_34 = arith.constant dense<0.000000e+00> : vector<64x128xf32>
      %dot_general3A_35 = tpu.matmul %get3A_30, %get3A_33, %dot_general3A_34 {dimension_numbers = #tpu.dot_dimension_numbers<[1], [0], [0], [1], [0, 0, 1, 1], [], []>, transpose_lhs_hint = false} : vector<64x128xf32>, vector<128x128xf32>, vector<64x128xf32> -> vector<64x128xf32>
      %add3A_36 = arith.addf %add3A, %dot_general3A_35 : vector<64x128xf32>
      %get3A_37 = arith.constant 0 : index
      %get3A_38 = arith.constant 0 : index
      %get3A_39 = vector.load %arg14[%get3A_37, %get3A_38] : memref<1x128xf32, #tpu.memory_space<vmem>>, vector<1x128xf32>
      %add3A_40 = vector.broadcast %get3A_39 : vector<1x128xf32> to vector<64x128xf32>
      %add3A_41 = arith.addf %add3A_36, %add3A_40 : vector<64x128xf32>
      %max3A = arith.constant 0.000000e+00 : f32
      %max3A_42 = vector.broadcast %max3A : f32 to vector<64x128xf32>
      %max3A_43 = arith.maximumf %add3A_41, %max3A_42 : vector<64x128xf32>
      %get3A_44 = arith.constant 0 : index
      %get3A_45 = arith.constant 0 : index
      %get3A_46 = vector.load %arg15[%get3A_44, %get3A_45] : memref<128x64xf32, #tpu.memory_space<vmem>>, vector<128x64xf32>
      %dot_general3A_47 = arith.constant dense<0.000000e+00> : vector<64x64xf32>
      %dot_general3A_48 = tpu.matmul %max3A_43, %get3A_46, %dot_general3A_47 {dimension_numbers = #tpu.dot_dimension_numbers<[1], [0], [0], [1], [0, 0, 1, 1], [], []>, transpose_lhs_hint = false} : vector<64x128xf32>, vector<128x64xf32>, vector<64x64xf32> -> vector<64x64xf32>
      %get3A_49 = arith.constant 0 : index
      %get3A_50 = arith.constant 0 : index
      %get3A_51 = vector.load %arg16[%get3A_49, %get3A_50] : memref<1x64xf32, #tpu.memory_space<vmem>>, vector<1x64xf32>
      %add3A_52 = vector.broadcast %get3A_51 : vector<1x64xf32> to vector<64x64xf32>
      %add3A_53 = arith.addf %dot_general3A_48, %add3A_52 : vector<64x64xf32>
      %max3A_54 = arith.constant 0.000000e+00 : f32
      %max3A_55 = vector.broadcast %max3A_54 : f32 to vector<64x64xf32>
      %max3A_56 = arith.maximumf %add3A_53, %max3A_55 : vector<64x64xf32>
      %swap3A = arith.constant 0 : index
      %swap3A_57 = arith.constant 0 : index
      %swap3A_58 = vector.load %arg22[%swap3A, %swap3A_57] : memref<64x64xf32, #tpu.memory_space<vmem>>, vector<64x64xf32>
      tpu.vector_store %arg22[%swap3A, %swap3A_57], %max3A_56 {strides = array<i32>} : memref<64x64xf32, #tpu.memory_space<vmem>>, vector<64x64xf32>,
      %get3A_59 = arith.constant 0 : index
      %get3A_60 = arith.constant 0 : index
      %get3A_61 = vector.load %arg17[%get3A_59, %get3A_60] : memref<64x10xf32, #tpu.memory_space<vmem>>, vector<64x10xf32>
      %dot_general3A_62 = arith.constant dense<0.000000e+00> : vector<64x10xf32>
      %dot_general3A_63 = tpu.matmul %max3A_56, %get3A_61, %dot_general3A_62 {dimension_numbers = #tpu.dot_dimension_numbers<[1], [0], [0], [1], [0, 0, 1, 1], [], []>, transpose_lhs_hint = false} : vector<64x64xf32>, vector<64x10xf32>, vector<64x10xf32> -> vector<64x10xf32>
      %get3A_64 = arith.constant 0 : index
      %get3A_65 = arith.constant 0 : index
      %get3A_66 = vector.load %arg18[%get3A_64, %get3A_65] : memref<1x10xf32, #tpu.memory_space<vmem>>, vector<1x10xf32>
      %add3A_67 = vector.broadcast %get3A_66 : vector<1x10xf32> to vector<64x10xf32>
      %add3A_68 = arith.addf %dot_general3A_63, %add3A_67 : vector<64x10xf32>
      %swap3A_69 = arith.constant 0 : index
      %swap3A_70 = arith.constant 0 : index
      %swap3A_71 = vector.load %arg21[%swap3A_69, %swap3A_70] : memref<64x10xf32, #tpu.memory_space<vmem>>, vector<64x10xf32>
      tpu.vector_store %arg21[%swap3A_69, %swap3A_70], %add3A_68 {strides = array<i32>} : memref<64x10xf32, #tpu.memory_space<vmem>>, vector<64x10xf32>,
    } else {
    }
    return
  }
  func.func @transform_0(%arg0: i32, %arg1: i32) -> (i32, i32, i32) {
    %eq3A = arith.constant 0 : i32
    %eq3A_0 = arith.cmpi eq, %arg0, %eq3A : i32
    %jit3A = arith.constant 4 : i32
    %select_n3A = arith.select %eq3A_0, %arg1, %jit3A : i32
    %c0_i32 = arith.constant 0 : i32
    %c0_i32_1 = arith.constant 0 : i32
    %c0_i32_2 = arith.constant 0 : i32
    return %c0_i32, %select_n3A, %c0_i32_1 : i32, i32, i32
  }
  func.func @transform_1(%arg0: i32, %arg1: i32) -> (i32, i32) {
    %eq3A = arith.constant 0 : i32
    %eq3A_0 = arith.cmpi eq, %arg0, %eq3A : i32
    %jit3A = arith.constant 4 : i32
    %select_n3A = arith.select %eq3A_0, %arg1, %jit3A : i32
    %c0_i32 = arith.constant 0 : i32
    %c0_i32_1 = arith.constant 0 : i32
    return %select_n3A, %c0_i32 : i32, i32
  }
  func.func @transform_2(%arg0: i32, %arg1: i32) -> (i32, i32) {
    %c0_i32 = arith.constant 0 : i32
    %c0_i32_0 = arith.constant 0 : i32
    %c0_i32_1 = arith.constant 0 : i32
    return %c0_i32, %c0_i32_0 : i32, i32
  }
  func.func @transform_3(%arg0: i32, %arg1: i32) -> (i32, i32) {
    %c0_i32 = arith.constant 0 : i32
    %c0_i32_0 = arith.constant 0 : i32
    %c0_i32_1 = arith.constant 0 : i32
    return %c0_i32, %c0_i32_0 : i32, i32
  }
  func.func @transform_4(%arg0: i32, %arg1: i32) -> (i32, i32) {
    %c0_i32 = arith.constant 0 : i32
    %c0_i32_0 = arith.constant 0 : i32
    %c0_i32_1 = arith.constant 0 : i32
    return %c0_i32, %c0_i32_0 : i32, i32
  }
  func.func @transform_5(%arg0: i32, %arg1: i32) -> (i32, i32) {
    %c0_i32 = arith.constant 0 : i32
    %c0_i32_0 = arith.constant 0 : i32
    %c0_i32_1 = arith.constant 0 : i32
    return %c0_i32, %c0_i32_0 : i32, i32
  }
  func.func @transform_6(%arg0: i32, %arg1: i32) -> (i32, i32) {
    %c0_i32 = arith.constant 0 : i32
    %c0_i32_0 = arith.constant 0 : i32
    %c0_i32_1 = arith.constant 0 : i32
    return %c0_i32, %c0_i32_0 : i32, i32
  }
  func.func @transform_7(%arg0: i32, %arg1: i32) -> (i32, i32) {
    %c0_i32 = arith.constant 0 : i32
    %c0_i32_0 = arith.constant 0 : i32
    %c0_i32_1 = arith.constant 0 : i32
    return %c0_i32, %c0_i32_0 : i32, i32
  }
  func.func @transform_8(%arg0: i32, %arg1: i32) -> (i32, i32, i32) {
    %eq3A = arith.constant 1 : i32
    %eq3A_0 = arith.cmpi eq, %arg0, %eq3A : i32
    %jit3A = arith.constant 0 : i32
    %select_n3A = arith.select %eq3A_0, %arg1, %jit3A : i32
    %c0_i32 = arith.constant 0 : i32
    %c0_i32_1 = arith.constant 0 : i32
    %c0_i32_2 = arith.constant 0 : i32
    return %select_n3A, %c0_i32, %c0_i32_1 : i32, i32, i32
  }
  func.func @transform_9(%arg0: i32, %arg1: i32) -> (i32, i32) {
    %c0_i32 = arith.constant 0 : i32
    %c0_i32_0 = arith.constant 0 : i32
    %c0_i32_1 = arith.constant 0 : i32
    return %c0_i32, %c0_i32_0 : i32, i32
  }
  func.func @transform_10(%arg0: i32, %arg1: i32) -> (i32, i32) {
    %c0_i32 = arith.constant 0 : i32
    %c0_i32_0 = arith.constant 0 : i32
    %c0_i32_1 = arith.constant 0 : i32
    return %c0_i32, %c0_i32_0 : i32, i32
  }
  func.func @transform_11(%arg0: i32, %arg1: i32) -> (i32, i32) {
    %c0_i32 = arith.constant 0 : i32
    %c0_i32_0 = arith.constant 0 : i32
    %c0_i32_1 = arith.constant 0 : i32
    return %c0_i32, %c0_i32_0 : i32, i32
  }
  func.func @transform_12(%arg0: i32, %arg1: i32) -> (i32, i32) {
    %c0_i32 = arith.constant 0 : i32
    %c0_i32_0 = arith.constant 0 : i32
    %c0_i32_1 = arith.constant 0 : i32
    return %c0_i32, %c0_i32_0 : i32, i32
  }
  func.func @transform_13(%arg0: i32, %arg1: i32) -> (i32, i32) {
    %c0_i32 = arith.constant 0 : i32
    %c0_i32_0 = arith.constant 0 : i32
    %c0_i32_1 = arith.constant 0 : i32
    return %c0_i32, %c0_i32_0 : i32, i32
  }
  func.func @transform_14(%arg0: i32, %arg1: i32) -> (i32, i32) {
    %c0_i32 = arith.constant 0 : i32
    %c0_i32_0 = arith.constant 0 : i32
    %c0_i32_1 = arith.constant 0 : i32
    return %c0_i32, %c0_i32_0 : i32, i32
  }
  func.func @transform_15(%arg0: i32, %arg1: i32) -> (i32, i32) {
    %c0_i32 = arith.constant 0 : i32
    %c0_i32_0 = arith.constant 0 : i32
    %c0_i32_1 = arith.constant 0 : i32
    return %c0_i32, %c0_i32_0 : i32, i32
  }
  func.func @transform_16(%arg0: i32, %arg1: i32) -> (i32, i32) {
    %c0_i32 = arith.constant 0 : i32
    %c0_i32_0 = arith.constant 0 : i32
    %c0_i32_1 = arith.constant 0 : i32
    return %c0_i32, %c0_i32_0 : i32, i32
  }
  func.func @transform_17(%arg0: i32, %arg1: i32) -> (i32, i32) {
    %eq3A = arith.constant 1 : i32
    %eq3A_0 = arith.cmpi eq, %arg0, %eq3A : i32
    %jit3A = arith.constant 0 : i32
    %select_n3A = arith.select %eq3A_0, %arg1, %jit3A : i32
    %c0_i32 = arith.constant 0 : i32
    %c0_i32_1 = arith.constant 0 : i32
    return %select_n3A, %c0_i32 : i32, i32
  }
  func.func @transform_18(%arg0: i32, %arg1: i32) -> (i32, i32) {
    %c0_i32 = arith.constant 0 : i32
    %c0_i32_0 = arith.constant 0 : i32
    %c0_i32_1 = arith.constant 0 : i32
    return %c0_i32, %c0_i32_0 : i32, i32
  }
  func.func @transform_19(%arg0: i32, %arg1: i32) -> (i32, i32) {
    %c0_i32 = arith.constant 0 : i32
    %c0_i32_0 = arith.constant 0 : i32
    %c0_i32_1 = arith.constant 0 : i32
    return %c0_i32, %c0_i32_0 : i32, i32
  }
  func.func @transform_20(%arg0: i32, %arg1: i32) -> (i32, i32) {
    %c0_i32 = arith.constant 0 : i32
    %c0_i32_0 = arith.constant 0 : i32
    %c0_i32_1 = arith.constant 0 : i32
    return %c0_i32, %c0_i32_0 : i32, i32
  }
}

</mosaic_0001>

<sc_bundles>
// kernel: kernel.12.cloned.1.call-start
scs
__scs_entry_jumppad:
0x0: {  	(pc) =	sbr.rel $0x88, $3  }
0x1: {  	(tag) =	ssettag $0x0;
	lr =	simm.s32 $0x1  }
0x2: {  	[smem:$0x3F90] =	sst lr;
	_ =	strace $0xD0000000  }
0x3: {  	_ = 	snop  }
0x4: {  	_ = 	snop  }
0x5: {  	_ = 	snop  }
0x6: {  	_ = 	snop  }
0x7: {  	_ = 	snop  }
__scs_overlays_trampoline_lowered:
0x8: {  	[smem:$0x3F9F] =	sst s0  }
0x9: {  	[smem:$0x3FA0] =	sst s1  }
0xa: {  	[smem:$0x3FA1] =	sst s2  }
0xb: {  	[smem:$0x3FA2] =	sst s3  }
0xc: {  	[smem:$0x3FA3] =	sst s4  }
0xd: {  	[smem:$0x3FA4] =	sst s5  }
0xe: {  	[smem:$0x3FA5] =	sst s6  }
0xf: {  	[smem:$0x3FA6] =	sst s7  }
0x10: {  	[smem:$0x3FA7] =	sst s8  }
0x11: {  	[smem:$0x3FA8] =	sst s9;
	s0 =	simm.s32 @!p0 $0x0  }
0x12: {  	s1 =	sld [smem:$0x3F8E];
	s0 =	simm.s32 @p0 $0x1  }
0x13: {  	[smem:$0x3FA9] =	sst s0;
	s0 =	simm.s32 @!p1 $0x0  }
0x14: {  	s2 =	sld [smem:$0x3F8D];
	s0 =	simm.s32 @p1 $0x1  }
0x15: {  	[smem:$0x3FAA] =	sst s0;
	s0 =	simm.s32 @!p2 $0x0  }
0x16: {  	s3 =	sld [smem:$0x3FDB];
	s0 =	simm.s32 @p2 $0x1  }
0x17: {  	s4 =	simm.s32 $0x1BF5;
	[smem:$0x3FAC] =	sst s0  }
0x18: {  	s0 =	sld [smem:$0x3F8F];
	_ =	swait.ge [sflag:s4], $0x0  }
0x19: {  	s7 =	sld [smem:$0x3F90]  }
0x1a: {  	s8 =	sadd.s32 $0xFFFFE003, lr  }
0x1b: {  	s9 =	sadd.s32 $0xFFFFFEF7, lr;
	s5 =	simm.s32 $0xFFFFFFFF;
	p2 =	slt.u32 s8, $0xFFFFF086  }
0x1c: {  	p1 =	slt.u32 s9, $0xF7A;
	s5 =	simm.s32 @!p2 $0x0  }
0x1d: {  	s5 =	simm.s32 @p1 $0x1;
	p0 =	seq.s32 s7, s2  }
0x1e: {  	s7 =	smul.u32 @!p0 $0xF7A, s2;
	p2 =	seq.s32 @!p0 s5, $0x0  }
0x1f: {  	s9 =	smul.u32 $0xF7A, s1;
	s8 =	simm.s32 @!p0 $0x1BF5;
	p2 =	por !p2, p0  }
0x20: {  	[sflag:s8] =	ssyncset.s32 @!p0 $0xFFFFF086;
	s6 =	sadd.s32 @!p0 s3, s7;
	s7 =	simm.s32 @!p0 $0x108  }
0x21: {  	s3 =	sadd.s32 s3, s9;
	s6 =	sadd.s32 @!p0 $0x88, s6;
	s7 =	simm.s32 @p2 $0x1082  }
0x22: {  	[simem:s7], [sflag:s8] =	dma.local @!p0 [hbm:s6], $0xF7A  }
0x23: {  	s9 =	sor.u32 $0xD0000000, s2;
	s6 =	simm.s32 $0x108;
	_ =	swait.ge @!p0 [sflag:s8], $0x0  }
0x24: {  	s3 =	sadd.s32 $0x88, s3;
	s6 =	simm.s32 @!p1 $0x1082;
	[sflag:s4] =	ssyncset.s32 $0xFFFFF086  }
0x25: {  	[simem:s6], [sflag:s4] =	dma.local [hbm:s3], $0xF7A  }
0x26: {  	[smem:$0x3F90] =	sst s1;
	(tag) =	ssettag s2;
	_ =	strace s9  }
0x27: {  	s1 =	sld [smem:$0x3FA0]  }
0x28: {  	s2 =	sld [smem:$0x3FA1]  }
0x29: {  	s4 =	sld [smem:$0x3FA3]  }
0x2a: {  	p0 =	seq.s32 s5, $0x0;
	s5 =	sld [smem:$0x3FA4]  }
0x2b: {  	s6 =	sld [smem:$0x3FA5]  }
0x2c: {  	s7 =	sld [smem:$0x3FA6]  }
0x2d: {  	s3 =	simm.s32 $0x108;
	s8 =	sld [smem:$0x3FA7]  }
0x2e: {  	s3 =	simm.s32 @!p0 $0x1082;
	s9 =	sld [smem:$0x3FA8]  }
0x2f: {  	lr =	sadd.s32 s0, s3;
	s0 =	sld [smem:$0x3F9F]  }
0x30: {  	s3 =	sld [smem:$0x3FA2]  }
0x31: {  	[smem:$0x3FAB] =	sst s10  }
0x32: {  	s10 =	sld [smem:$0x3FA9];
	_ =	sdelay $0x3  }
0x33: {  	p0 =	seq.s32 s10, $0x1;
	s10 =	sld [smem:$0x3FAB];
	_ =	sdelay $0x3  }
0x34: {  	[smem:$0x3FAB] =	sst s10  }
0x35: {  	s10 =	sld [smem:$0x3FAA];
	_ =	sdelay $0x3  }
0x36: {  	p1 =	seq.s32 s10, $0x1;
	s10 =	sld [smem:$0x3FAB];
	_ =	sdelay $0x3  }
0x37: {  	[smem:$0x3FAB] =	sst s10  }
0x38: {  	s10 =	sld [smem:$0x3FAC]  }
0x39: {  	_ = 	snop;
	(pc) =	sbr.ind lr, $3  }
0x3a: {  	_ = 	snop  }
0x3b: {  	_ = 	snop  }
0x3c: {  	p2 =	seq.s32 s10, $0x1;
	s10 =	sld [smem:$0x3FAB]  }
0x3d: {  	_ =	shalt  }
0x3e: {  	_ =	shalt  }
0x3f: {  	_ =	shalt  }
0x40: {  	_ =	shalt  }
0x41: {  	_ =	shalt  }
0x42: {  	_ =	shalt  }
0x43: {  	_ =	shalt  }
0x44: {  	_ =	shalt  }
0x45: {  	_ =	shalt  }
0x46: {  	_ =	shalt  }
0x47: {  	_ =	shalt  }
0x48: {  	_ =	shalt  }
0x49: {  	_ =	shalt  }
0x4a: {  	_ =	shalt  }
0x4b: {  	_ =	shalt  }
0x4c: {  	_ =	shalt  }
0x4d: {  	_ =	shalt  }
0x4e: {  	_ =	shalt  }
0x4f: {  	_ =	shalt  }
0x50: {  	_ =	shalt  }
0x51: {  	_ =	shalt  }
0x52: {  	_ =	shalt  }
0x53: {  	_ =	shalt  }
0x54: {  	_ =	shalt  }
0x55: {  	_ =	shalt  }
0x56: {  	_ =	shalt  }
0x57: {  	_ =	shalt  }
0x58: {  	_ =	shalt  }
0x59: {  	_ =	shalt  }
0x5a: {  	_ =	shalt  }
0x5b: {  	_ =	shalt  }
0x5c: {  	_ =	shalt  }
0x5d: {  	_ =	shalt  }
0x5e: {  	_ =	shalt  }
0x5f: {  	_ =	shalt  }
0x60: {  	_ =	shalt  }
0x61: {  	_ =	shalt  }
0x62: {  	_ =	shalt  }
0x63: {  	_ =	shalt  }
0x64: {  	_ =	shalt  }
0x65: {  	_ =	shalt  }
0x66: {  	_ =	shalt  }
0x67: {  	_ =	shalt  }
0x68: {  	_ =	shalt  }
0x69: {  	_ =	shalt  }
0x6a: {  	_ =	shalt  }
0x6b: {  	_ =	shalt  }
0x6c: {  	_ =	shalt  }
0x6d: {  	_ =	shalt  }
0x6e: {  	_ =	shalt  }
0x6f: {  	_ =	shalt  }
0x70: {  	_ =	shalt  }
0x71: {  	_ =	shalt  }
0x72: {  	_ =	shalt  }
0x73: {  	_ =	shalt  }
0x74: {  	_ =	shalt  }
0x75: {  	_ =	shalt  }
0x76: {  	_ =	shalt  }
0x77: {  	_ =	shalt  }
0x78: {  	_ =	shalt  }
0x79: {  	_ =	shalt  }
0x7a: {  	_ =	shalt  }
0x7b: {  	_ =	shalt  }
0x7c: {  	_ =	shalt  }
0x7d: {  	_ =	shalt  }
0x7e: {  	_ =	shalt  }
0x7f: {  	_ =	shalt  }
0x80: {  	_ =	shalt  }
0x81: {  	_ =	shalt  }
0x82: {  	_ =	shalt  }
0x83: {  	_ =	shalt  }
0x84: {  	_ =	shalt  }
0x85: {  	_ =	shalt  }
0x86: {  	_ =	shalt  }
0x87: {  	_ =	shalt  }
.Lfunc_end0:
.L_simem_size_0:
called_computation.1_lowered:
.L_overlay_start_0:
0x88: {  	s2 =	sld [smem:$0x3FD9]  }
0x89: {  	s3 =	sld [smem:$0x3FFE];
	_ =	sdelay $0x1  }
0x8a: {  	s1 =	srdreg.scid  }
0x8b: {  	s0 =	sand.u32 $0x1, s1  }
0x8c: {  	s14 =	sshll.u32 s0, $0xA;
	s2 =	sadd.s32 s3, s2  }
0x8d: {  	s2 =	sadd.s32 s2, s14  }
0x8e: {  	[smem:$0x3FB7] =	sst s2  }
0x8f: {  	_ = 	snop  }
0x90: {  	s2 =	sld [smem:$0x3FD0];
	_ =	sdelay $0x2  }
0x91: {  	s15 =	simm.s32 $0xA;
	s4 =	simm.s32 $0x10  }
0x92: {  	[smem:s4], [sflag:s15] =	dma.local [hbm:s2], $0x1  }
0x93: {  	_ =	swait.eq [sflag:s15], $0x1  }
0x94: {  	[sflag:s15] =	ssyncset.done $0x0  }
0x95: {  	[sflag:s15] =	ssyncadd.s32 $0xFFFFFFFF  }
0x96: {  	s16 =	sld [smem:$0x12];
	(tm) =	ssettm $0x1  }
0x97: {  	s17 =	sld [smem:$0x3FFB];
	_ =	sdelay $0x3  }
0x98: {  	_ =	strace s17  }
0x99: {  	s3 =	sld [smem:$0x3FFC];
	_ =	sdelay $0x3  }
0x9a: {  	_ =	strace s3  }
0x9b: {  	s3 =	sld [smem:$0x3FFD];
	_ =	sdelay $0x3  }
0x9c: {  	_ =	strace s3  }
0x9d: {  	_ =	strace $0x8FFFFFFF  }
0x9e: {  	s18 =	sld [smem:$0x3FDB];
	_ =	sdelay $0x1  }
0x9f: {  	s19 =	simm.s32 $_scs_section_size  }
0xa0: {  	s5 =	simm.s32 $_size__tile_overlayer_lowered;
	s6 =	simm.s32 $_tile_overlayer_lowered  }
0xa1: {  	s22 =	simm.s32 $0x1BFF;
	s21 =	sshll.u32 s6, $0x1;
	s3 =	sadd.s32 s19, s18  }
0xa2: {  	s7 =	simm.s32 $0x0;
	s20 =	sshll.u32 s5, $0x1;
	s5 =	sadd.s32 s21, s3  }
0xa3: {  	[timem:s7], [sflag:s22] =	dma.local [hbm:s5], s20  }
0xa4: {  	_ =	swait.ge [sflag:s22], s20  }
0xa5: {  	s4 =	ssub.s32 $0x0, s20;
	[sflag:s22] =	ssyncset.done $0x0  }
0xa6: {  	[sflag:s22] =	ssyncadd.s32 s4;
	_ =	sdelay $0x1  }
0xa7: {  	s23 =	simm.s32 $0x1B8B  }
0xa8: {  	_ =	swait.ge [sflag:s23], $0x1  }
0xa9: {  	[sflag:s23] =	ssyncset.done $0x0  }
0xaa: {  	s25 =	simm.s32 $0x1B8E;
	s24 =	sld [smem:$0x3FFE];
	[sflag:s23] =	ssyncadd.s32 $0xFFFFFFFF  }
0xab: {  	s26 =	simm.s32 $execute0_lowered;
	[smem:$0x3FD2] =	sst s25  }
0xac: {  	s5 =	sshll.u32 s26, $0x1;
	_ =	strace $0x80000049;
	[dreg:$0x1] =	wrdreg $0xFFFFFFFF  }
0xad: {  	s28 =	simm.s32 $_size_execute0_lowered;
	s3 =	sadd.s32 s3, s5;
	[dreg:$0x0] =	wrdreg $0x0  }
0xae: {  	s5 =	sshll.u32 s28, $0x1;
	[dreg:$0x2] =	wrdreg s3  }
0xaf: {  	[dreg:$0x3] =	wrdreg s5  }
0xb0: {  	[dreg:$0x4] =	wrdreg $0xC0  }
0xb1: {  	_ =	task [dreg:s7], $0x5FFFF  }
0xb2: {  	[dreg:$0x1] =	wrdreg $0xFFFFFFFF  }
0xb3: {  	[dreg:$0x0] =	wrdreg $0x60  }
0xb4: {  	[dreg:$0x2] =	wrdreg s16  }
0xb5: {  	[dreg:$0x3] =	wrdreg s24  }
0xb6: {  	[dreg:$0x4] =	wrdreg $0x0  }
0xb7: {  	[dreg:$0x5] =	wrdreg $0x9  }
0xb8: {  	_ =	task.clear_ibuf [dreg:s7], $0x6FFFF;
	_ =	strace $0x90000049  }
0xb9: {  	s29 =	simm.s32 $0x9;
	_ =	strace $0x8000004B  }
0xba: {  	_ =	swait.ge [sflag:s29], $0x1  }
0xbb: {  	[sflag:s29] =	ssyncadd.s32 $0xFFFFFFFF  }
0xbc: {  	_ =	strace $0x9000004B  }
0xbd: {  	_ =	sfence  }
0xbe: {  	s30 =	sld [smem:$0x0];
	_ =	sdelay $0x2  }
0xbf: {  	s31 =	sshll.u32 s1, $0xD;
	s1 =	sshrl.u32 s1, $0x2  }
0xc0: {  	s3 =	sand.u32 $0x4000, s31;
	s1 =	sadd.s32 s1, s30  }
0xc1: {  	s0 =	sor.u32 s3, s0;
	s1 =	sshll.u32 s1, $0x11  }
0xc2: {  	s0 =	sor.u32 s1, s0  }
0xc3: {  	s0 =	sadd.s32 $0x8F2B, s0  }
0xc4: {  	[sflag:s0] =	ssyncadd.remote.s32 $0x1  }
0xc5: {  	_ =	sfence.sel $0xFFFF  }
0xc6: {  	[dreg:$0x0] =	wrdreg $0xFFFFFFFF;
	(pc) =	sbr.abs _section_cstart, $3  }
0xc7: {  	[dreg:$0x1] =	wrdreg $0xFFFFFFFF  }
0xc8: {  	_ =	task.clear_ibuf [dreg:s7], $0x2FFFF;
	_ =	strace $0x9FFFFFFF  }
0xc9: {  	(tm) =	ssettm $0x7FFFFFFF  }
tec
execute0_lowered:
.L_overlay_start_1:
0x0: {  	(tag) =	ssettag $0x1  }
0x1: {  	s3 =	rddreg [dreg:$0x0]  }
0x2: {  	s0 =	rddreg [dreg:$0x1]  }
0x3: {  	s19 =	rddreg [dreg:$0x2]  }
0x4: {  	s4 =	simm.s32 $0x0;
	s13 =	stileid.u32;
	s5 =	srdreg.scid  }
0x5: {  	s29 =	simm.s32 $0x6;
	[smem:$0x7FF] =	sst s4;
	s2 =	smul.u32 $0x270, s13  }
0x6: {  	s14 =	sadd.s32 $0xE000, s0;
	s15 =	sadd.s32 $0x4200, s0;
	s6 =	smul.u32 $0x278, s13  }
0x7: {  	s5 =	sand.u32 $0x1, s5;
	p0 =	sgt.u32 s13, $0x1;
	s18 =	smul.u32 $0x2710, s13  }
0x8: {  	s0 =	sadd.s32 $0x17E00, s0;
	s25 =	smul.u32 $0x13C00, s13;
	_ =	strace $0x8000004A  }
0x9: {  	s7 =	sshll.u32 s5, $0x4;
	s8 =	ssub.s32 $0x2, s5;
	s12 =	smul.u32 $0x27100, s5  }
0xa: {  	s5 =	smul.u32 $0x138800, s5;
	s2 =	sadd.s32 $0x10, s2;
	s7 =	sor.u32 s13, s7  }
0xb: {  	s9 =	sshrl.u32 s8, $0x1;
	s13 =	smul.u32 $0x4F000, s13;
	s6 =	smov.u32 @p0 s2  }
0xc: {  	s10 =	smul.u32 $0x2710, s7;
	s7 =	ssub.s32 s8, s9;
	s6 =	sshll.u32 s6, $0x7  }
0xd: {  	s8 =	sadd.s32 s18, s12;
	s2 =	sshll.u32 s2, $0x7;
	s16 =	sadd.s32 s6, s19  }
0xe: {  	s23 =	sadd.s32 $0x230, s8;
	s11 =	sadd.s32 $0x2800, s16;
	[dreg:$0xb] =	wrdreg s16  }
0xf: {  	s6 =	sshrl.u32 s10, $0x3;
	s17 =	sadd.s32 $0x5000, s16;
	[dreg:$0xc] =	wrdreg s11  }
0x10: {  	s28 =	sadd.s32 $0x1E0, s8;
	s10 =	sadd.s32 s14, s6;
	[dreg:$0xd] =	wrdreg s17  }
0x11: {  	s20 =	sadd.s32 s15, s6;
	s21 =	sadd.s32 $0xA, s6;
	[dreg:$0xe] =	wrdreg s10  }
0x12: {  	s31 =	sadd.s32 $0x190, s8;
	[dreg:$0xf] =	wrdreg s20;
	s11 =	sadd.s32 s14, s21  }
0x13: {  	s22 =	sadd.s32 $0x14, s6;
	s10 =	sadd.s32 s15, s21;
	[dreg:$0x10] =	wrdreg s11  }
0x14: {  	s26 =	sadd.s32 $0x1E, s6;
	s24 =	sadd.s32 s14, s22;
	[dreg:$0x11] =	wrdreg s10  }
0x15: {  	s6 =	sadd.s32 $0x4D8, s6;
	s9 =	sadd.s32 s15, s22;
	[dreg:$0x12] =	wrdreg s24  }
0x16: {  	s17 =	sadd.s32 s14, s26;
	s18 =	sadd.s32 s15, s26;
	[dreg:$0x13] =	wrdreg s9  }
0x17: {  	s21 =	sadd.s32 s14, s6;
	s22 =	sadd.s32 s15, s6;
	[dreg:$0x16] =	wrdreg s17  }
0x18: {  	s26 =	sadd.s32 $0xA000, s16;
	s10 =	sshrl.u32 s23, $0x3;
	[dreg:$0x17] =	wrdreg s18  }
0x19: {  	s11 =	sadd.s32 s25, s5;
	s5 =	sadd.s32 s5, s2;
	[dreg:$0x18] =	wrdreg s21  }
0x1a: {  	s9 =	smov.u32 s14;
	[dreg:$0x19] =	wrdreg s22;
	s2 =	sadd.s32 s2, s19  }
0x1b: {  	s23 =	smax.u32 s7, $0x1;
	s24 =	sadd.s32 $0x140, s8;
	s25 =	sadd.s32 $0x7800, s16  }
0x1c: {  	[dreg:$0x1f] =	wrdreg s26;
	s21 =	simm.s32 $0x1;
	s26 =	simm.s32 $0x1D900  }
0x1d: {  	s17 =	simm.s32 $0x1DB00;
	s18 =	simm.s32 $0x1DB80;
	[dreg:$0x1a] =	wrdreg s23  }
0x1e: {  	s22 =	simm.s32 $0x5;
	s8 =	simm.s32 $0x1B080;
	[dreg:$0x1b] =	wrdreg s24  }
0x1f: {  	s12 =	sadd.s32 s10, s15;
	s11 =	sshrl.u32 s11, $0x3;
	[dreg:$0x1e] =	wrdreg s25  }
0x20: {  	s10 =	sadd.s32 s10, s14;
	s5 =	sshrl.u32 s5, $0x3;
	[dreg:$0x4] =	wrdreg s12  }
0x21: {  	s2 =	sshrl.u32 @p0 s2, $0x3;
	s25 =	simm.s32 $0xC;
	[dreg:$0x5] =	wrdreg s10  }
0x22: {  	s23 =	simm.s32 $0x7;
	s11 =	sadd.s32 s0, s11;
	[dreg:$0x1c] =	wrdreg s2  }
0x23: {  	s24 =	simm.s32 $0x1DB00;
	s0 =	sadd.s32 s0, s5;
	[dreg:$0x14] =	wrdreg s11  }
0x24: {  	s12 =	sshrl.u32 s28, $0x3;
	s28 =	sadd.s32 $0xC800, s16;
	[dreg:$0x15] =	wrdreg s0  }
0x25: {  	s10 =	sshrl.u32 s31, $0x3;
	s31 =	sadd.s32 $0x11800, s16;
	[smem:$0x7FB] =	sst s28  }
0x26: {  	s2 =	simm.s32 $0xA;
	s30 =	sadd.s32 s12, s15;
	[smem:$0x7FD] =	sst s31  }
0x27: {  	s1 =	sadd.s32 s12, s14;
	s12 =	sadd.s32 s10, s15;
	[dreg:$0x6] =	wrdreg s30  }
0x28: {  	s20 =	sadd.s32 s10, s14;
	s10 =	smov.u32 s15;
	[dreg:$0x7] =	wrdreg s1  }
0x29: {  	s0 =	sshrl.u32 s13, $0x2;
	s15 =	simm.s32 $0x9;
	[dreg:$0x8] =	wrdreg s12  }
0x2a: {  	s14 =	simm.s32 $0x1DC00;
	s13 =	simm.s32 $0x18880;
	[dreg:$0x9] =	wrdreg s20  }
0x2b: {  	s0 =	sadd.s32 s0, s19;
	s30 =	sadd.s32 $0xF000, s16;
	[dreg:$0xa] =	wrdreg s10  }
0x2c: {  	s16 =	simm.s32 $0x50;
	s0 =	sshrl.u32 @!p0 s0, $0x3;
	[smem:$0x7FC] =	sst s30  }
0x2d: {  	v0 =	vimm.f32 $0.0e+00;
	s20 =	simm.s32 $0xB;
	s12 =	simm.s32 $0x0;
	[dreg:$0x1d] =	wrdreg s0  }
.LBB2_1:
0x2e: {  	s5 =	sand.u32 $0xFE00, s4  }
0x2f: {  	[smem:$0x7FA] =	sst s12;
	s6 =	sand.u32 $0x70, s4;
	s31 =	sshrl.u32 s5, $0x2  }
0x30: {  	s5 =	simm.s32 $0x40;
	s31 =	sor.u32 s6, s31;
	s6 =	simm.s32 $0x0  }
.LBB2_2:
0x31: {  	p1 =	sne.s32 s5, $0x9FC0  }
0x32: {  	[tilespmem:s31+$0x13880] =	vst v0;
	s6 =	sadd.s32 $0x10, s6;
	s31 =	smov.u32 s5;
	s5 =	sadd.s32 $0x40, s5  }
.Ltmp0:
0x33: {  	(pc) =	sbr.rel @p1 .LBB2_2-.Ltmp0, $4  }
0x34: {  	_ = 	snop  }
0x35: {  	s31 =	sand.u32 $0xFE00, s31  }
0x36: {  	s0 =	sand.u32 $0x70, s6;
	s31 =	sshrl.u32 s31, $0x2  }
0x37: {  	s31 =	sor.u32 s0, s31  }
0x38: {  	s0 =	rddreg [dreg:$0xb]  }
0x39: {  	[tilespmem:s31+$0x13880] =	vst v0;
	s28 =	simm.s32 $0x13880;
	s12 =	rddreg [dreg:$0xc]  }
0x3a: {  	[spmem:s0] =	stream.linear.scatter [tilespmem:s28], [sflag:$0x1], $0x2800, $0x38;
	[tilespmem:$0x1DC80] =	vst v63  }
0x3b: {  	s30 =	rddreg [dreg:$0xd]  }
0x3c: {  	[spmem:s12] =	stream.linear.scatter [tilespmem:s28], [sflag:$0x1], $0x2800, $0x38;
	[tilespmem:$0x1DC80] =	vst v63  }
0x3d: {  	s1 =	rddreg [dreg:$0x1e]  }
0x3e: {  	[spmem:s30] =	stream.linear.scatter [tilespmem:s28], [sflag:$0x1], $0x2800, $0x38;
	[tilespmem:$0x1DC80] =	vst v63  }
0x3f: {  	s5 =	rddreg [dreg:$0x1f]  }
0x40: {  	[spmem:s1] =	stream.linear.scatter [tilespmem:s28], [sflag:$0x1], $0x2800, $0x38;
	[tilespmem:$0x1DC80] =	vst v63  }
0x41: {  	s6 =	sld [smem:$0x7FB]  }
0x42: {  	[spmem:s5] =	stream.linear.scatter [tilespmem:s28], [sflag:$0x1], $0x2800, $0x38;
	[tilespmem:$0x1DC80] =	vst v63  }
0x43: {  	s7 =	sld [smem:$0x7FC]  }
0x44: {  	[spmem:s6] =	stream.linear.scatter [tilespmem:s28], [sflag:$0x1], $0x2800, $0x38;
	[tilespmem:$0x1DC80] =	vst v63  }
0x45: {  	s5 =	sld [smem:$0x7FD]  }
0x46: {  	[spmem:s7] =	stream.linear.scatter [tilespmem:s28], [sflag:$0x1], $0x2800, $0x38;
	[tilespmem:$0x1DC80] =	vst v63  }
0x47: {  	s0 =	simm.s32 @p0 $0x13880  }
0x48: {  	[spmem:s5] =	stream.linear.scatter @p0 [tilespmem:s0], [sflag:$0x1], $0x2000, $0x38;
	[tilespmem:$0x1DC80] =	vst v63  }
0x49: {  	s0 =	simm.s32 @!p0 $0x13880  }
0x4a: {  	[spmem:s5] =	stream.linear.scatter @!p0 [tilespmem:s0], [sflag:$0x1], $0x2400, $0x38;
	[tilespmem:$0x1DC80] =	vst v63  }
0x4b: {  	_ =	swait.ge [sflag:s21], $0x2800  }
0x4c: {  	[sflag:s21] =	ssyncset.done $0x0  }
0x4d: {  	[sflag:s21] =	ssyncadd.s32 $0xFFFFD800  }
0x4e: {  	_ =	swait.ge [sflag:s21], $0x2800  }
0x4f: {  	[sflag:s21] =	ssyncset.done $0x0  }
0x50: {  	[sflag:s21] =	ssyncadd.s32 $0xFFFFD800  }
0x51: {  	_ =	swait.ge [sflag:s21], $0x2800  }
0x52: {  	[sflag:s21] =	ssyncset.done $0x0  }
0x53: {  	[sflag:s21] =	ssyncadd.s32 $0xFFFFD800  }
0x54: {  	_ =	swait.ge [sflag:s21], $0x2800  }
0x55: {  	[sflag:s21] =	ssyncset.done $0x0  }
0x56: {  	[sflag:s21] =	ssyncadd.s32 $0xFFFFD800  }
0x57: {  	_ =	swait.ge [sflag:s21], $0x2800  }
0x58: {  	[sflag:s21] =	ssyncset.done $0x0  }
0x59: {  	[sflag:s21] =	ssyncadd.s32 $0xFFFFD800  }
0x5a: {  	_ =	swait.ge [sflag:s21], $0x2800  }
0x5b: {  	[sflag:s21] =	ssyncset.done $0x0  }
0x5c: {  	[sflag:s21] =	ssyncadd.s32 $0xFFFFD800  }
0x5d: {  	_ =	swait.ge [sflag:s21], $0x2800  }
0x5e: {  	[sflag:s21] =	ssyncset.done $0x0  }
0x5f: {  	s0 =	simm.s32 @p0 $0x1;
	[sflag:s21] =	ssyncadd.s32 $0xFFFFD800  }
0x60: {  	_ =	swait.ge @p0 [sflag:s0], $0x2000  }
0x61: {  	[sflag:s0] =	ssyncset.done @p0 $0x0  }
0x62: {  	[sflag:s0] =	ssyncadd.s32 @p0 $0xFFFFE000;
	s0 =	simm.s32 @!p0 $0x1  }
0x63: {  	_ =	swait.ge @!p0 [sflag:s0], $0x2400  }
0x64: {  	[sflag:s0] =	ssyncset.done @!p0 $0x0  }
0x65: {  	[sflag:s0] =	ssyncadd.s32 @!p0 $0xFFFFDC00  }
0x66: {  	[bflag:$0x0] =	sbarrier.arrive $0xFFFF  }
0x67: {  	s7 =	simm.s32 $0x1D880;
	s0 =	simm.s32 $0x0;
	s11 =	rddreg [dreg:$0xe]  }
0x68: {  	[tilespmem:s7], [sflag:$0x9] =	stream.linear.gather [hbm4b:s11+s0], $0x50, $0x38;
	[tilespmem:$0x1DC80] =	vst v63  }
0x69: {  	s30 =	simm.s32 $0x1DA80;
	s12 =	rddreg [dreg:$0xf]  }
0x6a: {  	[tilespmem:s30], [sflag:$0x9] =	stream.linear.gather [hbm4b:s12+s0], $0x50, $0x38;
	[tilespmem:$0x1DC80] =	vst v63  }
0x6b: {  	s1 =	rddreg [dreg:$0x10]  }
0x6c: {  	[tilespmem:s26], [sflag:$0xA] =	stream.linear.gather [hbm4b:s1+s0], $0x50, $0x38;
	[tilespmem:$0x1DC80] =	vst v63  }
0x6d: {  	s6 =	rddreg [dreg:$0x11]  }
0x6e: {  	[tilespmem:s17], [sflag:$0xA] =	stream.linear.gather [hbm4b:s6+s0], $0x50, $0x38;
	[tilespmem:$0x1DC80] =	vst v63  }
0x6f: {  	s11 =	rddreg [dreg:$0x12];
	s1 =	simm.s32 $0x1D980  }
0x70: {  	[tilespmem:s1], [sflag:$0xB] =	stream.linear.gather [hbm4b:s11+s0], $0x50, $0x38;
	[tilespmem:$0x1DC80] =	vst v63  }
0x71: {  	s12 =	rddreg [dreg:$0x13]  }
0x72: {  	[tilespmem:s18], [sflag:$0xB] =	stream.linear.gather [hbm4b:s12+s0], $0x50, $0x38;
	[tilespmem:$0x1DC80] =	vst v63  }
0x73: {  	_ =	swait.ge [sflag:s15], $0x50  }
0x74: {  	[sflag:s15] =	ssyncset.done $0x0  }
0x75: {  	[sflag:s15] =	ssyncadd.s32 $0xFFFFFFB0  }
0x76: {  	_ =	swait.ge [sflag:s15], $0x50  }
0x77: {  	[sflag:s15] =	ssyncset.done $0x0  }
0x78: {  	[sflag:s15] =	ssyncadd.s32 $0xFFFFFFB0  }
0x79: {  	[tilespmem:s28], [sflag:$0x1] =	stream.indirect.gather [hbm4b:s3+s16], $0x80, s7, s16, $0xb8;
	[tilespmem:$0x1DC80] =	vst v63  }
0x7a: {  	_ =	swait.ge [sflag:s2], $0x50  }
0x7b: {  	[sflag:s2] =	ssyncset.done $0x0  }
0x7c: {  	[sflag:s2] =	ssyncadd.s32 $0xFFFFFFB0  }
0x7d: {  	_ =	swait.ge [sflag:s2], $0x50  }
0x7e: {  	[sflag:s2] =	ssyncset.done $0x0  }
0x7f: {  	s12 =	simm.s32 $0x16080;
	[sflag:s2] =	ssyncadd.s32 $0xFFFFFFB0  }
0x80: {  	[tilespmem:s12], [sflag:$0x2] =	stream.indirect.gather [hbm4b:s3+s16], $0x80, s26, s16, $0xb8;
	[tilespmem:$0x1DC80] =	vst v63  }
0x81: {  	_ =	swait.ge [sflag:s21], $0x2800  }
0x82: {  	[sflag:s21] =	ssyncset.done $0x0  }
0x83: {  	[sflag:s21] =	ssyncadd.s32 $0xFFFFD800  }
0x84: {  	[spmem:s19] =	stream.indirect.scatter.add.f32 [tilespmem:s28], [sflag:$0x5], $0x80, s30, s16, $0xb8;
	[tilespmem:$0x1DC80] =	vst v63  }
0x85: {  	s31 =	simm.s32 $0x1DA00;
	s6 =	rddreg [dreg:$0x16]  }
0x86: {  	[tilespmem:s31], [sflag:$0xC] =	stream.linear.gather [hbm4b:s6+s0], $0x50, $0x38;
	[tilespmem:$0x1DC80] =	vst v63  }
0x87: {  	s11 =	rddreg [dreg:$0x17]  }
0x88: {  	[tilespmem:s14], [sflag:$0xC] =	stream.linear.gather [hbm4b:s11+s0], $0x50, $0x38;
	[tilespmem:$0x1DC80] =	vst v63  }
0x89: {  	_ =	swait.ge [sflag:s20], $0x50  }
0x8a: {  	[sflag:s20] =	ssyncset.done $0x0  }
0x8b: {  	[sflag:s20] =	ssyncadd.s32 $0xFFFFFFB0  }
0x8c: {  	_ =	swait.ge [sflag:s20], $0x50  }
0x8d: {  	[sflag:s20] =	ssyncset.done $0x0  }
0x8e: {  	s6 =	simm.s32 $0x2;
	[sflag:s20] =	ssyncadd.s32 $0xFFFFFFB0  }
0x8f: {  	[tilespmem:s13], [sflag:$0x3] =	stream.indirect.gather [hbm4b:s3+s16], $0x80, s1, s16, $0xb8;
	[tilespmem:$0x1DC80] =	vst v63  }
0x90: {  	_ =	swait.ge [sflag:s6], $0x2800  }
0x91: {  	[sflag:s6] =	ssyncset.done $0x0  }
0x92: {  	[sflag:s6] =	ssyncadd.s32 $0xFFFFD800  }
0x93: {  	_ =	swait.ge [sflag:s22], $0x2800  }
0x94: {  	[sflag:s22] =	ssyncset.done $0x0;
	s6 =	rddreg [dreg:$0x1b]  }
0x95: {  	[sflag:s22] =	ssyncadd.s32 $0xFFFFD800;
	s0 =	sshrl.u32 s6, $0x3  }
0x96: {  	[spmem:s19] =	stream.indirect.scatter.add.f32 [tilespmem:s12], [sflag:$0x6], $0x80, s17, s16, $0xb8;
	[tilespmem:$0x1DC80] =	vst v63  }
0x97: {  	s22 =	sadd.s32 s9, s0  }
0x98: {  	[tilespmem:s7], [sflag:$0x9] =	stream.linear.gather [hbm4b:s22+s4], $0x50, $0x38;
	[tilespmem:$0x1DC80] =	vst v63  }
0x99: {  	s0 =	sadd.s32 s10, s0  }
0x9a: {  	[tilespmem:s30], [sflag:$0x9] =	stream.linear.gather [hbm4b:s0+s4], $0x50, $0x38;
	[tilespmem:$0x1DC80] =	vst v63  }
0x9b: {  	_ =	swait.ge [sflag:s25], $0x50  }
0x9c: {  	[sflag:s25] =	ssyncset.done $0x0  }
0x9d: {  	[sflag:s25] =	ssyncadd.s32 $0xFFFFFFB0  }
0x9e: {  	_ =	swait.ge [sflag:s25], $0x50  }
0x9f: {  	[sflag:s25] =	ssyncset.done $0x0  }
0xa0: {  	s5 =	simm.s32 $0x3;
	[sflag:s25] =	ssyncadd.s32 $0xFFFFFFB0  }
0xa1: {  	[tilespmem:s8], [sflag:$0x4] =	stream.indirect.gather [hbm4b:s3+s16], $0x80, s31, s16, $0xb8;
	[tilespmem:$0x1DC80] =	vst v63  }
0xa2: {  	_ =	swait.ge [sflag:s5], $0x2800  }
0xa3: {  	[sflag:s5] =	ssyncset.done $0x0  }
0xa4: {  	[sflag:s5] =	ssyncadd.s32 $0xFFFFD800  }
0xa5: {  	_ =	swait.ge [sflag:s29], $0x2800  }
0xa6: {  	[sflag:s29] =	ssyncset.done $0x0  }
0xa7: {  	s10 =	rddreg [dreg:$0x9];
	[sflag:s29] =	ssyncadd.s32 $0xFFFFD800  }
0xa8: {  	[spmem:s19] =	stream.indirect.scatter.add.f32 [tilespmem:s13], [sflag:$0x7], $0x80, s18, s16, $0xb8;
	[tilespmem:$0x1DC80] =	vst v63  }
0xa9: {  	s22 =	rddreg [dreg:$0x8];
	s0 =	sadd.s32 $0x0, s10  }
0xaa: {  	[tilespmem:s26], [sflag:$0xA] =	stream.linear.gather [hbm4b:s0+s4], $0x50, $0x38;
	[tilespmem:$0x1DC80] =	vst v63  }
0xab: {  	s5 =	sadd.s32 $0x0, s22  }
0xac: {  	[tilespmem:s17], [sflag:$0xA] =	stream.linear.gather [hbm4b:s5+s4], $0x50, $0x38;
	[tilespmem:$0x1DC80] =	vst v63  }
0xad: {  	_ =	swait.ge [sflag:s15], $0x50  }
0xae: {  	[sflag:s15] =	ssyncset.done $0x0  }
0xaf: {  	[sflag:s15] =	ssyncadd.s32 $0xFFFFFFB0  }
0xb0: {  	_ =	swait.ge [sflag:s15], $0x50  }
0xb1: {  	[sflag:s15] =	ssyncset.done $0x0  }
0xb2: {  	[sflag:s15] =	ssyncadd.s32 $0xFFFFFFB0  }
0xb3: {  	[tilespmem:s28], [sflag:$0x1] =	stream.indirect.gather [hbm4b:s3+s16], $0x80, s7, s16, $0xb8;
	[tilespmem:$0x1DC80] =	vst v63  }
0xb4: {  	s7 =	simm.s32 $0x4  }
0xb5: {  	_ =	swait.ge [sflag:s7], $0x2800  }
0xb6: {  	[sflag:s7] =	ssyncset.done $0x0  }
0xb7: {  	[sflag:s7] =	ssyncadd.s32 $0xFFFFD800  }
0xb8: {  	_ =	swait.ge [sflag:s23], $0x2800  }
0xb9: {  	[sflag:s23] =	ssyncset.done $0x0  }
0xba: {  	s10 =	rddreg [dreg:$0x7];
	[sflag:s23] =	ssyncadd.s32 $0xFFFFD800  }
0xbb: {  	[spmem:s19] =	stream.indirect.scatter.add.f32 [tilespmem:s8], [sflag:$0x8], $0x80, s14, s16, $0xb8;
	[tilespmem:$0x1DC80] =	vst v63  }
0xbc: {  	s13 =	rddreg [dreg:$0x6];
	s0 =	sadd.s32 $0x0, s10  }
0xbd: {  	[tilespmem:s1], [sflag:$0xB] =	stream.linear.gather [hbm4b:s0+s4], $0x50, $0x38;
	[tilespmem:$0x1DC80] =	vst v63  }
0xbe: {  	s17 =	sadd.s32 $0x0, s13  }
0xbf: {  	[tilespmem:s18], [sflag:$0xB] =	stream.linear.gather [hbm4b:s17+s4], $0x50, $0x38;
	[tilespmem:$0x1DC80] =	vst v63  }
0xc0: {  	_ =	swait.ge [sflag:s2], $0x50  }
0xc1: {  	[sflag:s2] =	ssyncset.done $0x0  }
0xc2: {  	[sflag:s2] =	ssyncadd.s32 $0xFFFFFFB0  }
0xc3: {  	_ =	swait.ge [sflag:s2], $0x50  }
0xc4: {  	[sflag:s2] =	ssyncset.done $0x0  }
0xc5: {  	[sflag:s2] =	ssyncadd.s32 $0xFFFFFFB0  }
0xc6: {  	[tilespmem:s12], [sflag:$0x2] =	stream.indirect.gather [hbm4b:s3+s16], $0x80, s26, s16, $0xb8;
	[tilespmem:$0x1DC80] =	vst v63  }
0xc7: {  	_ =	swait.ge [sflag:s21], $0x2800  }
0xc8: {  	[sflag:s21] =	ssyncset.done $0x0  }
0xc9: {  	s12 =	simm.s32 $0x8;
	[sflag:s21] =	ssyncadd.s32 $0xFFFFD800  }
0xca: {  	_ =	swait.ge [sflag:s12], $0x2800  }
0xcb: {  	[sflag:s12] =	ssyncset.done $0x0  }
0xcc: {  	s22 =	rddreg [dreg:$0x5];
	[sflag:s12] =	ssyncadd.s32 $0xFFFFD800  }
0xcd: {  	[spmem:s19] =	stream.indirect.scatter.add.f32 [tilespmem:s28], [sflag:$0x5], $0x80, s30, s16, $0xb8;
	[tilespmem:$0x1DC80] =	vst v63  }
0xce: {  	s26 =	rddreg [dreg:$0x4];
	s0 =	sadd.s32 $0x0, s22  }
0xcf: {  	[tilespmem:s31], [sflag:$0xC] =	stream.linear.gather [hbm4b:s0+s4], $0x50, $0x38;
	[tilespmem:$0x1DC80] =	vst v63  }
0xd0: {  	s30 =	sadd.s32 $0x0, s26  }
0xd1: {  	[tilespmem:s14], [sflag:$0xC] =	stream.linear.gather [hbm4b:s30+s4], $0x50, $0x38;
	[tilespmem:$0x1DC80] =	vst v63  }
0xd2: {  	_ =	swait.ge [sflag:s20], $0x50  }
0xd3: {  	[sflag:s20] =	ssyncset.done $0x0  }
0xd4: {  	[sflag:s20] =	ssyncadd.s32 $0xFFFFFFB0  }
0xd5: {  	s11 =	smov.u32 s19;
	_ =	swait.ge [sflag:s20], $0x50  }
0xd6: {  	s5 =	sadd.s32 $0x140, s6;
	s22 =	simm.s32 $0x1;
	[sflag:s20] =	ssyncset.done $0x0  }
0xd7: {  	s28 =	simm.s32 $0x5;
	s31 =	simm.s32 $0x28;
	[sflag:s20] =	ssyncadd.s32 $0xFFFFFFB0  }
.LBB2_4:
0xd8: {  	s1 =	simm.s32 $0x1D980;
	s13 =	simm.s32 $0x18880;
	s0 =	simm.s32 $0x2  }
0xd9: {  	[tilespmem:s13], [sflag:$0x3] =	stream.indirect.gather [hbm4b:s3+s16], $0x80, s1, s16, $0xb8;
	[tilespmem:$0x1DC80] =	vst v63  }
0xda: {  	_ =	swait.ge [sflag:s0], $0x2800  }
0xdb: {  	[sflag:s0] =	ssyncset.done $0x0  }
0xdc: {  	[sflag:s0] =	ssyncadd.s32 $0xFFFFD800  }
0xdd: {  	_ =	swait.ge [sflag:s28], $0x2800  }
0xde: {  	s21 =	sshrl.u32 s5, $0x3;
	[sflag:s28] =	ssyncset.done $0x0  }
0xdf: {  	s8 =	simm.s32 $0x16080;
	s18 =	simm.s32 $0x1DB00;
	[sflag:s28] =	ssyncadd.s32 $0xFFFFD800  }
0xe0: {  	[spmem:s11] =	stream.indirect.scatter.add.f32 [tilespmem:s8], [sflag:$0x6], $0x80, s18, s16, $0xb8;
	[tilespmem:$0x1DC80] =	vst v63  }
0xe1: {  	s26 =	simm.s32 $0x1D880;
	s30 =	sadd.s32 s9, s21;
	s14 =	rddreg [dreg:$0xa]  }
0xe2: {  	[tilespmem:s26], [sflag:$0x9] =	stream.linear.gather [hbm4b:s30+s4], $0x50, $0x38;
	[tilespmem:$0x1DC80] =	vst v63  }
0xe3: {  	s0 =	sadd.s32 s14, s21;
	s30 =	simm.s32 $0x1DA80  }
0xe4: {  	[tilespmem:s30], [sflag:$0x9] =	stream.linear.gather [hbm4b:s0+s4], $0x50, $0x38;
	[tilespmem:$0x1DC80] =	vst v63  }
0xe5: {  	_ =	swait.ge [sflag:s25], $0x50  }
0xe6: {  	[sflag:s25] =	ssyncset.done $0x0  }
0xe7: {  	[sflag:s25] =	ssyncadd.s32 $0xFFFFFFB0  }
0xe8: {  	_ =	swait.ge [sflag:s25], $0x50  }
0xe9: {  	s17 =	simm.s32 $0x3;
	[sflag:s25] =	ssyncset.done $0x0  }
0xea: {  	s14 =	simm.s32 $0x1DA00;
	s21 =	simm.s32 $0x1B080;
	[sflag:s25] =	ssyncadd.s32 $0xFFFFFFB0  }
0xeb: {  	[tilespmem:s21], [sflag:$0x4] =	stream.indirect.gather [hbm4b:s3+s16], $0x80, s14, s16, $0xb8;
	[tilespmem:$0x1DC80] =	vst v63  }
0xec: {  	_ =	swait.ge [sflag:s17], $0x2800  }
0xed: {  	[sflag:s17] =	ssyncset.done $0x0  }
0xee: {  	[sflag:s17] =	ssyncadd.s32 $0xFFFFD800  }
0xef: {  	_ =	swait.ge [sflag:s29], $0x2800  }
0xf0: {  	s6 =	smov.u32 s31;
	s10 =	smov.u32 s9;
	[sflag:s29] =	ssyncset.done $0x0  }
0xf1: {  	s17 =	simm.s32 $0x1DB80;
	s19 =	rddreg [dreg:$0x9];
	[sflag:s29] =	ssyncadd.s32 $0xFFFFD800  }
0xf2: {  	[spmem:s11] =	stream.indirect.scatter.add.f32 [tilespmem:s13], [sflag:$0x7], $0x80, s17, s16, $0xb8;
	[tilespmem:$0x1DC80] =	vst v63  }
0xf3: {  	s9 =	rddreg [dreg:$0x8];
	s0 =	sadd.s32 s6, s19;
	s19 =	simm.s32 $0x1D900  }
0xf4: {  	[tilespmem:s19], [sflag:$0xA] =	stream.linear.gather [hbm4b:s0+s4], $0x50, $0x38;
	[tilespmem:$0x1DC80] =	vst v63  }
0xf5: {  	s13 =	sadd.s32 s6, s9  }
0xf6: {  	[tilespmem:s18], [sflag:$0xA] =	stream.linear.gather [hbm4b:s13+s4], $0x50, $0x38;
	[tilespmem:$0x1DC80] =	vst v63  }
0xf7: {  	_ =	swait.ge [sflag:s15], $0x50  }
0xf8: {  	[sflag:s15] =	ssyncset.done $0x0  }
0xf9: {  	[sflag:s15] =	ssyncadd.s32 $0xFFFFFFB0  }
0xfa: {  	_ =	swait.ge [sflag:s15], $0x50  }
0xfb: {  	[sflag:s15] =	ssyncset.done $0x0  }
0xfc: {  	s29 =	simm.s32 $0x13880;
	[sflag:s15] =	ssyncadd.s32 $0xFFFFFFB0  }
0xfd: {  	[tilespmem:s29], [sflag:$0x1] =	stream.indirect.gather [hbm4b:s3+s16], $0x80, s26, s16, $0xb8;
	[tilespmem:$0x1DC80] =	vst v63  }
0xfe: {  	_ =	swait.ge [sflag:s7], $0x2800  }
0xff: {  	[sflag:s7] =	ssyncset.done $0x0  }
0x100: {  	[sflag:s7] =	ssyncadd.s32 $0xFFFFD800  }
0x101: {  	_ =	swait.ge [sflag:s23], $0x2800  }
0x102: {  	[sflag:s23] =	ssyncset.done $0x0  }
0x103: {  	s13 =	simm.s32 $0x1DC00;
	s9 =	rddreg [dreg:$0x7];
	[sflag:s23] =	ssyncadd.s32 $0xFFFFD800  }
0x104: {  	[spmem:s11] =	stream.indirect.scatter.add.f32 [tilespmem:s21], [sflag:$0x8], $0x80, s13, s16, $0xb8;
	[tilespmem:$0x1DC80] =	vst v63  }
0x105: {  	s18 =	rddreg [dreg:$0x6];
	s0 =	sadd.s32 s6, s9  }
0x106: {  	[tilespmem:s1], [sflag:$0xB] =	stream.linear.gather [hbm4b:s0+s4], $0x50, $0x38;
	[tilespmem:$0x1DC80] =	vst v63  }
0x107: {  	s9 =	sadd.s32 s6, s18  }
0x108: {  	[tilespmem:s17], [sflag:$0xB] =	stream.linear.gather [hbm4b:s9+s4], $0x50, $0x38;
	[tilespmem:$0x1DC80] =	vst v63  }
0x109: {  	_ =	swait.ge [sflag:s2], $0x50  }
0x10a: {  	[sflag:s2] =	ssyncset.done $0x0  }
0x10b: {  	[sflag:s2] =	ssyncadd.s32 $0xFFFFFFB0  }
0x10c: {  	_ =	swait.ge [sflag:s2], $0x50  }
0x10d: {  	[sflag:s2] =	ssyncset.done $0x0  }
0x10e: {  	[sflag:s2] =	ssyncadd.s32 $0xFFFFFFB0  }
0x10f: {  	[tilespmem:s8], [sflag:$0x2] =	stream.indirect.gather [hbm4b:s3+s16], $0x80, s19, s16, $0xb8;
	[tilespmem:$0x1DC80] =	vst v63  }
0x110: {  	_ =	swait.ge [sflag:s22], $0x2800  }
0x111: {  	[sflag:s22] =	ssyncset.done $0x0  }
0x112: {  	[sflag:s22] =	ssyncadd.s32 $0xFFFFD800  }
0x113: {  	_ =	swait.ge [sflag:s12], $0x2800  }
0x114: {  	[sflag:s12] =	ssyncset.done $0x0  }
0x115: {  	s17 =	rddreg [dreg:$0x5];
	[sflag:s12] =	ssyncadd.s32 $0xFFFFD800  }
0x116: {  	[spmem:s11] =	stream.indirect.scatter.add.f32 [tilespmem:s29], [sflag:$0x5], $0x80, s30, s16, $0xb8;
	[tilespmem:$0x1DC80] =	vst v63  }
0x117: {  	s19 =	rddreg [dreg:$0x4];
	s0 =	sadd.s32 s6, s17  }
0x118: {  	[tilespmem:s14], [sflag:$0xC] =	stream.linear.gather [hbm4b:s0+s4], $0x50, $0x38;
	[tilespmem:$0x1DC80] =	vst v63  }
0x119: {  	s30 =	sadd.s32 s6, s19  }
0x11a: {  	[tilespmem:s13], [sflag:$0xC] =	stream.linear.gather [hbm4b:s30+s4], $0x50, $0x38;
	[tilespmem:$0x1DC80] =	vst v63  }
0x11b: {  	p1 =	sne.s32 s31, $0x488;
	_ =	swait.ge [sflag:s20], $0x50  }
.Ltmp1:
0x11c: {  	s31 =	sadd.s32 $0x28, s31;
	[sflag:s20] =	ssyncset.done $0x0;
	(pc) =	sbr.rel @p1 .LBB2_4-.Ltmp1, $4  }
0x11d: {  	s5 =	sadd.s32 $0x140, s5;
	s26 =	simm.s32 $0x1D980;
	[sflag:s20] =	ssyncadd.s32 $0xFFFFFFB0  }
0x11e: {  	s18 =	simm.s32 $0x1DB80;
	s21 =	simm.s32 $0x16080;
	_ =	swait.ge [sflag:s20], $0x50  }
0x11f: {  	s1 =	simm.s32 $0x1DA00;
	s9 =	smov.u32 s10;
	[sflag:s20] =	ssyncset.done $0x0  }
0x120: {  	s8 =	simm.s32 $0x1DC00;
	s29 =	simm.s32 $0x6;
	[sflag:s20] =	ssyncadd.s32 $0xFFFFFFB0  }
0x121: {  	s13 =	simm.s32 $0x18880;
	s0 =	simm.s32 $0x2  }
0x122: {  	[tilespmem:s13], [sflag:$0x3] =	stream.indirect.gather [hbm4b:s3+s16], $0x80, s26, s16, $0xb8;
	[tilespmem:$0x1DC80] =	vst v63  }
0x123: {  	_ =	swait.ge [sflag:s0], $0x2800  }
0x124: {  	[sflag:s0] =	ssyncset.done $0x0  }
0x125: {  	[sflag:s0] =	ssyncadd.s32 $0xFFFFD800  }
0x126: {  	_ =	swait.ge [sflag:s28], $0x2800  }
0x127: {  	[sflag:s28] =	ssyncset.done $0x0  }
0x128: {  	[sflag:s28] =	ssyncadd.s32 $0xFFFFD800  }
0x129: {  	[spmem:s11] =	stream.indirect.scatter.add.f32 [tilespmem:s21], [sflag:$0x6], $0x80, s24, s16, $0xb8;
	[tilespmem:$0x1DC80] =	vst v63  }
0x12a: {  	s6 =	simm.s32 $0x1D880;
	s17 =	rddreg [dreg:$0x18]  }
0x12b: {  	[tilespmem:s6], [sflag:$0x9] =	stream.linear.gather [hbm4b:s17+s4], $0x50, $0x38;
	[tilespmem:$0x1DC80] =	vst v63  }
0x12c: {  	s5 =	simm.s32 $0x1DA80;
	s19 =	rddreg [dreg:$0x19]  }
0x12d: {  	[tilespmem:s5], [sflag:$0x9] =	stream.linear.gather [hbm4b:s19+s4], $0x50, $0x38;
	[tilespmem:$0x1DC80] =	vst v63  }
0x12e: {  	_ =	swait.ge [sflag:s25], $0x50  }
0x12f: {  	[sflag:s25] =	ssyncset.done $0x0  }
0x130: {  	[sflag:s25] =	ssyncadd.s32 $0xFFFFFFB0  }
0x131: {  	_ =	swait.ge [sflag:s25], $0x50  }
0x132: {  	[sflag:s25] =	ssyncset.done $0x0  }
0x133: {  	s10 =	simm.s32 $0x1B080;
	s21 =	simm.s32 $0x3;
	[sflag:s25] =	ssyncadd.s32 $0xFFFFFFB0  }
0x134: {  	[tilespmem:s10], [sflag:$0x4] =	stream.indirect.gather [hbm4b:s3+s16], $0x80, s1, s16, $0xb8;
	[tilespmem:$0x1DC80] =	vst v63  }
0x135: {  	_ =	swait.ge [sflag:s21], $0x2800  }
0x136: {  	[sflag:s21] =	ssyncset.done $0x0  }
0x137: {  	[sflag:s21] =	ssyncadd.s32 $0xFFFFD800  }
0x138: {  	_ =	swait.ge [sflag:s29], $0x2800  }
0x139: {  	[sflag:s29] =	ssyncset.done $0x0  }
0x13a: {  	[sflag:s29] =	ssyncadd.s32 $0xFFFFD800  }
0x13b: {  	[spmem:s11] =	stream.indirect.scatter.add.f32 [tilespmem:s13], [sflag:$0x7], $0x80, s18, s16, $0xb8;
	[tilespmem:$0x1DC80] =	vst v63  }
0x13c: {  	_ =	swait.ge [sflag:s15], $0x50  }
0x13d: {  	[sflag:s15] =	ssyncset.done $0x0  }
0x13e: {  	[sflag:s15] =	ssyncadd.s32 $0xFFFFFFB0  }
0x13f: {  	_ =	swait.ge [sflag:s15], $0x50  }
0x140: {  	[sflag:s15] =	ssyncset.done $0x0  }
0x141: {  	s26 =	simm.s32 $0x13880;
	[sflag:s15] =	ssyncadd.s32 $0xFFFFFFB0  }
0x142: {  	[tilespmem:s26], [sflag:$0x1] =	stream.indirect.gather [hbm4b:s3+s16], $0x80, s6, s16, $0xb8;
	[tilespmem:$0x1DC80] =	vst v63  }
0x143: {  	_ =	swait.ge [sflag:s7], $0x2800  }
0x144: {  	[sflag:s7] =	ssyncset.done $0x0  }
0x145: {  	[sflag:s7] =	ssyncadd.s32 $0xFFFFD800  }
0x146: {  	_ =	swait.ge [sflag:s23], $0x2800  }
0x147: {  	[sflag:s23] =	ssyncset.done $0x0  }
0x148: {  	[sflag:s23] =	ssyncadd.s32 $0xFFFFD800  }
0x149: {  	[spmem:s11] =	stream.indirect.scatter.add.f32 [tilespmem:s10], [sflag:$0x8], $0x80, s8, s16, $0xb8;
	[tilespmem:$0x1DC80] =	vst v63  }
0x14a: {  	_ =	swait.ge [sflag:s22], $0x2800  }
0x14b: {  	[sflag:s22] =	ssyncset.done $0x0  }
0x14c: {  	[sflag:s22] =	ssyncadd.s32 $0xFFFFD800  }
0x14d: {  	_ =	swait.ge [sflag:s12], $0x2800  }
0x14e: {  	[sflag:s12] =	ssyncset.done $0x0  }
0x14f: {  	[sflag:s12] =	ssyncadd.s32 $0xFFFFD800  }
0x150: {  	[spmem:s11] =	stream.indirect.scatter.add.f32 [tilespmem:s26], [sflag:$0x5], $0x80, s5, s16, $0xb8;
	[tilespmem:$0x1DC80] =	vst v63  }
0x151: {  	_ =	swait.ge [sflag:s28], $0x2800  }
0x152: {  	[sflag:s28] =	ssyncset.done $0x0  }
0x153: {  	[sflag:s28] =	ssyncadd.s32 $0xFFFFD800  }
0x154: {  	s5 =	stileid.u32;
	[bflag:$0x0] =	sbarrier.arrive $0xFFFF  }
0x155: {  	s0 =	sshll.u32 @p0 s5, $0x6;
	s6 =	rddreg [dreg:$0x15]  }
0x156: {  	s0 =	sor.u32 @p0 $0x1C0D, s0;
	s10 =	rddreg [dreg:$0x1c]  }
0x157: {  	[hbm:s6], [sflag:s0] =	dma.local @p0 [spmem:s10], $0x2700  }
0x158: {  	s0 =	simm.s32 @p0 $0xD  }
0x159: {  	_ =	swait.ge @p0 [sflag:s0], $0x2700  }
0x15a: {  	s5 =	sshll.u32 @!p0 s5, $0x6;
	[sflag:s0] =	ssyncset.done @p0 $0x0;
	s10 =	rddreg [dreg:$0x1d]  }
0x15b: {  	[sflag:s0] =	ssyncadd.s32 @p0 $0xFFFFD900;
	s0 =	sor.u32 @!p0 $0x1C0D, s5;
	s5 =	rddreg [dreg:$0x14]  }
0x15c: {  	[hbm:s5], [sflag:s0] =	dma.local @!p0 [spmem:s10], $0x2780  }
0x15d: {  	s0 =	simm.s32 @!p0 $0xD  }
0x15e: {  	_ =	swait.ge @!p0 [sflag:s0], $0x2780  }
0x15f: {  	s30 =	sld [smem:$0x7FA];
	_ =	sdelay $0x2  }
0x160: {  	s31 =	rddreg [dreg:$0x1a];
	s12 =	sadd.s32 $0x1, s30  }
0x161: {  	p1 =	sne.s32 s12, s31  }
.Ltmp2:
0x162: {  	s14 =	simm.s32 $0x1DC00;
	(pc) =	sbr.rel @p1 .LBB2_1-.Ltmp2, $4  }
0x163: {  	s17 =	simm.s32 $0x1DB00;
	s19 =	smov.u32 s11;
	s21 =	simm.s32 $0x1  }
0x164: {  	s18 =	simm.s32 $0x1DB80;
	s13 =	simm.s32 $0x18880;
	s8 =	simm.s32 $0x1B080  }
0x165: {  	s22 =	simm.s32 $0x5;
	s26 =	simm.s32 $0x1D900;
	[sflag:s0] =	ssyncset.done @!p0 $0x0  }
0x166: {  	s6 =	stileid.u32;
	s10 =	rddreg [dreg:$0xa];
	[sflag:s0] =	ssyncadd.s32 @!p0 $0xFFFFD880  }
0x167: {  	_ =	sfence.sel $0x180000  }
0x168: {  	[bflag:$0x0] =	sbarrier.arrive $0xFFFF  }
0x169: {  	_ =	strace $0x9000004A  }
0x16a: {  	[bflag:$0x2] =	sbarrier.arrive $0xFFFF  }
0x16b: {  	p0 =	sne.s32 s6, $0x0;
	s0 =	rddreg [dreg:$0x3]  }
0x16c: {  	s0 =	sadd.s32 @!p0 $0x100000, s0  }
0x16d: {  	[sflag:s0] =	ssyncadd.tile.s32 @!p0 $0x1;
	_ =	shalt  }
.Lfunc_end2:
_tile_overlayer_lowered:
.L_overlay_start_2:
0x16e: {  	(tag) =	ssettag $0x2  }
0x16f: {  	s0 =	rddreg [dreg:$0x0];
	s2 =	stileid.u32  }
0x170: {  	s1 =	rddreg [dreg:$0x1];
	p0 =	sne.s32 s2, $0x0  }
0x171: {  	s3 =	rddreg [dreg:$0x2];
	[bflag:$0x3] =	sbarrier.arrive $0xFFFF;
	s2 =	simm.s32 @!p0 $0x1C0D  }
0x172: {  	[timem:s3], [sflag:s2] =	dma.local @!p0 [hbm:s0], s1  }
0x173: {  	s0 =	simm.s32 @!p0 $0xD  }
0x174: {  	_ =	swait.ge @!p0 [sflag:s0], s1  }
0x175: {  	s1 =	ssub.s32 @!p0 $0x0, s1;
	[sflag:s0] =	ssyncset.done @!p0 $0x0  }
0x176: {  	[sflag:s0] =	ssyncadd.s32 @!p0 s1  }
0x177: {  	[bflag:$0x3] =	sbarrier.arrive $0xFFFF  }
0x178: {  	_ =	shalt  }

// kernel: kernel.15.cloned.1.call-start
scs
__scs_entry_jumppad:
0x0: {  	(pc) =	sbr.rel $0x88, $3  }
0x1: {  	(tag) =	ssettag $0x0;
	lr =	simm.s32 $0x1  }
0x2: {  	[smem:$0x3F90] =	sst lr;
	_ =	strace $0xD0000000  }
0x3: {  	_ = 	snop  }
0x4: {  	_ = 	snop  }
0x5: {  	_ = 	snop  }
0x6: {  	_ = 	snop  }
0x7: {  	_ = 	snop  }
__scs_overlays_trampoline_lowered:
0x8: {  	[smem:$0x3F9F] =	sst s0  }
0x9: {  	[smem:$0x3FA0] =	sst s1  }
0xa: {  	[smem:$0x3FA1] =	sst s2  }
0xb: {  	[smem:$0x3FA2] =	sst s3  }
0xc: {  	[smem:$0x3FA3] =	sst s4  }
0xd: {  	[smem:$0x3FA4] =	sst s5  }
0xe: {  	[smem:$0x3FA5] =	sst s6  }
0xf: {  	[smem:$0x3FA6] =	sst s7  }
0x10: {  	[smem:$0x3FA7] =	sst s8  }
0x11: {  	[smem:$0x3FA8] =	sst s9;
	s0 =	simm.s32 @!p0 $0x0  }
0x12: {  	s1 =	sld [smem:$0x3F8E];
	s0 =	simm.s32 @p0 $0x1  }
0x13: {  	[smem:$0x3FA9] =	sst s0;
	s0 =	simm.s32 @!p1 $0x0  }
0x14: {  	s2 =	sld [smem:$0x3F8D];
	s0 =	simm.s32 @p1 $0x1  }
0x15: {  	[smem:$0x3FAA] =	sst s0;
	s0 =	simm.s32 @!p2 $0x0  }
0x16: {  	s3 =	sld [smem:$0x3FDB];
	s0 =	simm.s32 @p2 $0x1  }
0x17: {  	s4 =	simm.s32 $0x1BF5;
	[smem:$0x3FAC] =	sst s0  }
0x18: {  	s0 =	sld [smem:$0x3F8F];
	_ =	swait.ge [sflag:s4], $0x0  }
0x19: {  	s7 =	sld [smem:$0x3F90]  }
0x1a: {  	s8 =	sadd.s32 $0xFFFFE003, lr  }
0x1b: {  	s9 =	sadd.s32 $0xFFFFFEF7, lr;
	s5 =	simm.s32 $0xFFFFFFFF;
	p2 =	slt.u32 s8, $0xFFFFF086  }
0x1c: {  	p1 =	slt.u32 s9, $0xF7A;
	s5 =	simm.s32 @!p2 $0x0  }
0x1d: {  	s5 =	simm.s32 @p1 $0x1;
	p0 =	seq.s32 s7, s2  }
0x1e: {  	s7 =	smul.u32 @!p0 $0xF7A, s2;
	p2 =	seq.s32 @!p0 s5, $0x0  }
0x1f: {  	s9 =	smul.u32 $0xF7A, s1;
	s8 =	simm.s32 @!p0 $0x1BF5;
	p2 =	por !p2, p0  }
0x20: {  	[sflag:s8] =	ssyncset.s32 @!p0 $0xFFFFF086;
	s6 =	sadd.s32 @!p0 s3, s7;
	s7 =	simm.s32 @!p0 $0x108  }
0x21: {  	s3 =	sadd.s32 s3, s9;
	s6 =	sadd.s32 @!p0 $0x88, s6;
	s7 =	simm.s32 @p2 $0x1082  }
0x22: {  	[simem:s7], [sflag:s8] =	dma.local @!p0 [hbm:s6], $0xF7A  }
0x23: {  	s9 =	sor.u32 $0xD0000000, s2;
	s6 =	simm.s32 $0x108;
	_ =	swait.ge @!p0 [sflag:s8], $0x0  }
0x24: {  	s3 =	sadd.s32 $0x88, s3;
	s6 =	simm.s32 @!p1 $0x1082;
	[sflag:s4] =	ssyncset.s32 $0xFFFFF086  }
0x25: {  	[simem:s6], [sflag:s4] =	dma.local [hbm:s3], $0xF7A  }
0x26: {  	[smem:$0x3F90] =	sst s1;
	(tag) =	ssettag s2;
	_ =	strace s9  }
0x27: {  	s1 =	sld [smem:$0x3FA0]  }
0x28: {  	s2 =	sld [smem:$0x3FA1]  }
0x29: {  	s4 =	sld [smem:$0x3FA3]  }
0x2a: {  	p0 =	seq.s32 s5, $0x0;
	s5 =	sld [smem:$0x3FA4]  }
0x2b: {  	s6 =	sld [smem:$0x3FA5]  }
0x2c: {  	s7 =	sld [smem:$0x3FA6]  }
0x2d: {  	s3 =	simm.s32 $0x108;
	s8 =	sld [smem:$0x3FA7]  }
0x2e: {  	s3 =	simm.s32 @!p0 $0x1082;
	s9 =	sld [smem:$0x3FA8]  }
0x2f: {  	lr =	sadd.s32 s0, s3;
	s0 =	sld [smem:$0x3F9F]  }
0x30: {  	s3 =	sld [smem:$0x3FA2]  }
0x31: {  	[smem:$0x3FAB] =	sst s10  }
0x32: {  	s10 =	sld [smem:$0x3FA9];
	_ =	sdelay $0x3  }
0x33: {  	p0 =	seq.s32 s10, $0x1;
	s10 =	sld [smem:$0x3FAB];
	_ =	sdelay $0x3  }
0x34: {  	[smem:$0x3FAB] =	sst s10  }
0x35: {  	s10 =	sld [smem:$0x3FAA];
	_ =	sdelay $0x3  }
0x36: {  	p1 =	seq.s32 s10, $0x1;
	s10 =	sld [smem:$0x3FAB];
	_ =	sdelay $0x3  }
0x37: {  	[smem:$0x3FAB] =	sst s10  }
0x38: {  	s10 =	sld [smem:$0x3FAC]  }
0x39: {  	_ = 	snop;
	(pc) =	sbr.ind lr, $3  }
0x3a: {  	_ = 	snop  }
0x3b: {  	_ = 	snop  }
0x3c: {  	p2 =	seq.s32 s10, $0x1;
	s10 =	sld [smem:$0x3FAB]  }
0x3d: {  	_ =	shalt  }
0x3e: {  	_ =	shalt  }
0x3f: {  	_ =	shalt  }
0x40: {  	_ =	shalt  }
0x41: {  	_ =	shalt  }
0x42: {  	_ =	shalt  }
0x43: {  	_ =	shalt  }
0x44: {  	_ =	shalt  }
0x45: {  	_ =	shalt  }
0x46: {  	_ =	shalt  }
0x47: {  	_ =	shalt  }
0x48: {  	_ =	shalt  }
0x49: {  	_ =	shalt  }
0x4a: {  	_ =	shalt  }
0x4b: {  	_ =	shalt  }
0x4c: {  	_ =	shalt  }
0x4d: {  	_ =	shalt  }
0x4e: {  	_ =	shalt  }
0x4f: {  	_ =	shalt  }
0x50: {  	_ =	shalt  }
0x51: {  	_ =	shalt  }
0x52: {  	_ =	shalt  }
0x53: {  	_ =	shalt  }
0x54: {  	_ =	shalt  }
0x55: {  	_ =	shalt  }
0x56: {  	_ =	shalt  }
0x57: {  	_ =	shalt  }
0x58: {  	_ =	shalt  }
0x59: {  	_ =	shalt  }
0x5a: {  	_ =	shalt  }
0x5b: {  	_ =	shalt  }
0x5c: {  	_ =	shalt  }
0x5d: {  	_ =	shalt  }
0x5e: {  	_ =	shalt  }
0x5f: {  	_ =	shalt  }
0x60: {  	_ =	shalt  }
0x61: {  	_ =	shalt  }
0x62: {  	_ =	shalt  }
0x63: {  	_ =	shalt  }
0x64: {  	_ =	shalt  }
0x65: {  	_ =	shalt  }
0x66: {  	_ =	shalt  }
0x67: {  	_ =	shalt  }
0x68: {  	_ =	shalt  }
0x69: {  	_ =	shalt  }
0x6a: {  	_ =	shalt  }
0x6b: {  	_ =	shalt  }
0x6c: {  	_ =	shalt  }
0x6d: {  	_ =	shalt  }
0x6e: {  	_ =	shalt  }
0x6f: {  	_ =	shalt  }
0x70: {  	_ =	shalt  }
0x71: {  	_ =	shalt  }
0x72: {  	_ =	shalt  }
0x73: {  	_ =	shalt  }
0x74: {  	_ =	shalt  }
0x75: {  	_ =	shalt  }
0x76: {  	_ =	shalt  }
0x77: {  	_ =	shalt  }
0x78: {  	_ =	shalt  }
0x79: {  	_ =	shalt  }
0x7a: {  	_ =	shalt  }
0x7b: {  	_ =	shalt  }
0x7c: {  	_ =	shalt  }
0x7d: {  	_ =	shalt  }
0x7e: {  	_ =	shalt  }
0x7f: {  	_ =	shalt  }
0x80: {  	_ =	shalt  }
0x81: {  	_ =	shalt  }
0x82: {  	_ =	shalt  }
0x83: {  	_ =	shalt  }
0x84: {  	_ =	shalt  }
0x85: {  	_ =	shalt  }
0x86: {  	_ =	shalt  }
0x87: {  	_ =	shalt  }
.Lfunc_end0:
.L_simem_size_0:
called_computation.2_lowered:
.L_overlay_start_0:
0x88: {  	s2 =	sld [smem:$0x3FD9]  }
0x89: {  	s3 =	sld [smem:$0x3FFE];
	_ =	sdelay $0x1  }
0x8a: {  	s1 =	srdreg.scid  }
0x8b: {  	s0 =	sand.u32 $0x1, s1  }
0x8c: {  	s14 =	sshll.u32 s0, $0xA;
	s2 =	sadd.s32 s3, s2  }
0x8d: {  	s2 =	sadd.s32 s2, s14  }
0x8e: {  	[smem:$0x3FB7] =	sst s2  }
0x8f: {  	_ = 	snop  }
0x90: {  	s2 =	sld [smem:$0x3FD0];
	_ =	sdelay $0x2  }
0x91: {  	s15 =	simm.s32 $0xA;
	s4 =	simm.s32 $0x10  }
0x92: {  	[smem:s4], [sflag:s15] =	dma.local [hbm:s2], $0x1  }
0x93: {  	_ =	swait.eq [sflag:s15], $0x1  }
0x94: {  	[sflag:s15] =	ssyncset.done $0x0  }
0x95: {  	[sflag:s15] =	ssyncadd.s32 $0xFFFFFFFF  }
0x96: {  	s16 =	sld [smem:$0x12];
	(tm) =	ssettm $0x1  }
0x97: {  	s17 =	sld [smem:$0x3FFB];
	_ =	sdelay $0x3  }
0x98: {  	_ =	strace s17  }
0x99: {  	s3 =	sld [smem:$0x3FFC];
	_ =	sdelay $0x3  }
0x9a: {  	_ =	strace s3  }
0x9b: {  	s3 =	sld [smem:$0x3FFD];
	_ =	sdelay $0x3  }
0x9c: {  	_ =	strace s3  }
0x9d: {  	_ =	strace $0x8FFFFFFF  }
0x9e: {  	s18 =	sld [smem:$0x3FDB];
	_ =	sdelay $0x1  }
0x9f: {  	s19 =	simm.s32 $_scs_section_size  }
0xa0: {  	s5 =	simm.s32 $_size__tile_overlayer_lowered;
	s6 =	simm.s32 $_tile_overlayer_lowered  }
0xa1: {  	s22 =	simm.s32 $0x1BFF;
	s21 =	sshll.u32 s6, $0x1;
	s3 =	sadd.s32 s19, s18  }
0xa2: {  	s7 =	simm.s32 $0x0;
	s20 =	sshll.u32 s5, $0x1;
	s5 =	sadd.s32 s21, s3  }
0xa3: {  	[timem:s7], [sflag:s22] =	dma.local [hbm:s5], s20  }
0xa4: {  	_ =	swait.ge [sflag:s22], s20  }
0xa5: {  	s4 =	ssub.s32 $0x0, s20;
	[sflag:s22] =	ssyncset.done $0x0  }
0xa6: {  	[sflag:s22] =	ssyncadd.s32 s4;
	_ =	sdelay $0x1  }
0xa7: {  	s23 =	simm.s32 $0x1B8B  }
0xa8: {  	_ =	swait.ge [sflag:s23], $0x1  }
0xa9: {  	[sflag:s23] =	ssyncset.done $0x0  }
0xaa: {  	s25 =	simm.s32 $0x1B8E;
	s24 =	sld [smem:$0x3FFE];
	[sflag:s23] =	ssyncadd.s32 $0xFFFFFFFF  }
0xab: {  	s26 =	simm.s32 $execute0_lowered;
	[smem:$0x3FD2] =	sst s25  }
0xac: {  	s5 =	sshll.u32 s26, $0x1;
	_ =	strace $0x8000004C;
	[dreg:$0x1] =	wrdreg $0xFFFFFFFF  }
0xad: {  	s28 =	simm.s32 $_size_execute0_lowered;
	s3 =	sadd.s32 s3, s5;
	[dreg:$0x0] =	wrdreg $0x0  }
0xae: {  	s5 =	sshll.u32 s28, $0x1;
	[dreg:$0x2] =	wrdreg s3  }
0xaf: {  	[dreg:$0x3] =	wrdreg s5  }
0xb0: {  	[dreg:$0x4] =	wrdreg $0xC0  }
0xb1: {  	_ =	task [dreg:s7], $0x5FFFF  }
0xb2: {  	[dreg:$0x1] =	wrdreg $0xFFFFFFFF  }
0xb3: {  	[dreg:$0x0] =	wrdreg $0x60  }
0xb4: {  	[dreg:$0x2] =	wrdreg s16  }
0xb5: {  	[dreg:$0x3] =	wrdreg s24  }
0xb6: {  	[dreg:$0x4] =	wrdreg $0x0  }
0xb7: {  	[dreg:$0x5] =	wrdreg $0x9  }
0xb8: {  	_ =	task.clear_ibuf [dreg:s7], $0x6FFFF;
	_ =	strace $0x9000004C  }
0xb9: {  	s29 =	simm.s32 $0x9;
	_ =	strace $0x8000004E  }
0xba: {  	_ =	swait.ge [sflag:s29], $0x1  }
0xbb: {  	[sflag:s29] =	ssyncadd.s32 $0xFFFFFFFF  }
0xbc: {  	_ =	strace $0x9000004E  }
0xbd: {  	_ =	sfence  }
0xbe: {  	s30 =	sld [smem:$0x0];
	_ =	sdelay $0x2  }
0xbf: {  	s31 =	sshll.u32 s1, $0xD;
	s1 =	sshrl.u32 s1, $0x2  }
0xc0: {  	s3 =	sand.u32 $0x4000, s31;
	s1 =	sadd.s32 s1, s30  }
0xc1: {  	s0 =	sor.u32 s3, s0;
	s1 =	sshll.u32 s1, $0x11  }
0xc2: {  	s0 =	sor.u32 s1, s0  }
0xc3: {  	s0 =	sadd.s32 $0x8F2B, s0  }
0xc4: {  	[sflag:s0] =	ssyncadd.remote.s32 $0x1  }
0xc5: {  	_ =	sfence.sel $0xFFFF  }
0xc6: {  	[dreg:$0x0] =	wrdreg $0xFFFFFFFF;
	(pc) =	sbr.abs _section_cstart, $3  }
0xc7: {  	[dreg:$0x1] =	wrdreg $0xFFFFFFFF  }
0xc8: {  	_ =	task.clear_ibuf [dreg:s7], $0x2FFFF;
	_ =	strace $0x9FFFFFFF  }
0xc9: {  	(tm) =	ssettm $0x7FFFFFFF  }
tec
execute0_lowered:
.L_overlay_start_1:
0x0: {  	(tag) =	ssettag $0x1  }
0x1: {  	s3 =	rddreg [dreg:$0x0]  }
0x2: {  	s0 =	rddreg [dreg:$0x1]  }
0x3: {  	s19 =	rddreg [dreg:$0x2]  }
0x4: {  	s4 =	simm.s32 $0x0;
	s13 =	stileid.u32;
	s5 =	srdreg.scid  }
0x5: {  	s29 =	simm.s32 $0x6;
	[smem:$0x7FF] =	sst s4;
	s2 =	smul.u32 $0x270, s13  }
0x6: {  	s14 =	sadd.s32 $0xE000, s0;
	s15 =	sadd.s32 $0x4200, s0;
	s6 =	smul.u32 $0x278, s13  }
0x7: {  	s5 =	sand.u32 $0x1, s5;
	p0 =	sgt.u32 s13, $0x1;
	s18 =	smul.u32 $0x2710, s13  }
0x8: {  	s0 =	sadd.s32 $0x17E00, s0;
	s25 =	smul.u32 $0x13C00, s13;
	_ =	strace $0x8000004D  }
0x9: {  	s7 =	sshll.u32 s5, $0x4;
	s8 =	ssub.s32 $0x2, s5;
	s12 =	smul.u32 $0x27100, s5  }
0xa: {  	s5 =	smul.u32 $0x138800, s5;
	s2 =	sadd.s32 $0x10, s2;
	s7 =	sor.u32 s13, s7  }
0xb: {  	s9 =	sshrl.u32 s8, $0x1;
	s13 =	smul.u32 $0x4F000, s13;
	s6 =	smov.u32 @p0 s2  }
0xc: {  	s10 =	smul.u32 $0x2710, s7;
	s7 =	ssub.s32 s8, s9;
	s6 =	sshll.u32 s6, $0x7  }
0xd: {  	s8 =	sadd.s32 s18, s12;
	s2 =	sshll.u32 s2, $0x7;
	s16 =	sadd.s32 s6, s19  }
0xe: {  	s23 =	sadd.s32 $0x230, s8;
	s11 =	sadd.s32 $0x2800, s16;
	[dreg:$0xb] =	wrdreg s16  }
0xf: {  	s6 =	sshrl.u32 s10, $0x3;
	s17 =	sadd.s32 $0x5000, s16;
	[dreg:$0xc] =	wrdreg s11  }
0x10: {  	s28 =	sadd.s32 $0x1E0, s8;
	s10 =	sadd.s32 s14, s6;
	[dreg:$0xd] =	wrdreg s17  }
0x11: {  	s20 =	sadd.s32 s15, s6;
	s21 =	sadd.s32 $0xA, s6;
	[dreg:$0xe] =	wrdreg s10  }
0x12: {  	s31 =	sadd.s32 $0x190, s8;
	[dreg:$0xf] =	wrdreg s20;
	s11 =	sadd.s32 s14, s21  }
0x13: {  	s22 =	sadd.s32 $0x14, s6;
	s10 =	sadd.s32 s15, s21;
	[dreg:$0x10] =	wrdreg s11  }
0x14: {  	s26 =	sadd.s32 $0x1E, s6;
	s24 =	sadd.s32 s14, s22;
	[dreg:$0x11] =	wrdreg s10  }
0x15: {  	s6 =	sadd.s32 $0x4D8, s6;
	s9 =	sadd.s32 s15, s22;
	[dreg:$0x12] =	wrdreg s24  }
0x16: {  	s17 =	sadd.s32 s14, s26;
	s18 =	sadd.s32 s15, s26;
	[dreg:$0x13] =	wrdreg s9  }
0x17: {  	s21 =	sadd.s32 s14, s6;
	s22 =	sadd.s32 s15, s6;
	[dreg:$0x16] =	wrdreg s17  }
0x18: {  	s26 =	sadd.s32 $0xA000, s16;
	s10 =	sshrl.u32 s23, $0x3;
	[dreg:$0x17] =	wrdreg s18  }
0x19: {  	s11 =	sadd.s32 s25, s5;
	s5 =	sadd.s32 s5, s2;
	[dreg:$0x18] =	wrdreg s21  }
0x1a: {  	s9 =	smov.u32 s14;
	[dreg:$0x19] =	wrdreg s22;
	s2 =	sadd.s32 s2, s19  }
0x1b: {  	s23 =	smax.u32 s7, $0x1;
	s24 =	sadd.s32 $0x140, s8;
	s25 =	sadd.s32 $0x7800, s16  }
0x1c: {  	[dreg:$0x1f] =	wrdreg s26;
	s21 =	simm.s32 $0x1;
	s26 =	simm.s32 $0x1D900  }
0x1d: {  	s17 =	simm.s32 $0x1DB00;
	s18 =	simm.s32 $0x1DB80;
	[dreg:$0x1a] =	wrdreg s23  }
0x1e: {  	s22 =	simm.s32 $0x5;
	s8 =	simm.s32 $0x1B080;
	[dreg:$0x1b] =	wrdreg s24  }
0x1f: {  	s12 =	sadd.s32 s10, s15;
	s11 =	sshrl.u32 s11, $0x3;
	[dreg:$0x1e] =	wrdreg s25  }
0x20: {  	s10 =	sadd.s32 s10, s14;
	s5 =	sshrl.u32 s5, $0x3;
	[dreg:$0x4] =	wrdreg s12  }
0x21: {  	s2 =	sshrl.u32 @p0 s2, $0x3;
	s25 =	simm.s32 $0xC;
	[dreg:$0x5] =	wrdreg s10  }
0x22: {  	s23 =	simm.s32 $0x7;
	s11 =	sadd.s32 s0, s11;
	[dreg:$0x1c] =	wrdreg s2  }
0x23: {  	s24 =	simm.s32 $0x1DB00;
	s0 =	sadd.s32 s0, s5;
	[dreg:$0x14] =	wrdreg s11  }
0x24: {  	s12 =	sshrl.u32 s28, $0x3;
	s28 =	sadd.s32 $0xC800, s16;
	[dreg:$0x15] =	wrdreg s0  }
0x25: {  	s10 =	sshrl.u32 s31, $0x3;
	s31 =	sadd.s32 $0x11800, s16;
	[smem:$0x7FB] =	sst s28  }
0x26: {  	s2 =	simm.s32 $0xA;
	s30 =	sadd.s32 s12, s15;
	[smem:$0x7FD] =	sst s31  }
0x27: {  	s1 =	sadd.s32 s12, s14;
	s12 =	sadd.s32 s10, s15;
	[dreg:$0x6] =	wrdreg s30  }
0x28: {  	s20 =	sadd.s32 s10, s14;
	s10 =	smov.u32 s15;
	[dreg:$0x7] =	wrdreg s1  }
0x29: {  	s0 =	sshrl.u32 s13, $0x2;
	s15 =	simm.s32 $0x9;
	[dreg:$0x8] =	wrdreg s12  }
0x2a: {  	s14 =	simm.s32 $0x1DC00;
	s13 =	simm.s32 $0x18880;
	[dreg:$0x9] =	wrdreg s20  }
0x2b: {  	s0 =	sadd.s32 s0, s19;
	s30 =	sadd.s32 $0xF000, s16;
	[dreg:$0xa] =	wrdreg s10  }
0x2c: {  	s16 =	simm.s32 $0x50;
	s0 =	sshrl.u32 @!p0 s0, $0x3;
	[smem:$0x7FC] =	sst s30  }
0x2d: {  	v0 =	vimm.f32 $0.0e+00;
	s20 =	simm.s32 $0xB;
	s12 =	simm.s32 $0x0;
	[dreg:$0x1d] =	wrdreg s0  }
.LBB2_1:
0x2e: {  	s5 =	sand.u32 $0xFE00, s4  }
0x2f: {  	[smem:$0x7FA] =	sst s12;
	s6 =	sand.u32 $0x70, s4;
	s31 =	sshrl.u32 s5, $0x2  }
0x30: {  	s5 =	simm.s32 $0x40;
	s31 =	sor.u32 s6, s31;
	s6 =	simm.s32 $0x0  }
.LBB2_2:
0x31: {  	p1 =	sne.s32 s5, $0x9FC0  }
0x32: {  	[tilespmem:s31+$0x13880] =	vst v0;
	s6 =	sadd.s32 $0x10, s6;
	s31 =	smov.u32 s5;
	s5 =	sadd.s32 $0x40, s5  }
.Ltmp0:
0x33: {  	(pc) =	sbr.rel @p1 .LBB2_2-.Ltmp0, $4  }
0x34: {  	_ = 	snop  }
0x35: {  	s31 =	sand.u32 $0xFE00, s31  }
0x36: {  	s0 =	sand.u32 $0x70, s6;
	s31 =	sshrl.u32 s31, $0x2  }
0x37: {  	s31 =	sor.u32 s0, s31  }
0x38: {  	s0 =	rddreg [dreg:$0xb]  }
0x39: {  	[tilespmem:s31+$0x13880] =	vst v0;
	s28 =	simm.s32 $0x13880;
	s12 =	rddreg [dreg:$0xc]  }
0x3a: {  	[spmem:s0] =	stream.linear.scatter [tilespmem:s28], [sflag:$0x1], $0x2800, $0x38;
	[tilespmem:$0x1DC80] =	vst v63  }
0x3b: {  	s30 =	rddreg [dreg:$0xd]  }
0x3c: {  	[spmem:s12] =	stream.linear.scatter [tilespmem:s28], [sflag:$0x1], $0x2800, $0x38;
	[tilespmem:$0x1DC80] =	vst v63  }
0x3d: {  	s1 =	rddreg [dreg:$0x1e]  }
0x3e: {  	[spmem:s30] =	stream.linear.scatter [tilespmem:s28], [sflag:$0x1], $0x2800, $0x38;
	[tilespmem:$0x1DC80] =	vst v63  }
0x3f: {  	s5 =	rddreg [dreg:$0x1f]  }
0x40: {  	[spmem:s1] =	stream.linear.scatter [tilespmem:s28], [sflag:$0x1], $0x2800, $0x38;
	[tilespmem:$0x1DC80] =	vst v63  }
0x41: {  	s6 =	sld [smem:$0x7FB]  }
0x42: {  	[spmem:s5] =	stream.linear.scatter [tilespmem:s28], [sflag:$0x1], $0x2800, $0x38;
	[tilespmem:$0x1DC80] =	vst v63  }
0x43: {  	s7 =	sld [smem:$0x7FC]  }
0x44: {  	[spmem:s6] =	stream.linear.scatter [tilespmem:s28], [sflag:$0x1], $0x2800, $0x38;
	[tilespmem:$0x1DC80] =	vst v63  }
0x45: {  	s5 =	sld [smem:$0x7FD]  }
0x46: {  	[spmem:s7] =	stream.linear.scatter [tilespmem:s28], [sflag:$0x1], $0x2800, $0x38;
	[tilespmem:$0x1DC80] =	vst v63  }
0x47: {  	s0 =	simm.s32 @p0 $0x13880  }
0x48: {  	[spmem:s5] =	stream.linear.scatter @p0 [tilespmem:s0], [sflag:$0x1], $0x2000, $0x38;
	[tilespmem:$0x1DC80] =	vst v63  }
0x49: {  	s0 =	simm.s32 @!p0 $0x13880  }
0x4a: {  	[spmem:s5] =	stream.linear.scatter @!p0 [tilespmem:s0], [sflag:$0x1], $0x2400, $0x38;
	[tilespmem:$0x1DC80] =	vst v63  }
0x4b: {  	_ =	swait.ge [sflag:s21], $0x2800  }
0x4c: {  	[sflag:s21] =	ssyncset.done $0x0  }
0x4d: {  	[sflag:s21] =	ssyncadd.s32 $0xFFFFD800  }
0x4e: {  	_ =	swait.ge [sflag:s21], $0x2800  }
0x4f: {  	[sflag:s21] =	ssyncset.done $0x0  }
0x50: {  	[sflag:s21] =	ssyncadd.s32 $0xFFFFD800  }
0x51: {  	_ =	swait.ge [sflag:s21], $0x2800  }
0x52: {  	[sflag:s21] =	ssyncset.done $0x0  }
0x53: {  	[sflag:s21] =	ssyncadd.s32 $0xFFFFD800  }
0x54: {  	_ =	swait.ge [sflag:s21], $0x2800  }
0x55: {  	[sflag:s21] =	ssyncset.done $0x0  }
0x56: {  	[sflag:s21] =	ssyncadd.s32 $0xFFFFD800  }
0x57: {  	_ =	swait.ge [sflag:s21], $0x2800  }
0x58: {  	[sflag:s21] =	ssyncset.done $0x0  }
0x59: {  	[sflag:s21] =	ssyncadd.s32 $0xFFFFD800  }
0x5a: {  	_ =	swait.ge [sflag:s21], $0x2800  }
0x5b: {  	[sflag:s21] =	ssyncset.done $0x0  }
0x5c: {  	[sflag:s21] =	ssyncadd.s32 $0xFFFFD800  }
0x5d: {  	_ =	swait.ge [sflag:s21], $0x2800  }
0x5e: {  	[sflag:s21] =	ssyncset.done $0x0  }
0x5f: {  	s0 =	simm.s32 @p0 $0x1;
	[sflag:s21] =	ssyncadd.s32 $0xFFFFD800  }
0x60: {  	_ =	swait.ge @p0 [sflag:s0], $0x2000  }
0x61: {  	[sflag:s0] =	ssyncset.done @p0 $0x0  }
0x62: {  	[sflag:s0] =	ssyncadd.s32 @p0 $0xFFFFE000;
	s0 =	simm.s32 @!p0 $0x1  }
0x63: {  	_ =	swait.ge @!p0 [sflag:s0], $0x2400  }
0x64: {  	[sflag:s0] =	ssyncset.done @!p0 $0x0  }
0x65: {  	[sflag:s0] =	ssyncadd.s32 @!p0 $0xFFFFDC00  }
0x66: {  	[bflag:$0x0] =	sbarrier.arrive $0xFFFF  }
0x67: {  	s7 =	simm.s32 $0x1D880;
	s0 =	simm.s32 $0x0;
	s11 =	rddreg [dreg:$0xe]  }
0x68: {  	[tilespmem:s7], [sflag:$0x9] =	stream.linear.gather [hbm4b:s11+s0], $0x50, $0x38;
	[tilespmem:$0x1DC80] =	vst v63  }
0x69: {  	s30 =	simm.s32 $0x1DA80;
	s12 =	rddreg [dreg:$0xf]  }
0x6a: {  	[tilespmem:s30], [sflag:$0x9] =	stream.linear.gather [hbm4b:s12+s0], $0x50, $0x38;
	[tilespmem:$0x1DC80] =	vst v63  }
0x6b: {  	s1 =	rddreg [dreg:$0x10]  }
0x6c: {  	[tilespmem:s26], [sflag:$0xA] =	stream.linear.gather [hbm4b:s1+s0], $0x50, $0x38;
	[tilespmem:$0x1DC80] =	vst v63  }
0x6d: {  	s6 =	rddreg [dreg:$0x11]  }
0x6e: {  	[tilespmem:s17], [sflag:$0xA] =	stream.linear.gather [hbm4b:s6+s0], $0x50, $0x38;
	[tilespmem:$0x1DC80] =	vst v63  }
0x6f: {  	s11 =	rddreg [dreg:$0x12];
	s1 =	simm.s32 $0x1D980  }
0x70: {  	[tilespmem:s1], [sflag:$0xB] =	stream.linear.gather [hbm4b:s11+s0], $0x50, $0x38;
	[tilespmem:$0x1DC80] =	vst v63  }
0x71: {  	s12 =	rddreg [dreg:$0x13]  }
0x72: {  	[tilespmem:s18], [sflag:$0xB] =	stream.linear.gather [hbm4b:s12+s0], $0x50, $0x38;
	[tilespmem:$0x1DC80] =	vst v63  }
0x73: {  	_ =	swait.ge [sflag:s15], $0x50  }
0x74: {  	[sflag:s15] =	ssyncset.done $0x0  }
0x75: {  	[sflag:s15] =	ssyncadd.s32 $0xFFFFFFB0  }
0x76: {  	_ =	swait.ge [sflag:s15], $0x50  }
0x77: {  	[sflag:s15] =	ssyncset.done $0x0  }
0x78: {  	[sflag:s15] =	ssyncadd.s32 $0xFFFFFFB0  }
0x79: {  	[tilespmem:s28], [sflag:$0x1] =	stream.indirect.gather [hbm4b:s3+s16], $0x80, s7, s16, $0xb8;
	[tilespmem:$0x1DC80] =	vst v63  }
0x7a: {  	_ =	swait.ge [sflag:s2], $0x50  }
0x7b: {  	[sflag:s2] =	ssyncset.done $0x0  }
0x7c: {  	[sflag:s2] =	ssyncadd.s32 $0xFFFFFFB0  }
0x7d: {  	_ =	swait.ge [sflag:s2], $0x50  }
0x7e: {  	[sflag:s2] =	ssyncset.done $0x0  }
0x7f: {  	s12 =	simm.s32 $0x16080;
	[sflag:s2] =	ssyncadd.s32 $0xFFFFFFB0  }
0x80: {  	[tilespmem:s12], [sflag:$0x2] =	stream.indirect.gather [hbm4b:s3+s16], $0x80, s26, s16, $0xb8;
	[tilespmem:$0x1DC80] =	vst v63  }
0x81: {  	_ =	swait.ge [sflag:s21], $0x2800  }
0x82: {  	[sflag:s21] =	ssyncset.done $0x0  }
0x83: {  	[sflag:s21] =	ssyncadd.s32 $0xFFFFD800  }
0x84: {  	[spmem:s19] =	stream.indirect.scatter.add.f32 [tilespmem:s28], [sflag:$0x5], $0x80, s30, s16, $0xb8;
	[tilespmem:$0x1DC80] =	vst v63  }
0x85: {  	s31 =	simm.s32 $0x1DA00;
	s6 =	rddreg [dreg:$0x16]  }
0x86: {  	[tilespmem:s31], [sflag:$0xC] =	stream.linear.gather [hbm4b:s6+s0], $0x50, $0x38;
	[tilespmem:$0x1DC80] =	vst v63  }
0x87: {  	s11 =	rddreg [dreg:$0x17]  }
0x88: {  	[tilespmem:s14], [sflag:$0xC] =	stream.linear.gather [hbm4b:s11+s0], $0x50, $0x38;
	[tilespmem:$0x1DC80] =	vst v63  }
0x89: {  	_ =	swait.ge [sflag:s20], $0x50  }
0x8a: {  	[sflag:s20] =	ssyncset.done $0x0  }
0x8b: {  	[sflag:s20] =	ssyncadd.s32 $0xFFFFFFB0  }
0x8c: {  	_ =	swait.ge [sflag:s20], $0x50  }
0x8d: {  	[sflag:s20] =	ssyncset.done $0x0  }
0x8e: {  	s6 =	simm.s32 $0x2;
	[sflag:s20] =	ssyncadd.s32 $0xFFFFFFB0  }
0x8f: {  	[tilespmem:s13], [sflag:$0x3] =	stream.indirect.gather [hbm4b:s3+s16], $0x80, s1, s16, $0xb8;
	[tilespmem:$0x1DC80] =	vst v63  }
0x90: {  	_ =	swait.ge [sflag:s6], $0x2800  }
0x91: {  	[sflag:s6] =	ssyncset.done $0x0  }
0x92: {  	[sflag:s6] =	ssyncadd.s32 $0xFFFFD800  }
0x93: {  	_ =	swait.ge [sflag:s22], $0x2800  }
0x94: {  	[sflag:s22] =	ssyncset.done $0x0;
	s6 =	rddreg [dreg:$0x1b]  }
0x95: {  	[sflag:s22] =	ssyncadd.s32 $0xFFFFD800;
	s0 =	sshrl.u32 s6, $0x3  }
0x96: {  	[spmem:s19] =	stream.indirect.scatter.add.f32 [tilespmem:s12], [sflag:$0x6], $0x80, s17, s16, $0xb8;
	[tilespmem:$0x1DC80] =	vst v63  }
0x97: {  	s22 =	sadd.s32 s9, s0  }
0x98: {  	[tilespmem:s7], [sflag:$0x9] =	stream.linear.gather [hbm4b:s22+s4], $0x50, $0x38;
	[tilespmem:$0x1DC80] =	vst v63  }
0x99: {  	s0 =	sadd.s32 s10, s0  }
0x9a: {  	[tilespmem:s30], [sflag:$0x9] =	stream.linear.gather [hbm4b:s0+s4], $0x50, $0x38;
	[tilespmem:$0x1DC80] =	vst v63  }
0x9b: {  	_ =	swait.ge [sflag:s25], $0x50  }
0x9c: {  	[sflag:s25] =	ssyncset.done $0x0  }
0x9d: {  	[sflag:s25] =	ssyncadd.s32 $0xFFFFFFB0  }
0x9e: {  	_ =	swait.ge [sflag:s25], $0x50  }
0x9f: {  	[sflag:s25] =	ssyncset.done $0x0  }
0xa0: {  	s5 =	simm.s32 $0x3;
	[sflag:s25] =	ssyncadd.s32 $0xFFFFFFB0  }
0xa1: {  	[tilespmem:s8], [sflag:$0x4] =	stream.indirect.gather [hbm4b:s3+s16], $0x80, s31, s16, $0xb8;
	[tilespmem:$0x1DC80] =	vst v63  }
0xa2: {  	_ =	swait.ge [sflag:s5], $0x2800  }
0xa3: {  	[sflag:s5] =	ssyncset.done $0x0  }
0xa4: {  	[sflag:s5] =	ssyncadd.s32 $0xFFFFD800  }
0xa5: {  	_ =	swait.ge [sflag:s29], $0x2800  }
0xa6: {  	[sflag:s29] =	ssyncset.done $0x0  }
0xa7: {  	s10 =	rddreg [dreg:$0x9];
	[sflag:s29] =	ssyncadd.s32 $0xFFFFD800  }
0xa8: {  	[spmem:s19] =	stream.indirect.scatter.add.f32 [tilespmem:s13], [sflag:$0x7], $0x80, s18, s16, $0xb8;
	[tilespmem:$0x1DC80] =	vst v63  }
0xa9: {  	s22 =	rddreg [dreg:$0x8];
	s0 =	sadd.s32 $0x0, s10  }
0xaa: {  	[tilespmem:s26], [sflag:$0xA] =	stream.linear.gather [hbm4b:s0+s4], $0x50, $0x38;
	[tilespmem:$0x1DC80] =	vst v63  }
0xab: {  	s5 =	sadd.s32 $0x0, s22  }
0xac: {  	[tilespmem:s17], [sflag:$0xA] =	stream.linear.gather [hbm4b:s5+s4], $0x50, $0x38;
	[tilespmem:$0x1DC80] =	vst v63  }
0xad: {  	_ =	swait.ge [sflag:s15], $0x50  }
0xae: {  	[sflag:s15] =	ssyncset.done $0x0  }
0xaf: {  	[sflag:s15] =	ssyncadd.s32 $0xFFFFFFB0  }
0xb0: {  	_ =	swait.ge [sflag:s15], $0x50  }
0xb1: {  	[sflag:s15] =	ssyncset.done $0x0  }
0xb2: {  	[sflag:s15] =	ssyncadd.s32 $0xFFFFFFB0  }
0xb3: {  	[tilespmem:s28], [sflag:$0x1] =	stream.indirect.gather [hbm4b:s3+s16], $0x80, s7, s16, $0xb8;
	[tilespmem:$0x1DC80] =	vst v63  }
0xb4: {  	s7 =	simm.s32 $0x4  }
0xb5: {  	_ =	swait.ge [sflag:s7], $0x2800  }
0xb6: {  	[sflag:s7] =	ssyncset.done $0x0  }
0xb7: {  	[sflag:s7] =	ssyncadd.s32 $0xFFFFD800  }
0xb8: {  	_ =	swait.ge [sflag:s23], $0x2800  }
0xb9: {  	[sflag:s23] =	ssyncset.done $0x0  }
0xba: {  	s10 =	rddreg [dreg:$0x7];
	[sflag:s23] =	ssyncadd.s32 $0xFFFFD800  }
0xbb: {  	[spmem:s19] =	stream.indirect.scatter.add.f32 [tilespmem:s8], [sflag:$0x8], $0x80, s14, s16, $0xb8;
	[tilespmem:$0x1DC80] =	vst v63  }
0xbc: {  	s13 =	rddreg [dreg:$0x6];
	s0 =	sadd.s32 $0x0, s10  }
0xbd: {  	[tilespmem:s1], [sflag:$0xB] =	stream.linear.gather [hbm4b:s0+s4], $0x50, $0x38;
	[tilespmem:$0x1DC80] =	vst v63  }
0xbe: {  	s17 =	sadd.s32 $0x0, s13  }
0xbf: {  	[tilespmem:s18], [sflag:$0xB] =	stream.linear.gather [hbm4b:s17+s4], $0x50, $0x38;
	[tilespmem:$0x1DC80] =	vst v63  }
0xc0: {  	_ =	swait.ge [sflag:s2], $0x50  }
0xc1: {  	[sflag:s2] =	ssyncset.done $0x0  }
0xc2: {  	[sflag:s2] =	ssyncadd.s32 $0xFFFFFFB0  }
0xc3: {  	_ =	swait.ge [sflag:s2], $0x50  }
0xc4: {  	[sflag:s2] =	ssyncset.done $0x0  }
0xc5: {  	[sflag:s2] =	ssyncadd.s32 $0xFFFFFFB0  }
0xc6: {  	[tilespmem:s12], [sflag:$0x2] =	stream.indirect.gather [hbm4b:s3+s16], $0x80, s26, s16, $0xb8;
	[tilespmem:$0x1DC80] =	vst v63  }
0xc7: {  	_ =	swait.ge [sflag:s21], $0x2800  }
0xc8: {  	[sflag:s21] =	ssyncset.done $0x0  }
0xc9: {  	s12 =	simm.s32 $0x8;
	[sflag:s21] =	ssyncadd.s32 $0xFFFFD800  }
0xca: {  	_ =	swait.ge [sflag:s12], $0x2800  }
0xcb: {  	[sflag:s12] =	ssyncset.done $0x0  }
0xcc: {  	s22 =	rddreg [dreg:$0x5];
	[sflag:s12] =	ssyncadd.s32 $0xFFFFD800  }
0xcd: {  	[spmem:s19] =	stream.indirect.scatter.add.f32 [tilespmem:s28], [sflag:$0x5], $0x80, s30, s16, $0xb8;
	[tilespmem:$0x1DC80] =	vst v63  }
0xce: {  	s26 =	rddreg [dreg:$0x4];
	s0 =	sadd.s32 $0x0, s22  }
0xcf: {  	[tilespmem:s31], [sflag:$0xC] =	stream.linear.gather [hbm4b:s0+s4], $0x50, $0x38;
	[tilespmem:$0x1DC80] =	vst v63  }
0xd0: {  	s30 =	sadd.s32 $0x0, s26  }
0xd1: {  	[tilespmem:s14], [sflag:$0xC] =	stream.linear.gather [hbm4b:s30+s4], $0x50, $0x38;
	[tilespmem:$0x1DC80] =	vst v63  }
0xd2: {  	_ =	swait.ge [sflag:s20], $0x50  }
0xd3: {  	[sflag:s20] =	ssyncset.done $0x0  }
0xd4: {  	[sflag:s20] =	ssyncadd.s32 $0xFFFFFFB0  }
0xd5: {  	s11 =	smov.u32 s19;
	_ =	swait.ge [sflag:s20], $0x50  }
0xd6: {  	s5 =	sadd.s32 $0x140, s6;
	s22 =	simm.s32 $0x1;
	[sflag:s20] =	ssyncset.done $0x0  }
0xd7: {  	s28 =	simm.s32 $0x5;
	s31 =	simm.s32 $0x28;
	[sflag:s20] =	ssyncadd.s32 $0xFFFFFFB0  }
.LBB2_4:
0xd8: {  	s1 =	simm.s32 $0x1D980;
	s13 =	simm.s32 $0x18880;
	s0 =	simm.s32 $0x2  }
0xd9: {  	[tilespmem:s13], [sflag:$0x3] =	stream.indirect.gather [hbm4b:s3+s16], $0x80, s1, s16, $0xb8;
	[tilespmem:$0x1DC80] =	vst v63  }
0xda: {  	_ =	swait.ge [sflag:s0], $0x2800  }
0xdb: {  	[sflag:s0] =	ssyncset.done $0x0  }
0xdc: {  	[sflag:s0] =	ssyncadd.s32 $0xFFFFD800  }
0xdd: {  	_ =	swait.ge [sflag:s28], $0x2800  }
0xde: {  	s21 =	sshrl.u32 s5, $0x3;
	[sflag:s28] =	ssyncset.done $0x0  }
0xdf: {  	s8 =	simm.s32 $0x16080;
	s18 =	simm.s32 $0x1DB00;
	[sflag:s28] =	ssyncadd.s32 $0xFFFFD800  }
0xe0: {  	[spmem:s11] =	stream.indirect.scatter.add.f32 [tilespmem:s8], [sflag:$0x6], $0x80, s18, s16, $0xb8;
	[tilespmem:$0x1DC80] =	vst v63  }
0xe1: {  	s26 =	simm.s32 $0x1D880;
	s30 =	sadd.s32 s9, s21;
	s14 =	rddreg [dreg:$0xa]  }
0xe2: {  	[tilespmem:s26], [sflag:$0x9] =	stream.linear.gather [hbm4b:s30+s4], $0x50, $0x38;
	[tilespmem:$0x1DC80] =	vst v63  }
0xe3: {  	s0 =	sadd.s32 s14, s21;
	s30 =	simm.s32 $0x1DA80  }
0xe4: {  	[tilespmem:s30], [sflag:$0x9] =	stream.linear.gather [hbm4b:s0+s4], $0x50, $0x38;
	[tilespmem:$0x1DC80] =	vst v63  }
0xe5: {  	_ =	swait.ge [sflag:s25], $0x50  }
0xe6: {  	[sflag:s25] =	ssyncset.done $0x0  }
0xe7: {  	[sflag:s25] =	ssyncadd.s32 $0xFFFFFFB0  }
0xe8: {  	_ =	swait.ge [sflag:s25], $0x50  }
0xe9: {  	s17 =	simm.s32 $0x3;
	[sflag:s25] =	ssyncset.done $0x0  }
0xea: {  	s14 =	simm.s32 $0x1DA00;
	s21 =	simm.s32 $0x1B080;
	[sflag:s25] =	ssyncadd.s32 $0xFFFFFFB0  }
0xeb: {  	[tilespmem:s21], [sflag:$0x4] =	stream.indirect.gather [hbm4b:s3+s16], $0x80, s14, s16, $0xb8;
	[tilespmem:$0x1DC80] =	vst v63  }
0xec: {  	_ =	swait.ge [sflag:s17], $0x2800  }
0xed: {  	[sflag:s17] =	ssyncset.done $0x0  }
0xee: {  	[sflag:s17] =	ssyncadd.s32 $0xFFFFD800  }
0xef: {  	_ =	swait.ge [sflag:s29], $0x2800  }
0xf0: {  	s6 =	smov.u32 s31;
	s10 =	smov.u32 s9;
	[sflag:s29] =	ssyncset.done $0x0  }
0xf1: {  	s17 =	simm.s32 $0x1DB80;
	s19 =	rddreg [dreg:$0x9];
	[sflag:s29] =	ssyncadd.s32 $0xFFFFD800  }
0xf2: {  	[spmem:s11] =	stream.indirect.scatter.add.f32 [tilespmem:s13], [sflag:$0x7], $0x80, s17, s16, $0xb8;
	[tilespmem:$0x1DC80] =	vst v63  }
0xf3: {  	s9 =	rddreg [dreg:$0x8];
	s0 =	sadd.s32 s6, s19;
	s19 =	simm.s32 $0x1D900  }
0xf4: {  	[tilespmem:s19], [sflag:$0xA] =	stream.linear.gather [hbm4b:s0+s4], $0x50, $0x38;
	[tilespmem:$0x1DC80] =	vst v63  }
0xf5: {  	s13 =	sadd.s32 s6, s9  }
0xf6: {  	[tilespmem:s18], [sflag:$0xA] =	stream.linear.gather [hbm4b:s13+s4], $0x50, $0x38;
	[tilespmem:$0x1DC80] =	vst v63  }
0xf7: {  	_ =	swait.ge [sflag:s15], $0x50  }
0xf8: {  	[sflag:s15] =	ssyncset.done $0x0  }
0xf9: {  	[sflag:s15] =	ssyncadd.s32 $0xFFFFFFB0  }
0xfa: {  	_ =	swait.ge [sflag:s15], $0x50  }
0xfb: {  	[sflag:s15] =	ssyncset.done $0x0  }
0xfc: {  	s29 =	simm.s32 $0x13880;
	[sflag:s15] =	ssyncadd.s32 $0xFFFFFFB0  }
0xfd: {  	[tilespmem:s29], [sflag:$0x1] =	stream.indirect.gather [hbm4b:s3+s16], $0x80, s26, s16, $0xb8;
	[tilespmem:$0x1DC80] =	vst v63  }
0xfe: {  	_ =	swait.ge [sflag:s7], $0x2800  }
0xff: {  	[sflag:s7] =	ssyncset.done $0x0  }
0x100: {  	[sflag:s7] =	ssyncadd.s32 $0xFFFFD800  }
0x101: {  	_ =	swait.ge [sflag:s23], $0x2800  }
0x102: {  	[sflag:s23] =	ssyncset.done $0x0  }
0x103: {  	s13 =	simm.s32 $0x1DC00;
	s9 =	rddreg [dreg:$0x7];
	[sflag:s23] =	ssyncadd.s32 $0xFFFFD800  }
0x104: {  	[spmem:s11] =	stream.indirect.scatter.add.f32 [tilespmem:s21], [sflag:$0x8], $0x80, s13, s16, $0xb8;
	[tilespmem:$0x1DC80] =	vst v63  }
0x105: {  	s18 =	rddreg [dreg:$0x6];
	s0 =	sadd.s32 s6, s9  }
0x106: {  	[tilespmem:s1], [sflag:$0xB] =	stream.linear.gather [hbm4b:s0+s4], $0x50, $0x38;
	[tilespmem:$0x1DC80] =	vst v63  }
0x107: {  	s9 =	sadd.s32 s6, s18  }
0x108: {  	[tilespmem:s17], [sflag:$0xB] =	stream.linear.gather [hbm4b:s9+s4], $0x50, $0x38;
	[tilespmem:$0x1DC80] =	vst v63  }
0x109: {  	_ =	swait.ge [sflag:s2], $0x50  }
0x10a: {  	[sflag:s2] =	ssyncset.done $0x0  }
0x10b: {  	[sflag:s2] =	ssyncadd.s32 $0xFFFFFFB0  }
0x10c: {  	_ =	swait.ge [sflag:s2], $0x50  }
0x10d: {  	[sflag:s2] =	ssyncset.done $0x0  }
0x10e: {  	[sflag:s2] =	ssyncadd.s32 $0xFFFFFFB0  }
0x10f: {  	[tilespmem:s8], [sflag:$0x2] =	stream.indirect.gather [hbm4b:s3+s16], $0x80, s19, s16, $0xb8;
	[tilespmem:$0x1DC80] =	vst v63  }
0x110: {  	_ =	swait.ge [sflag:s22], $0x2800  }
0x111: {  	[sflag:s22] =	ssyncset.done $0x0  }
0x112: {  	[sflag:s22] =	ssyncadd.s32 $0xFFFFD800  }
0x113: {  	_ =	swait.ge [sflag:s12], $0x2800  }
0x114: {  	[sflag:s12] =	ssyncset.done $0x0  }
0x115: {  	s17 =	rddreg [dreg:$0x5];
	[sflag:s12] =	ssyncadd.s32 $0xFFFFD800  }
0x116: {  	[spmem:s11] =	stream.indirect.scatter.add.f32 [tilespmem:s29], [sflag:$0x5], $0x80, s30, s16, $0xb8;
	[tilespmem:$0x1DC80] =	vst v63  }
0x117: {  	s19 =	rddreg [dreg:$0x4];
	s0 =	sadd.s32 s6, s17  }
0x118: {  	[tilespmem:s14], [sflag:$0xC] =	stream.linear.gather [hbm4b:s0+s4], $0x50, $0x38;
	[tilespmem:$0x1DC80] =	vst v63  }
0x119: {  	s30 =	sadd.s32 s6, s19  }
0x11a: {  	[tilespmem:s13], [sflag:$0xC] =	stream.linear.gather [hbm4b:s30+s4], $0x50, $0x38;
	[tilespmem:$0x1DC80] =	vst v63  }
0x11b: {  	p1 =	sne.s32 s31, $0x488;
	_ =	swait.ge [sflag:s20], $0x50  }
.Ltmp1:
0x11c: {  	s31 =	sadd.s32 $0x28, s31;
	[sflag:s20] =	ssyncset.done $0x0;
	(pc) =	sbr.rel @p1 .LBB2_4-.Ltmp1, $4  }
0x11d: {  	s5 =	sadd.s32 $0x140, s5;
	s26 =	simm.s32 $0x1D980;
	[sflag:s20] =	ssyncadd.s32 $0xFFFFFFB0  }
0x11e: {  	s18 =	simm.s32 $0x1DB80;
	s21 =	simm.s32 $0x16080;
	_ =	swait.ge [sflag:s20], $0x50  }
0x11f: {  	s1 =	simm.s32 $0x1DA00;
	s9 =	smov.u32 s10;
	[sflag:s20] =	ssyncset.done $0x0  }
0x120: {  	s8 =	simm.s32 $0x1DC00;
	s29 =	simm.s32 $0x6;
	[sflag:s20] =	ssyncadd.s32 $0xFFFFFFB0  }
0x121: {  	s13 =	simm.s32 $0x18880;
	s0 =	simm.s32 $0x2  }
0x122: {  	[tilespmem:s13], [sflag:$0x3] =	stream.indirect.gather [hbm4b:s3+s16], $0x80, s26, s16, $0xb8;
	[tilespmem:$0x1DC80] =	vst v63  }
0x123: {  	_ =	swait.ge [sflag:s0], $0x2800  }
0x124: {  	[sflag:s0] =	ssyncset.done $0x0  }
0x125: {  	[sflag:s0] =	ssyncadd.s32 $0xFFFFD800  }
0x126: {  	_ =	swait.ge [sflag:s28], $0x2800  }
0x127: {  	[sflag:s28] =	ssyncset.done $0x0  }
0x128: {  	[sflag:s28] =	ssyncadd.s32 $0xFFFFD800  }
0x129: {  	[spmem:s11] =	stream.indirect.scatter.add.f32 [tilespmem:s21], [sflag:$0x6], $0x80, s24, s16, $0xb8;
	[tilespmem:$0x1DC80] =	vst v63  }
0x12a: {  	s6 =	simm.s32 $0x1D880;
	s17 =	rddreg [dreg:$0x18]  }
0x12b: {  	[tilespmem:s6], [sflag:$0x9] =	stream.linear.gather [hbm4b:s17+s4], $0x50, $0x38;
	[tilespmem:$0x1DC80] =	vst v63  }
0x12c: {  	s5 =	simm.s32 $0x1DA80;
	s19 =	rddreg [dreg:$0x19]  }
0x12d: {  	[tilespmem:s5], [sflag:$0x9] =	stream.linear.gather [hbm4b:s19+s4], $0x50, $0x38;
	[tilespmem:$0x1DC80] =	vst v63  }
0x12e: {  	_ =	swait.ge [sflag:s25], $0x50  }
0x12f: {  	[sflag:s25] =	ssyncset.done $0x0  }
0x130: {  	[sflag:s25] =	ssyncadd.s32 $0xFFFFFFB0  }
0x131: {  	_ =	swait.ge [sflag:s25], $0x50  }
0x132: {  	[sflag:s25] =	ssyncset.done $0x0  }
0x133: {  	s10 =	simm.s32 $0x1B080;
	s21 =	simm.s32 $0x3;
	[sflag:s25] =	ssyncadd.s32 $0xFFFFFFB0  }
0x134: {  	[tilespmem:s10], [sflag:$0x4] =	stream.indirect.gather [hbm4b:s3+s16], $0x80, s1, s16, $0xb8;
	[tilespmem:$0x1DC80] =	vst v63  }
0x135: {  	_ =	swait.ge [sflag:s21], $0x2800  }
0x136: {  	[sflag:s21] =	ssyncset.done $0x0  }
0x137: {  	[sflag:s21] =	ssyncadd.s32 $0xFFFFD800  }
0x138: {  	_ =	swait.ge [sflag:s29], $0x2800  }
0x139: {  	[sflag:s29] =	ssyncset.done $0x0  }
0x13a: {  	[sflag:s29] =	ssyncadd.s32 $0xFFFFD800  }
0x13b: {  	[spmem:s11] =	stream.indirect.scatter.add.f32 [tilespmem:s13], [sflag:$0x7], $0x80, s18, s16, $0xb8;
	[tilespmem:$0x1DC80] =	vst v63  }
0x13c: {  	_ =	swait.ge [sflag:s15], $0x50  }
0x13d: {  	[sflag:s15] =	ssyncset.done $0x0  }
0x13e: {  	[sflag:s15] =	ssyncadd.s32 $0xFFFFFFB0  }
0x13f: {  	_ =	swait.ge [sflag:s15], $0x50  }
0x140: {  	[sflag:s15] =	ssyncset.done $0x0  }
0x141: {  	s26 =	simm.s32 $0x13880;
	[sflag:s15] =	ssyncadd.s32 $0xFFFFFFB0  }
0x142: {  	[tilespmem:s26], [sflag:$0x1] =	stream.indirect.gather [hbm4b:s3+s16], $0x80, s6, s16, $0xb8;
	[tilespmem:$0x1DC80] =	vst v63  }
0x143: {  	_ =	swait.ge [sflag:s7], $0x2800  }
0x144: {  	[sflag:s7] =	ssyncset.done $0x0  }
0x145: {  	[sflag:s7] =	ssyncadd.s32 $0xFFFFD800  }
0x146: {  	_ =	swait.ge [sflag:s23], $0x2800  }
0x147: {  	[sflag:s23] =	ssyncset.done $0x0  }
0x148: {  	[sflag:s23] =	ssyncadd.s32 $0xFFFFD800  }
0x149: {  	[spmem:s11] =	stream.indirect.scatter.add.f32 [tilespmem:s10], [sflag:$0x8], $0x80, s8, s16, $0xb8;
	[tilespmem:$0x1DC80] =	vst v63  }
0x14a: {  	_ =	swait.ge [sflag:s22], $0x2800  }
0x14b: {  	[sflag:s22] =	ssyncset.done $0x0  }
0x14c: {  	[sflag:s22] =	ssyncadd.s32 $0xFFFFD800  }
0x14d: {  	_ =	swait.ge [sflag:s12], $0x2800  }
0x14e: {  	[sflag:s12] =	ssyncset.done $0x0  }
0x14f: {  	[sflag:s12] =	ssyncadd.s32 $0xFFFFD800  }
0x150: {  	[spmem:s11] =	stream.indirect.scatter.add.f32 [tilespmem:s26], [sflag:$0x5], $0x80, s5, s16, $0xb8;
	[tilespmem:$0x1DC80] =	vst v63  }
0x151: {  	_ =	swait.ge [sflag:s28], $0x2800  }
0x152: {  	[sflag:s28] =	ssyncset.done $0x0  }
0x153: {  	[sflag:s28] =	ssyncadd.s32 $0xFFFFD800  }
0x154: {  	s5 =	stileid.u32;
	[bflag:$0x0] =	sbarrier.arrive $0xFFFF  }
0x155: {  	s0 =	sshll.u32 @p0 s5, $0x6;
	s6 =	rddreg [dreg:$0x15]  }
0x156: {  	s0 =	sor.u32 @p0 $0x1C0D, s0;
	s10 =	rddreg [dreg:$0x1c]  }
0x157: {  	[hbm:s6], [sflag:s0] =	dma.local @p0 [spmem:s10], $0x2700  }
0x158: {  	s0 =	simm.s32 @p0 $0xD  }
0x159: {  	_ =	swait.ge @p0 [sflag:s0], $0x2700  }
0x15a: {  	s5 =	sshll.u32 @!p0 s5, $0x6;
	[sflag:s0] =	ssyncset.done @p0 $0x0;
	s10 =	rddreg [dreg:$0x1d]  }
0x15b: {  	[sflag:s0] =	ssyncadd.s32 @p0 $0xFFFFD900;
	s0 =	sor.u32 @!p0 $0x1C0D, s5;
	s5 =	rddreg [dreg:$0x14]  }
0x15c: {  	[hbm:s5], [sflag:s0] =	dma.local @!p0 [spmem:s10], $0x2780  }
0x15d: {  	s0 =	simm.s32 @!p0 $0xD  }
0x15e: {  	_ =	swait.ge @!p0 [sflag:s0], $0x2780  }
0x15f: {  	s30 =	sld [smem:$0x7FA];
	_ =	sdelay $0x2  }
0x160: {  	s31 =	rddreg [dreg:$0x1a];
	s12 =	sadd.s32 $0x1, s30  }
0x161: {  	p1 =	sne.s32 s12, s31  }
.Ltmp2:
0x162: {  	s14 =	simm.s32 $0x1DC00;
	(pc) =	sbr.rel @p1 .LBB2_1-.Ltmp2, $4  }
0x163: {  	s17 =	simm.s32 $0x1DB00;
	s19 =	smov.u32 s11;
	s21 =	simm.s32 $0x1  }
0x164: {  	s18 =	simm.s32 $0x1DB80;
	s13 =	simm.s32 $0x18880;
	s8 =	simm.s32 $0x1B080  }
0x165: {  	s22 =	simm.s32 $0x5;
	s26 =	simm.s32 $0x1D900;
	[sflag:s0] =	ssyncset.done @!p0 $0x0  }
0x166: {  	s6 =	stileid.u32;
	s10 =	rddreg [dreg:$0xa];
	[sflag:s0] =	ssyncadd.s32 @!p0 $0xFFFFD880  }
0x167: {  	_ =	sfence.sel $0x180000  }
0x168: {  	[bflag:$0x0] =	sbarrier.arrive $0xFFFF  }
0x169: {  	_ =	strace $0x9000004D  }
0x16a: {  	[bflag:$0x2] =	sbarrier.arrive $0xFFFF  }
0x16b: {  	p0 =	sne.s32 s6, $0x0;
	s0 =	rddreg [dreg:$0x3]  }
0x16c: {  	s0 =	sadd.s32 @!p0 $0x100000, s0  }
0x16d: {  	[sflag:s0] =	ssyncadd.tile.s32 @!p0 $0x1;
	_ =	shalt  }
.Lfunc_end2:
_tile_overlayer_lowered:
.L_overlay_start_2:
0x16e: {  	(tag) =	ssettag $0x2  }
0x16f: {  	s0 =	rddreg [dreg:$0x0];
	s2 =	stileid.u32  }
0x170: {  	s1 =	rddreg [dreg:$0x1];
	p0 =	sne.s32 s2, $0x0  }
0x171: {  	s3 =	rddreg [dreg:$0x2];
	[bflag:$0x3] =	sbarrier.arrive $0xFFFF;
	s2 =	simm.s32 @!p0 $0x1C0D  }
0x172: {  	[timem:s3], [sflag:s2] =	dma.local @!p0 [hbm:s0], s1  }
0x173: {  	s0 =	simm.s32 @!p0 $0xD  }
0x174: {  	_ =	swait.ge @!p0 [sflag:s0], s1  }
0x175: {  	s1 =	ssub.s32 @!p0 $0x0, s1;
	[sflag:s0] =	ssyncset.done @!p0 $0x0  }
0x176: {  	[sflag:s0] =	ssyncadd.s32 @!p0 s1  }
0x177: {  	[bflag:$0x3] =	sbarrier.arrive $0xFFFF  }
0x178: {  	_ =	shalt  }

// kernel: kernel.9.cloned.1.call-start
scs
__scs_entry_jumppad:
0x0: {  	(pc) =	sbr.rel $0x88, $3  }
0x1: {  	(tag) =	ssettag $0x0;
	lr =	simm.s32 $0x1  }
0x2: {  	[smem:$0x3F90] =	sst lr;
	_ =	strace $0xD0000000  }
0x3: {  	_ = 	snop  }
0x4: {  	_ = 	snop  }
0x5: {  	_ = 	snop  }
0x6: {  	_ = 	snop  }
0x7: {  	_ = 	snop  }
__scs_overlays_trampoline_lowered:
0x8: {  	[smem:$0x3F9F] =	sst s0  }
0x9: {  	[smem:$0x3FA0] =	sst s1  }
0xa: {  	[smem:$0x3FA1] =	sst s2  }
0xb: {  	[smem:$0x3FA2] =	sst s3  }
0xc: {  	[smem:$0x3FA3] =	sst s4  }
0xd: {  	[smem:$0x3FA4] =	sst s5  }
0xe: {  	[smem:$0x3FA5] =	sst s6  }
0xf: {  	[smem:$0x3FA6] =	sst s7  }
0x10: {  	[smem:$0x3FA7] =	sst s8  }
0x11: {  	[smem:$0x3FA8] =	sst s9;
	s0 =	simm.s32 @!p0 $0x0  }
0x12: {  	s1 =	sld [smem:$0x3F8E];
	s0 =	simm.s32 @p0 $0x1  }
0x13: {  	[smem:$0x3FA9] =	sst s0;
	s0 =	simm.s32 @!p1 $0x0  }
0x14: {  	s2 =	sld [smem:$0x3F8D];
	s0 =	simm.s32 @p1 $0x1  }
0x15: {  	[smem:$0x3FAA] =	sst s0;
	s0 =	simm.s32 @!p2 $0x0  }
0x16: {  	s3 =	sld [smem:$0x3FDB];
	s0 =	simm.s32 @p2 $0x1  }
0x17: {  	s4 =	simm.s32 $0x1BF5;
	[smem:$0x3FAC] =	sst s0  }
0x18: {  	s0 =	sld [smem:$0x3F8F];
	_ =	swait.ge [sflag:s4], $0x0  }
0x19: {  	s7 =	sld [smem:$0x3F90]  }
0x1a: {  	s8 =	sadd.s32 $0xFFFFE003, lr  }
0x1b: {  	s9 =	sadd.s32 $0xFFFFFEF7, lr;
	s5 =	simm.s32 $0xFFFFFFFF;
	p2 =	slt.u32 s8, $0xFFFFF086  }
0x1c: {  	p1 =	slt.u32 s9, $0xF7A;
	s5 =	simm.s32 @!p2 $0x0  }
0x1d: {  	s5 =	simm.s32 @p1 $0x1;
	p0 =	seq.s32 s7, s2  }
0x1e: {  	s7 =	smul.u32 @!p0 $0xF7A, s2;
	p2 =	seq.s32 @!p0 s5, $0x0  }
0x1f: {  	s9 =	smul.u32 $0xF7A, s1;
	s8 =	simm.s32 @!p0 $0x1BF5;
	p2 =	por !p2, p0  }
0x20: {  	[sflag:s8] =	ssyncset.s32 @!p0 $0xFFFFF086;
	s6 =	sadd.s32 @!p0 s3, s7;
	s7 =	simm.s32 @!p0 $0x108  }
0x21: {  	s3 =	sadd.s32 s3, s9;
	s6 =	sadd.s32 @!p0 $0x88, s6;
	s7 =	simm.s32 @p2 $0x1082  }
0x22: {  	[simem:s7], [sflag:s8] =	dma.local @!p0 [hbm:s6], $0xF7A  }
0x23: {  	s9 =	sor.u32 $0xD0000000, s2;
	s6 =	simm.s32 $0x108;
	_ =	swait.ge @!p0 [sflag:s8], $0x0  }
0x24: {  	s3 =	sadd.s32 $0x88, s3;
	s6 =	simm.s32 @!p1 $0x1082;
	[sflag:s4] =	ssyncset.s32 $0xFFFFF086  }
0x25: {  	[simem:s6], [sflag:s4] =	dma.local [hbm:s3], $0xF7A  }
0x26: {  	[smem:$0x3F90] =	sst s1;
	(tag) =	ssettag s2;
	_ =	strace s9  }
0x27: {  	s1 =	sld [smem:$0x3FA0]  }
0x28: {  	s2 =	sld [smem:$0x3FA1]  }
0x29: {  	s4 =	sld [smem:$0x3FA3]  }
0x2a: {  	p0 =	seq.s32 s5, $0x0;
	s5 =	sld [smem:$0x3FA4]  }
0x2b: {  	s6 =	sld [smem:$0x3FA5]  }
0x2c: {  	s7 =	sld [smem:$0x3FA6]  }
0x2d: {  	s3 =	simm.s32 $0x108;
	s8 =	sld [smem:$0x3FA7]  }
0x2e: {  	s3 =	simm.s32 @!p0 $0x1082;
	s9 =	sld [smem:$0x3FA8]  }
0x2f: {  	lr =	sadd.s32 s0, s3;
	s0 =	sld [smem:$0x3F9F]  }
0x30: {  	s3 =	sld [smem:$0x3FA2]  }
0x31: {  	[smem:$0x3FAB] =	sst s10  }
0x32: {  	s10 =	sld [smem:$0x3FA9];
	_ =	sdelay $0x3  }
0x33: {  	p0 =	seq.s32 s10, $0x1;
	s10 =	sld [smem:$0x3FAB];
	_ =	sdelay $0x3  }
0x34: {  	[smem:$0x3FAB] =	sst s10  }
0x35: {  	s10 =	sld [smem:$0x3FAA];
	_ =	sdelay $0x3  }
0x36: {  	p1 =	seq.s32 s10, $0x1;
	s10 =	sld [smem:$0x3FAB];
	_ =	sdelay $0x3  }
0x37: {  	[smem:$0x3FAB] =	sst s10  }
0x38: {  	s10 =	sld [smem:$0x3FAC]  }
0x39: {  	_ = 	snop;
	(pc) =	sbr.ind lr, $3  }
0x3a: {  	_ = 	snop  }
0x3b: {  	_ = 	snop  }
0x3c: {  	p2 =	seq.s32 s10, $0x1;
	s10 =	sld [smem:$0x3FAB]  }
0x3d: {  	_ =	shalt  }
0x3e: {  	_ =	shalt  }
0x3f: {  	_ =	shalt  }
0x40: {  	_ =	shalt  }
0x41: {  	_ =	shalt  }
0x42: {  	_ =	shalt  }
0x43: {  	_ =	shalt  }
0x44: {  	_ =	shalt  }
0x45: {  	_ =	shalt  }
0x46: {  	_ =	shalt  }
0x47: {  	_ =	shalt  }
0x48: {  	_ =	shalt  }
0x49: {  	_ =	shalt  }
0x4a: {  	_ =	shalt  }
0x4b: {  	_ =	shalt  }
0x4c: {  	_ =	shalt  }
0x4d: {  	_ =	shalt  }
0x4e: {  	_ =	shalt  }
0x4f: {  	_ =	shalt  }
0x50: {  	_ =	shalt  }
0x51: {  	_ =	shalt  }
0x52: {  	_ =	shalt  }
0x53: {  	_ =	shalt  }
0x54: {  	_ =	shalt  }
0x55: {  	_ =	shalt  }
0x56: {  	_ =	shalt  }
0x57: {  	_ =	shalt  }
0x58: {  	_ =	shalt  }
0x59: {  	_ =	shalt  }
0x5a: {  	_ =	shalt  }
0x5b: {  	_ =	shalt  }
0x5c: {  	_ =	shalt  }
0x5d: {  	_ =	shalt  }
0x5e: {  	_ =	shalt  }
0x5f: {  	_ =	shalt  }
0x60: {  	_ =	shalt  }
0x61: {  	_ =	shalt  }
0x62: {  	_ =	shalt  }
0x63: {  	_ =	shalt  }
0x64: {  	_ =	shalt  }
0x65: {  	_ =	shalt  }
0x66: {  	_ =	shalt  }
0x67: {  	_ =	shalt  }
0x68: {  	_ =	shalt  }
0x69: {  	_ =	shalt  }
0x6a: {  	_ =	shalt  }
0x6b: {  	_ =	shalt  }
0x6c: {  	_ =	shalt  }
0x6d: {  	_ =	shalt  }
0x6e: {  	_ =	shalt  }
0x6f: {  	_ =	shalt  }
0x70: {  	_ =	shalt  }
0x71: {  	_ =	shalt  }
0x72: {  	_ =	shalt  }
0x73: {  	_ =	shalt  }
0x74: {  	_ =	shalt  }
0x75: {  	_ =	shalt  }
0x76: {  	_ =	shalt  }
0x77: {  	_ =	shalt  }
0x78: {  	_ =	shalt  }
0x79: {  	_ =	shalt  }
0x7a: {  	_ =	shalt  }
0x7b: {  	_ =	shalt  }
0x7c: {  	_ =	shalt  }
0x7d: {  	_ =	shalt  }
0x7e: {  	_ =	shalt  }
0x7f: {  	_ =	shalt  }
0x80: {  	_ =	shalt  }
0x81: {  	_ =	shalt  }
0x82: {  	_ =	shalt  }
0x83: {  	_ =	shalt  }
0x84: {  	_ =	shalt  }
0x85: {  	_ =	shalt  }
0x86: {  	_ =	shalt  }
0x87: {  	_ =	shalt  }
.Lfunc_end0:
.L_simem_size_0:
called_computation_lowered:
.L_overlay_start_0:
0x88: {  	s2 =	sld [smem:$0x3FD9]  }
0x89: {  	s3 =	sld [smem:$0x3FFE];
	_ =	sdelay $0x1  }
0x8a: {  	s1 =	srdreg.scid  }
0x8b: {  	s0 =	sand.u32 $0x1, s1  }
0x8c: {  	s14 =	sshll.u32 s0, $0xA;
	s2 =	sadd.s32 s3, s2  }
0x8d: {  	s2 =	sadd.s32 s2, s14  }
0x8e: {  	[smem:$0x3FB7] =	sst s2  }
0x8f: {  	_ = 	snop  }
0x90: {  	s2 =	sld [smem:$0x3FD0];
	_ =	sdelay $0x2  }
0x91: {  	s15 =	simm.s32 $0xA;
	s4 =	simm.s32 $0x10  }
0x92: {  	[smem:s4], [sflag:s15] =	dma.local [hbm:s2], $0x1  }
0x93: {  	_ =	swait.eq [sflag:s15], $0x1  }
0x94: {  	[sflag:s15] =	ssyncset.done $0x0  }
0x95: {  	[sflag:s15] =	ssyncadd.s32 $0xFFFFFFFF  }
0x96: {  	s16 =	sld [smem:$0x12];
	(tm) =	ssettm $0x1  }
0x97: {  	s17 =	sld [smem:$0x3FFB];
	_ =	sdelay $0x3  }
0x98: {  	_ =	strace s17  }
0x99: {  	s3 =	sld [smem:$0x3FFC];
	_ =	sdelay $0x3  }
0x9a: {  	_ =	strace s3  }
0x9b: {  	s3 =	sld [smem:$0x3FFD];
	_ =	sdelay $0x3  }
0x9c: {  	_ =	strace s3  }
0x9d: {  	_ =	strace $0x8FFFFFFF  }
0x9e: {  	s18 =	sld [smem:$0x3FDB];
	_ =	sdelay $0x1  }
0x9f: {  	s19 =	simm.s32 $_scs_section_size  }
0xa0: {  	s5 =	simm.s32 $_size__tile_overlayer_lowered;
	s6 =	simm.s32 $_tile_overlayer_lowered  }
0xa1: {  	s22 =	simm.s32 $0x1BFF;
	s21 =	sshll.u32 s6, $0x1;
	s3 =	sadd.s32 s19, s18  }
0xa2: {  	s7 =	simm.s32 $0x0;
	s20 =	sshll.u32 s5, $0x1;
	s5 =	sadd.s32 s21, s3  }
0xa3: {  	[timem:s7], [sflag:s22] =	dma.local [hbm:s5], s20  }
0xa4: {  	_ =	swait.ge [sflag:s22], s20  }
0xa5: {  	s4 =	ssub.s32 $0x0, s20;
	[sflag:s22] =	ssyncset.done $0x0  }
0xa6: {  	[sflag:s22] =	ssyncadd.s32 s4;
	_ =	sdelay $0x1  }
0xa7: {  	s23 =	simm.s32 $0x1B8B  }
0xa8: {  	_ =	swait.ge [sflag:s23], $0x1  }
0xa9: {  	[sflag:s23] =	ssyncset.done $0x0  }
0xaa: {  	s25 =	simm.s32 $0x1B8E;
	s24 =	sld [smem:$0x3FFE];
	[sflag:s23] =	ssyncadd.s32 $0xFFFFFFFF  }
0xab: {  	s26 =	simm.s32 $execute0_lowered;
	[smem:$0x3FD2] =	sst s25  }
0xac: {  	s5 =	sshll.u32 s26, $0x1;
	_ =	strace $0x80000046;
	[dreg:$0x1] =	wrdreg $0xFFFFFFFF  }
0xad: {  	s28 =	simm.s32 $_size_execute0_lowered;
	s3 =	sadd.s32 s3, s5;
	[dreg:$0x0] =	wrdreg $0x0  }
0xae: {  	s5 =	sshll.u32 s28, $0x1;
	[dreg:$0x2] =	wrdreg s3  }
0xaf: {  	[dreg:$0x3] =	wrdreg s5  }
0xb0: {  	[dreg:$0x4] =	wrdreg $0xC0  }
0xb1: {  	_ =	task [dreg:s7], $0x5FFFF  }
0xb2: {  	[dreg:$0x1] =	wrdreg $0xFFFFFFFF  }
0xb3: {  	[dreg:$0x0] =	wrdreg $0x60  }
0xb4: {  	[dreg:$0x2] =	wrdreg s16  }
0xb5: {  	[dreg:$0x3] =	wrdreg s24  }
0xb6: {  	[dreg:$0x4] =	wrdreg $0x0  }
0xb7: {  	[dreg:$0x5] =	wrdreg $0x9  }
0xb8: {  	_ =	task.clear_ibuf [dreg:s7], $0x6FFFF;
	_ =	strace $0x90000046  }
0xb9: {  	s29 =	simm.s32 $0x9;
	_ =	strace $0x80000048  }
0xba: {  	_ =	swait.ge [sflag:s29], $0x1  }
0xbb: {  	[sflag:s29] =	ssyncadd.s32 $0xFFFFFFFF  }
0xbc: {  	_ =	strace $0x90000048  }
0xbd: {  	_ =	sfence  }
0xbe: {  	s30 =	sld [smem:$0x0];
	_ =	sdelay $0x2  }
0xbf: {  	s31 =	sshll.u32 s1, $0xD;
	s1 =	sshrl.u32 s1, $0x2  }
0xc0: {  	s3 =	sand.u32 $0x4000, s31;
	s1 =	sadd.s32 s1, s30  }
0xc1: {  	s0 =	sor.u32 s3, s0;
	s1 =	sshll.u32 s1, $0x11  }
0xc2: {  	s0 =	sor.u32 s1, s0  }
0xc3: {  	s0 =	sadd.s32 $0x8F2B, s0  }
0xc4: {  	[sflag:s0] =	ssyncadd.remote.s32 $0x1  }
0xc5: {  	_ =	sfence.sel $0xFFFF  }
0xc6: {  	[dreg:$0x0] =	wrdreg $0xFFFFFFFF;
	(pc) =	sbr.abs _section_cstart, $3  }
0xc7: {  	[dreg:$0x1] =	wrdreg $0xFFFFFFFF  }
0xc8: {  	_ =	task.clear_ibuf [dreg:s7], $0x2FFFF;
	_ =	strace $0x9FFFFFFF  }
0xc9: {  	(tm) =	ssettm $0x7FFFFFFF  }
tec
execute0_lowered:
.L_overlay_start_1:
0x0: {  	(tag) =	ssettag $0x1  }
0x1: {  	s3 =	rddreg [dreg:$0x0]  }
0x2: {  	s0 =	rddreg [dreg:$0x1]  }
0x3: {  	s19 =	rddreg [dreg:$0x2]  }
0x4: {  	s4 =	simm.s32 $0x0;
	s13 =	stileid.u32;
	s5 =	srdreg.scid  }
0x5: {  	s29 =	simm.s32 $0x6;
	[smem:$0x7FF] =	sst s4;
	s2 =	smul.u32 $0x270, s13  }
0x6: {  	s14 =	sadd.s32 $0xE000, s0;
	s15 =	sadd.s32 $0x4200, s0;
	s6 =	smul.u32 $0x278, s13  }
0x7: {  	s5 =	sand.u32 $0x1, s5;
	p0 =	sgt.u32 s13, $0x1;
	s18 =	smul.u32 $0x2710, s13  }
0x8: {  	s0 =	sadd.s32 $0x17E00, s0;
	s25 =	smul.u32 $0x13C00, s13;
	_ =	strace $0x80000047  }
0x9: {  	s7 =	sshll.u32 s5, $0x4;
	s8 =	ssub.s32 $0x2, s5;
	s12 =	smul.u32 $0x27100, s5  }
0xa: {  	s5 =	smul.u32 $0x138800, s5;
	s2 =	sadd.s32 $0x10, s2;
	s7 =	sor.u32 s13, s7  }
0xb: {  	s9 =	sshrl.u32 s8, $0x1;
	s13 =	smul.u32 $0x4F000, s13;
	s6 =	smov.u32 @p0 s2  }
0xc: {  	s10 =	smul.u32 $0x2710, s7;
	s7 =	ssub.s32 s8, s9;
	s6 =	sshll.u32 s6, $0x7  }
0xd: {  	s8 =	sadd.s32 s18, s12;
	s2 =	sshll.u32 s2, $0x7;
	s16 =	sadd.s32 s6, s19  }
0xe: {  	s23 =	sadd.s32 $0x230, s8;
	s11 =	sadd.s32 $0x2800, s16;
	[dreg:$0xb] =	wrdreg s16  }
0xf: {  	s6 =	sshrl.u32 s10, $0x3;
	s17 =	sadd.s32 $0x5000, s16;
	[dreg:$0xc] =	wrdreg s11  }
0x10: {  	s28 =	sadd.s32 $0x1E0, s8;
	s10 =	sadd.s32 s14, s6;
	[dreg:$0xd] =	wrdreg s17  }
0x11: {  	s20 =	sadd.s32 s15, s6;
	s21 =	sadd.s32 $0xA, s6;
	[dreg:$0xe] =	wrdreg s10  }
0x12: {  	s31 =	sadd.s32 $0x190, s8;
	[dreg:$0xf] =	wrdreg s20;
	s11 =	sadd.s32 s14, s21  }
0x13: {  	s22 =	sadd.s32 $0x14, s6;
	s10 =	sadd.s32 s15, s21;
	[dreg:$0x10] =	wrdreg s11  }
0x14: {  	s26 =	sadd.s32 $0x1E, s6;
	s24 =	sadd.s32 s14, s22;
	[dreg:$0x11] =	wrdreg s10  }
0x15: {  	s6 =	sadd.s32 $0x4D8, s6;
	s9 =	sadd.s32 s15, s22;
	[dreg:$0x12] =	wrdreg s24  }
0x16: {  	s17 =	sadd.s32 s14, s26;
	s18 =	sadd.s32 s15, s26;
	[dreg:$0x13] =	wrdreg s9  }
0x17: {  	s21 =	sadd.s32 s14, s6;
	s22 =	sadd.s32 s15, s6;
	[dreg:$0x16] =	wrdreg s17  }
0x18: {  	s26 =	sadd.s32 $0xA000, s16;
	s10 =	sshrl.u32 s23, $0x3;
	[dreg:$0x17] =	wrdreg s18  }
0x19: {  	s11 =	sadd.s32 s25, s5;
	s5 =	sadd.s32 s5, s2;
	[dreg:$0x18] =	wrdreg s21  }
0x1a: {  	s9 =	smov.u32 s14;
	[dreg:$0x19] =	wrdreg s22;
	s2 =	sadd.s32 s2, s19  }
0x1b: {  	s23 =	smax.u32 s7, $0x1;
	s24 =	sadd.s32 $0x140, s8;
	s25 =	sadd.s32 $0x7800, s16  }
0x1c: {  	[dreg:$0x1f] =	wrdreg s26;
	s21 =	simm.s32 $0x1;
	s26 =	simm.s32 $0x1D900  }
0x1d: {  	s17 =	simm.s32 $0x1DB00;
	s18 =	simm.s32 $0x1DB80;
	[dreg:$0x1a] =	wrdreg s23  }
0x1e: {  	s22 =	simm.s32 $0x5;
	s8 =	simm.s32 $0x1B080;
	[dreg:$0x1b] =	wrdreg s24  }
0x1f: {  	s12 =	sadd.s32 s10, s15;
	s11 =	sshrl.u32 s11, $0x3;
	[dreg:$0x1e] =	wrdreg s25  }
0x20: {  	s10 =	sadd.s32 s10, s14;
	s5 =	sshrl.u32 s5, $0x3;
	[dreg:$0x4] =	wrdreg s12  }
0x21: {  	s2 =	sshrl.u32 @p0 s2, $0x3;
	s25 =	simm.s32 $0xC;
	[dreg:$0x5] =	wrdreg s10  }
0x22: {  	s23 =	simm.s32 $0x7;
	s11 =	sadd.s32 s0, s11;
	[dreg:$0x1c] =	wrdreg s2  }
0x23: {  	s24 =	simm.s32 $0x1DB00;
	s0 =	sadd.s32 s0, s5;
	[dreg:$0x14] =	wrdreg s11  }
0x24: {  	s12 =	sshrl.u32 s28, $0x3;
	s28 =	sadd.s32 $0xC800, s16;
	[dreg:$0x15] =	wrdreg s0  }
0x25: {  	s10 =	sshrl.u32 s31, $0x3;
	s31 =	sadd.s32 $0x11800, s16;
	[smem:$0x7FB] =	sst s28  }
0x26: {  	s2 =	simm.s32 $0xA;
	s30 =	sadd.s32 s12, s15;
	[smem:$0x7FD] =	sst s31  }
0x27: {  	s1 =	sadd.s32 s12, s14;
	s12 =	sadd.s32 s10, s15;
	[dreg:$0x6] =	wrdreg s30  }
0x28: {  	s20 =	sadd.s32 s10, s14;
	s10 =	smov.u32 s15;
	[dreg:$0x7] =	wrdreg s1  }
0x29: {  	s0 =	sshrl.u32 s13, $0x2;
	s15 =	simm.s32 $0x9;
	[dreg:$0x8] =	wrdreg s12  }
0x2a: {  	s14 =	simm.s32 $0x1DC00;
	s13 =	simm.s32 $0x18880;
	[dreg:$0x9] =	wrdreg s20  }
0x2b: {  	s0 =	sadd.s32 s0, s19;
	s30 =	sadd.s32 $0xF000, s16;
	[dreg:$0xa] =	wrdreg s10  }
0x2c: {  	s16 =	simm.s32 $0x50;
	s0 =	sshrl.u32 @!p0 s0, $0x3;
	[smem:$0x7FC] =	sst s30  }
0x2d: {  	v0 =	vimm.f32 $0.0e+00;
	s20 =	simm.s32 $0xB;
	s12 =	simm.s32 $0x0;
	[dreg:$0x1d] =	wrdreg s0  }
.LBB2_1:
0x2e: {  	s5 =	sand.u32 $0xFE00, s4  }
0x2f: {  	[smem:$0x7FA] =	sst s12;
	s6 =	sand.u32 $0x70, s4;
	s31 =	sshrl.u32 s5, $0x2  }
0x30: {  	s5 =	simm.s32 $0x40;
	s31 =	sor.u32 s6, s31;
	s6 =	simm.s32 $0x0  }
.LBB2_2:
0x31: {  	p1 =	sne.s32 s5, $0x9FC0  }
0x32: {  	[tilespmem:s31+$0x13880] =	vst v0;
	s6 =	sadd.s32 $0x10, s6;
	s31 =	smov.u32 s5;
	s5 =	sadd.s32 $0x40, s5  }
.Ltmp0:
0x33: {  	(pc) =	sbr.rel @p1 .LBB2_2-.Ltmp0, $4  }
0x34: {  	_ = 	snop  }
0x35: {  	s31 =	sand.u32 $0xFE00, s31  }
0x36: {  	s0 =	sand.u32 $0x70, s6;
	s31 =	sshrl.u32 s31, $0x2  }
0x37: {  	s31 =	sor.u32 s0, s31  }
0x38: {  	s0 =	rddreg [dreg:$0xb]  }
0x39: {  	[tilespmem:s31+$0x13880] =	vst v0;
	s28 =	simm.s32 $0x13880;
	s12 =	rddreg [dreg:$0xc]  }
0x3a: {  	[spmem:s0] =	stream.linear.scatter [tilespmem:s28], [sflag:$0x1], $0x2800, $0x38;
	[tilespmem:$0x1DC80] =	vst v63  }
0x3b: {  	s30 =	rddreg [dreg:$0xd]  }
0x3c: {  	[spmem:s12] =	stream.linear.scatter [tilespmem:s28], [sflag:$0x1], $0x2800, $0x38;
	[tilespmem:$0x1DC80] =	vst v63  }
0x3d: {  	s1 =	rddreg [dreg:$0x1e]  }
0x3e: {  	[spmem:s30] =	stream.linear.scatter [tilespmem:s28], [sflag:$0x1], $0x2800, $0x38;
	[tilespmem:$0x1DC80] =	vst v63  }
0x3f: {  	s5 =	rddreg [dreg:$0x1f]  }
0x40: {  	[spmem:s1] =	stream.linear.scatter [tilespmem:s28], [sflag:$0x1], $0x2800, $0x38;
	[tilespmem:$0x1DC80] =	vst v63  }
0x41: {  	s6 =	sld [smem:$0x7FB]  }
0x42: {  	[spmem:s5] =	stream.linear.scatter [tilespmem:s28], [sflag:$0x1], $0x2800, $0x38;
	[tilespmem:$0x1DC80] =	vst v63  }
0x43: {  	s7 =	sld [smem:$0x7FC]  }
0x44: {  	[spmem:s6] =	stream.linear.scatter [tilespmem:s28], [sflag:$0x1], $0x2800, $0x38;
	[tilespmem:$0x1DC80] =	vst v63  }
0x45: {  	s5 =	sld [smem:$0x7FD]  }
0x46: {  	[spmem:s7] =	stream.linear.scatter [tilespmem:s28], [sflag:$0x1], $0x2800, $0x38;
	[tilespmem:$0x1DC80] =	vst v63  }
0x47: {  	s0 =	simm.s32 @p0 $0x13880  }
0x48: {  	[spmem:s5] =	stream.linear.scatter @p0 [tilespmem:s0], [sflag:$0x1], $0x2000, $0x38;
	[tilespmem:$0x1DC80] =	vst v63  }
0x49: {  	s0 =	simm.s32 @!p0 $0x13880  }
0x4a: {  	[spmem:s5] =	stream.linear.scatter @!p0 [tilespmem:s0], [sflag:$0x1], $0x2400, $0x38;
	[tilespmem:$0x1DC80] =	vst v63  }
0x4b: {  	_ =	swait.ge [sflag:s21], $0x2800  }
0x4c: {  	[sflag:s21] =	ssyncset.done $0x0  }
0x4d: {  	[sflag:s21] =	ssyncadd.s32 $0xFFFFD800  }
0x4e: {  	_ =	swait.ge [sflag:s21], $0x2800  }
0x4f: {  	[sflag:s21] =	ssyncset.done $0x0  }
0x50: {  	[sflag:s21] =	ssyncadd.s32 $0xFFFFD800  }
0x51: {  	_ =	swait.ge [sflag:s21], $0x2800  }
0x52: {  	[sflag:s21] =	ssyncset.done $0x0  }
0x53: {  	[sflag:s21] =	ssyncadd.s32 $0xFFFFD800  }
0x54: {  	_ =	swait.ge [sflag:s21], $0x2800  }
0x55: {  	[sflag:s21] =	ssyncset.done $0x0  }
0x56: {  	[sflag:s21] =	ssyncadd.s32 $0xFFFFD800  }
0x57: {  	_ =	swait.ge [sflag:s21], $0x2800  }
0x58: {  	[sflag:s21] =	ssyncset.done $0x0  }
0x59: {  	[sflag:s21] =	ssyncadd.s32 $0xFFFFD800  }
0x5a: {  	_ =	swait.ge [sflag:s21], $0x2800  }
0x5b: {  	[sflag:s21] =	ssyncset.done $0x0  }
0x5c: {  	[sflag:s21] =	ssyncadd.s32 $0xFFFFD800  }
0x5d: {  	_ =	swait.ge [sflag:s21], $0x2800  }
0x5e: {  	[sflag:s21] =	ssyncset.done $0x0  }
0x5f: {  	s0 =	simm.s32 @p0 $0x1;
	[sflag:s21] =	ssyncadd.s32 $0xFFFFD800  }
0x60: {  	_ =	swait.ge @p0 [sflag:s0], $0x2000  }
0x61: {  	[sflag:s0] =	ssyncset.done @p0 $0x0  }
0x62: {  	[sflag:s0] =	ssyncadd.s32 @p0 $0xFFFFE000;
	s0 =	simm.s32 @!p0 $0x1  }
0x63: {  	_ =	swait.ge @!p0 [sflag:s0], $0x2400  }
0x64: {  	[sflag:s0] =	ssyncset.done @!p0 $0x0  }
0x65: {  	[sflag:s0] =	ssyncadd.s32 @!p0 $0xFFFFDC00  }
0x66: {  	[bflag:$0x0] =	sbarrier.arrive $0xFFFF  }
0x67: {  	s7 =	simm.s32 $0x1D880;
	s0 =	simm.s32 $0x0;
	s11 =	rddreg [dreg:$0xe]  }
0x68: {  	[tilespmem:s7], [sflag:$0x9] =	stream.linear.gather [hbm4b:s11+s0], $0x50, $0x38;
	[tilespmem:$0x1DC80] =	vst v63  }
0x69: {  	s30 =	simm.s32 $0x1DA80;
	s12 =	rddreg [dreg:$0xf]  }
0x6a: {  	[tilespmem:s30], [sflag:$0x9] =	stream.linear.gather [hbm4b:s12+s0], $0x50, $0x38;
	[tilespmem:$0x1DC80] =	vst v63  }
0x6b: {  	s1 =	rddreg [dreg:$0x10]  }
0x6c: {  	[tilespmem:s26], [sflag:$0xA] =	stream.linear.gather [hbm4b:s1+s0], $0x50, $0x38;
	[tilespmem:$0x1DC80] =	vst v63  }
0x6d: {  	s6 =	rddreg [dreg:$0x11]  }
0x6e: {  	[tilespmem:s17], [sflag:$0xA] =	stream.linear.gather [hbm4b:s6+s0], $0x50, $0x38;
	[tilespmem:$0x1DC80] =	vst v63  }
0x6f: {  	s11 =	rddreg [dreg:$0x12];
	s1 =	simm.s32 $0x1D980  }
0x70: {  	[tilespmem:s1], [sflag:$0xB] =	stream.linear.gather [hbm4b:s11+s0], $0x50, $0x38;
	[tilespmem:$0x1DC80] =	vst v63  }
0x71: {  	s12 =	rddreg [dreg:$0x13]  }
0x72: {  	[tilespmem:s18], [sflag:$0xB] =	stream.linear.gather [hbm4b:s12+s0], $0x50, $0x38;
	[tilespmem:$0x1DC80] =	vst v63  }
0x73: {  	_ =	swait.ge [sflag:s15], $0x50  }
0x74: {  	[sflag:s15] =	ssyncset.done $0x0  }
0x75: {  	[sflag:s15] =	ssyncadd.s32 $0xFFFFFFB0  }
0x76: {  	_ =	swait.ge [sflag:s15], $0x50  }
0x77: {  	[sflag:s15] =	ssyncset.done $0x0  }
0x78: {  	[sflag:s15] =	ssyncadd.s32 $0xFFFFFFB0  }
0x79: {  	[tilespmem:s28], [sflag:$0x1] =	stream.indirect.gather [hbm4b:s3+s16], $0x80, s7, s16, $0xb8;
	[tilespmem:$0x1DC80] =	vst v63  }
0x7a: {  	_ =	swait.ge [sflag:s2], $0x50  }
0x7b: {  	[sflag:s2] =	ssyncset.done $0x0  }
0x7c: {  	[sflag:s2] =	ssyncadd.s32 $0xFFFFFFB0  }
0x7d: {  	_ =	swait.ge [sflag:s2], $0x50  }
0x7e: {  	[sflag:s2] =	ssyncset.done $0x0  }
0x7f: {  	s12 =	simm.s32 $0x16080;
	[sflag:s2] =	ssyncadd.s32 $0xFFFFFFB0  }
0x80: {  	[tilespmem:s12], [sflag:$0x2] =	stream.indirect.gather [hbm4b:s3+s16], $0x80, s26, s16, $0xb8;
	[tilespmem:$0x1DC80] =	vst v63  }
0x81: {  	_ =	swait.ge [sflag:s21], $0x2800  }
0x82: {  	[sflag:s21] =	ssyncset.done $0x0  }
0x83: {  	[sflag:s21] =	ssyncadd.s32 $0xFFFFD800  }
0x84: {  	[spmem:s19] =	stream.indirect.scatter.add.f32 [tilespmem:s28], [sflag:$0x5], $0x80, s30, s16, $0xb8;
	[tilespmem:$0x1DC80] =	vst v63  }
0x85: {  	s31 =	simm.s32 $0x1DA00;
	s6 =	rddreg [dreg:$0x16]  }
0x86: {  	[tilespmem:s31], [sflag:$0xC] =	stream.linear.gather [hbm4b:s6+s0], $0x50, $0x38;
	[tilespmem:$0x1DC80] =	vst v63  }
0x87: {  	s11 =	rddreg [dreg:$0x17]  }
0x88: {  	[tilespmem:s14], [sflag:$0xC] =	stream.linear.gather [hbm4b:s11+s0], $0x50, $0x38;
	[tilespmem:$0x1DC80] =	vst v63  }
0x89: {  	_ =	swait.ge [sflag:s20], $0x50  }
0x8a: {  	[sflag:s20] =	ssyncset.done $0x0  }
0x8b: {  	[sflag:s20] =	ssyncadd.s32 $0xFFFFFFB0  }
0x8c: {  	_ =	swait.ge [sflag:s20], $0x50  }
0x8d: {  	[sflag:s20] =	ssyncset.done $0x0  }
0x8e: {  	s6 =	simm.s32 $0x2;
	[sflag:s20] =	ssyncadd.s32 $0xFFFFFFB0  }
0x8f: {  	[tilespmem:s13], [sflag:$0x3] =	stream.indirect.gather [hbm4b:s3+s16], $0x80, s1, s16, $0xb8;
	[tilespmem:$0x1DC80] =	vst v63  }
0x90: {  	_ =	swait.ge [sflag:s6], $0x2800  }
0x91: {  	[sflag:s6] =	ssyncset.done $0x0  }
0x92: {  	[sflag:s6] =	ssyncadd.s32 $0xFFFFD800  }
0x93: {  	_ =	swait.ge [sflag:s22], $0x2800  }
0x94: {  	[sflag:s22] =	ssyncset.done $0x0;
	s6 =	rddreg [dreg:$0x1b]  }
0x95: {  	[sflag:s22] =	ssyncadd.s32 $0xFFFFD800;
	s0 =	sshrl.u32 s6, $0x3  }
0x96: {  	[spmem:s19] =	stream.indirect.scatter.add.f32 [tilespmem:s12], [sflag:$0x6], $0x80, s17, s16, $0xb8;
	[tilespmem:$0x1DC80] =	vst v63  }
0x97: {  	s22 =	sadd.s32 s9, s0  }
0x98: {  	[tilespmem:s7], [sflag:$0x9] =	stream.linear.gather [hbm4b:s22+s4], $0x50, $0x38;
	[tilespmem:$0x1DC80] =	vst v63  }
0x99: {  	s0 =	sadd.s32 s10, s0  }
0x9a: {  	[tilespmem:s30], [sflag:$0x9] =	stream.linear.gather [hbm4b:s0+s4], $0x50, $0x38;
	[tilespmem:$0x1DC80] =	vst v63  }
0x9b: {  	_ =	swait.ge [sflag:s25], $0x50  }
0x9c: {  	[sflag:s25] =	ssyncset.done $0x0  }
0x9d: {  	[sflag:s25] =	ssyncadd.s32 $0xFFFFFFB0  }
0x9e: {  	_ =	swait.ge [sflag:s25], $0x50  }
0x9f: {  	[sflag:s25] =	ssyncset.done $0x0  }
0xa0: {  	s5 =	simm.s32 $0x3;
	[sflag:s25] =	ssyncadd.s32 $0xFFFFFFB0  }
0xa1: {  	[tilespmem:s8], [sflag:$0x4] =	stream.indirect.gather [hbm4b:s3+s16], $0x80, s31, s16, $0xb8;
	[tilespmem:$0x1DC80] =	vst v63  }
0xa2: {  	_ =	swait.ge [sflag:s5], $0x2800  }
0xa3: {  	[sflag:s5] =	ssyncset.done $0x0  }
0xa4: {  	[sflag:s5] =	ssyncadd.s32 $0xFFFFD800  }
0xa5: {  	_ =	swait.ge [sflag:s29], $0x2800  }
0xa6: {  	[sflag:s29] =	ssyncset.done $0x0  }
0xa7: {  	s10 =	rddreg [dreg:$0x9];
	[sflag:s29] =	ssyncadd.s32 $0xFFFFD800  }
0xa8: {  	[spmem:s19] =	stream.indirect.scatter.add.f32 [tilespmem:s13], [sflag:$0x7], $0x80, s18, s16, $0xb8;
	[tilespmem:$0x1DC80] =	vst v63  }
0xa9: {  	s22 =	rddreg [dreg:$0x8];
	s0 =	sadd.s32 $0x0, s10  }
0xaa: {  	[tilespmem:s26], [sflag:$0xA] =	stream.linear.gather [hbm4b:s0+s4], $0x50, $0x38;
	[tilespmem:$0x1DC80] =	vst v63  }
0xab: {  	s5 =	sadd.s32 $0x0, s22  }
0xac: {  	[tilespmem:s17], [sflag:$0xA] =	stream.linear.gather [hbm4b:s5+s4], $0x50, $0x38;
	[tilespmem:$0x1DC80] =	vst v63  }
0xad: {  	_ =	swait.ge [sflag:s15], $0x50  }
0xae: {  	[sflag:s15] =	ssyncset.done $0x0  }
0xaf: {  	[sflag:s15] =	ssyncadd.s32 $0xFFFFFFB0  }
0xb0: {  	_ =	swait.ge [sflag:s15], $0x50  }
0xb1: {  	[sflag:s15] =	ssyncset.done $0x0  }
0xb2: {  	[sflag:s15] =	ssyncadd.s32 $0xFFFFFFB0  }
0xb3: {  	[tilespmem:s28], [sflag:$0x1] =	stream.indirect.gather [hbm4b:s3+s16], $0x80, s7, s16, $0xb8;
	[tilespmem:$0x1DC80] =	vst v63  }
0xb4: {  	s7 =	simm.s32 $0x4  }
0xb5: {  	_ =	swait.ge [sflag:s7], $0x2800  }
0xb6: {  	[sflag:s7] =	ssyncset.done $0x0  }
0xb7: {  	[sflag:s7] =	ssyncadd.s32 $0xFFFFD800  }
0xb8: {  	_ =	swait.ge [sflag:s23], $0x2800  }
0xb9: {  	[sflag:s23] =	ssyncset.done $0x0  }
0xba: {  	s10 =	rddreg [dreg:$0x7];
	[sflag:s23] =	ssyncadd.s32 $0xFFFFD800  }
0xbb: {  	[spmem:s19] =	stream.indirect.scatter.add.f32 [tilespmem:s8], [sflag:$0x8], $0x80, s14, s16, $0xb8;
	[tilespmem:$0x1DC80] =	vst v63  }
0xbc: {  	s13 =	rddreg [dreg:$0x6];
	s0 =	sadd.s32 $0x0, s10  }
0xbd: {  	[tilespmem:s1], [sflag:$0xB] =	stream.linear.gather [hbm4b:s0+s4], $0x50, $0x38;
	[tilespmem:$0x1DC80] =	vst v63  }
0xbe: {  	s17 =	sadd.s32 $0x0, s13  }
0xbf: {  	[tilespmem:s18], [sflag:$0xB] =	stream.linear.gather [hbm4b:s17+s4], $0x50, $0x38;
	[tilespmem:$0x1DC80] =	vst v63  }
0xc0: {  	_ =	swait.ge [sflag:s2], $0x50  }
0xc1: {  	[sflag:s2] =	ssyncset.done $0x0  }
0xc2: {  	[sflag:s2] =	ssyncadd.s32 $0xFFFFFFB0  }
0xc3: {  	_ =	swait.ge [sflag:s2], $0x50  }
0xc4: {  	[sflag:s2] =	ssyncset.done $0x0  }
0xc5: {  	[sflag:s2] =	ssyncadd.s32 $0xFFFFFFB0  }
0xc6: {  	[tilespmem:s12], [sflag:$0x2] =	stream.indirect.gather [hbm4b:s3+s16], $0x80, s26, s16, $0xb8;
	[tilespmem:$0x1DC80] =	vst v63  }
0xc7: {  	_ =	swait.ge [sflag:s21], $0x2800  }
0xc8: {  	[sflag:s21] =	ssyncset.done $0x0  }
0xc9: {  	s12 =	simm.s32 $0x8;
	[sflag:s21] =	ssyncadd.s32 $0xFFFFD800  }
0xca: {  	_ =	swait.ge [sflag:s12], $0x2800  }
0xcb: {  	[sflag:s12] =	ssyncset.done $0x0  }
0xcc: {  	s22 =	rddreg [dreg:$0x5];
	[sflag:s12] =	ssyncadd.s32 $0xFFFFD800  }
0xcd: {  	[spmem:s19] =	stream.indirect.scatter.add.f32 [tilespmem:s28], [sflag:$0x5], $0x80, s30, s16, $0xb8;
	[tilespmem:$0x1DC80] =	vst v63  }
0xce: {  	s26 =	rddreg [dreg:$0x4];
	s0 =	sadd.s32 $0x0, s22  }
0xcf: {  	[tilespmem:s31], [sflag:$0xC] =	stream.linear.gather [hbm4b:s0+s4], $0x50, $0x38;
	[tilespmem:$0x1DC80] =	vst v63  }
0xd0: {  	s30 =	sadd.s32 $0x0, s26  }
0xd1: {  	[tilespmem:s14], [sflag:$0xC] =	stream.linear.gather [hbm4b:s30+s4], $0x50, $0x38;
	[tilespmem:$0x1DC80] =	vst v63  }
0xd2: {  	_ =	swait.ge [sflag:s20], $0x50  }
0xd3: {  	[sflag:s20] =	ssyncset.done $0x0  }
0xd4: {  	[sflag:s20] =	ssyncadd.s32 $0xFFFFFFB0  }
0xd5: {  	s11 =	smov.u32 s19;
	_ =	swait.ge [sflag:s20], $0x50  }
0xd6: {  	s5 =	sadd.s32 $0x140, s6;
	s22 =	simm.s32 $0x1;
	[sflag:s20] =	ssyncset.done $0x0  }
0xd7: {  	s28 =	simm.s32 $0x5;
	s31 =	simm.s32 $0x28;
	[sflag:s20] =	ssyncadd.s32 $0xFFFFFFB0  }
.LBB2_4:
0xd8: {  	s1 =	simm.s32 $0x1D980;
	s13 =	simm.s32 $0x18880;
	s0 =	simm.s32 $0x2  }
0xd9: {  	[tilespmem:s13], [sflag:$0x3] =	stream.indirect.gather [hbm4b:s3+s16], $0x80, s1, s16, $0xb8;
	[tilespmem:$0x1DC80] =	vst v63  }
0xda: {  	_ =	swait.ge [sflag:s0], $0x2800  }
0xdb: {  	[sflag:s0] =	ssyncset.done $0x0  }
0xdc: {  	[sflag:s0] =	ssyncadd.s32 $0xFFFFD800  }
0xdd: {  	_ =	swait.ge [sflag:s28], $0x2800  }
0xde: {  	s21 =	sshrl.u32 s5, $0x3;
	[sflag:s28] =	ssyncset.done $0x0  }
0xdf: {  	s8 =	simm.s32 $0x16080;
	s18 =	simm.s32 $0x1DB00;
	[sflag:s28] =	ssyncadd.s32 $0xFFFFD800  }
0xe0: {  	[spmem:s11] =	stream.indirect.scatter.add.f32 [tilespmem:s8], [sflag:$0x6], $0x80, s18, s16, $0xb8;
	[tilespmem:$0x1DC80] =	vst v63  }
0xe1: {  	s26 =	simm.s32 $0x1D880;
	s30 =	sadd.s32 s9, s21;
	s14 =	rddreg [dreg:$0xa]  }
0xe2: {  	[tilespmem:s26], [sflag:$0x9] =	stream.linear.gather [hbm4b:s30+s4], $0x50, $0x38;
	[tilespmem:$0x1DC80] =	vst v63  }
0xe3: {  	s0 =	sadd.s32 s14, s21;
	s30 =	simm.s32 $0x1DA80  }
0xe4: {  	[tilespmem:s30], [sflag:$0x9] =	stream.linear.gather [hbm4b:s0+s4], $0x50, $0x38;
	[tilespmem:$0x1DC80] =	vst v63  }
0xe5: {  	_ =	swait.ge [sflag:s25], $0x50  }
0xe6: {  	[sflag:s25] =	ssyncset.done $0x0  }
0xe7: {  	[sflag:s25] =	ssyncadd.s32 $0xFFFFFFB0  }
0xe8: {  	_ =	swait.ge [sflag:s25], $0x50  }
0xe9: {  	s17 =	simm.s32 $0x3;
	[sflag:s25] =	ssyncset.done $0x0  }
0xea: {  	s14 =	simm.s32 $0x1DA00;
	s21 =	simm.s32 $0x1B080;
	[sflag:s25] =	ssyncadd.s32 $0xFFFFFFB0  }
0xeb: {  	[tilespmem:s21], [sflag:$0x4] =	stream.indirect.gather [hbm4b:s3+s16], $0x80, s14, s16, $0xb8;
	[tilespmem:$0x1DC80] =	vst v63  }
0xec: {  	_ =	swait.ge [sflag:s17], $0x2800  }
0xed: {  	[sflag:s17] =	ssyncset.done $0x0  }
0xee: {  	[sflag:s17] =	ssyncadd.s32 $0xFFFFD800  }
0xef: {  	_ =	swait.ge [sflag:s29], $0x2800  }
0xf0: {  	s6 =	smov.u32 s31;
	s10 =	smov.u32 s9;
	[sflag:s29] =	ssyncset.done $0x0  }
0xf1: {  	s17 =	simm.s32 $0x1DB80;
	s19 =	rddreg [dreg:$0x9];
	[sflag:s29] =	ssyncadd.s32 $0xFFFFD800  }
0xf2: {  	[spmem:s11] =	stream.indirect.scatter.add.f32 [tilespmem:s13], [sflag:$0x7], $0x80, s17, s16, $0xb8;
	[tilespmem:$0x1DC80] =	vst v63  }
0xf3: {  	s9 =	rddreg [dreg:$0x8];
	s0 =	sadd.s32 s6, s19;
	s19 =	simm.s32 $0x1D900  }
0xf4: {  	[tilespmem:s19], [sflag:$0xA] =	stream.linear.gather [hbm4b:s0+s4], $0x50, $0x38;
	[tilespmem:$0x1DC80] =	vst v63  }
0xf5: {  	s13 =	sadd.s32 s6, s9  }
0xf6: {  	[tilespmem:s18], [sflag:$0xA] =	stream.linear.gather [hbm4b:s13+s4], $0x50, $0x38;
	[tilespmem:$0x1DC80] =	vst v63  }
0xf7: {  	_ =	swait.ge [sflag:s15], $0x50  }
0xf8: {  	[sflag:s15] =	ssyncset.done $0x0  }
0xf9: {  	[sflag:s15] =	ssyncadd.s32 $0xFFFFFFB0  }
0xfa: {  	_ =	swait.ge [sflag:s15], $0x50  }
0xfb: {  	[sflag:s15] =	ssyncset.done $0x0  }
0xfc: {  	s29 =	simm.s32 $0x13880;
	[sflag:s15] =	ssyncadd.s32 $0xFFFFFFB0  }
0xfd: {  	[tilespmem:s29], [sflag:$0x1] =	stream.indirect.gather [hbm4b:s3+s16], $0x80, s26, s16, $0xb8;
	[tilespmem:$0x1DC80] =	vst v63  }
0xfe: {  	_ =	swait.ge [sflag:s7], $0x2800  }
0xff: {  	[sflag:s7] =	ssyncset.done $0x0  }
0x100: {  	[sflag:s7] =	ssyncadd.s32 $0xFFFFD800  }
0x101: {  	_ =	swait.ge [sflag:s23], $0x2800  }
0x102: {  	[sflag:s23] =	ssyncset.done $0x0  }
0x103: {  	s13 =	simm.s32 $0x1DC00;
	s9 =	rddreg [dreg:$0x7];
	[sflag:s23] =	ssyncadd.s32 $0xFFFFD800  }
0x104: {  	[spmem:s11] =	stream.indirect.scatter.add.f32 [tilespmem:s21], [sflag:$0x8], $0x80, s13, s16, $0xb8;
	[tilespmem:$0x1DC80] =	vst v63  }
0x105: {  	s18 =	rddreg [dreg:$0x6];
	s0 =	sadd.s32 s6, s9  }
0x106: {  	[tilespmem:s1], [sflag:$0xB] =	stream.linear.gather [hbm4b:s0+s4], $0x50, $0x38;
	[tilespmem:$0x1DC80] =	vst v63  }
0x107: {  	s9 =	sadd.s32 s6, s18  }
0x108: {  	[tilespmem:s17], [sflag:$0xB] =	stream.linear.gather [hbm4b:s9+s4], $0x50, $0x38;
	[tilespmem:$0x1DC80] =	vst v63  }
0x109: {  	_ =	swait.ge [sflag:s2], $0x50  }
0x10a: {  	[sflag:s2] =	ssyncset.done $0x0  }
0x10b: {  	[sflag:s2] =	ssyncadd.s32 $0xFFFFFFB0  }
0x10c: {  	_ =	swait.ge [sflag:s2], $0x50  }
0x10d: {  	[sflag:s2] =	ssyncset.done $0x0  }
0x10e: {  	[sflag:s2] =	ssyncadd.s32 $0xFFFFFFB0  }
0x10f: {  	[tilespmem:s8], [sflag:$0x2] =	stream.indirect.gather [hbm4b:s3+s16], $0x80, s19, s16, $0xb8;
	[tilespmem:$0x1DC80] =	vst v63  }
0x110: {  	_ =	swait.ge [sflag:s22], $0x2800  }
0x111: {  	[sflag:s22] =	ssyncset.done $0x0  }
0x112: {  	[sflag:s22] =	ssyncadd.s32 $0xFFFFD800  }
0x113: {  	_ =	swait.ge [sflag:s12], $0x2800  }
0x114: {  	[sflag:s12] =	ssyncset.done $0x0  }
0x115: {  	s17 =	rddreg [dreg:$0x5];
	[sflag:s12] =	ssyncadd.s32 $0xFFFFD800  }
0x116: {  	[spmem:s11] =	stream.indirect.scatter.add.f32 [tilespmem:s29], [sflag:$0x5], $0x80, s30, s16, $0xb8;
	[tilespmem:$0x1DC80] =	vst v63  }
0x117: {  	s19 =	rddreg [dreg:$0x4];
	s0 =	sadd.s32 s6, s17  }
0x118: {  	[tilespmem:s14], [sflag:$0xC] =	stream.linear.gather [hbm4b:s0+s4], $0x50, $0x38;
	[tilespmem:$0x1DC80] =	vst v63  }
0x119: {  	s30 =	sadd.s32 s6, s19  }
0x11a: {  	[tilespmem:s13], [sflag:$0xC] =	stream.linear.gather [hbm4b:s30+s4], $0x50, $0x38;
	[tilespmem:$0x1DC80] =	vst v63  }
0x11b: {  	p1 =	sne.s32 s31, $0x488;
	_ =	swait.ge [sflag:s20], $0x50  }
.Ltmp1:
0x11c: {  	s31 =	sadd.s32 $0x28, s31;
	[sflag:s20] =	ssyncset.done $0x0;
	(pc) =	sbr.rel @p1 .LBB2_4-.Ltmp1, $4  }
0x11d: {  	s5 =	sadd.s32 $0x140, s5;
	s26 =	simm.s32 $0x1D980;
	[sflag:s20] =	ssyncadd.s32 $0xFFFFFFB0  }
0x11e: {  	s18 =	simm.s32 $0x1DB80;
	s21 =	simm.s32 $0x16080;
	_ =	swait.ge [sflag:s20], $0x50  }
0x11f: {  	s1 =	simm.s32 $0x1DA00;
	s9 =	smov.u32 s10;
	[sflag:s20] =	ssyncset.done $0x0  }
0x120: {  	s8 =	simm.s32 $0x1DC00;
	s29 =	simm.s32 $0x6;
	[sflag:s20] =	ssyncadd.s32 $0xFFFFFFB0  }
0x121: {  	s13 =	simm.s32 $0x18880;
	s0 =	simm.s32 $0x2  }
0x122: {  	[tilespmem:s13], [sflag:$0x3] =	stream.indirect.gather [hbm4b:s3+s16], $0x80, s26, s16, $0xb8;
	[tilespmem:$0x1DC80] =	vst v63  }
0x123: {  	_ =	swait.ge [sflag:s0], $0x2800  }
0x124: {  	[sflag:s0] =	ssyncset.done $0x0  }
0x125: {  	[sflag:s0] =	ssyncadd.s32 $0xFFFFD800  }
0x126: {  	_ =	swait.ge [sflag:s28], $0x2800  }
0x127: {  	[sflag:s28] =	ssyncset.done $0x0  }
0x128: {  	[sflag:s28] =	ssyncadd.s32 $0xFFFFD800  }
0x129: {  	[spmem:s11] =	stream.indirect.scatter.add.f32 [tilespmem:s21], [sflag:$0x6], $0x80, s24, s16, $0xb8;
	[tilespmem:$0x1DC80] =	vst v63  }
0x12a: {  	s6 =	simm.s32 $0x1D880;
	s17 =	rddreg [dreg:$0x18]  }
0x12b: {  	[tilespmem:s6], [sflag:$0x9] =	stream.linear.gather [hbm4b:s17+s4], $0x50, $0x38;
	[tilespmem:$0x1DC80] =	vst v63  }
0x12c: {  	s5 =	simm.s32 $0x1DA80;
	s19 =	rddreg [dreg:$0x19]  }
0x12d: {  	[tilespmem:s5], [sflag:$0x9] =	stream.linear.gather [hbm4b:s19+s4], $0x50, $0x38;
	[tilespmem:$0x1DC80] =	vst v63  }
0x12e: {  	_ =	swait.ge [sflag:s25], $0x50  }
0x12f: {  	[sflag:s25] =	ssyncset.done $0x0  }
0x130: {  	[sflag:s25] =	ssyncadd.s32 $0xFFFFFFB0  }
0x131: {  	_ =	swait.ge [sflag:s25], $0x50  }
0x132: {  	[sflag:s25] =	ssyncset.done $0x0  }
0x133: {  	s10 =	simm.s32 $0x1B080;
	s21 =	simm.s32 $0x3;
	[sflag:s25] =	ssyncadd.s32 $0xFFFFFFB0  }
0x134: {  	[tilespmem:s10], [sflag:$0x4] =	stream.indirect.gather [hbm4b:s3+s16], $0x80, s1, s16, $0xb8;
	[tilespmem:$0x1DC80] =	vst v63  }
0x135: {  	_ =	swait.ge [sflag:s21], $0x2800  }
0x136: {  	[sflag:s21] =	ssyncset.done $0x0  }
0x137: {  	[sflag:s21] =	ssyncadd.s32 $0xFFFFD800  }
0x138: {  	_ =	swait.ge [sflag:s29], $0x2800  }
0x139: {  	[sflag:s29] =	ssyncset.done $0x0  }
0x13a: {  	[sflag:s29] =	ssyncadd.s32 $0xFFFFD800  }
0x13b: {  	[spmem:s11] =	stream.indirect.scatter.add.f32 [tilespmem:s13], [sflag:$0x7], $0x80, s18, s16, $0xb8;
	[tilespmem:$0x1DC80] =	vst v63  }
0x13c: {  	_ =	swait.ge [sflag:s15], $0x50  }
0x13d: {  	[sflag:s15] =	ssyncset.done $0x0  }
0x13e: {  	[sflag:s15] =	ssyncadd.s32 $0xFFFFFFB0  }
0x13f: {  	_ =	swait.ge [sflag:s15], $0x50  }
0x140: {  	[sflag:s15] =	ssyncset.done $0x0  }
0x141: {  	s26 =	simm.s32 $0x13880;
	[sflag:s15] =	ssyncadd.s32 $0xFFFFFFB0  }
0x142: {  	[tilespmem:s26], [sflag:$0x1] =	stream.indirect.gather [hbm4b:s3+s16], $0x80, s6, s16, $0xb8;
	[tilespmem:$0x1DC80] =	vst v63  }
0x143: {  	_ =	swait.ge [sflag:s7], $0x2800  }
0x144: {  	[sflag:s7] =	ssyncset.done $0x0  }
0x145: {  	[sflag:s7] =	ssyncadd.s32 $0xFFFFD800  }
0x146: {  	_ =	swait.ge [sflag:s23], $0x2800  }
0x147: {  	[sflag:s23] =	ssyncset.done $0x0  }
0x148: {  	[sflag:s23] =	ssyncadd.s32 $0xFFFFD800  }
0x149: {  	[spmem:s11] =	stream.indirect.scatter.add.f32 [tilespmem:s10], [sflag:$0x8], $0x80, s8, s16, $0xb8;
	[tilespmem:$0x1DC80] =	vst v63  }
0x14a: {  	_ =	swait.ge [sflag:s22], $0x2800  }
0x14b: {  	[sflag:s22] =	ssyncset.done $0x0  }
0x14c: {  	[sflag:s22] =	ssyncadd.s32 $0xFFFFD800  }
0x14d: {  	_ =	swait.ge [sflag:s12], $0x2800  }
0x14e: {  	[sflag:s12] =	ssyncset.done $0x0  }
0x14f: {  	[sflag:s12] =	ssyncadd.s32 $0xFFFFD800  }
0x150: {  	[spmem:s11] =	stream.indirect.scatter.add.f32 [tilespmem:s26], [sflag:$0x5], $0x80, s5, s16, $0xb8;
	[tilespmem:$0x1DC80] =	vst v63  }
0x151: {  	_ =	swait.ge [sflag:s28], $0x2800  }
0x152: {  	[sflag:s28] =	ssyncset.done $0x0  }
0x153: {  	[sflag:s28] =	ssyncadd.s32 $0xFFFFD800  }
0x154: {  	s5 =	stileid.u32;
	[bflag:$0x0] =	sbarrier.arrive $0xFFFF  }
0x155: {  	s0 =	sshll.u32 @p0 s5, $0x6;
	s6 =	rddreg [dreg:$0x15]  }
0x156: {  	s0 =	sor.u32 @p0 $0x1C0D, s0;
	s10 =	rddreg [dreg:$0x1c]  }
0x157: {  	[hbm:s6], [sflag:s0] =	dma.local @p0 [spmem:s10], $0x2700  }
0x158: {  	s0 =	simm.s32 @p0 $0xD  }
0x159: {  	_ =	swait.ge @p0 [sflag:s0], $0x2700  }
0x15a: {  	s5 =	sshll.u32 @!p0 s5, $0x6;
	[sflag:s0] =	ssyncset.done @p0 $0x0;
	s10 =	rddreg [dreg:$0x1d]  }
0x15b: {  	[sflag:s0] =	ssyncadd.s32 @p0 $0xFFFFD900;
	s0 =	sor.u32 @!p0 $0x1C0D, s5;
	s5 =	rddreg [dreg:$0x14]  }
0x15c: {  	[hbm:s5], [sflag:s0] =	dma.local @!p0 [spmem:s10], $0x2780  }
0x15d: {  	s0 =	simm.s32 @!p0 $0xD  }
0x15e: {  	_ =	swait.ge @!p0 [sflag:s0], $0x2780  }
0x15f: {  	s30 =	sld [smem:$0x7FA];
	_ =	sdelay $0x2  }
0x160: {  	s31 =	rddreg [dreg:$0x1a];
	s12 =	sadd.s32 $0x1, s30  }
0x161: {  	p1 =	sne.s32 s12, s31  }
.Ltmp2:
0x162: {  	s14 =	simm.s32 $0x1DC00;
	(pc) =	sbr.rel @p1 .LBB2_1-.Ltmp2, $4  }
0x163: {  	s17 =	simm.s32 $0x1DB00;
	s19 =	smov.u32 s11;
	s21 =	simm.s32 $0x1  }
0x164: {  	s18 =	simm.s32 $0x1DB80;
	s13 =	simm.s32 $0x18880;
	s8 =	simm.s32 $0x1B080  }
0x165: {  	s22 =	simm.s32 $0x5;
	s26 =	simm.s32 $0x1D900;
	[sflag:s0] =	ssyncset.done @!p0 $0x0  }
0x166: {  	s6 =	stileid.u32;
	s10 =	rddreg [dreg:$0xa];
	[sflag:s0] =	ssyncadd.s32 @!p0 $0xFFFFD880  }
0x167: {  	_ =	sfence.sel $0x180000  }
0x168: {  	[bflag:$0x0] =	sbarrier.arrive $0xFFFF  }
0x169: {  	_ =	strace $0x90000047  }
0x16a: {  	[bflag:$0x2] =	sbarrier.arrive $0xFFFF  }
0x16b: {  	p0 =	sne.s32 s6, $0x0;
	s0 =	rddreg [dreg:$0x3]  }
0x16c: {  	s0 =	sadd.s32 @!p0 $0x100000, s0  }
0x16d: {  	[sflag:s0] =	ssyncadd.tile.s32 @!p0 $0x1;
	_ =	shalt  }
.Lfunc_end2:
_tile_overlayer_lowered:
.L_overlay_start_2:
0x16e: {  	(tag) =	ssettag $0x2  }
0x16f: {  	s0 =	rddreg [dreg:$0x0];
	s2 =	stileid.u32  }
0x170: {  	s1 =	rddreg [dreg:$0x1];
	p0 =	sne.s32 s2, $0x0  }
0x171: {  	s3 =	rddreg [dreg:$0x2];
	[bflag:$0x3] =	sbarrier.arrive $0xFFFF;
	s2 =	simm.s32 @!p0 $0x1C0D  }
0x172: {  	[timem:s3], [sflag:s2] =	dma.local @!p0 [hbm:s0], s1  }
0x173: {  	s0 =	simm.s32 @!p0 $0xD  }
0x174: {  	_ =	swait.ge @!p0 [sflag:s0], s1  }
0x175: {  	s1 =	ssub.s32 @!p0 $0x0, s1;
	[sflag:s0] =	ssyncset.done @!p0 $0x0  }
0x176: {  	[sflag:s0] =	ssyncadd.s32 @!p0 s1  }
0x177: {  	[bflag:$0x3] =	sbarrier.arrive $0xFFFF  }
0x178: {  	_ =	shalt  }

</sc_bundles>
